<compile_context>
chip_gen: v7x
topology: tpu7x:2x2x1
jax: 0.10.2.dev20260603
libtpu: 0.0.44.dev20260713+nightly
codegen_flags: <defaults>
</compile_context>

<pallas_src>
import jax
import jax.numpy as jnp
from jax import lax
from jax.experimental import pallas as pl
from jax.experimental.pallas import tpu as pltpu
from jax.experimental.pallas import tpu_sc as plsc

LANES = 16
CHUNK = 128
NC = 2
NS = 16
NW = NC * NS


def _lo_f32(v):
    return lax.bitcast_convert_type(lax.shift_left(v, 16), jnp.float32)


def _hi_f32(v):
    return lax.bitcast_convert_type(
        lax.bitwise_and(v, jnp.int32(-65536)), jnp.float32)


def _hadd(a, b, eidx, oidx, lo_mask):
    sa = jnp.take_along_axis(a, eidx, axis=0) + jnp.take_along_axis(a, oidx, axis=0)
    sb = jnp.take_along_axis(b, eidx, axis=0) + jnp.take_along_axis(b, oidx, axis=0)
    return jnp.where(lo_mask, sa, sb)


def _sc_body(emb_hbm, nx_hbm, ny_hbm, out_hbm,
             idx_x0, idx_x1, idx_y0, idx_y1,
             rows_x0, rows_x1, rows_y0, rows_y1,
             scores0, scores1,
             s_ix0, s_ix1, s_iy0, s_iy1, s_gx0, s_gx1, s_gy0, s_gy1,
             s_o0, s_o1):
    idx_x = (idx_x0, idx_x1)
    idx_y = (idx_y0, idx_y1)
    rows_x = (rows_x0, rows_x1)
    rows_y = (rows_y0, rows_y1)
    scores = (scores0, scores1)
    s_ix = (s_ix0, s_ix1)
    s_iy = (s_iy0, s_iy1)
    s_gx = (s_gx0, s_gx1)
    s_gy = (s_gy0, s_gy1)
    s_o = (s_o0, s_o1)

    dim_words = emb_hbm.shape[1]
    n_pairs = nx_hbm.shape[0]
    n_chunks = n_pairs // CHUNK
    w = lax.axis_index("s") * NC + lax.axis_index("c")
    n = (n_chunks - w + NW - 1) // NW

    iota = lax.iota(jnp.int32, LANES)
    eidx = (2 * iota) % LANES
    oidx = (2 * iota + 1) % LANES
    lo_mask = iota < (LANES // 2)

    def base(c):
        return (w + c * NW) * CHUNK

    def fire_idx(c, b):
        pltpu.async_copy(nx_hbm.at[pl.ds(base(c), CHUNK)], idx_x[b], s_ix[b])
        pltpu.async_copy(ny_hbm.at[pl.ds(base(c), CHUNK)], idx_y[b], s_iy[b])

    def wait_idx(c, b):
        pltpu.make_async_copy(
            nx_hbm.at[pl.ds(base(c), CHUNK)], idx_x[b], s_ix[b]).wait()
        pltpu.make_async_copy(
            ny_hbm.at[pl.ds(base(c), CHUNK)], idx_y[b], s_iy[b]).wait()

    def fire_gather(b):
        pltpu.async_copy(emb_hbm.at[idx_x[b]], rows_x[b], s_gx[b])
        pltpu.async_copy(emb_hbm.at[idx_y[b]], rows_y[b], s_gy[b])

    def wait_gather(b):
        pltpu.make_async_copy(emb_hbm.at[idx_x[b]], rows_x[b], s_gx[b]).wait()
        pltpu.make_async_copy(emb_hbm.at[idx_y[b]], rows_y[b], s_gy[b]).wait()

    def fire_out(c, b):
        pltpu.async_copy(scores[b], out_hbm.at[pl.ds(base(c), CHUNK)], s_o[b])

    def wait_out(c, b):
        pltpu.make_async_copy(
            scores[b], out_hbm.at[pl.ds(base(c), CHUNK)], s_o[b]).wait()

    def compute(c, b):
        rx = rows_x[b]
        ry = rows_y[b]

        @plsc.parallel_loop(0, CHUNK // LANES)
        def _group(g):
            def _init(l):
                p = g * LANES + l
                vx = rx[p, pl.ds(0, LANES)]
                vy = ry[p, pl.ds(0, LANES)]
                return _lo_f32(vx) * _lo_f32(vy) + _hi_f32(vx) * _hi_f32(vy)

            @pl.loop(1, dim_words // LANES,
                     init_carry=tuple(_init(l) for l in range(LANES)))
            def _jstep(j, carry):
                o = pl.multiple_of(j * LANES, LANES)
                new = []
                for l in range(LANES):
                    p = g * LANES + l
                    vx = rx[p, pl.ds(o, LANES)]
                    vy = ry[p, pl.ds(o, LANES)]
                    new.append(carry[l]
                               + (_lo_f32(vx) * _lo_f32(vy)
                                  + _hi_f32(vx) * _hi_f32(vy)))
                return tuple(new)

            accs = list(_jstep)
            while len(accs) > 1:
                accs = [_hadd(accs[2 * i], accs[2 * i + 1], eidx, oidx, lo_mask)
                        for i in range(len(accs) // 2)]
            scores[b][pl.ds(g * LANES, LANES)] = accs[0]

    fire_idx(0, 0)
    fire_idx(1, 1)
    wait_idx(0, 0)
    fire_gather(0)

    n_loop = (n_chunks + NW - 1) // NW

    @pl.loop(0, n_loop, step=2)
    def _outer(c0):
        for b in range(2):
            c = c0 + b
            q = 1 - b

            @pl.when(c < n)
            def _():
                wait_gather(b)

                @pl.when(c + 1 < n)
                def _():
                    wait_idx(c + 1, q)
                    fire_gather(q)

                @pl.when(c + 2 < n)
                def _():
                    fire_idx(c + 2, b)

                @pl.when(c >= 2)
                def _():
                    wait_out(c - 2, b)

                compute(c, b)
                fire_out(c, b)

    @pl.when(n % 2 == 1)
    def _():
        wait_out(n - 2, 1)
        wait_out(n - 1, 0)

    @pl.when(n % 2 == 0)
    def _():
        wait_out(n - 2, 0)
        wait_out(n - 1, 1)


def kernel(embeddings, nodes_x, nodes_y):
    n_pairs = nodes_x.shape[0]
    n_nodes, dim = embeddings.shape
    emb_bf = embeddings.astype(jnp.bfloat16)
    emb_packed = lax.bitcast_convert_type(
        emb_bf.reshape(n_nodes, dim // 2, 2), jnp.int32)
    dim_words = dim // 2
    mesh = plsc.VectorSubcoreMesh(core_axis_name="c", subcore_axis_name="s")
    k = pl.kernel(
        _sc_body,
        out_type=jax.ShapeDtypeStruct((n_pairs,), jnp.float32),
        mesh=mesh,
        scratch_types=[
            pltpu.VMEM((CHUNK,), jnp.int32),
            pltpu.VMEM((CHUNK,), jnp.int32),
            pltpu.VMEM((CHUNK,), jnp.int32),
            pltpu.VMEM((CHUNK,), jnp.int32),
            pltpu.VMEM((CHUNK, dim_words), jnp.int32),
            pltpu.VMEM((CHUNK, dim_words), jnp.int32),
            pltpu.VMEM((CHUNK, dim_words), jnp.int32),
            pltpu.VMEM((CHUNK, dim_words), jnp.int32),
            pltpu.VMEM((CHUNK,), jnp.float32),
            pltpu.VMEM((CHUNK,), jnp.float32),
            pltpu.SemaphoreType.DMA,
            pltpu.SemaphoreType.DMA,
            pltpu.SemaphoreType.DMA,
            pltpu.SemaphoreType.DMA,
            pltpu.SemaphoreType.DMA,
            pltpu.SemaphoreType.DMA,
            pltpu.SemaphoreType.DMA,
            pltpu.SemaphoreType.DMA,
            pltpu.SemaphoreType.DMA,
            pltpu.SemaphoreType.DMA,
        ],
    )
    return k(emb_packed, nodes_x.astype(jnp.int32), nodes_y.astype(jnp.int32))

# --- scband reference (transcript-rebuilt; emitter-appended) ---
"""Pipeline reference for scband-node2-vec-8203387535964 (READ-ONLY COPY).

The authoritative reference and input builder live on the scoring server;
editing this copy changes nothing except your own understanding.
"""

import jax, jax.numpy as jnp
import numpy as np

N_NODES = 10000
DIM = 256
N_PAIRS = 160000


def setup_inputs(seed: int = 0) -> dict:
    key = jax.random.key(seed)
    k_emb, k_x, k_y = jax.random.split(key, 3)
    embeddings = jax.random.normal(k_emb, (N_NODES, DIM), dtype=jnp.float32)
    nodes_x = jax.random.randint(k_x, (N_PAIRS,), 0, N_NODES, dtype=jnp.int64 if jax.config.jax_enable_x64 else jnp.int32)
    nodes_y = jax.random.randint(k_y, (N_PAIRS,), 0, N_NODES, dtype=jnp.int64 if jax.config.jax_enable_x64 else jnp.int32)
    return {"embeddings": embeddings, "nodes_x": nodes_x, "nodes_y": nodes_y}


def reference(embeddings, nodes_x, nodes_y):
    # Node2Vec.score_pairs: gather both endpoint embeddings from the lookup
    # table (LookupEncoder.embeddings) and take the Euclidean inner product
    # per pair: (embs[nodes_x] * embs[nodes_y]).sum(dim=1)
    ex = jnp.take(embeddings, nodes_x, axis=0)
    ey = jnp.take(embeddings, nodes_y, axis=0)
    scores = jnp.sum(ex * ey, axis=1)
    return scores

if __name__ == "__main__":
    import jax
    _d = setup_inputs()
    print(jax.jit(kernel)(*tuple(_d.values())))

</pallas_src>

<mosaic_0001>
#map = affine_map<(d0, d1) -> (0, 0)>
#map1 = affine_map<(d0, d1) -> (0)>
module attributes {stable_mosaic.version = 14 : i64} {
  func.func @_sc_body(%arg0: i32, %arg1: i32, %arg2: memref<10000x128xi32, #tpu.memory_space<hbm>>, %arg3: memref<160000xi32, #tpu.memory_space<hbm>>, %arg4: memref<160000xi32, #tpu.memory_space<hbm>>, %arg5: memref<160000xf32, #tpu.memory_space<hbm>>, %arg6: memref<128xi32, #tpu.memory_space<vmem>>, %arg7: memref<128xi32, #tpu.memory_space<vmem>>, %arg8: memref<128xi32, #tpu.memory_space<vmem>>, %arg9: memref<128xi32, #tpu.memory_space<vmem>>, %arg10: memref<128x128xi32, #tpu.memory_space<vmem>>, %arg11: memref<128x128xi32, #tpu.memory_space<vmem>>, %arg12: memref<128x128xi32, #tpu.memory_space<vmem>>, %arg13: memref<128x128xi32, #tpu.memory_space<vmem>>, %arg14: memref<128xf32, #tpu.memory_space<vmem>>, %arg15: memref<128xf32, #tpu.memory_space<vmem>>, %arg16: memref<!tpu.dma_semaphore, #tpu.memory_space<semaphore_mem>>, %arg17: memref<!tpu.dma_semaphore, #tpu.memory_space<semaphore_mem>>, %arg18: memref<!tpu.dma_semaphore, #tpu.memory_space<semaphore_mem>>, %arg19: memref<!tpu.dma_semaphore, #tpu.memory_space<semaphore_mem>>, %arg20: memref<!tpu.dma_semaphore, #tpu.memory_space<semaphore_mem>>, %arg21: memref<!tpu.dma_semaphore, #tpu.memory_space<semaphore_mem>>, %arg22: memref<!tpu.dma_semaphore, #tpu.memory_space<semaphore_mem>>, %arg23: memref<!tpu.dma_semaphore, #tpu.memory_space<semaphore_mem>>, %arg24: memref<!tpu.dma_semaphore, #tpu.memory_space<semaphore_mem>>, %arg25: memref<!tpu.dma_semaphore, #tpu.memory_space<semaphore_mem>>) attributes {dimension_semantics = [#tpu.dimension_semantics<core_parallel>, #tpu.dimension_semantics<subcore_parallel>], iteration_bounds = array<i64: 2, 16>, scalar_prefetch = 0 : i64, scratch_operands = 20 : i64, tpu.core_type = #tpu.core_type<sc_vector_subcore>, window_params = [{transform_indices = #map}, {transform_indices = #map1}, {transform_indices = #map1}, {transform_indices = #map1}]} {
    %mul3A = arith.constant 2 : i32
    %mul3A_0 = arith.muli %arg1, %mul3A : i32
    %add3A = arith.addi %mul3A_0, %arg0 : i32
    %sub3A = arith.constant 1250 : i32
    %sub3A_1 = arith.subi %sub3A, %add3A : i32
    %add3A_2 = arith.constant 32 : i32
    %add3A_3 = arith.addi %sub3A_1, %add3A_2 : i32
    %sub3A_4 = arith.constant 1 : i32
    %sub3A_5 = arith.subi %add3A_3, %sub3A_4 : i32
    %jit3A = arith.constant 32 : i32
    %div3A = arith.divsi %sub3A_5, %jit3A : i32
    %sign3A = arith.constant 0 : i32
    %sign3A_6 = arith.cmpi sgt, %sub3A_5, %sign3A : i32
    %sign3A_7 = arith.extui %sign3A_6 : i1 to i32
    %sign3A_8 = arith.constant 0 : i32
    %sign3A_9 = arith.cmpi slt, %sub3A_5, %sign3A_8 : i32
    %sign3A_10 = arith.extui %sign3A_9 : i1 to i32
    %sign3A_11 = arith.subi %sign3A_7, %sign3A_10 : i32
    %sign3A_12 = arith.constant 0 : i32
    %sign3A_13 = arith.cmpi sgt, %jit3A, %sign3A_12 : i32
    %sign3A_14 = arith.extui %sign3A_13 : i1 to i32
    %sign3A_15 = arith.constant 0 : i32
    %sign3A_16 = arith.cmpi slt, %jit3A, %sign3A_15 : i32
    %sign3A_17 = arith.extui %sign3A_16 : i1 to i32
    %sign3A_18 = arith.subi %sign3A_14, %sign3A_17 : i32
    %ne3A = arith.cmpi ne, %sign3A_11, %sign3A_18 : i32
    %rem3A = arith.remsi %sub3A_5, %jit3A : i32
    %ne3A_19 = arith.constant 0 : i32
    %ne3A_20 = arith.cmpi ne, %rem3A, %ne3A_19 : i32
    %and3A = arith.andi %ne3A, %ne3A_20 : i1
    %sub3A_21 = arith.constant 1 : i32
    %sub3A_22 = arith.subi %div3A, %sub3A_21 : i32
    %select_n3A = arith.select %and3A, %sub3A_22, %div3A : i32
    %iota3A = tpu.iota {dimensions = array<i32: 0>} : vector<16xi32>
    %mul3A_23 = arith.constant 2 : i32
    %mul3A_24 = vector.broadcast %mul3A_23 : i32 to vector<16xi32>
    %mul3A_25 = arith.muli %mul3A_24, %iota3A : vector<16xi32>
    %jit3A_26 = arith.constant 16 : i32
    %eq3A = arith.constant 0 : i32
    %eq3A_27 = arith.cmpi eq, %jit3A_26, %eq3A : i32
    %jit3A_28 = arith.constant 1 : i32
    %select_n3A_29 = arith.select %eq3A_27, %jit3A_28, %jit3A_26 : i32
    %rem3A_30 = vector.broadcast %select_n3A_29 : i32 to vector<16xi32>
    %rem3A_31 = arith.remsi %mul3A_25, %rem3A_30 : vector<16xi32>
    %ne3A_32 = arith.constant 0 : i32
    %ne3A_33 = vector.broadcast %ne3A_32 : i32 to vector<16xi32>
    %ne3A_34 = arith.cmpi ne, %rem3A_31, %ne3A_33 : vector<16xi32>
    %lt3A = arith.constant 0 : i32
    %lt3A_35 = vector.broadcast %lt3A : i32 to vector<16xi32>
    %lt3A_36 = arith.cmpi slt, %rem3A_31, %lt3A_35 : vector<16xi32>
    %lt3A_37 = arith.constant 0 : i32
    %lt3A_38 = arith.cmpi slt, %select_n3A_29, %lt3A_37 : i32
    %ne3A_39 = vector.broadcast %lt3A_38 : i1 to vector<16xi1>
    %ne3A_40 = vector.broadcast %ne3A_39 : vector<16xi1> to vector<16xi1>
    %ne3A_41 = arith.xori %lt3A_36, %ne3A_40 : vector<16xi1>
    %and3A_42 = arith.andi %ne3A_41, %ne3A_34 : vector<16xi1>
    %add3A_43 = vector.broadcast %select_n3A_29 : i32 to vector<16xi32>
    %add3A_44 = arith.addi %rem3A_31, %add3A_43 : vector<16xi32>
    %select_n3A_45 = arith.select %and3A_42, %add3A_44, %rem3A_31 : vector<16xi1>, vector<16xi32>
    %mul3A_46 = arith.constant 2 : i32
    %mul3A_47 = vector.broadcast %mul3A_46 : i32 to vector<16xi32>
    %mul3A_48 = arith.muli %mul3A_47, %iota3A : vector<16xi32>
    %add3A_49 = arith.constant 1 : i32
    %add3A_50 = vector.broadcast %add3A_49 : i32 to vector<16xi32>
    %add3A_51 = arith.addi %mul3A_48, %add3A_50 : vector<16xi32>
    %jit3A_52 = arith.constant 16 : i32
    %eq3A_53 = arith.constant 0 : i32
    %eq3A_54 = arith.cmpi eq, %jit3A_52, %eq3A_53 : i32
    %jit3A_55 = arith.constant 1 : i32
    %select_n3A_56 = arith.select %eq3A_54, %jit3A_55, %jit3A_52 : i32
    %rem3A_57 = vector.broadcast %select_n3A_56 : i32 to vector<16xi32>
    %rem3A_58 = arith.remsi %add3A_51, %rem3A_57 : vector<16xi32>
    %ne3A_59 = arith.constant 0 : i32
    %ne3A_60 = vector.broadcast %ne3A_59 : i32 to vector<16xi32>
    %ne3A_61 = arith.cmpi ne, %rem3A_58, %ne3A_60 : vector<16xi32>
    %lt3A_62 = arith.constant 0 : i32
    %lt3A_63 = vector.broadcast %lt3A_62 : i32 to vector<16xi32>
    %lt3A_64 = arith.cmpi slt, %rem3A_58, %lt3A_63 : vector<16xi32>
    %lt3A_65 = arith.constant 0 : i32
    %lt3A_66 = arith.cmpi slt, %select_n3A_56, %lt3A_65 : i32
    %ne3A_67 = vector.broadcast %lt3A_66 : i1 to vector<16xi1>
    %ne3A_68 = vector.broadcast %ne3A_67 : vector<16xi1> to vector<16xi1>
    %ne3A_69 = arith.xori %lt3A_64, %ne3A_68 : vector<16xi1>
    %and3A_70 = arith.andi %ne3A_69, %ne3A_61 : vector<16xi1>
    %add3A_71 = vector.broadcast %select_n3A_56 : i32 to vector<16xi32>
    %add3A_72 = arith.addi %rem3A_58, %add3A_71 : vector<16xi32>
    %select_n3A_73 = arith.select %and3A_70, %add3A_72, %rem3A_58 : vector<16xi1>, vector<16xi32>
    %lt3A_74 = arith.constant 8 : i32
    %lt3A_75 = vector.broadcast %lt3A_74 : i32 to vector<16xi32>
    %lt3A_76 = arith.cmpi slt, %iota3A, %lt3A_75 : vector<16xi32>
    %add3A_77 = arith.constant 0 : i32
    %add3A_78 = arith.addi %add3A, %add3A_77 : i32
    %mul3A_79 = arith.constant 128 : i32
    %mul3A_80 = arith.muli %add3A_78, %mul3A_79 : i32
    %dma_start3A = tpu.memref_slice %arg3[%mul3A_80] : memref<160000xi32, #tpu.memory_space<hbm>> -> memref<128xi32, #tpu.memory_space<hbm>>
    %dma_start3A_81 = tpu.memref_slice %arg3[%mul3A_80] : memref<160000xi32, #tpu.memory_space<hbm>> -> memref<128xi32, #tpu.memory_space<hbm>>
    tpu.enqueue_dma source(%dma_start3A_81 : memref<128xi32, #tpu.memory_space<hbm>>) target(%arg6 : memref<128xi32, #tpu.memory_space<vmem>>) target_semaphore(%arg16 : memref<!tpu.dma_semaphore, #tpu.memory_space<semaphore_mem>>)
    %add3A_82 = arith.constant 0 : i32
    %add3A_83 = arith.addi %add3A, %add3A_82 : i32
    %mul3A_84 = arith.constant 128 : i32
    %mul3A_85 = arith.muli %add3A_83, %mul3A_84 : i32
    %dma_start3A_86 = tpu.memref_slice %arg4[%mul3A_85] : memref<160000xi32, #tpu.memory_space<hbm>> -> memref<128xi32, #tpu.memory_space<hbm>>
    %dma_start3A_87 = tpu.memref_slice %arg4[%mul3A_85] : memref<160000xi32, #tpu.memory_space<hbm>> -> memref<128xi32, #tpu.memory_space<hbm>>
    tpu.enqueue_dma source(%dma_start3A_87 : memref<128xi32, #tpu.memory_space<hbm>>) target(%arg8 : memref<128xi32, #tpu.memory_space<vmem>>) target_semaphore(%arg18 : memref<!tpu.dma_semaphore, #tpu.memory_space<semaphore_mem>>)
    %add3A_88 = arith.constant 32 : i32
    %add3A_89 = arith.addi %add3A, %add3A_88 : i32
    %mul3A_90 = arith.constant 128 : i32
    %mul3A_91 = arith.muli %add3A_89, %mul3A_90 : i32
    %dma_start3A_92 = tpu.memref_slice %arg3[%mul3A_91] : memref<160000xi32, #tpu.memory_space<hbm>> -> memref<128xi32, #tpu.memory_space<hbm>>
    %dma_start3A_93 = tpu.memref_slice %arg3[%mul3A_91] : memref<160000xi32, #tpu.memory_space<hbm>> -> memref<128xi32, #tpu.memory_space<hbm>>
    tpu.enqueue_dma source(%dma_start3A_93 : memref<128xi32, #tpu.memory_space<hbm>>) target(%arg7 : memref<128xi32, #tpu.memory_space<vmem>>) target_semaphore(%arg17 : memref<!tpu.dma_semaphore, #tpu.memory_space<semaphore_mem>>)
    %add3A_94 = arith.constant 32 : i32
    %add3A_95 = arith.addi %add3A, %add3A_94 : i32
    %mul3A_96 = arith.constant 128 : i32
    %mul3A_97 = arith.muli %add3A_95, %mul3A_96 : i32
    %dma_start3A_98 = tpu.memref_slice %arg4[%mul3A_97] : memref<160000xi32, #tpu.memory_space<hbm>> -> memref<128xi32, #tpu.memory_space<hbm>>
    %dma_start3A_99 = tpu.memref_slice %arg4[%mul3A_97] : memref<160000xi32, #tpu.memory_space<hbm>> -> memref<128xi32, #tpu.memory_space<hbm>>
    tpu.enqueue_dma source(%dma_start3A_99 : memref<128xi32, #tpu.memory_space<hbm>>) target(%arg9 : memref<128xi32, #tpu.memory_space<vmem>>) target_semaphore(%arg19 : memref<!tpu.dma_semaphore, #tpu.memory_space<semaphore_mem>>)
    %add3A_100 = arith.constant 0 : i32
    %add3A_101 = arith.addi %add3A, %add3A_100 : i32
    %mul3A_102 = arith.constant 128 : i32
    %mul3A_103 = arith.muli %add3A_101, %mul3A_102 : i32
    %dma_wait3A = tpu.memref_slice %arg3[%mul3A_103] : memref<160000xi32, #tpu.memory_space<hbm>> -> memref<128xi32, #tpu.memory_space<hbm>>
    %dma_wait3A_104 = tpu.memref_slice %arg3[%mul3A_103] : memref<160000xi32, #tpu.memory_space<hbm>> -> memref<128xi32, #tpu.memory_space<hbm>>
    tpu.wait_dma2 semaphore(%arg16 : memref<!tpu.dma_semaphore, #tpu.memory_space<semaphore_mem>>) src(%dma_wait3A_104 : memref<128xi32, #tpu.memory_space<hbm>>) dst(%arg6 : memref<128xi32, #tpu.memory_space<vmem>>)
    %add3A_105 = arith.constant 0 : i32
    %add3A_106 = arith.addi %add3A, %add3A_105 : i32
    %mul3A_107 = arith.constant 128 : i32
    %mul3A_108 = arith.muli %add3A_106, %mul3A_107 : i32
    %dma_wait3A_109 = tpu.memref_slice %arg4[%mul3A_108] : memref<160000xi32, #tpu.memory_space<hbm>> -> memref<128xi32, #tpu.memory_space<hbm>>
    %dma_wait3A_110 = tpu.memref_slice %arg4[%mul3A_108] : memref<160000xi32, #tpu.memory_space<hbm>> -> memref<128xi32, #tpu.memory_space<hbm>>
    tpu.wait_dma2 semaphore(%arg18 : memref<!tpu.dma_semaphore, #tpu.memory_space<semaphore_mem>>) src(%dma_wait3A_110 : memref<128xi32, #tpu.memory_space<hbm>>) dst(%arg8 : memref<128xi32, #tpu.memory_space<vmem>>)
    %dma_start3A_111 = arith.constant 0 : i32
    %dma_start3A_112 = arith.constant 0 : i32
    %dma_start3A_113 = tpu.memref_slice %arg2[%dma_start3A_111, %dma_start3A_112] : memref<10000x128xi32, #tpu.memory_space<hbm>> -> memref<10000x128xi32, #tpu.memory_space<hbm>>
    tpu.enqueue_indirect_dma source(%dma_start3A_113 : memref<10000x128xi32, #tpu.memory_space<hbm>>) target(%arg10 : memref<128x128xi32, #tpu.memory_space<vmem>>) offsets(%arg6 : memref<128xi32, #tpu.memory_space<vmem>>) semaphore(%arg20 : memref<!tpu.dma_semaphore, #tpu.memory_space<semaphore_mem>>)
    %dma_start3A_114 = arith.constant 0 : i32
    %dma_start3A_115 = arith.constant 0 : i32
    %dma_start3A_116 = tpu.memref_slice %arg2[%dma_start3A_114, %dma_start3A_115] : memref<10000x128xi32, #tpu.memory_space<hbm>> -> memref<10000x128xi32, #tpu.memory_space<hbm>>
    tpu.enqueue_indirect_dma source(%dma_start3A_116 : memref<10000x128xi32, #tpu.memory_space<hbm>>) target(%arg12 : memref<128x128xi32, #tpu.memory_space<vmem>>) offsets(%arg8 : memref<128xi32, #tpu.memory_space<vmem>>) semaphore(%arg22 : memref<!tpu.dma_semaphore, #tpu.memory_space<semaphore_mem>>)
    %scan3A = arith.constant 0 : i32
    %scan3A_117 = arith.constant 20 : i32
    %scan3A_118 = arith.addi %scan3A, %scan3A_117 : i32
    %scan3A_119 = arith.constant 1 : i32
    scf.for %scan3A_161 = %scan3A to %scan3A_118 step %scan3A_119  : i32 {
      %mul3A_162 = arith.constant 2 : i32
      %mul3A_163 = arith.muli %scan3A_161, %mul3A_162 : i32
      %add3A_164 = arith.constant 0 : i32
      %add3A_165 = arith.addi %add3A_164, %mul3A_163 : i32
      %add3A_166 = arith.constant 0 : i32
      %add3A_167 = arith.addi %add3A_165, %add3A_166 : i32
      %lt3A_168 = arith.cmpi slt, %add3A_167, %select_n3A : i32
      %convert_element_type3A_169 = arith.extui %lt3A_168 : i1 to i32
      %cond3A_170 = arith.constant 0 : i32
      %cond3A_171 = arith.cmpi ne, %convert_element_type3A_169, %cond3A_170 : i32
      scf.if %cond3A_171 {
        %dma_wait3A_178 = arith.constant 0 : i32
        %dma_wait3A_179 = arith.constant 0 : i32
        %dma_wait3A_180 = tpu.memref_slice %arg2[%dma_wait3A_178, %dma_wait3A_179] : memref<10000x128xi32, #tpu.memory_space<hbm>> -> memref<10000x128xi32, #tpu.memory_space<hbm>>
        tpu.wait_indirect_dma semaphore(%arg20 : memref<!tpu.dma_semaphore, #tpu.memory_space<semaphore_mem>>) src(%dma_wait3A_180 : memref<10000x128xi32, #tpu.memory_space<hbm>>) dst(%arg10 : memref<128x128xi32, #tpu.memory_space<vmem>>)
        %dma_wait3A_181 = arith.constant 0 : i32
        %dma_wait3A_182 = arith.constant 0 : i32
        %dma_wait3A_183 = tpu.memref_slice %arg2[%dma_wait3A_181, %dma_wait3A_182] : memref<10000x128xi32, #tpu.memory_space<hbm>> -> memref<10000x128xi32, #tpu.memory_space<hbm>>
        tpu.wait_indirect_dma semaphore(%arg22 : memref<!tpu.dma_semaphore, #tpu.memory_space<semaphore_mem>>) src(%dma_wait3A_183 : memref<10000x128xi32, #tpu.memory_space<hbm>>) dst(%arg12 : memref<128x128xi32, #tpu.memory_space<vmem>>)
        %add3A_184 = arith.constant 1 : i32
        %add3A_185 = arith.addi %add3A_167, %add3A_184 : i32
        %lt3A_186 = arith.cmpi slt, %add3A_185, %select_n3A : i32
        %convert_element_type3A_187 = arith.extui %lt3A_186 : i1 to i32
        %cond3A_188 = arith.constant 0 : i32
        %cond3A_189 = arith.cmpi ne, %convert_element_type3A_187, %cond3A_188 : i32
        scf.if %cond3A_189 {
          %add3A_209 = arith.constant 1 : i32
          %add3A_210 = arith.addi %add3A_167, %add3A_209 : i32
          %mul3A_211 = arith.constant 32 : i32
          %mul3A_212 = arith.muli %add3A_210, %mul3A_211 : i32
          %add3A_213 = arith.addi %add3A, %mul3A_212 : i32
          %mul3A_214 = arith.constant 128 : i32
          %mul3A_215 = arith.muli %add3A_213, %mul3A_214 : i32
          %dma_wait3A_216 = tpu.memref_slice %arg3[%mul3A_215] : memref<160000xi32, #tpu.memory_space<hbm>> -> memref<128xi32, #tpu.memory_space<hbm>>
          %dma_wait3A_217 = tpu.memref_slice %arg3[%mul3A_215] : memref<160000xi32, #tpu.memory_space<hbm>> -> memref<128xi32, #tpu.memory_space<hbm>>
          tpu.wait_dma2 semaphore(%arg17 : memref<!tpu.dma_semaphore, #tpu.memory_space<semaphore_mem>>) src(%dma_wait3A_217 : memref<128xi32, #tpu.memory_space<hbm>>) dst(%arg7 : memref<128xi32, #tpu.memory_space<vmem>>)
          %mul3A_218 = arith.constant 32 : i32
          %mul3A_219 = arith.muli %add3A_210, %mul3A_218 : i32
          %add3A_220 = arith.addi %add3A, %mul3A_219 : i32
          %mul3A_221 = arith.constant 128 : i32
          %mul3A_222 = arith.muli %add3A_220, %mul3A_221 : i32
          %dma_wait3A_223 = tpu.memref_slice %arg4[%mul3A_222] : memref<160000xi32, #tpu.memory_space<hbm>> -> memref<128xi32, #tpu.memory_space<hbm>>
          %dma_wait3A_224 = tpu.memref_slice %arg4[%mul3A_222] : memref<160000xi32, #tpu.memory_space<hbm>> -> memref<128xi32, #tpu.memory_space<hbm>>
          tpu.wait_dma2 semaphore(%arg19 : memref<!tpu.dma_semaphore, #tpu.memory_space<semaphore_mem>>) src(%dma_wait3A_224 : memref<128xi32, #tpu.memory_space<hbm>>) dst(%arg9 : memref<128xi32, #tpu.memory_space<vmem>>)
          %dma_start3A_225 = arith.constant 0 : i32
          %dma_start3A_226 = arith.constant 0 : i32
          %dma_start3A_227 = tpu.memref_slice %arg2[%dma_start3A_225, %dma_start3A_226] : memref<10000x128xi32, #tpu.memory_space<hbm>> -> memref<10000x128xi32, #tpu.memory_space<hbm>>
          tpu.enqueue_indirect_dma source(%dma_start3A_227 : memref<10000x128xi32, #tpu.memory_space<hbm>>) target(%arg11 : memref<128x128xi32, #tpu.memory_space<vmem>>) offsets(%arg7 : memref<128xi32, #tpu.memory_space<vmem>>) semaphore(%arg21 : memref<!tpu.dma_semaphore, #tpu.memory_space<semaphore_mem>>)
          %dma_start3A_228 = arith.constant 0 : i32
          %dma_start3A_229 = arith.constant 0 : i32
          %dma_start3A_230 = tpu.memref_slice %arg2[%dma_start3A_228, %dma_start3A_229] : memref<10000x128xi32, #tpu.memory_space<hbm>> -> memref<10000x128xi32, #tpu.memory_space<hbm>>
          tpu.enqueue_indirect_dma source(%dma_start3A_230 : memref<10000x128xi32, #tpu.memory_space<hbm>>) target(%arg13 : memref<128x128xi32, #tpu.memory_space<vmem>>) offsets(%arg9 : memref<128xi32, #tpu.memory_space<vmem>>) semaphore(%arg23 : memref<!tpu.dma_semaphore, #tpu.memory_space<semaphore_mem>>)
        } else {
        }
        %add3A_190 = arith.constant 2 : i32
        %add3A_191 = arith.addi %add3A_167, %add3A_190 : i32
        %lt3A_192 = arith.cmpi slt, %add3A_191, %select_n3A : i32
        %convert_element_type3A_193 = arith.extui %lt3A_192 : i1 to i32
        %cond3A_194 = arith.constant 0 : i32
        %cond3A_195 = arith.cmpi ne, %convert_element_type3A_193, %cond3A_194 : i32
        scf.if %cond3A_195 {
          %add3A_209 = arith.constant 2 : i32
          %add3A_210 = arith.addi %add3A_167, %add3A_209 : i32
          %mul3A_211 = arith.constant 32 : i32
          %mul3A_212 = arith.muli %add3A_210, %mul3A_211 : i32
          %add3A_213 = arith.addi %add3A, %mul3A_212 : i32
          %mul3A_214 = arith.constant 128 : i32
          %mul3A_215 = arith.muli %add3A_213, %mul3A_214 : i32
          %dma_start3A_216 = tpu.memref_slice %arg3[%mul3A_215] : memref<160000xi32, #tpu.memory_space<hbm>> -> memref<128xi32, #tpu.memory_space<hbm>>
          %dma_start3A_217 = tpu.memref_slice %arg3[%mul3A_215] : memref<160000xi32, #tpu.memory_space<hbm>> -> memref<128xi32, #tpu.memory_space<hbm>>
          tpu.enqueue_dma source(%dma_start3A_217 : memref<128xi32, #tpu.memory_space<hbm>>) target(%arg6 : memref<128xi32, #tpu.memory_space<vmem>>) target_semaphore(%arg16 : memref<!tpu.dma_semaphore, #tpu.memory_space<semaphore_mem>>)
          %mul3A_218 = arith.constant 32 : i32
          %mul3A_219 = arith.muli %add3A_210, %mul3A_218 : i32
          %add3A_220 = arith.addi %add3A, %mul3A_219 : i32
          %mul3A_221 = arith.constant 128 : i32
          %mul3A_222 = arith.muli %add3A_220, %mul3A_221 : i32
          %dma_start3A_223 = tpu.memref_slice %arg4[%mul3A_222] : memref<160000xi32, #tpu.memory_space<hbm>> -> memref<128xi32, #tpu.memory_space<hbm>>
          %dma_start3A_224 = tpu.memref_slice %arg4[%mul3A_222] : memref<160000xi32, #tpu.memory_space<hbm>> -> memref<128xi32, #tpu.memory_space<hbm>>
          tpu.enqueue_dma source(%dma_start3A_224 : memref<128xi32, #tpu.memory_space<hbm>>) target(%arg8 : memref<128xi32, #tpu.memory_space<vmem>>) target_semaphore(%arg18 : memref<!tpu.dma_semaphore, #tpu.memory_space<semaphore_mem>>)
        } else {
        }
        %ge3A = arith.constant 2 : i32
        %ge3A_196 = arith.cmpi sge, %add3A_167, %ge3A : i32
        %convert_element_type3A_197 = arith.extui %ge3A_196 : i1 to i32
        %cond3A_198 = arith.constant 0 : i32
        %cond3A_199 = arith.cmpi ne, %convert_element_type3A_197, %cond3A_198 : i32
        scf.if %cond3A_199 {
          %sub3A_209 = arith.constant 2 : i32
          %sub3A_210 = arith.subi %add3A_167, %sub3A_209 : i32
          %mul3A_211 = arith.constant 32 : i32
          %mul3A_212 = arith.muli %sub3A_210, %mul3A_211 : i32
          %add3A_213 = arith.addi %add3A, %mul3A_212 : i32
          %mul3A_214 = arith.constant 128 : i32
          %mul3A_215 = arith.muli %add3A_213, %mul3A_214 : i32
          %dma_wait3A_216 = tpu.memref_slice %arg5[%mul3A_215] : memref<160000xf32, #tpu.memory_space<hbm>> -> memref<128xf32, #tpu.memory_space<hbm>>
          %dma_wait3A_217 = tpu.memref_slice %arg5[%mul3A_215] : memref<160000xf32, #tpu.memory_space<hbm>> -> memref<128xf32, #tpu.memory_space<hbm>>
          tpu.wait_dma2 semaphore(%arg24 : memref<!tpu.dma_semaphore, #tpu.memory_space<semaphore_mem>>) src(%arg14 : memref<128xf32, #tpu.memory_space<vmem>>) dst(%dma_wait3A_217 : memref<128xf32, #tpu.memory_space<hbm>>)
        } else {
        }
        %parallel_loop3A = arith.constant 0 : i32
        %parallel_loop3A_200 = arith.constant 8 : i32
        %parallel_loop3A_201 = arith.constant 1 : i32
        scf.for %parallel_loop3A_209 = %parallel_loop3A to %parallel_loop3A_200 step %parallel_loop3A_201  : i32 {
          %parallel_loop3A_210 = arith.constant 16 : i32
          %parallel_loop3A_211 = arith.muli %parallel_loop3A_209, %parallel_loop3A_210 : i32
          %parallel_loop3A_212 = arith.constant 0 : i32
          %parallel_loop3A_213 = arith.addi %parallel_loop3A_211, %parallel_loop3A_212 : i32
          %parallel_loop3A_214 = arith.index_cast %parallel_loop3A_213 : i32 to index
          %parallel_loop3A_215 = arith.constant 0 : index
          %parallel_loop3A_216 = tpu.vector_load %arg10[%parallel_loop3A_214, %parallel_loop3A_215] {strides = array<i32>} : memref<128x128xi32, #tpu.memory_space<vmem>>, vector<1x16xi32>,
          %parallel_loop3A_217 = vector.shape_cast %parallel_loop3A_216 : vector<1x16xi32> to vector<16xi32>
          %parallel_loop3A_218 = arith.index_cast %parallel_loop3A_213 : i32 to index
          %parallel_loop3A_219 = arith.constant 0 : index
          %parallel_loop3A_220 = tpu.vector_load %arg12[%parallel_loop3A_218, %parallel_loop3A_219] {strides = array<i32>} : memref<128x128xi32, #tpu.memory_space<vmem>>, vector<1x16xi32>,
          %parallel_loop3A_221 = vector.shape_cast %parallel_loop3A_220 : vector<1x16xi32> to vector<16xi32>
          %parallel_loop3A_222 = arith.constant 16 : i32
          %parallel_loop3A_223 = vector.broadcast %parallel_loop3A_222 : i32 to vector<16xi32>
          %parallel_loop3A_224 = arith.shli %parallel_loop3A_217, %parallel_loop3A_223 : vector<16xi32>
          %parallel_loop3A_225 = tpu.bitcast %parallel_loop3A_224 : vector<16xi32> -> vector<16xf32>
          %parallel_loop3A_226 = arith.constant 16 : i32
          %parallel_loop3A_227 = vector.broadcast %parallel_loop3A_226 : i32 to vector<16xi32>
          %parallel_loop3A_228 = arith.shli %parallel_loop3A_221, %parallel_loop3A_227 : vector<16xi32>
          %parallel_loop3A_229 = tpu.bitcast %parallel_loop3A_228 : vector<16xi32> -> vector<16xf32>
          %parallel_loop3A_230 = arith.mulf %parallel_loop3A_225, %parallel_loop3A_229 : vector<16xf32>
          %parallel_loop3A_231 = arith.constant -65536 : i32
          %parallel_loop3A_232 = vector.broadcast %parallel_loop3A_231 : i32 to vector<16xi32>
          %parallel_loop3A_233 = arith.andi %parallel_loop3A_217, %parallel_loop3A_232 : vector<16xi32>
          %parallel_loop3A_234 = tpu.bitcast %parallel_loop3A_233 : vector<16xi32> -> vector<16xf32>
          %parallel_loop3A_235 = arith.constant -65536 : i32
          %parallel_loop3A_236 = vector.broadcast %parallel_loop3A_235 : i32 to vector<16xi32>
          %parallel_loop3A_237 = arith.andi %parallel_loop3A_221, %parallel_loop3A_236 : vector<16xi32>
          %parallel_loop3A_238 = tpu.bitcast %parallel_loop3A_237 : vector<16xi32> -> vector<16xf32>
          %parallel_loop3A_239 = arith.mulf %parallel_loop3A_234, %parallel_loop3A_238 : vector<16xf32>
          %parallel_loop3A_240 = arith.addf %parallel_loop3A_230, %parallel_loop3A_239 : vector<16xf32>
          %parallel_loop3A_241 = arith.constant 16 : i32
          %parallel_loop3A_242 = arith.muli %parallel_loop3A_209, %parallel_loop3A_241 : i32
          %parallel_loop3A_243 = arith.constant 1 : i32
          %parallel_loop3A_244 = arith.addi %parallel_loop3A_242, %parallel_loop3A_243 : i32
          %parallel_loop3A_245 = arith.index_cast %parallel_loop3A_244 : i32 to index
          %parallel_loop3A_246 = arith.constant 0 : index
          %parallel_loop3A_247 = tpu.vector_load %arg10[%parallel_loop3A_245, %parallel_loop3A_246] {strides = array<i32>} : memref<128x128xi32, #tpu.memory_space<vmem>>, vector<1x16xi32>,
          %parallel_loop3A_248 = vector.shape_cast %parallel_loop3A_247 : vector<1x16xi32> to vector<16xi32>
          %parallel_loop3A_249 = arith.index_cast %parallel_loop3A_244 : i32 to index
          %parallel_loop3A_250 = arith.constant 0 : index
          %parallel_loop3A_251 = tpu.vector_load %arg12[%parallel_loop3A_249, %parallel_loop3A_250] {strides = array<i32>} : memref<128x128xi32, #tpu.memory_space<vmem>>, vector<1x16xi32>,
          %parallel_loop3A_252 = vector.shape_cast %parallel_loop3A_251 : vector<1x16xi32> to vector<16xi32>
          %parallel_loop3A_253 = arith.constant 16 : i32
          %parallel_loop3A_254 = vector.broadcast %parallel_loop3A_253 : i32 to vector<16xi32>
          %parallel_loop3A_255 = arith.shli %parallel_loop3A_248, %parallel_loop3A_254 : vector<16xi32>
          %parallel_loop3A_256 = tpu.bitcast %parallel_loop3A_255 : vector<16xi32> -> vector<16xf32>
          %parallel_loop3A_257 = arith.constant 16 : i32
          %parallel_loop3A_258 = vector.broadcast %parallel_loop3A_257 : i32 to vector<16xi32>
          %parallel_loop3A_259 = arith.shli %parallel_loop3A_252, %parallel_loop3A_258 : vector<16xi32>
          %parallel_loop3A_260 = tpu.bitcast %parallel_loop3A_259 : vector<16xi32> -> vector<16xf32>
          %parallel_loop3A_261 = arith.mulf %parallel_loop3A_256, %parallel_loop3A_260 : vector<16xf32>
          %parallel_loop3A_262 = arith.constant -65536 : i32
          %parallel_loop3A_263 = vector.broadcast %parallel_loop3A_262 : i32 to vector<16xi32>
          %parallel_loop3A_264 = arith.andi %parallel_loop3A_248, %parallel_loop3A_263 : vector<16xi32>
          %parallel_loop3A_265 = tpu.bitcast %parallel_loop3A_264 : vector<16xi32> -> vector<16xf32>
          %parallel_loop3A_266 = arith.constant -65536 : i32
          %parallel_loop3A_267 = vector.broadcast %parallel_loop3A_266 : i32 to vector<16xi32>
          %parallel_loop3A_268 = arith.andi %parallel_loop3A_252, %parallel_loop3A_267 : vector<16xi32>
          %parallel_loop3A_269 = tpu.bitcast %parallel_loop3A_268 : vector<16xi32> -> vector<16xf32>
          %parallel_loop3A_270 = arith.mulf %parallel_loop3A_265, %parallel_loop3A_269 : vector<16xf32>
          %parallel_loop3A_271 = arith.addf %parallel_loop3A_261, %parallel_loop3A_270 : vector<16xf32>
          %parallel_loop3A_272 = arith.constant 16 : i32
          %parallel_loop3A_273 = arith.muli %parallel_loop3A_209, %parallel_loop3A_272 : i32
          %parallel_loop3A_274 = arith.constant 2 : i32
          %parallel_loop3A_275 = arith.addi %parallel_loop3A_273, %parallel_loop3A_274 : i32
          %parallel_loop3A_276 = arith.index_cast %parallel_loop3A_275 : i32 to index
          %parallel_loop3A_277 = arith.constant 0 : index
          %parallel_loop3A_278 = tpu.vector_load %arg10[%parallel_loop3A_276, %parallel_loop3A_277] {strides = array<i32>} : memref<128x128xi32, #tpu.memory_space<vmem>>, vector<1x16xi32>,
          %parallel_loop3A_279 = vector.shape_cast %parallel_loop3A_278 : vector<1x16xi32> to vector<16xi32>
          %parallel_loop3A_280 = arith.index_cast %parallel_loop3A_275 : i32 to index
          %parallel_loop3A_281 = arith.constant 0 : index
          %parallel_loop3A_282 = tpu.vector_load %arg12[%parallel_loop3A_280, %parallel_loop3A_281] {strides = array<i32>} : memref<128x128xi32, #tpu.memory_space<vmem>>, vector<1x16xi32>,
          %parallel_loop3A_283 = vector.shape_cast %parallel_loop3A_282 : vector<1x16xi32> to vector<16xi32>
          %parallel_loop3A_284 = arith.constant 16 : i32
          %parallel_loop3A_285 = vector.broadcast %parallel_loop3A_284 : i32 to vector<16xi32>
          %parallel_loop3A_286 = arith.shli %parallel_loop3A_279, %parallel_loop3A_285 : vector<16xi32>
          %parallel_loop3A_287 = tpu.bitcast %parallel_loop3A_286 : vector<16xi32> -> vector<16xf32>
          %parallel_loop3A_288 = arith.constant 16 : i32
          %parallel_loop3A_289 = vector.broadcast %parallel_loop3A_288 : i32 to vector<16xi32>
          %parallel_loop3A_290 = arith.shli %parallel_loop3A_283, %parallel_loop3A_289 : vector<16xi32>
          %parallel_loop3A_291 = tpu.bitcast %parallel_loop3A_290 : vector<16xi32> -> vector<16xf32>
          %parallel_loop3A_292 = arith.mulf %parallel_loop3A_287, %parallel_loop3A_291 : vector<16xf32>
          %parallel_loop3A_293 = arith.constant -65536 : i32
          %parallel_loop3A_294 = vector.broadcast %parallel_loop3A_293 : i32 to vector<16xi32>
          %parallel_loop3A_295 = arith.andi %parallel_loop3A_279, %parallel_loop3A_294 : vector<16xi32>
          %parallel_loop3A_296 = tpu.bitcast %parallel_loop3A_295 : vector<16xi32> -> vector<16xf32>
          %parallel_loop3A_297 = arith.constant -65536 : i32
          %parallel_loop3A_298 = vector.broadcast %parallel_loop3A_297 : i32 to vector<16xi32>
          %parallel_loop3A_299 = arith.andi %parallel_loop3A_283, %parallel_loop3A_298 : vector<16xi32>
          %parallel_loop3A_300 = tpu.bitcast %parallel_loop3A_299 : vector<16xi32> -> vector<16xf32>
          %parallel_loop3A_301 = arith.mulf %parallel_loop3A_296, %parallel_loop3A_300 : vector<16xf32>
          %parallel_loop3A_302 = arith.addf %parallel_loop3A_292, %parallel_loop3A_301 : vector<16xf32>
          %parallel_loop3A_303 = arith.constant 16 : i32
          %parallel_loop3A_304 = arith.muli %parallel_loop3A_209, %parallel_loop3A_303 : i32
          %parallel_loop3A_305 = arith.constant 3 : i32
          %parallel_loop3A_306 = arith.addi %parallel_loop3A_304, %parallel_loop3A_305 : i32
          %parallel_loop3A_307 = arith.index_cast %parallel_loop3A_306 : i32 to index
          %parallel_loop3A_308 = arith.constant 0 : index
          %parallel_loop3A_309 = tpu.vector_load %arg10[%parallel_loop3A_307, %parallel_loop3A_308] {strides = array<i32>} : memref<128x128xi32, #tpu.memory_space<vmem>>, vector<1x16xi32>,
          %parallel_loop3A_310 = vector.shape_cast %parallel_loop3A_309 : vector<1x16xi32> to vector<16xi32>
          %parallel_loop3A_311 = arith.index_cast %parallel_loop3A_306 : i32 to index
          %parallel_loop3A_312 = arith.constant 0 : index
          %parallel_loop3A_313 = tpu.vector_load %arg12[%parallel_loop3A_311, %parallel_loop3A_312] {strides = array<i32>} : memref<128x128xi32, #tpu.memory_space<vmem>>, vector<1x16xi32>,
          %parallel_loop3A_314 = vector.shape_cast %parallel_loop3A_313 : vector<1x16xi32> to vector<16xi32>
          %parallel_loop3A_315 = arith.constant 16 : i32
          %parallel_loop3A_316 = vector.broadcast %parallel_loop3A_315 : i32 to vector<16xi32>
          %parallel_loop3A_317 = arith.shli %parallel_loop3A_310, %parallel_loop3A_316 : vector<16xi32>
          %parallel_loop3A_318 = tpu.bitcast %parallel_loop3A_317 : vector<16xi32> -> vector<16xf32>
          %parallel_loop3A_319 = arith.constant 16 : i32
          %parallel_loop3A_320 = vector.broadcast %parallel_loop3A_319 : i32 to vector<16xi32>
          %parallel_loop3A_321 = arith.shli %parallel_loop3A_314, %parallel_loop3A_320 : vector<16xi32>
          %parallel_loop3A_322 = tpu.bitcast %parallel_loop3A_321 : vector<16xi32> -> vector<16xf32>
          %parallel_loop3A_323 = arith.mulf %parallel_loop3A_318, %parallel_loop3A_322 : vector<16xf32>
          %parallel_loop3A_324 = arith.constant -65536 : i32
          %parallel_loop3A_325 = vector.broadcast %parallel_loop3A_324 : i32 to vector<16xi32>
          %parallel_loop3A_326 = arith.andi %parallel_loop3A_310, %parallel_loop3A_325 : vector<16xi32>
          %parallel_loop3A_327 = tpu.bitcast %parallel_loop3A_326 : vector<16xi32> -> vector<16xf32>
          %parallel_loop3A_328 = arith.constant -65536 : i32
          %parallel_loop3A_329 = vector.broadcast %parallel_loop3A_328 : i32 to vector<16xi32>
          %parallel_loop3A_330 = arith.andi %parallel_loop3A_314, %parallel_loop3A_329 : vector<16xi32>
          %parallel_loop3A_331 = tpu.bitcast %parallel_loop3A_330 : vector<16xi32> -> vector<16xf32>
          %parallel_loop3A_332 = arith.mulf %parallel_loop3A_327, %parallel_loop3A_331 : vector<16xf32>
          %parallel_loop3A_333 = arith.addf %parallel_loop3A_323, %parallel_loop3A_332 : vector<16xf32>
          %parallel_loop3A_334 = arith.constant 16 : i32
          %parallel_loop3A_335 = arith.muli %parallel_loop3A_209, %parallel_loop3A_334 : i32
          %parallel_loop3A_336 = arith.constant 4 : i32
          %parallel_loop3A_337 = arith.addi %parallel_loop3A_335, %parallel_loop3A_336 : i32
          %parallel_loop3A_338 = arith.index_cast %parallel_loop3A_337 : i32 to index
          %parallel_loop3A_339 = arith.constant 0 : index
          %parallel_loop3A_340 = tpu.vector_load %arg10[%parallel_loop3A_338, %parallel_loop3A_339] {strides = array<i32>} : memref<128x128xi32, #tpu.memory_space<vmem>>, vector<1x16xi32>,
          %parallel_loop3A_341 = vector.shape_cast %parallel_loop3A_340 : vector<1x16xi32> to vector<16xi32>
          %parallel_loop3A_342 = arith.index_cast %parallel_loop3A_337 : i32 to index
          %parallel_loop3A_343 = arith.constant 0 : index
          %parallel_loop3A_344 = tpu.vector_load %arg12[%parallel_loop3A_342, %parallel_loop3A_343] {strides = array<i32>} : memref<128x128xi32, #tpu.memory_space<vmem>>, vector<1x16xi32>,
          %parallel_loop3A_345 = vector.shape_cast %parallel_loop3A_344 : vector<1x16xi32> to vector<16xi32>
          %parallel_loop3A_346 = arith.constant 16 : i32
          %parallel_loop3A_347 = vector.broadcast %parallel_loop3A_346 : i32 to vector<16xi32>
          %parallel_loop3A_348 = arith.shli %parallel_loop3A_341, %parallel_loop3A_347 : vector<16xi32>
          %parallel_loop3A_349 = tpu.bitcast %parallel_loop3A_348 : vector<16xi32> -> vector<16xf32>
          %parallel_loop3A_350 = arith.constant 16 : i32
          %parallel_loop3A_351 = vector.broadcast %parallel_loop3A_350 : i32 to vector<16xi32>
          %parallel_loop3A_352 = arith.shli %parallel_loop3A_345, %parallel_loop3A_351 : vector<16xi32>
          %parallel_loop3A_353 = tpu.bitcast %parallel_loop3A_352 : vector<16xi32> -> vector<16xf32>
          %parallel_loop3A_354 = arith.mulf %parallel_loop3A_349, %parallel_loop3A_353 : vector<16xf32>
          %parallel_loop3A_355 = arith.constant -65536 : i32
          %parallel_loop3A_356 = vector.broadcast %parallel_loop3A_355 : i32 to vector<16xi32>
          %parallel_loop3A_357 = arith.andi %parallel_loop3A_341, %parallel_loop3A_356 : vector<16xi32>
          %parallel_loop3A_358 = tpu.bitcast %parallel_loop3A_357 : vector<16xi32> -> vector<16xf32>
          %parallel_loop3A_359 = arith.constant -65536 : i32
          %parallel_loop3A_360 = vector.broadcast %parallel_loop3A_359 : i32 to vector<16xi32>
          %parallel_loop3A_361 = arith.andi %parallel_loop3A_345, %parallel_loop3A_360 : vector<16xi32>
          %parallel_loop3A_362 = tpu.bitcast %parallel_loop3A_361 : vector<16xi32> -> vector<16xf32>
          %parallel_loop3A_363 = arith.mulf %parallel_loop3A_358, %parallel_loop3A_362 : vector<16xf32>
          %parallel_loop3A_364 = arith.addf %parallel_loop3A_354, %parallel_loop3A_363 : vector<16xf32>
          %parallel_loop3A_365 = arith.constant 16 : i32
          %parallel_loop3A_366 = arith.muli %parallel_loop3A_209, %parallel_loop3A_365 : i32
          %parallel_loop3A_367 = arith.constant 5 : i32
          %parallel_loop3A_368 = arith.addi %parallel_loop3A_366, %parallel_loop3A_367 : i32
          %parallel_loop3A_369 = arith.index_cast %parallel_loop3A_368 : i32 to index
          %parallel_loop3A_370 = arith.constant 0 : index
          %parallel_loop3A_371 = tpu.vector_load %arg10[%parallel_loop3A_369, %parallel_loop3A_370] {strides = array<i32>} : memref<128x128xi32, #tpu.memory_space<vmem>>, vector<1x16xi32>,
          %parallel_loop3A_372 = vector.shape_cast %parallel_loop3A_371 : vector<1x16xi32> to vector<16xi32>
          %parallel_loop3A_373 = arith.index_cast %parallel_loop3A_368 : i32 to index
          %parallel_loop3A_374 = arith.constant 0 : index
          %parallel_loop3A_375 = tpu.vector_load %arg12[%parallel_loop3A_373, %parallel_loop3A_374] {strides = array<i32>} : memref<128x128xi32, #tpu.memory_space<vmem>>, vector<1x16xi32>,
          %parallel_loop3A_376 = vector.shape_cast %parallel_loop3A_375 : vector<1x16xi32> to vector<16xi32>
          %parallel_loop3A_377 = arith.constant 16 : i32
          %parallel_loop3A_378 = vector.broadcast %parallel_loop3A_377 : i32 to vector<16xi32>
          %parallel_loop3A_379 = arith.shli %parallel_loop3A_372, %parallel_loop3A_378 : vector<16xi32>
          %parallel_loop3A_380 = tpu.bitcast %parallel_loop3A_379 : vector<16xi32> -> vector<16xf32>
          %parallel_loop3A_381 = arith.constant 16 : i32
          %parallel_loop3A_382 = vector.broadcast %parallel_loop3A_381 : i32 to vector<16xi32>
          %parallel_loop3A_383 = arith.shli %parallel_loop3A_376, %parallel_loop3A_382 : vector<16xi32>
          %parallel_loop3A_384 = tpu.bitcast %parallel_loop3A_383 : vector<16xi32> -> vector<16xf32>
          %parallel_loop3A_385 = arith.mulf %parallel_loop3A_380, %parallel_loop3A_384 : vector<16xf32>
          %parallel_loop3A_386 = arith.constant -65536 : i32
          %parallel_loop3A_387 = vector.broadcast %parallel_loop3A_386 : i32 to vector<16xi32>
          %parallel_loop3A_388 = arith.andi %parallel_loop3A_372, %parallel_loop3A_387 : vector<16xi32>
          %parallel_loop3A_389 = tpu.bitcast %parallel_loop3A_388 : vector<16xi32> -> vector<16xf32>
          %parallel_loop3A_390 = arith.constant -65536 : i32
          %parallel_loop3A_391 = vector.broadcast %parallel_loop3A_390 : i32 to vector<16xi32>
          %parallel_loop3A_392 = arith.andi %parallel_loop3A_376, %parallel_loop3A_391 : vector<16xi32>
          %parallel_loop3A_393 = tpu.bitcast %parallel_loop3A_392 : vector<16xi32> -> vector<16xf32>
          %parallel_loop3A_394 = arith.mulf %parallel_loop3A_389, %parallel_loop3A_393 : vector<16xf32>
          %parallel_loop3A_395 = arith.addf %parallel_loop3A_385, %parallel_loop3A_394 : vector<16xf32>
          %parallel_loop3A_396 = arith.constant 16 : i32
          %parallel_loop3A_397 = arith.muli %parallel_loop3A_209, %parallel_loop3A_396 : i32
          %parallel_loop3A_398 = arith.constant 6 : i32
          %parallel_loop3A_399 = arith.addi %parallel_loop3A_397, %parallel_loop3A_398 : i32
          %parallel_loop3A_400 = arith.index_cast %parallel_loop3A_399 : i32 to index
          %parallel_loop3A_401 = arith.constant 0 : index
          %parallel_loop3A_402 = tpu.vector_load %arg10[%parallel_loop3A_400, %parallel_loop3A_401] {strides = array<i32>} : memref<128x128xi32, #tpu.memory_space<vmem>>, vector<1x16xi32>,
          %parallel_loop3A_403 = vector.shape_cast %parallel_loop3A_402 : vector<1x16xi32> to vector<16xi32>
          %parallel_loop3A_404 = arith.index_cast %parallel_loop3A_399 : i32 to index
          %parallel_loop3A_405 = arith.constant 0 : index
          %parallel_loop3A_406 = tpu.vector_load %arg12[%parallel_loop3A_404, %parallel_loop3A_405] {strides = array<i32>} : memref<128x128xi32, #tpu.memory_space<vmem>>, vector<1x16xi32>,
          %parallel_loop3A_407 = vector.shape_cast %parallel_loop3A_406 : vector<1x16xi32> to vector<16xi32>
          %parallel_loop3A_408 = arith.constant 16 : i32
          %parallel_loop3A_409 = vector.broadcast %parallel_loop3A_408 : i32 to vector<16xi32>
          %parallel_loop3A_410 = arith.shli %parallel_loop3A_403, %parallel_loop3A_409 : vector<16xi32>
          %parallel_loop3A_411 = tpu.bitcast %parallel_loop3A_410 : vector<16xi32> -> vector<16xf32>
          %parallel_loop3A_412 = arith.constant 16 : i32
          %parallel_loop3A_413 = vector.broadcast %parallel_loop3A_412 : i32 to vector<16xi32>
          %parallel_loop3A_414 = arith.shli %parallel_loop3A_407, %parallel_loop3A_413 : vector<16xi32>
          %parallel_loop3A_415 = tpu.bitcast %parallel_loop3A_414 : vector<16xi32> -> vector<16xf32>
          %parallel_loop3A_416 = arith.mulf %parallel_loop3A_411, %parallel_loop3A_415 : vector<16xf32>
          %parallel_loop3A_417 = arith.constant -65536 : i32
          %parallel_loop3A_418 = vector.broadcast %parallel_loop3A_417 : i32 to vector<16xi32>
          %parallel_loop3A_419 = arith.andi %parallel_loop3A_403, %parallel_loop3A_418 : vector<16xi32>
          %parallel_loop3A_420 = tpu.bitcast %parallel_loop3A_419 : vector<16xi32> -> vector<16xf32>
          %parallel_loop3A_421 = arith.constant -65536 : i32
          %parallel_loop3A_422 = vector.broadcast %parallel_loop3A_421 : i32 to vector<16xi32>
          %parallel_loop3A_423 = arith.andi %parallel_loop3A_407, %parallel_loop3A_422 : vector<16xi32>
          %parallel_loop3A_424 = tpu.bitcast %parallel_loop3A_423 : vector<16xi32> -> vector<16xf32>
          %parallel_loop3A_425 = arith.mulf %parallel_loop3A_420, %parallel_loop3A_424 : vector<16xf32>
          %parallel_loop3A_426 = arith.addf %parallel_loop3A_416, %parallel_loop3A_425 : vector<16xf32>
          %parallel_loop3A_427 = arith.constant 16 : i32
          %parallel_loop3A_428 = arith.muli %parallel_loop3A_209, %parallel_loop3A_427 : i32
          %parallel_loop3A_429 = arith.constant 7 : i32
          %parallel_loop3A_430 = arith.addi %parallel_loop3A_428, %parallel_loop3A_429 : i32
          %parallel_loop3A_431 = arith.index_cast %parallel_loop3A_430 : i32 to index
          %parallel_loop3A_432 = arith.constant 0 : index
          %parallel_loop3A_433 = tpu.vector_load %arg10[%parallel_loop3A_431, %parallel_loop3A_432] {strides = array<i32>} : memref<128x128xi32, #tpu.memory_space<vmem>>, vector<1x16xi32>,
          %parallel_loop3A_434 = vector.shape_cast %parallel_loop3A_433 : vector<1x16xi32> to vector<16xi32>
          %parallel_loop3A_435 = arith.index_cast %parallel_loop3A_430 : i32 to index
          %parallel_loop3A_436 = arith.constant 0 : index
          %parallel_loop3A_437 = tpu.vector_load %arg12[%parallel_loop3A_435, %parallel_loop3A_436] {strides = array<i32>} : memref<128x128xi32, #tpu.memory_space<vmem>>, vector<1x16xi32>,
          %parallel_loop3A_438 = vector.shape_cast %parallel_loop3A_437 : vector<1x16xi32> to vector<16xi32>
          %parallel_loop3A_439 = arith.constant 16 : i32
          %parallel_loop3A_440 = vector.broadcast %parallel_loop3A_439 : i32 to vector<16xi32>
          %parallel_loop3A_441 = arith.shli %parallel_loop3A_434, %parallel_loop3A_440 : vector<16xi32>
          %parallel_loop3A_442 = tpu.bitcast %parallel_loop3A_441 : vector<16xi32> -> vector<16xf32>
          %parallel_loop3A_443 = arith.constant 16 : i32
          %parallel_loop3A_444 = vector.broadcast %parallel_loop3A_443 : i32 to vector<16xi32>
          %parallel_loop3A_445 = arith.shli %parallel_loop3A_438, %parallel_loop3A_444 : vector<16xi32>
          %parallel_loop3A_446 = tpu.bitcast %parallel_loop3A_445 : vector<16xi32> -> vector<16xf32>
          %parallel_loop3A_447 = arith.mulf %parallel_loop3A_442, %parallel_loop3A_446 : vector<16xf32>
          %parallel_loop3A_448 = arith.constant -65536 : i32
          %parallel_loop3A_449 = vector.broadcast %parallel_loop3A_448 : i32 to vector<16xi32>
          %parallel_loop3A_450 = arith.andi %parallel_loop3A_434, %parallel_loop3A_449 : vector<16xi32>
          %parallel_loop3A_451 = tpu.bitcast %parallel_loop3A_450 : vector<16xi32> -> vector<16xf32>
          %parallel_loop3A_452 = arith.constant -65536 : i32
          %parallel_loop3A_453 = vector.broadcast %parallel_loop3A_452 : i32 to vector<16xi32>
          %parallel_loop3A_454 = arith.andi %parallel_loop3A_438, %parallel_loop3A_453 : vector<16xi32>
          %parallel_loop3A_455 = tpu.bitcast %parallel_loop3A_454 : vector<16xi32> -> vector<16xf32>
          %parallel_loop3A_456 = arith.mulf %parallel_loop3A_451, %parallel_loop3A_455 : vector<16xf32>
          %parallel_loop3A_457 = arith.addf %parallel_loop3A_447, %parallel_loop3A_456 : vector<16xf32>
          %parallel_loop3A_458 = arith.constant 16 : i32
          %parallel_loop3A_459 = arith.muli %parallel_loop3A_209, %parallel_loop3A_458 : i32
          %parallel_loop3A_460 = arith.constant 8 : i32
          %parallel_loop3A_461 = arith.addi %parallel_loop3A_459, %parallel_loop3A_460 : i32
          %parallel_loop3A_462 = arith.index_cast %parallel_loop3A_461 : i32 to index
          %parallel_loop3A_463 = arith.constant 0 : index
          %parallel_loop3A_464 = tpu.vector_load %arg10[%parallel_loop3A_462, %parallel_loop3A_463] {strides = array<i32>} : memref<128x128xi32, #tpu.memory_space<vmem>>, vector<1x16xi32>,
          %parallel_loop3A_465 = vector.shape_cast %parallel_loop3A_464 : vector<1x16xi32> to vector<16xi32>
          %parallel_loop3A_466 = arith.index_cast %parallel_loop3A_461 : i32 to index
          %parallel_loop3A_467 = arith.constant 0 : index
          %parallel_loop3A_468 = tpu.vector_load %arg12[%parallel_loop3A_466, %parallel_loop3A_467] {strides = array<i32>} : memref<128x128xi32, #tpu.memory_space<vmem>>, vector<1x16xi32>,
          %parallel_loop3A_469 = vector.shape_cast %parallel_loop3A_468 : vector<1x16xi32> to vector<16xi32>
          %parallel_loop3A_470 = arith.constant 16 : i32
          %parallel_loop3A_471 = vector.broadcast %parallel_loop3A_470 : i32 to vector<16xi32>
          %parallel_loop3A_472 = arith.shli %parallel_loop3A_465, %parallel_loop3A_471 : vector<16xi32>
          %parallel_loop3A_473 = tpu.bitcast %parallel_loop3A_472 : vector<16xi32> -> vector<16xf32>
          %parallel_loop3A_474 = arith.constant 16 : i32
          %parallel_loop3A_475 = vector.broadcast %parallel_loop3A_474 : i32 to vector<16xi32>
          %parallel_loop3A_476 = arith.shli %parallel_loop3A_469, %parallel_loop3A_475 : vector<16xi32>
          %parallel_loop3A_477 = tpu.bitcast %parallel_loop3A_476 : vector<16xi32> -> vector<16xf32>
          %parallel_loop3A_478 = arith.mulf %parallel_loop3A_473, %parallel_loop3A_477 : vector<16xf32>
          %parallel_loop3A_479 = arith.constant -65536 : i32
          %parallel_loop3A_480 = vector.broadcast %parallel_loop3A_479 : i32 to vector<16xi32>
          %parallel_loop3A_481 = arith.andi %parallel_loop3A_465, %parallel_loop3A_480 : vector<16xi32>
          %parallel_loop3A_482 = tpu.bitcast %parallel_loop3A_481 : vector<16xi32> -> vector<16xf32>
          %parallel_loop3A_483 = arith.constant -65536 : i32
          %parallel_loop3A_484 = vector.broadcast %parallel_loop3A_483 : i32 to vector<16xi32>
          %parallel_loop3A_485 = arith.andi %parallel_loop3A_469, %parallel_loop3A_484 : vector<16xi32>
          %parallel_loop3A_486 = tpu.bitcast %parallel_loop3A_485 : vector<16xi32> -> vector<16xf32>
          %parallel_loop3A_487 = arith.mulf %parallel_loop3A_482, %parallel_loop3A_486 : vector<16xf32>
          %parallel_loop3A_488 = arith.addf %parallel_loop3A_478, %parallel_loop3A_487 : vector<16xf32>
          %parallel_loop3A_489 = arith.constant 16 : i32
          %parallel_loop3A_490 = arith.muli %parallel_loop3A_209, %parallel_loop3A_489 : i32
          %parallel_loop3A_491 = arith.constant 9 : i32
          %parallel_loop3A_492 = arith.addi %parallel_loop3A_490, %parallel_loop3A_491 : i32
          %parallel_loop3A_493 = arith.index_cast %parallel_loop3A_492 : i32 to index
          %parallel_loop3A_494 = arith.constant 0 : index
          %parallel_loop3A_495 = tpu.vector_load %arg10[%parallel_loop3A_493, %parallel_loop3A_494] {strides = array<i32>} : memref<128x128xi32, #tpu.memory_space<vmem>>, vector<1x16xi32>,
          %parallel_loop3A_496 = vector.shape_cast %parallel_loop3A_495 : vector<1x16xi32> to vector<16xi32>
          %parallel_loop3A_497 = arith.index_cast %parallel_loop3A_492 : i32 to index
          %parallel_loop3A_498 = arith.constant 0 : index
          %parallel_loop3A_499 = tpu.vector_load %arg12[%parallel_loop3A_497, %parallel_loop3A_498] {strides = array<i32>} : memref<128x128xi32, #tpu.memory_space<vmem>>, vector<1x16xi32>,
          %parallel_loop3A_500 = vector.shape_cast %parallel_loop3A_499 : vector<1x16xi32> to vector<16xi32>
          %parallel_loop3A_501 = arith.constant 16 : i32
          %parallel_loop3A_502 = vector.broadcast %parallel_loop3A_501 : i32 to vector<16xi32>
          %parallel_loop3A_503 = arith.shli %parallel_loop3A_496, %parallel_loop3A_502 : vector<16xi32>
          %parallel_loop3A_504 = tpu.bitcast %parallel_loop3A_503 : vector<16xi32> -> vector<16xf32>
          %parallel_loop3A_505 = arith.constant 16 : i32
          %parallel_loop3A_506 = vector.broadcast %parallel_loop3A_505 : i32 to vector<16xi32>
          %parallel_loop3A_507 = arith.shli %parallel_loop3A_500, %parallel_loop3A_506 : vector<16xi32>
          %parallel_loop3A_508 = tpu.bitcast %parallel_loop3A_507 : vector<16xi32> -> vector<16xf32>
          %parallel_loop3A_509 = arith.mulf %parallel_loop3A_504, %parallel_loop3A_508 : vector<16xf32>
          %parallel_loop3A_510 = arith.constant -65536 : i32
          %parallel_loop3A_511 = vector.broadcast %parallel_loop3A_510 : i32 to vector<16xi32>
          %parallel_loop3A_512 = arith.andi %parallel_loop3A_496, %parallel_loop3A_511 : vector<16xi32>
          %parallel_loop3A_513 = tpu.bitcast %parallel_loop3A_512 : vector<16xi32> -> vector<16xf32>
          %parallel_loop3A_514 = arith.constant -65536 : i32
          %parallel_loop3A_515 = vector.broadcast %parallel_loop3A_514 : i32 to vector<16xi32>
          %parallel_loop3A_516 = arith.andi %parallel_loop3A_500, %parallel_loop3A_515 : vector<16xi32>
          %parallel_loop3A_517 = tpu.bitcast %parallel_loop3A_516 : vector<16xi32> -> vector<16xf32>
          %parallel_loop3A_518 = arith.mulf %parallel_loop3A_513, %parallel_loop3A_517 : vector<16xf32>
          %parallel_loop3A_519 = arith.addf %parallel_loop3A_509, %parallel_loop3A_518 : vector<16xf32>
          %parallel_loop3A_520 = arith.constant 16 : i32
          %parallel_loop3A_521 = arith.muli %parallel_loop3A_209, %parallel_loop3A_520 : i32
          %parallel_loop3A_522 = arith.constant 10 : i32
          %parallel_loop3A_523 = arith.addi %parallel_loop3A_521, %parallel_loop3A_522 : i32
          %parallel_loop3A_524 = arith.index_cast %parallel_loop3A_523 : i32 to index
          %parallel_loop3A_525 = arith.constant 0 : index
          %parallel_loop3A_526 = tpu.vector_load %arg10[%parallel_loop3A_524, %parallel_loop3A_525] {strides = array<i32>} : memref<128x128xi32, #tpu.memory_space<vmem>>, vector<1x16xi32>,
          %parallel_loop3A_527 = vector.shape_cast %parallel_loop3A_526 : vector<1x16xi32> to vector<16xi32>
          %parallel_loop3A_528 = arith.index_cast %parallel_loop3A_523 : i32 to index
          %parallel_loop3A_529 = arith.constant 0 : index
          %parallel_loop3A_530 = tpu.vector_load %arg12[%parallel_loop3A_528, %parallel_loop3A_529] {strides = array<i32>} : memref<128x128xi32, #tpu.memory_space<vmem>>, vector<1x16xi32>,
          %parallel_loop3A_531 = vector.shape_cast %parallel_loop3A_530 : vector<1x16xi32> to vector<16xi32>
          %parallel_loop3A_532 = arith.constant 16 : i32
          %parallel_loop3A_533 = vector.broadcast %parallel_loop3A_532 : i32 to vector<16xi32>
          %parallel_loop3A_534 = arith.shli %parallel_loop3A_527, %parallel_loop3A_533 : vector<16xi32>
          %parallel_loop3A_535 = tpu.bitcast %parallel_loop3A_534 : vector<16xi32> -> vector<16xf32>
          %parallel_loop3A_536 = arith.constant 16 : i32
          %parallel_loop3A_537 = vector.broadcast %parallel_loop3A_536 : i32 to vector<16xi32>
          %parallel_loop3A_538 = arith.shli %parallel_loop3A_531, %parallel_loop3A_537 : vector<16xi32>
          %parallel_loop3A_539 = tpu.bitcast %parallel_loop3A_538 : vector<16xi32> -> vector<16xf32>
          %parallel_loop3A_540 = arith.mulf %parallel_loop3A_535, %parallel_loop3A_539 : vector<16xf32>
          %parallel_loop3A_541 = arith.constant -65536 : i32
          %parallel_loop3A_542 = vector.broadcast %parallel_loop3A_541 : i32 to vector<16xi32>
          %parallel_loop3A_543 = arith.andi %parallel_loop3A_527, %parallel_loop3A_542 : vector<16xi32>
          %parallel_loop3A_544 = tpu.bitcast %parallel_loop3A_543 : vector<16xi32> -> vector<16xf32>
          %parallel_loop3A_545 = arith.constant -65536 : i32
          %parallel_loop3A_546 = vector.broadcast %parallel_loop3A_545 : i32 to vector<16xi32>
          %parallel_loop3A_547 = arith.andi %parallel_loop3A_531, %parallel_loop3A_546 : vector<16xi32>
          %parallel_loop3A_548 = tpu.bitcast %parallel_loop3A_547 : vector<16xi32> -> vector<16xf32>
          %parallel_loop3A_549 = arith.mulf %parallel_loop3A_544, %parallel_loop3A_548 : vector<16xf32>
          %parallel_loop3A_550 = arith.addf %parallel_loop3A_540, %parallel_loop3A_549 : vector<16xf32>
          %parallel_loop3A_551 = arith.constant 16 : i32
          %parallel_loop3A_552 = arith.muli %parallel_loop3A_209, %parallel_loop3A_551 : i32
          %parallel_loop3A_553 = arith.constant 11 : i32
          %parallel_loop3A_554 = arith.addi %parallel_loop3A_552, %parallel_loop3A_553 : i32
          %parallel_loop3A_555 = arith.index_cast %parallel_loop3A_554 : i32 to index
          %parallel_loop3A_556 = arith.constant 0 : index
          %parallel_loop3A_557 = tpu.vector_load %arg10[%parallel_loop3A_555, %parallel_loop3A_556] {strides = array<i32>} : memref<128x128xi32, #tpu.memory_space<vmem>>, vector<1x16xi32>,
          %parallel_loop3A_558 = vector.shape_cast %parallel_loop3A_557 : vector<1x16xi32> to vector<16xi32>
          %parallel_loop3A_559 = arith.index_cast %parallel_loop3A_554 : i32 to index
          %parallel_loop3A_560 = arith.constant 0 : index
          %parallel_loop3A_561 = tpu.vector_load %arg12[%parallel_loop3A_559, %parallel_loop3A_560] {strides = array<i32>} : memref<128x128xi32, #tpu.memory_space<vmem>>, vector<1x16xi32>,
          %parallel_loop3A_562 = vector.shape_cast %parallel_loop3A_561 : vector<1x16xi32> to vector<16xi32>
          %parallel_loop3A_563 = arith.constant 16 : i32
          %parallel_loop3A_564 = vector.broadcast %parallel_loop3A_563 : i32 to vector<16xi32>
          %parallel_loop3A_565 = arith.shli %parallel_loop3A_558, %parallel_loop3A_564 : vector<16xi32>
          %parallel_loop3A_566 = tpu.bitcast %parallel_loop3A_565 : vector<16xi32> -> vector<16xf32>
          %parallel_loop3A_567 = arith.constant 16 : i32
          %parallel_loop3A_568 = vector.broadcast %parallel_loop3A_567 : i32 to vector<16xi32>
          %parallel_loop3A_569 = arith.shli %parallel_loop3A_562, %parallel_loop3A_568 : vector<16xi32>
          %parallel_loop3A_570 = tpu.bitcast %parallel_loop3A_569 : vector<16xi32> -> vector<16xf32>
          %parallel_loop3A_571 = arith.mulf %parallel_loop3A_566, %parallel_loop3A_570 : vector<16xf32>
          %parallel_loop3A_572 = arith.constant -65536 : i32
          %parallel_loop3A_573 = vector.broadcast %parallel_loop3A_572 : i32 to vector<16xi32>
          %parallel_loop3A_574 = arith.andi %parallel_loop3A_558, %parallel_loop3A_573 : vector<16xi32>
          %parallel_loop3A_575 = tpu.bitcast %parallel_loop3A_574 : vector<16xi32> -> vector<16xf32>
          %parallel_loop3A_576 = arith.constant -65536 : i32
          %parallel_loop3A_577 = vector.broadcast %parallel_loop3A_576 : i32 to vector<16xi32>
          %parallel_loop3A_578 = arith.andi %parallel_loop3A_562, %parallel_loop3A_577 : vector<16xi32>
          %parallel_loop3A_579 = tpu.bitcast %parallel_loop3A_578 : vector<16xi32> -> vector<16xf32>
          %parallel_loop3A_580 = arith.mulf %parallel_loop3A_575, %parallel_loop3A_579 : vector<16xf32>
          %parallel_loop3A_581 = arith.addf %parallel_loop3A_571, %parallel_loop3A_580 : vector<16xf32>
          %parallel_loop3A_582 = arith.constant 16 : i32
          %parallel_loop3A_583 = arith.muli %parallel_loop3A_209, %parallel_loop3A_582 : i32
          %parallel_loop3A_584 = arith.constant 12 : i32
          %parallel_loop3A_585 = arith.addi %parallel_loop3A_583, %parallel_loop3A_584 : i32
          %parallel_loop3A_586 = arith.index_cast %parallel_loop3A_585 : i32 to index
          %parallel_loop3A_587 = arith.constant 0 : index
          %parallel_loop3A_588 = tpu.vector_load %arg10[%parallel_loop3A_586, %parallel_loop3A_587] {strides = array<i32>} : memref<128x128xi32, #tpu.memory_space<vmem>>, vector<1x16xi32>,
          %parallel_loop3A_589 = vector.shape_cast %parallel_loop3A_588 : vector<1x16xi32> to vector<16xi32>
          %parallel_loop3A_590 = arith.index_cast %parallel_loop3A_585 : i32 to index
          %parallel_loop3A_591 = arith.constant 0 : index
          %parallel_loop3A_592 = tpu.vector_load %arg12[%parallel_loop3A_590, %parallel_loop3A_591] {strides = array<i32>} : memref<128x128xi32, #tpu.memory_space<vmem>>, vector<1x16xi32>,
          %parallel_loop3A_593 = vector.shape_cast %parallel_loop3A_592 : vector<1x16xi32> to vector<16xi32>
          %parallel_loop3A_594 = arith.constant 16 : i32
          %parallel_loop3A_595 = vector.broadcast %parallel_loop3A_594 : i32 to vector<16xi32>
          %parallel_loop3A_596 = arith.shli %parallel_loop3A_589, %parallel_loop3A_595 : vector<16xi32>
          %parallel_loop3A_597 = tpu.bitcast %parallel_loop3A_596 : vector<16xi32> -> vector<16xf32>
          %parallel_loop3A_598 = arith.constant 16 : i32
          %parallel_loop3A_599 = vector.broadcast %parallel_loop3A_598 : i32 to vector<16xi32>
          %parallel_loop3A_600 = arith.shli %parallel_loop3A_593, %parallel_loop3A_599 : vector<16xi32>
          %parallel_loop3A_601 = tpu.bitcast %parallel_loop3A_600 : vector<16xi32> -> vector<16xf32>
          %parallel_loop3A_602 = arith.mulf %parallel_loop3A_597, %parallel_loop3A_601 : vector<16xf32>
          %parallel_loop3A_603 = arith.constant -65536 : i32
          %parallel_loop3A_604 = vector.broadcast %parallel_loop3A_603 : i32 to vector<16xi32>
          %parallel_loop3A_605 = arith.andi %parallel_loop3A_589, %parallel_loop3A_604 : vector<16xi32>
          %parallel_loop3A_606 = tpu.bitcast %parallel_loop3A_605 : vector<16xi32> -> vector<16xf32>
          %parallel_loop3A_607 = arith.constant -65536 : i32
          %parallel_loop3A_608 = vector.broadcast %parallel_loop3A_607 : i32 to vector<16xi32>
          %parallel_loop3A_609 = arith.andi %parallel_loop3A_593, %parallel_loop3A_608 : vector<16xi32>
          %parallel_loop3A_610 = tpu.bitcast %parallel_loop3A_609 : vector<16xi32> -> vector<16xf32>
          %parallel_loop3A_611 = arith.mulf %parallel_loop3A_606, %parallel_loop3A_610 : vector<16xf32>
          %parallel_loop3A_612 = arith.addf %parallel_loop3A_602, %parallel_loop3A_611 : vector<16xf32>
          %parallel_loop3A_613 = arith.constant 16 : i32
          %parallel_loop3A_614 = arith.muli %parallel_loop3A_209, %parallel_loop3A_613 : i32
          %parallel_loop3A_615 = arith.constant 13 : i32
          %parallel_loop3A_616 = arith.addi %parallel_loop3A_614, %parallel_loop3A_615 : i32
          %parallel_loop3A_617 = arith.index_cast %parallel_loop3A_616 : i32 to index
          %parallel_loop3A_618 = arith.constant 0 : index
          %parallel_loop3A_619 = tpu.vector_load %arg10[%parallel_loop3A_617, %parallel_loop3A_618] {strides = array<i32>} : memref<128x128xi32, #tpu.memory_space<vmem>>, vector<1x16xi32>,
          %parallel_loop3A_620 = vector.shape_cast %parallel_loop3A_619 : vector<1x16xi32> to vector<16xi32>
          %parallel_loop3A_621 = arith.index_cast %parallel_loop3A_616 : i32 to index
          %parallel_loop3A_622 = arith.constant 0 : index
          %parallel_loop3A_623 = tpu.vector_load %arg12[%parallel_loop3A_621, %parallel_loop3A_622] {strides = array<i32>} : memref<128x128xi32, #tpu.memory_space<vmem>>, vector<1x16xi32>,
          %parallel_loop3A_624 = vector.shape_cast %parallel_loop3A_623 : vector<1x16xi32> to vector<16xi32>
          %parallel_loop3A_625 = arith.constant 16 : i32
          %parallel_loop3A_626 = vector.broadcast %parallel_loop3A_625 : i32 to vector<16xi32>
          %parallel_loop3A_627 = arith.shli %parallel_loop3A_620, %parallel_loop3A_626 : vector<16xi32>
          %parallel_loop3A_628 = tpu.bitcast %parallel_loop3A_627 : vector<16xi32> -> vector<16xf32>
          %parallel_loop3A_629 = arith.constant 16 : i32
          %parallel_loop3A_630 = vector.broadcast %parallel_loop3A_629 : i32 to vector<16xi32>
          %parallel_loop3A_631 = arith.shli %parallel_loop3A_624, %parallel_loop3A_630 : vector<16xi32>
          %parallel_loop3A_632 = tpu.bitcast %parallel_loop3A_631 : vector<16xi32> -> vector<16xf32>
          %parallel_loop3A_633 = arith.mulf %parallel_loop3A_628, %parallel_loop3A_632 : vector<16xf32>
          %parallel_loop3A_634 = arith.constant -65536 : i32
          %parallel_loop3A_635 = vector.broadcast %parallel_loop3A_634 : i32 to vector<16xi32>
          %parallel_loop3A_636 = arith.andi %parallel_loop3A_620, %parallel_loop3A_635 : vector<16xi32>
          %parallel_loop3A_637 = tpu.bitcast %parallel_loop3A_636 : vector<16xi32> -> vector<16xf32>
          %parallel_loop3A_638 = arith.constant -65536 : i32
          %parallel_loop3A_639 = vector.broadcast %parallel_loop3A_638 : i32 to vector<16xi32>
          %parallel_loop3A_640 = arith.andi %parallel_loop3A_624, %parallel_loop3A_639 : vector<16xi32>
          %parallel_loop3A_641 = tpu.bitcast %parallel_loop3A_640 : vector<16xi32> -> vector<16xf32>
          %parallel_loop3A_642 = arith.mulf %parallel_loop3A_637, %parallel_loop3A_641 : vector<16xf32>
          %parallel_loop3A_643 = arith.addf %parallel_loop3A_633, %parallel_loop3A_642 : vector<16xf32>
          %parallel_loop3A_644 = arith.constant 16 : i32
          %parallel_loop3A_645 = arith.muli %parallel_loop3A_209, %parallel_loop3A_644 : i32
          %parallel_loop3A_646 = arith.constant 14 : i32
          %parallel_loop3A_647 = arith.addi %parallel_loop3A_645, %parallel_loop3A_646 : i32
          %parallel_loop3A_648 = arith.index_cast %parallel_loop3A_647 : i32 to index
          %parallel_loop3A_649 = arith.constant 0 : index
          %parallel_loop3A_650 = tpu.vector_load %arg10[%parallel_loop3A_648, %parallel_loop3A_649] {strides = array<i32>} : memref<128x128xi32, #tpu.memory_space<vmem>>, vector<1x16xi32>,
          %parallel_loop3A_651 = vector.shape_cast %parallel_loop3A_650 : vector<1x16xi32> to vector<16xi32>
          %parallel_loop3A_652 = arith.index_cast %parallel_loop3A_647 : i32 to index
          %parallel_loop3A_653 = arith.constant 0 : index
          %parallel_loop3A_654 = tpu.vector_load %arg12[%parallel_loop3A_652, %parallel_loop3A_653] {strides = array<i32>} : memref<128x128xi32, #tpu.memory_space<vmem>>, vector<1x16xi32>,
          %parallel_loop3A_655 = vector.shape_cast %parallel_loop3A_654 : vector<1x16xi32> to vector<16xi32>
          %parallel_loop3A_656 = arith.constant 16 : i32
          %parallel_loop3A_657 = vector.broadcast %parallel_loop3A_656 : i32 to vector<16xi32>
          %parallel_loop3A_658 = arith.shli %parallel_loop3A_651, %parallel_loop3A_657 : vector<16xi32>
          %parallel_loop3A_659 = tpu.bitcast %parallel_loop3A_658 : vector<16xi32> -> vector<16xf32>
          %parallel_loop3A_660 = arith.constant 16 : i32
          %parallel_loop3A_661 = vector.broadcast %parallel_loop3A_660 : i32 to vector<16xi32>
          %parallel_loop3A_662 = arith.shli %parallel_loop3A_655, %parallel_loop3A_661 : vector<16xi32>
          %parallel_loop3A_663 = tpu.bitcast %parallel_loop3A_662 : vector<16xi32> -> vector<16xf32>
          %parallel_loop3A_664 = arith.mulf %parallel_loop3A_659, %parallel_loop3A_663 : vector<16xf32>
          %parallel_loop3A_665 = arith.constant -65536 : i32
          %parallel_loop3A_666 = vector.broadcast %parallel_loop3A_665 : i32 to vector<16xi32>
          %parallel_loop3A_667 = arith.andi %parallel_loop3A_651, %parallel_loop3A_666 : vector<16xi32>
          %parallel_loop3A_668 = tpu.bitcast %parallel_loop3A_667 : vector<16xi32> -> vector<16xf32>
          %parallel_loop3A_669 = arith.constant -65536 : i32
          %parallel_loop3A_670 = vector.broadcast %parallel_loop3A_669 : i32 to vector<16xi32>
          %parallel_loop3A_671 = arith.andi %parallel_loop3A_655, %parallel_loop3A_670 : vector<16xi32>
          %parallel_loop3A_672 = tpu.bitcast %parallel_loop3A_671 : vector<16xi32> -> vector<16xf32>
          %parallel_loop3A_673 = arith.mulf %parallel_loop3A_668, %parallel_loop3A_672 : vector<16xf32>
          %parallel_loop3A_674 = arith.addf %parallel_loop3A_664, %parallel_loop3A_673 : vector<16xf32>
          %parallel_loop3A_675 = arith.constant 16 : i32
          %parallel_loop3A_676 = arith.muli %parallel_loop3A_209, %parallel_loop3A_675 : i32
          %parallel_loop3A_677 = arith.constant 15 : i32
          %parallel_loop3A_678 = arith.addi %parallel_loop3A_676, %parallel_loop3A_677 : i32
          %parallel_loop3A_679 = arith.index_cast %parallel_loop3A_678 : i32 to index
          %parallel_loop3A_680 = arith.constant 0 : index
          %parallel_loop3A_681 = tpu.vector_load %arg10[%parallel_loop3A_679, %parallel_loop3A_680] {strides = array<i32>} : memref<128x128xi32, #tpu.memory_space<vmem>>, vector<1x16xi32>,
          %parallel_loop3A_682 = vector.shape_cast %parallel_loop3A_681 : vector<1x16xi32> to vector<16xi32>
          %parallel_loop3A_683 = arith.index_cast %parallel_loop3A_678 : i32 to index
          %parallel_loop3A_684 = arith.constant 0 : index
          %parallel_loop3A_685 = tpu.vector_load %arg12[%parallel_loop3A_683, %parallel_loop3A_684] {strides = array<i32>} : memref<128x128xi32, #tpu.memory_space<vmem>>, vector<1x16xi32>,
          %parallel_loop3A_686 = vector.shape_cast %parallel_loop3A_685 : vector<1x16xi32> to vector<16xi32>
          %parallel_loop3A_687 = arith.constant 16 : i32
          %parallel_loop3A_688 = vector.broadcast %parallel_loop3A_687 : i32 to vector<16xi32>
          %parallel_loop3A_689 = arith.shli %parallel_loop3A_682, %parallel_loop3A_688 : vector<16xi32>
          %parallel_loop3A_690 = tpu.bitcast %parallel_loop3A_689 : vector<16xi32> -> vector<16xf32>
          %parallel_loop3A_691 = arith.constant 16 : i32
          %parallel_loop3A_692 = vector.broadcast %parallel_loop3A_691 : i32 to vector<16xi32>
          %parallel_loop3A_693 = arith.shli %parallel_loop3A_686, %parallel_loop3A_692 : vector<16xi32>
          %parallel_loop3A_694 = tpu.bitcast %parallel_loop3A_693 : vector<16xi32> -> vector<16xf32>
          %parallel_loop3A_695 = arith.mulf %parallel_loop3A_690, %parallel_loop3A_694 : vector<16xf32>
          %parallel_loop3A_696 = arith.constant -65536 : i32
          %parallel_loop3A_697 = vector.broadcast %parallel_loop3A_696 : i32 to vector<16xi32>
          %parallel_loop3A_698 = arith.andi %parallel_loop3A_682, %parallel_loop3A_697 : vector<16xi32>
          %parallel_loop3A_699 = tpu.bitcast %parallel_loop3A_698 : vector<16xi32> -> vector<16xf32>
          %parallel_loop3A_700 = arith.constant -65536 : i32
          %parallel_loop3A_701 = vector.broadcast %parallel_loop3A_700 : i32 to vector<16xi32>
          %parallel_loop3A_702 = arith.andi %parallel_loop3A_686, %parallel_loop3A_701 : vector<16xi32>
          %parallel_loop3A_703 = tpu.bitcast %parallel_loop3A_702 : vector<16xi32> -> vector<16xf32>
          %parallel_loop3A_704 = arith.mulf %parallel_loop3A_699, %parallel_loop3A_703 : vector<16xf32>
          %parallel_loop3A_705 = arith.addf %parallel_loop3A_695, %parallel_loop3A_704 : vector<16xf32>
          %parallel_loop3A_706 = arith.constant 0 : i32
          %parallel_loop3A_707 = arith.constant 7 : i32
          %parallel_loop3A_708 = arith.addi %parallel_loop3A_706, %parallel_loop3A_707 : i32
          %parallel_loop3A_709 = arith.constant 1 : i32
          %parallel_loop3A_710:16 = scf.for %scan3A_1363 = %parallel_loop3A_706 to %parallel_loop3A_708 step %parallel_loop3A_709 iter_args(%scan3A_1364 = %parallel_loop3A_240, %scan3A_1365 = %parallel_loop3A_271, %scan3A_1366 = %parallel_loop3A_302, %scan3A_1367 = %parallel_loop3A_333, %scan3A_1368 = %parallel_loop3A_364, %scan3A_1369 = %parallel_loop3A_395, %scan3A_1370 = %parallel_loop3A_426, %scan3A_1371 = %parallel_loop3A_457, %scan3A_1372 = %parallel_loop3A_488, %scan3A_1373 = %parallel_loop3A_519, %scan3A_1374 = %parallel_loop3A_550, %scan3A_1375 = %parallel_loop3A_581, %scan3A_1376 = %parallel_loop3A_612, %scan3A_1377 = %parallel_loop3A_643, %scan3A_1378 = %parallel_loop3A_674, %scan3A_1379 = %parallel_loop3A_705) -> (vector<16xf32>, vector<16xf32>, vector<16xf32>, vector<16xf32>, vector<16xf32>, vector<16xf32>, vector<16xf32>, vector<16xf32>, vector<16xf32>, vector<16xf32>, vector<16xf32>, vector<16xf32>, vector<16xf32>, vector<16xf32>, vector<16xf32>, vector<16xf32>)  : i32 {
            %parallel_loop3A_1380 = arith.constant 1 : i32
            %parallel_loop3A_1381 = arith.muli %scan3A_1363, %parallel_loop3A_1380 : i32
            %parallel_loop3A_1382 = arith.constant 1 : i32
            %parallel_loop3A_1383 = arith.addi %parallel_loop3A_1382, %parallel_loop3A_1381 : i32
            %parallel_loop3A_1384 = arith.constant 16 : i32
            %parallel_loop3A_1385 = arith.muli %parallel_loop3A_1383, %parallel_loop3A_1384 : i32
            %parallel_loop3A_1386 = tpu.assume_multiple %parallel_loop3A_1385, 16 : i32
            %parallel_loop3A_1387 = arith.constant 16 : i32
            %parallel_loop3A_1388 = arith.muli %parallel_loop3A_209, %parallel_loop3A_1387 : i32
            %parallel_loop3A_1389 = arith.constant 0 : i32
            %parallel_loop3A_1390 = arith.addi %parallel_loop3A_1388, %parallel_loop3A_1389 : i32
            %parallel_loop3A_1391 = arith.index_cast %parallel_loop3A_1390 : i32 to index
            %parallel_loop3A_1392 = arith.index_cast %parallel_loop3A_1386 : i32 to index
            %parallel_loop3A_1393 = tpu.vector_load %arg10[%parallel_loop3A_1391, %parallel_loop3A_1392] {strides = array<i32>} : memref<128x128xi32, #tpu.memory_space<vmem>>, vector<1x16xi32>,
            %parallel_loop3A_1394 = vector.shape_cast %parallel_loop3A_1393 : vector<1x16xi32> to vector<16xi32>
            %parallel_loop3A_1395 = arith.index_cast %parallel_loop3A_1390 : i32 to index
            %parallel_loop3A_1396 = arith.index_cast %parallel_loop3A_1386 : i32 to index
            %parallel_loop3A_1397 = tpu.vector_load %arg12[%parallel_loop3A_1395, %parallel_loop3A_1396] {strides = array<i32>} : memref<128x128xi32, #tpu.memory_space<vmem>>, vector<1x16xi32>,
            %parallel_loop3A_1398 = vector.shape_cast %parallel_loop3A_1397 : vector<1x16xi32> to vector<16xi32>
            %parallel_loop3A_1399 = arith.constant 16 : i32
            %parallel_loop3A_1400 = vector.broadcast %parallel_loop3A_1399 : i32 to vector<16xi32>
            %parallel_loop3A_1401 = arith.shli %parallel_loop3A_1394, %parallel_loop3A_1400 : vector<16xi32>
            %parallel_loop3A_1402 = tpu.bitcast %parallel_loop3A_1401 : vector<16xi32> -> vector<16xf32>
            %parallel_loop3A_1403 = arith.constant 16 : i32
            %parallel_loop3A_1404 = vector.broadcast %parallel_loop3A_1403 : i32 to vector<16xi32>
            %parallel_loop3A_1405 = arith.shli %parallel_loop3A_1398, %parallel_loop3A_1404 : vector<16xi32>
            %parallel_loop3A_1406 = tpu.bitcast %parallel_loop3A_1405 : vector<16xi32> -> vector<16xf32>
            %parallel_loop3A_1407 = arith.mulf %parallel_loop3A_1402, %parallel_loop3A_1406 : vector<16xf32>
            %parallel_loop3A_1408 = arith.constant -65536 : i32
            %parallel_loop3A_1409 = vector.broadcast %parallel_loop3A_1408 : i32 to vector<16xi32>
            %parallel_loop3A_1410 = arith.andi %parallel_loop3A_1394, %parallel_loop3A_1409 : vector<16xi32>
            %parallel_loop3A_1411 = tpu.bitcast %parallel_loop3A_1410 : vector<16xi32> -> vector<16xf32>
            %parallel_loop3A_1412 = arith.constant -65536 : i32
            %parallel_loop3A_1413 = vector.broadcast %parallel_loop3A_1412 : i32 to vector<16xi32>
            %parallel_loop3A_1414 = arith.andi %parallel_loop3A_1398, %parallel_loop3A_1413 : vector<16xi32>
            %parallel_loop3A_1415 = tpu.bitcast %parallel_loop3A_1414 : vector<16xi32> -> vector<16xf32>
            %parallel_loop3A_1416 = arith.mulf %parallel_loop3A_1411, %parallel_loop3A_1415 : vector<16xf32>
            %parallel_loop3A_1417 = arith.addf %parallel_loop3A_1407, %parallel_loop3A_1416 : vector<16xf32>
            %parallel_loop3A_1418 = arith.addf %scan3A_1364, %parallel_loop3A_1417 : vector<16xf32>
            %parallel_loop3A_1419 = arith.constant 16 : i32
            %parallel_loop3A_1420 = arith.muli %parallel_loop3A_209, %parallel_loop3A_1419 : i32
            %parallel_loop3A_1421 = arith.constant 1 : i32
            %parallel_loop3A_1422 = arith.addi %parallel_loop3A_1420, %parallel_loop3A_1421 : i32
            %parallel_loop3A_1423 = arith.index_cast %parallel_loop3A_1422 : i32 to index
            %parallel_loop3A_1424 = arith.index_cast %parallel_loop3A_1386 : i32 to index
            %parallel_loop3A_1425 = tpu.vector_load %arg10[%parallel_loop3A_1423, %parallel_loop3A_1424] {strides = array<i32>} : memref<128x128xi32, #tpu.memory_space<vmem>>, vector<1x16xi32>,
            %parallel_loop3A_1426 = vector.shape_cast %parallel_loop3A_1425 : vector<1x16xi32> to vector<16xi32>
            %parallel_loop3A_1427 = arith.index_cast %parallel_loop3A_1422 : i32 to index
            %parallel_loop3A_1428 = arith.index_cast %parallel_loop3A_1386 : i32 to index
            %parallel_loop3A_1429 = tpu.vector_load %arg12[%parallel_loop3A_1427, %parallel_loop3A_1428] {strides = array<i32>} : memref<128x128xi32, #tpu.memory_space<vmem>>, vector<1x16xi32>,
            %parallel_loop3A_1430 = vector.shape_cast %parallel_loop3A_1429 : vector<1x16xi32> to vector<16xi32>
            %parallel_loop3A_1431 = arith.constant 16 : i32
            %parallel_loop3A_1432 = vector.broadcast %parallel_loop3A_1431 : i32 to vector<16xi32>
            %parallel_loop3A_1433 = arith.shli %parallel_loop3A_1426, %parallel_loop3A_1432 : vector<16xi32>
            %parallel_loop3A_1434 = tpu.bitcast %parallel_loop3A_1433 : vector<16xi32> -> vector<16xf32>
            %parallel_loop3A_1435 = arith.constant 16 : i32
            %parallel_loop3A_1436 = vector.broadcast %parallel_loop3A_1435 : i32 to vector<16xi32>
            %parallel_loop3A_1437 = arith.shli %parallel_loop3A_1430, %parallel_loop3A_1436 : vector<16xi32>
            %parallel_loop3A_1438 = tpu.bitcast %parallel_loop3A_1437 : vector<16xi32> -> vector<16xf32>
            %parallel_loop3A_1439 = arith.mulf %parallel_loop3A_1434, %parallel_loop3A_1438 : vector<16xf32>
            %parallel_loop3A_1440 = arith.constant -65536 : i32
            %parallel_loop3A_1441 = vector.broadcast %parallel_loop3A_1440 : i32 to vector<16xi32>
            %parallel_loop3A_1442 = arith.andi %parallel_loop3A_1426, %parallel_loop3A_1441 : vector<16xi32>
            %parallel_loop3A_1443 = tpu.bitcast %parallel_loop3A_1442 : vector<16xi32> -> vector<16xf32>
            %parallel_loop3A_1444 = arith.constant -65536 : i32
            %parallel_loop3A_1445 = vector.broadcast %parallel_loop3A_1444 : i32 to vector<16xi32>
            %parallel_loop3A_1446 = arith.andi %parallel_loop3A_1430, %parallel_loop3A_1445 : vector<16xi32>
            %parallel_loop3A_1447 = tpu.bitcast %parallel_loop3A_1446 : vector<16xi32> -> vector<16xf32>
            %parallel_loop3A_1448 = arith.mulf %parallel_loop3A_1443, %parallel_loop3A_1447 : vector<16xf32>
            %parallel_loop3A_1449 = arith.addf %parallel_loop3A_1439, %parallel_loop3A_1448 : vector<16xf32>
            %parallel_loop3A_1450 = arith.addf %scan3A_1365, %parallel_loop3A_1449 : vector<16xf32>
            %parallel_loop3A_1451 = arith.constant 16 : i32
            %parallel_loop3A_1452 = arith.muli %parallel_loop3A_209, %parallel_loop3A_1451 : i32
            %parallel_loop3A_1453 = arith.constant 2 : i32
            %parallel_loop3A_1454 = arith.addi %parallel_loop3A_1452, %parallel_loop3A_1453 : i32
            %parallel_loop3A_1455 = arith.index_cast %parallel_loop3A_1454 : i32 to index
            %parallel_loop3A_1456 = arith.index_cast %parallel_loop3A_1386 : i32 to index
            %parallel_loop3A_1457 = tpu.vector_load %arg10[%parallel_loop3A_1455, %parallel_loop3A_1456] {strides = array<i32>} : memref<128x128xi32, #tpu.memory_space<vmem>>, vector<1x16xi32>,
            %parallel_loop3A_1458 = vector.shape_cast %parallel_loop3A_1457 : vector<1x16xi32> to vector<16xi32>
            %parallel_loop3A_1459 = arith.index_cast %parallel_loop3A_1454 : i32 to index
            %parallel_loop3A_1460 = arith.index_cast %parallel_loop3A_1386 : i32 to index
            %parallel_loop3A_1461 = tpu.vector_load %arg12[%parallel_loop3A_1459, %parallel_loop3A_1460] {strides = array<i32>} : memref<128x128xi32, #tpu.memory_space<vmem>>, vector<1x16xi32>,
            %parallel_loop3A_1462 = vector.shape_cast %parallel_loop3A_1461 : vector<1x16xi32> to vector<16xi32>
            %parallel_loop3A_1463 = arith.constant 16 : i32
            %parallel_loop3A_1464 = vector.broadcast %parallel_loop3A_1463 : i32 to vector<16xi32>
            %parallel_loop3A_1465 = arith.shli %parallel_loop3A_1458, %parallel_loop3A_1464 : vector<16xi32>
            %parallel_loop3A_1466 = tpu.bitcast %parallel_loop3A_1465 : vector<16xi32> -> vector<16xf32>
            %parallel_loop3A_1467 = arith.constant 16 : i32
            %parallel_loop3A_1468 = vector.broadcast %parallel_loop3A_1467 : i32 to vector<16xi32>
            %parallel_loop3A_1469 = arith.shli %parallel_loop3A_1462, %parallel_loop3A_1468 : vector<16xi32>
            %parallel_loop3A_1470 = tpu.bitcast %parallel_loop3A_1469 : vector<16xi32> -> vector<16xf32>
            %parallel_loop3A_1471 = arith.mulf %parallel_loop3A_1466, %parallel_loop3A_1470 : vector<16xf32>
            %parallel_loop3A_1472 = arith.constant -65536 : i32
            %parallel_loop3A_1473 = vector.broadcast %parallel_loop3A_1472 : i32 to vector<16xi32>
            %parallel_loop3A_1474 = arith.andi %parallel_loop3A_1458, %parallel_loop3A_1473 : vector<16xi32>
            %parallel_loop3A_1475 = tpu.bitcast %parallel_loop3A_1474 : vector<16xi32> -> vector<16xf32>
            %parallel_loop3A_1476 = arith.constant -65536 : i32
            %parallel_loop3A_1477 = vector.broadcast %parallel_loop3A_1476 : i32 to vector<16xi32>
            %parallel_loop3A_1478 = arith.andi %parallel_loop3A_1462, %parallel_loop3A_1477 : vector<16xi32>
            %parallel_loop3A_1479 = tpu.bitcast %parallel_loop3A_1478 : vector<16xi32> -> vector<16xf32>
            %parallel_loop3A_1480 = arith.mulf %parallel_loop3A_1475, %parallel_loop3A_1479 : vector<16xf32>
            %parallel_loop3A_1481 = arith.addf %parallel_loop3A_1471, %parallel_loop3A_1480 : vector<16xf32>
            %parallel_loop3A_1482 = arith.addf %scan3A_1366, %parallel_loop3A_1481 : vector<16xf32>
            %parallel_loop3A_1483 = arith.constant 16 : i32
            %parallel_loop3A_1484 = arith.muli %parallel_loop3A_209, %parallel_loop3A_1483 : i32
            %parallel_loop3A_1485 = arith.constant 3 : i32
            %parallel_loop3A_1486 = arith.addi %parallel_loop3A_1484, %parallel_loop3A_1485 : i32
            %parallel_loop3A_1487 = arith.index_cast %parallel_loop3A_1486 : i32 to index
            %parallel_loop3A_1488 = arith.index_cast %parallel_loop3A_1386 : i32 to index
            %parallel_loop3A_1489 = tpu.vector_load %arg10[%parallel_loop3A_1487, %parallel_loop3A_1488] {strides = array<i32>} : memref<128x128xi32, #tpu.memory_space<vmem>>, vector<1x16xi32>,
            %parallel_loop3A_1490 = vector.shape_cast %parallel_loop3A_1489 : vector<1x16xi32> to vector<16xi32>
            %parallel_loop3A_1491 = arith.index_cast %parallel_loop3A_1486 : i32 to index
            %parallel_loop3A_1492 = arith.index_cast %parallel_loop3A_1386 : i32 to index
            %parallel_loop3A_1493 = tpu.vector_load %arg12[%parallel_loop3A_1491, %parallel_loop3A_1492] {strides = array<i32>} : memref<128x128xi32, #tpu.memory_space<vmem>>, vector<1x16xi32>,
            %parallel_loop3A_1494 = vector.shape_cast %parallel_loop3A_1493 : vector<1x16xi32> to vector<16xi32>
            %parallel_loop3A_1495 = arith.constant 16 : i32
            %parallel_loop3A_1496 = vector.broadcast %parallel_loop3A_1495 : i32 to vector<16xi32>
            %parallel_loop3A_1497 = arith.shli %parallel_loop3A_1490, %parallel_loop3A_1496 : vector<16xi32>
            %parallel_loop3A_1498 = tpu.bitcast %parallel_loop3A_1497 : vector<16xi32> -> vector<16xf32>
            %parallel_loop3A_1499 = arith.constant 16 : i32
            %parallel_loop3A_1500 = vector.broadcast %parallel_loop3A_1499 : i32 to vector<16xi32>
            %parallel_loop3A_1501 = arith.shli %parallel_loop3A_1494, %parallel_loop3A_1500 : vector<16xi32>
            %parallel_loop3A_1502 = tpu.bitcast %parallel_loop3A_1501 : vector<16xi32> -> vector<16xf32>
            %parallel_loop3A_1503 = arith.mulf %parallel_loop3A_1498, %parallel_loop3A_1502 : vector<16xf32>
            %parallel_loop3A_1504 = arith.constant -65536 : i32
            %parallel_loop3A_1505 = vector.broadcast %parallel_loop3A_1504 : i32 to vector<16xi32>
            %parallel_loop3A_1506 = arith.andi %parallel_loop3A_1490, %parallel_loop3A_1505 : vector<16xi32>
            %parallel_loop3A_1507 = tpu.bitcast %parallel_loop3A_1506 : vector<16xi32> -> vector<16xf32>
            %parallel_loop3A_1508 = arith.constant -65536 : i32
            %parallel_loop3A_1509 = vector.broadcast %parallel_loop3A_1508 : i32 to vector<16xi32>
            %parallel_loop3A_1510 = arith.andi %parallel_loop3A_1494, %parallel_loop3A_1509 : vector<16xi32>
            %parallel_loop3A_1511 = tpu.bitcast %parallel_loop3A_1510 : vector<16xi32> -> vector<16xf32>
            %parallel_loop3A_1512 = arith.mulf %parallel_loop3A_1507, %parallel_loop3A_1511 : vector<16xf32>
            %parallel_loop3A_1513 = arith.addf %parallel_loop3A_1503, %parallel_loop3A_1512 : vector<16xf32>
            %parallel_loop3A_1514 = arith.addf %scan3A_1367, %parallel_loop3A_1513 : vector<16xf32>
            %parallel_loop3A_1515 = arith.constant 16 : i32
            %parallel_loop3A_1516 = arith.muli %parallel_loop3A_209, %parallel_loop3A_1515 : i32
            %parallel_loop3A_1517 = arith.constant 4 : i32
            %parallel_loop3A_1518 = arith.addi %parallel_loop3A_1516, %parallel_loop3A_1517 : i32
            %parallel_loop3A_1519 = arith.index_cast %parallel_loop3A_1518 : i32 to index
            %parallel_loop3A_1520 = arith.index_cast %parallel_loop3A_1386 : i32 to index
            %parallel_loop3A_1521 = tpu.vector_load %arg10[%parallel_loop3A_1519, %parallel_loop3A_1520] {strides = array<i32>} : memref<128x128xi32, #tpu.memory_space<vmem>>, vector<1x16xi32>,
            %parallel_loop3A_1522 = vector.shape_cast %parallel_loop3A_1521 : vector<1x16xi32> to vector<16xi32>
            %parallel_loop3A_1523 = arith.index_cast %parallel_loop3A_1518 : i32 to index
            %parallel_loop3A_1524 = arith.index_cast %parallel_loop3A_1386 : i32 to index
            %parallel_loop3A_1525 = tpu.vector_load %arg12[%parallel_loop3A_1523, %parallel_loop3A_1524] {strides = array<i32>} : memref<128x128xi32, #tpu.memory_space<vmem>>, vector<1x16xi32>,
            %parallel_loop3A_1526 = vector.shape_cast %parallel_loop3A_1525 : vector<1x16xi32> to vector<16xi32>
            %parallel_loop3A_1527 = arith.constant 16 : i32
            %parallel_loop3A_1528 = vector.broadcast %parallel_loop3A_1527 : i32 to vector<16xi32>
            %parallel_loop3A_1529 = arith.shli %parallel_loop3A_1522, %parallel_loop3A_1528 : vector<16xi32>
            %parallel_loop3A_1530 = tpu.bitcast %parallel_loop3A_1529 : vector<16xi32> -> vector<16xf32>
            %parallel_loop3A_1531 = arith.constant 16 : i32
            %parallel_loop3A_1532 = vector.broadcast %parallel_loop3A_1531 : i32 to vector<16xi32>
            %parallel_loop3A_1533 = arith.shli %parallel_loop3A_1526, %parallel_loop3A_1532 : vector<16xi32>
            %parallel_loop3A_1534 = tpu.bitcast %parallel_loop3A_1533 : vector<16xi32> -> vector<16xf32>
            %parallel_loop3A_1535 = arith.mulf %parallel_loop3A_1530, %parallel_loop3A_1534 : vector<16xf32>
            %parallel_loop3A_1536 = arith.constant -65536 : i32
            %parallel_loop3A_1537 = vector.broadcast %parallel_loop3A_1536 : i32 to vector<16xi32>
            %parallel_loop3A_1538 = arith.andi %parallel_loop3A_1522, %parallel_loop3A_1537 : vector<16xi32>
            %parallel_loop3A_1539 = tpu.bitcast %parallel_loop3A_1538 : vector<16xi32> -> vector<16xf32>
            %parallel_loop3A_1540 = arith.constant -65536 : i32
            %parallel_loop3A_1541 = vector.broadcast %parallel_loop3A_1540 : i32 to vector<16xi32>
            %parallel_loop3A_1542 = arith.andi %parallel_loop3A_1526, %parallel_loop3A_1541 : vector<16xi32>
            %parallel_loop3A_1543 = tpu.bitcast %parallel_loop3A_1542 : vector<16xi32> -> vector<16xf32>
            %parallel_loop3A_1544 = arith.mulf %parallel_loop3A_1539, %parallel_loop3A_1543 : vector<16xf32>
            %parallel_loop3A_1545 = arith.addf %parallel_loop3A_1535, %parallel_loop3A_1544 : vector<16xf32>
            %parallel_loop3A_1546 = arith.addf %scan3A_1368, %parallel_loop3A_1545 : vector<16xf32>
            %parallel_loop3A_1547 = arith.constant 16 : i32
            %parallel_loop3A_1548 = arith.muli %parallel_loop3A_209, %parallel_loop3A_1547 : i32
            %parallel_loop3A_1549 = arith.constant 5 : i32
            %parallel_loop3A_1550 = arith.addi %parallel_loop3A_1548, %parallel_loop3A_1549 : i32
            %parallel_loop3A_1551 = arith.index_cast %parallel_loop3A_1550 : i32 to index
            %parallel_loop3A_1552 = arith.index_cast %parallel_loop3A_1386 : i32 to index
            %parallel_loop3A_1553 = tpu.vector_load %arg10[%parallel_loop3A_1551, %parallel_loop3A_1552] {strides = array<i32>} : memref<128x128xi32, #tpu.memory_space<vmem>>, vector<1x16xi32>,
            %parallel_loop3A_1554 = vector.shape_cast %parallel_loop3A_1553 : vector<1x16xi32> to vector<16xi32>
            %parallel_loop3A_1555 = arith.index_cast %parallel_loop3A_1550 : i32 to index
            %parallel_loop3A_1556 = arith.index_cast %parallel_loop3A_1386 : i32 to index
            %parallel_loop3A_1557 = tpu.vector_load %arg12[%parallel_loop3A_1555, %parallel_loop3A_1556] {strides = array<i32>} : memref<128x128xi32, #tpu.memory_space<vmem>>, vector<1x16xi32>,
            %parallel_loop3A_1558 = vector.shape_cast %parallel_loop3A_1557 : vector<1x16xi32> to vector<16xi32>
            %parallel_loop3A_1559 = arith.constant 16 : i32
            %parallel_loop3A_1560 = vector.broadcast %parallel_loop3A_1559 : i32 to vector<16xi32>
            %parallel_loop3A_1561 = arith.shli %parallel_loop3A_1554, %parallel_loop3A_1560 : vector<16xi32>
            %parallel_loop3A_1562 = tpu.bitcast %parallel_loop3A_1561 : vector<16xi32> -> vector<16xf32>
            %parallel_loop3A_1563 = arith.constant 16 : i32
            %parallel_loop3A_1564 = vector.broadcast %parallel_loop3A_1563 : i32 to vector<16xi32>
            %parallel_loop3A_1565 = arith.shli %parallel_loop3A_1558, %parallel_loop3A_1564 : vector<16xi32>
            %parallel_loop3A_1566 = tpu.bitcast %parallel_loop3A_1565 : vector<16xi32> -> vector<16xf32>
            %parallel_loop3A_1567 = arith.mulf %parallel_loop3A_1562, %parallel_loop3A_1566 : vector<16xf32>
            %parallel_loop3A_1568 = arith.constant -65536 : i32
            %parallel_loop3A_1569 = vector.broadcast %parallel_loop3A_1568 : i32 to vector<16xi32>
            %parallel_loop3A_1570 = arith.andi %parallel_loop3A_1554, %parallel_loop3A_1569 : vector<16xi32>
            %parallel_loop3A_1571 = tpu.bitcast %parallel_loop3A_1570 : vector<16xi32> -> vector<16xf32>
            %parallel_loop3A_1572 = arith.constant -65536 : i32
            %parallel_loop3A_1573 = vector.broadcast %parallel_loop3A_1572 : i32 to vector<16xi32>
            %parallel_loop3A_1574 = arith.andi %parallel_loop3A_1558, %parallel_loop3A_1573 : vector<16xi32>
            %parallel_loop3A_1575 = tpu.bitcast %parallel_loop3A_1574 : vector<16xi32> -> vector<16xf32>
            %parallel_loop3A_1576 = arith.mulf %parallel_loop3A_1571, %parallel_loop3A_1575 : vector<16xf32>
            %parallel_loop3A_1577 = arith.addf %parallel_loop3A_1567, %parallel_loop3A_1576 : vector<16xf32>
            %parallel_loop3A_1578 = arith.addf %scan3A_1369, %parallel_loop3A_1577 : vector<16xf32>
            %parallel_loop3A_1579 = arith.constant 16 : i32
            %parallel_loop3A_1580 = arith.muli %parallel_loop3A_209, %parallel_loop3A_1579 : i32
            %parallel_loop3A_1581 = arith.constant 6 : i32
            %parallel_loop3A_1582 = arith.addi %parallel_loop3A_1580, %parallel_loop3A_1581 : i32
            %parallel_loop3A_1583 = arith.index_cast %parallel_loop3A_1582 : i32 to index
            %parallel_loop3A_1584 = arith.index_cast %parallel_loop3A_1386 : i32 to index
            %parallel_loop3A_1585 = tpu.vector_load %arg10[%parallel_loop3A_1583, %parallel_loop3A_1584] {strides = array<i32>} : memref<128x128xi32, #tpu.memory_space<vmem>>, vector<1x16xi32>,
            %parallel_loop3A_1586 = vector.shape_cast %parallel_loop3A_1585 : vector<1x16xi32> to vector<16xi32>
            %parallel_loop3A_1587 = arith.index_cast %parallel_loop3A_1582 : i32 to index
            %parallel_loop3A_1588 = arith.index_cast %parallel_loop3A_1386 : i32 to index
            %parallel_loop3A_1589 = tpu.vector_load %arg12[%parallel_loop3A_1587, %parallel_loop3A_1588] {strides = array<i32>} : memref<128x128xi32, #tpu.memory_space<vmem>>, vector<1x16xi32>,
            %parallel_loop3A_1590 = vector.shape_cast %parallel_loop3A_1589 : vector<1x16xi32> to vector<16xi32>
            %parallel_loop3A_1591 = arith.constant 16 : i32
            %parallel_loop3A_1592 = vector.broadcast %parallel_loop3A_1591 : i32 to vector<16xi32>
            %parallel_loop3A_1593 = arith.shli %parallel_loop3A_1586, %parallel_loop3A_1592 : vector<16xi32>
            %parallel_loop3A_1594 = tpu.bitcast %parallel_loop3A_1593 : vector<16xi32> -> vector<16xf32>
            %parallel_loop3A_1595 = arith.constant 16 : i32
            %parallel_loop3A_1596 = vector.broadcast %parallel_loop3A_1595 : i32 to vector<16xi32>
            %parallel_loop3A_1597 = arith.shli %parallel_loop3A_1590, %parallel_loop3A_1596 : vector<16xi32>
            %parallel_loop3A_1598 = tpu.bitcast %parallel_loop3A_1597 : vector<16xi32> -> vector<16xf32>
            %parallel_loop3A_1599 = arith.mulf %parallel_loop3A_1594, %parallel_loop3A_1598 : vector<16xf32>
            %parallel_loop3A_1600 = arith.constant -65536 : i32
            %parallel_loop3A_1601 = vector.broadcast %parallel_loop3A_1600 : i32 to vector<16xi32>
            %parallel_loop3A_1602 = arith.andi %parallel_loop3A_1586, %parallel_loop3A_1601 : vector<16xi32>
            %parallel_loop3A_1603 = tpu.bitcast %parallel_loop3A_1602 : vector<16xi32> -> vector<16xf32>
            %parallel_loop3A_1604 = arith.constant -65536 : i32
            %parallel_loop3A_1605 = vector.broadcast %parallel_loop3A_1604 : i32 to vector<16xi32>
            %parallel_loop3A_1606 = arith.andi %parallel_loop3A_1590, %parallel_loop3A_1605 : vector<16xi32>
            %parallel_loop3A_1607 = tpu.bitcast %parallel_loop3A_1606 : vector<16xi32> -> vector<16xf32>
            %parallel_loop3A_1608 = arith.mulf %parallel_loop3A_1603, %parallel_loop3A_1607 : vector<16xf32>
            %parallel_loop3A_1609 = arith.addf %parallel_loop3A_1599, %parallel_loop3A_1608 : vector<16xf32>
            %parallel_loop3A_1610 = arith.addf %scan3A_1370, %parallel_loop3A_1609 : vector<16xf32>
            %parallel_loop3A_1611 = arith.constant 16 : i32
            %parallel_loop3A_1612 = arith.muli %parallel_loop3A_209, %parallel_loop3A_1611 : i32
            %parallel_loop3A_1613 = arith.constant 7 : i32
            %parallel_loop3A_1614 = arith.addi %parallel_loop3A_1612, %parallel_loop3A_1613 : i32
            %parallel_loop3A_1615 = arith.index_cast %parallel_loop3A_1614 : i32 to index
            %parallel_loop3A_1616 = arith.index_cast %parallel_loop3A_1386 : i32 to index
            %parallel_loop3A_1617 = tpu.vector_load %arg10[%parallel_loop3A_1615, %parallel_loop3A_1616] {strides = array<i32>} : memref<128x128xi32, #tpu.memory_space<vmem>>, vector<1x16xi32>,
            %parallel_loop3A_1618 = vector.shape_cast %parallel_loop3A_1617 : vector<1x16xi32> to vector<16xi32>
            %parallel_loop3A_1619 = arith.index_cast %parallel_loop3A_1614 : i32 to index
            %parallel_loop3A_1620 = arith.index_cast %parallel_loop3A_1386 : i32 to index
            %parallel_loop3A_1621 = tpu.vector_load %arg12[%parallel_loop3A_1619, %parallel_loop3A_1620] {strides = array<i32>} : memref<128x128xi32, #tpu.memory_space<vmem>>, vector<1x16xi32>,
            %parallel_loop3A_1622 = vector.shape_cast %parallel_loop3A_1621 : vector<1x16xi32> to vector<16xi32>
            %parallel_loop3A_1623 = arith.constant 16 : i32
            %parallel_loop3A_1624 = vector.broadcast %parallel_loop3A_1623 : i32 to vector<16xi32>
            %parallel_loop3A_1625 = arith.shli %parallel_loop3A_1618, %parallel_loop3A_1624 : vector<16xi32>
            %parallel_loop3A_1626 = tpu.bitcast %parallel_loop3A_1625 : vector<16xi32> -> vector<16xf32>
            %parallel_loop3A_1627 = arith.constant 16 : i32
            %parallel_loop3A_1628 = vector.broadcast %parallel_loop3A_1627 : i32 to vector<16xi32>
            %parallel_loop3A_1629 = arith.shli %parallel_loop3A_1622, %parallel_loop3A_1628 : vector<16xi32>
            %parallel_loop3A_1630 = tpu.bitcast %parallel_loop3A_1629 : vector<16xi32> -> vector<16xf32>
            %parallel_loop3A_1631 = arith.mulf %parallel_loop3A_1626, %parallel_loop3A_1630 : vector<16xf32>
            %parallel_loop3A_1632 = arith.constant -65536 : i32
            %parallel_loop3A_1633 = vector.broadcast %parallel_loop3A_1632 : i32 to vector<16xi32>
            %parallel_loop3A_1634 = arith.andi %parallel_loop3A_1618, %parallel_loop3A_1633 : vector<16xi32>
            %parallel_loop3A_1635 = tpu.bitcast %parallel_loop3A_1634 : vector<16xi32> -> vector<16xf32>
            %parallel_loop3A_1636 = arith.constant -65536 : i32
            %parallel_loop3A_1637 = vector.broadcast %parallel_loop3A_1636 : i32 to vector<16xi32>
            %parallel_loop3A_1638 = arith.andi %parallel_loop3A_1622, %parallel_loop3A_1637 : vector<16xi32>
            %parallel_loop3A_1639 = tpu.bitcast %parallel_loop3A_1638 : vector<16xi32> -> vector<16xf32>
            %parallel_loop3A_1640 = arith.mulf %parallel_loop3A_1635, %parallel_loop3A_1639 : vector<16xf32>
            %parallel_loop3A_1641 = arith.addf %parallel_loop3A_1631, %parallel_loop3A_1640 : vector<16xf32>
            %parallel_loop3A_1642 = arith.addf %scan3A_1371, %parallel_loop3A_1641 : vector<16xf32>
            %parallel_loop3A_1643 = arith.constant 16 : i32
            %parallel_loop3A_1644 = arith.muli %parallel_loop3A_209, %parallel_loop3A_1643 : i32
            %parallel_loop3A_1645 = arith.constant 8 : i32
            %parallel_loop3A_1646 = arith.addi %parallel_loop3A_1644, %parallel_loop3A_1645 : i32
            %parallel_loop3A_1647 = arith.index_cast %parallel_loop3A_1646 : i32 to index
            %parallel_loop3A_1648 = arith.index_cast %parallel_loop3A_1386 : i32 to index
            %parallel_loop3A_1649 = tpu.vector_load %arg10[%parallel_loop3A_1647, %parallel_loop3A_1648] {strides = array<i32>} : memref<128x128xi32, #tpu.memory_space<vmem>>, vector<1x16xi32>,
            %parallel_loop3A_1650 = vector.shape_cast %parallel_loop3A_1649 : vector<1x16xi32> to vector<16xi32>
            %parallel_loop3A_1651 = arith.index_cast %parallel_loop3A_1646 : i32 to index
            %parallel_loop3A_1652 = arith.index_cast %parallel_loop3A_1386 : i32 to index
            %parallel_loop3A_1653 = tpu.vector_load %arg12[%parallel_loop3A_1651, %parallel_loop3A_1652] {strides = array<i32>} : memref<128x128xi32, #tpu.memory_space<vmem>>, vector<1x16xi32>,
            %parallel_loop3A_1654 = vector.shape_cast %parallel_loop3A_1653 : vector<1x16xi32> to vector<16xi32>
            %parallel_loop3A_1655 = arith.constant 16 : i32
            %parallel_loop3A_1656 = vector.broadcast %parallel_loop3A_1655 : i32 to vector<16xi32>
            %parallel_loop3A_1657 = arith.shli %parallel_loop3A_1650, %parallel_loop3A_1656 : vector<16xi32>
            %parallel_loop3A_1658 = tpu.bitcast %parallel_loop3A_1657 : vector<16xi32> -> vector<16xf32>
            %parallel_loop3A_1659 = arith.constant 16 : i32
            %parallel_loop3A_1660 = vector.broadcast %parallel_loop3A_1659 : i32 to vector<16xi32>
            %parallel_loop3A_1661 = arith.shli %parallel_loop3A_1654, %parallel_loop3A_1660 : vector<16xi32>
            %parallel_loop3A_1662 = tpu.bitcast %parallel_loop3A_1661 : vector<16xi32> -> vector<16xf32>
            %parallel_loop3A_1663 = arith.mulf %parallel_loop3A_1658, %parallel_loop3A_1662 : vector<16xf32>
            %parallel_loop3A_1664 = arith.constant -65536 : i32
            %parallel_loop3A_1665 = vector.broadcast %parallel_loop3A_1664 : i32 to vector<16xi32>
            %parallel_loop3A_1666 = arith.andi %parallel_loop3A_1650, %parallel_loop3A_1665 : vector<16xi32>
            %parallel_loop3A_1667 = tpu.bitcast %parallel_loop3A_1666 : vector<16xi32> -> vector<16xf32>
            %parallel_loop3A_1668 = arith.constant -65536 : i32
            %parallel_loop3A_1669 = vector.broadcast %parallel_loop3A_1668 : i32 to vector<16xi32>
            %parallel_loop3A_1670 = arith.andi %parallel_loop3A_1654, %parallel_loop3A_1669 : vector<16xi32>
            %parallel_loop3A_1671 = tpu.bitcast %parallel_loop3A_1670 : vector<16xi32> -> vector<16xf32>
            %parallel_loop3A_1672 = arith.mulf %parallel_loop3A_1667, %parallel_loop3A_1671 : vector<16xf32>
            %parallel_loop3A_1673 = arith.addf %parallel_loop3A_1663, %parallel_loop3A_1672 : vector<16xf32>
            %parallel_loop3A_1674 = arith.addf %scan3A_1372, %parallel_loop3A_1673 : vector<16xf32>
            %parallel_loop3A_1675 = arith.constant 16 : i32
            %parallel_loop3A_1676 = arith.muli %parallel_loop3A_209, %parallel_loop3A_1675 : i32
            %parallel_loop3A_1677 = arith.constant 9 : i32
            %parallel_loop3A_1678 = arith.addi %parallel_loop3A_1676, %parallel_loop3A_1677 : i32
            %parallel_loop3A_1679 = arith.index_cast %parallel_loop3A_1678 : i32 to index
            %parallel_loop3A_1680 = arith.index_cast %parallel_loop3A_1386 : i32 to index
            %parallel_loop3A_1681 = tpu.vector_load %arg10[%parallel_loop3A_1679, %parallel_loop3A_1680] {strides = array<i32>} : memref<128x128xi32, #tpu.memory_space<vmem>>, vector<1x16xi32>,
            %parallel_loop3A_1682 = vector.shape_cast %parallel_loop3A_1681 : vector<1x16xi32> to vector<16xi32>
            %parallel_loop3A_1683 = arith.index_cast %parallel_loop3A_1678 : i32 to index
            %parallel_loop3A_1684 = arith.index_cast %parallel_loop3A_1386 : i32 to index
            %parallel_loop3A_1685 = tpu.vector_load %arg12[%parallel_loop3A_1683, %parallel_loop3A_1684] {strides = array<i32>} : memref<128x128xi32, #tpu.memory_space<vmem>>, vector<1x16xi32>,
            %parallel_loop3A_1686 = vector.shape_cast %parallel_loop3A_1685 : vector<1x16xi32> to vector<16xi32>
            %parallel_loop3A_1687 = arith.constant 16 : i32
            %parallel_loop3A_1688 = vector.broadcast %parallel_loop3A_1687 : i32 to vector<16xi32>
            %parallel_loop3A_1689 = arith.shli %parallel_loop3A_1682, %parallel_loop3A_1688 : vector<16xi32>
            %parallel_loop3A_1690 = tpu.bitcast %parallel_loop3A_1689 : vector<16xi32> -> vector<16xf32>
            %parallel_loop3A_1691 = arith.constant 16 : i32
            %parallel_loop3A_1692 = vector.broadcast %parallel_loop3A_1691 : i32 to vector<16xi32>
            %parallel_loop3A_1693 = arith.shli %parallel_loop3A_1686, %parallel_loop3A_1692 : vector<16xi32>
            %parallel_loop3A_1694 = tpu.bitcast %parallel_loop3A_1693 : vector<16xi32> -> vector<16xf32>
            %parallel_loop3A_1695 = arith.mulf %parallel_loop3A_1690, %parallel_loop3A_1694 : vector<16xf32>
            %parallel_loop3A_1696 = arith.constant -65536 : i32
            %parallel_loop3A_1697 = vector.broadcast %parallel_loop3A_1696 : i32 to vector<16xi32>
            %parallel_loop3A_1698 = arith.andi %parallel_loop3A_1682, %parallel_loop3A_1697 : vector<16xi32>
            %parallel_loop3A_1699 = tpu.bitcast %parallel_loop3A_1698 : vector<16xi32> -> vector<16xf32>
            %parallel_loop3A_1700 = arith.constant -65536 : i32
            %parallel_loop3A_1701 = vector.broadcast %parallel_loop3A_1700 : i32 to vector<16xi32>
            %parallel_loop3A_1702 = arith.andi %parallel_loop3A_1686, %parallel_loop3A_1701 : vector<16xi32>
            %parallel_loop3A_1703 = tpu.bitcast %parallel_loop3A_1702 : vector<16xi32> -> vector<16xf32>
            %parallel_loop3A_1704 = arith.mulf %parallel_loop3A_1699, %parallel_loop3A_1703 : vector<16xf32>
            %parallel_loop3A_1705 = arith.addf %parallel_loop3A_1695, %parallel_loop3A_1704 : vector<16xf32>
            %parallel_loop3A_1706 = arith.addf %scan3A_1373, %parallel_loop3A_1705 : vector<16xf32>
            %parallel_loop3A_1707 = arith.constant 16 : i32
            %parallel_loop3A_1708 = arith.muli %parallel_loop3A_209, %parallel_loop3A_1707 : i32
            %parallel_loop3A_1709 = arith.constant 10 : i32
            %parallel_loop3A_1710 = arith.addi %parallel_loop3A_1708, %parallel_loop3A_1709 : i32
            %parallel_loop3A_1711 = arith.index_cast %parallel_loop3A_1710 : i32 to index
            %parallel_loop3A_1712 = arith.index_cast %parallel_loop3A_1386 : i32 to index
            %parallel_loop3A_1713 = tpu.vector_load %arg10[%parallel_loop3A_1711, %parallel_loop3A_1712] {strides = array<i32>} : memref<128x128xi32, #tpu.memory_space<vmem>>, vector<1x16xi32>,
            %parallel_loop3A_1714 = vector.shape_cast %parallel_loop3A_1713 : vector<1x16xi32> to vector<16xi32>
            %parallel_loop3A_1715 = arith.index_cast %parallel_loop3A_1710 : i32 to index
            %parallel_loop3A_1716 = arith.index_cast %parallel_loop3A_1386 : i32 to index
            %parallel_loop3A_1717 = tpu.vector_load %arg12[%parallel_loop3A_1715, %parallel_loop3A_1716] {strides = array<i32>} : memref<128x128xi32, #tpu.memory_space<vmem>>, vector<1x16xi32>,
            %parallel_loop3A_1718 = vector.shape_cast %parallel_loop3A_1717 : vector<1x16xi32> to vector<16xi32>
            %parallel_loop3A_1719 = arith.constant 16 : i32
            %parallel_loop3A_1720 = vector.broadcast %parallel_loop3A_1719 : i32 to vector<16xi32>
            %parallel_loop3A_1721 = arith.shli %parallel_loop3A_1714, %parallel_loop3A_1720 : vector<16xi32>
            %parallel_loop3A_1722 = tpu.bitcast %parallel_loop3A_1721 : vector<16xi32> -> vector<16xf32>
            %parallel_loop3A_1723 = arith.constant 16 : i32
            %parallel_loop3A_1724 = vector.broadcast %parallel_loop3A_1723 : i32 to vector<16xi32>
            %parallel_loop3A_1725 = arith.shli %parallel_loop3A_1718, %parallel_loop3A_1724 : vector<16xi32>
            %parallel_loop3A_1726 = tpu.bitcast %parallel_loop3A_1725 : vector<16xi32> -> vector<16xf32>
            %parallel_loop3A_1727 = arith.mulf %parallel_loop3A_1722, %parallel_loop3A_1726 : vector<16xf32>
            %parallel_loop3A_1728 = arith.constant -65536 : i32
            %parallel_loop3A_1729 = vector.broadcast %parallel_loop3A_1728 : i32 to vector<16xi32>
            %parallel_loop3A_1730 = arith.andi %parallel_loop3A_1714, %parallel_loop3A_1729 : vector<16xi32>
            %parallel_loop3A_1731 = tpu.bitcast %parallel_loop3A_1730 : vector<16xi32> -> vector<16xf32>
            %parallel_loop3A_1732 = arith.constant -65536 : i32
            %parallel_loop3A_1733 = vector.broadcast %parallel_loop3A_1732 : i32 to vector<16xi32>
            %parallel_loop3A_1734 = arith.andi %parallel_loop3A_1718, %parallel_loop3A_1733 : vector<16xi32>
            %parallel_loop3A_1735 = tpu.bitcast %parallel_loop3A_1734 : vector<16xi32> -> vector<16xf32>
            %parallel_loop3A_1736 = arith.mulf %parallel_loop3A_1731, %parallel_loop3A_1735 : vector<16xf32>
            %parallel_loop3A_1737 = arith.addf %parallel_loop3A_1727, %parallel_loop3A_1736 : vector<16xf32>
            %parallel_loop3A_1738 = arith.addf %scan3A_1374, %parallel_loop3A_1737 : vector<16xf32>
            %parallel_loop3A_1739 = arith.constant 16 : i32
            %parallel_loop3A_1740 = arith.muli %parallel_loop3A_209, %parallel_loop3A_1739 : i32
            %parallel_loop3A_1741 = arith.constant 11 : i32
            %parallel_loop3A_1742 = arith.addi %parallel_loop3A_1740, %parallel_loop3A_1741 : i32
            %parallel_loop3A_1743 = arith.index_cast %parallel_loop3A_1742 : i32 to index
            %parallel_loop3A_1744 = arith.index_cast %parallel_loop3A_1386 : i32 to index
            %parallel_loop3A_1745 = tpu.vector_load %arg10[%parallel_loop3A_1743, %parallel_loop3A_1744] {strides = array<i32>} : memref<128x128xi32, #tpu.memory_space<vmem>>, vector<1x16xi32>,
            %parallel_loop3A_1746 = vector.shape_cast %parallel_loop3A_1745 : vector<1x16xi32> to vector<16xi32>
            %parallel_loop3A_1747 = arith.index_cast %parallel_loop3A_1742 : i32 to index
            %parallel_loop3A_1748 = arith.index_cast %parallel_loop3A_1386 : i32 to index
            %parallel_loop3A_1749 = tpu.vector_load %arg12[%parallel_loop3A_1747, %parallel_loop3A_1748] {strides = array<i32>} : memref<128x128xi32, #tpu.memory_space<vmem>>, vector<1x16xi32>,
            %parallel_loop3A_1750 = vector.shape_cast %parallel_loop3A_1749 : vector<1x16xi32> to vector<16xi32>
            %parallel_loop3A_1751 = arith.constant 16 : i32
            %parallel_loop3A_1752 = vector.broadcast %parallel_loop3A_1751 : i32 to vector<16xi32>
            %parallel_loop3A_1753 = arith.shli %parallel_loop3A_1746, %parallel_loop3A_1752 : vector<16xi32>
            %parallel_loop3A_1754 = tpu.bitcast %parallel_loop3A_1753 : vector<16xi32> -> vector<16xf32>
            %parallel_loop3A_1755 = arith.constant 16 : i32
            %parallel_loop3A_1756 = vector.broadcast %parallel_loop3A_1755 : i32 to vector<16xi32>
            %parallel_loop3A_1757 = arith.shli %parallel_loop3A_1750, %parallel_loop3A_1756 : vector<16xi32>
            %parallel_loop3A_1758 = tpu.bitcast %parallel_loop3A_1757 : vector<16xi32> -> vector<16xf32>
            %parallel_loop3A_1759 = arith.mulf %parallel_loop3A_1754, %parallel_loop3A_1758 : vector<16xf32>
            %parallel_loop3A_1760 = arith.constant -65536 : i32
            %parallel_loop3A_1761 = vector.broadcast %parallel_loop3A_1760 : i32 to vector<16xi32>
            %parallel_loop3A_1762 = arith.andi %parallel_loop3A_1746, %parallel_loop3A_1761 : vector<16xi32>
            %parallel_loop3A_1763 = tpu.bitcast %parallel_loop3A_1762 : vector<16xi32> -> vector<16xf32>
            %parallel_loop3A_1764 = arith.constant -65536 : i32
            %parallel_loop3A_1765 = vector.broadcast %parallel_loop3A_1764 : i32 to vector<16xi32>
            %parallel_loop3A_1766 = arith.andi %parallel_loop3A_1750, %parallel_loop3A_1765 : vector<16xi32>
            %parallel_loop3A_1767 = tpu.bitcast %parallel_loop3A_1766 : vector<16xi32> -> vector<16xf32>
            %parallel_loop3A_1768 = arith.mulf %parallel_loop3A_1763, %parallel_loop3A_1767 : vector<16xf32>
            %parallel_loop3A_1769 = arith.addf %parallel_loop3A_1759, %parallel_loop3A_1768 : vector<16xf32>
            %parallel_loop3A_1770 = arith.addf %scan3A_1375, %parallel_loop3A_1769 : vector<16xf32>
            %parallel_loop3A_1771 = arith.constant 16 : i32
            %parallel_loop3A_1772 = arith.muli %parallel_loop3A_209, %parallel_loop3A_1771 : i32
            %parallel_loop3A_1773 = arith.constant 12 : i32
            %parallel_loop3A_1774 = arith.addi %parallel_loop3A_1772, %parallel_loop3A_1773 : i32
            %parallel_loop3A_1775 = arith.index_cast %parallel_loop3A_1774 : i32 to index
            %parallel_loop3A_1776 = arith.index_cast %parallel_loop3A_1386 : i32 to index
            %parallel_loop3A_1777 = tpu.vector_load %arg10[%parallel_loop3A_1775, %parallel_loop3A_1776] {strides = array<i32>} : memref<128x128xi32, #tpu.memory_space<vmem>>, vector<1x16xi32>,
            %parallel_loop3A_1778 = vector.shape_cast %parallel_loop3A_1777 : vector<1x16xi32> to vector<16xi32>
            %parallel_loop3A_1779 = arith.index_cast %parallel_loop3A_1774 : i32 to index
            %parallel_loop3A_1780 = arith.index_cast %parallel_loop3A_1386 : i32 to index
            %parallel_loop3A_1781 = tpu.vector_load %arg12[%parallel_loop3A_1779, %parallel_loop3A_1780] {strides = array<i32>} : memref<128x128xi32, #tpu.memory_space<vmem>>, vector<1x16xi32>,
            %parallel_loop3A_1782 = vector.shape_cast %parallel_loop3A_1781 : vector<1x16xi32> to vector<16xi32>
            %parallel_loop3A_1783 = arith.constant 16 : i32
            %parallel_loop3A_1784 = vector.broadcast %parallel_loop3A_1783 : i32 to vector<16xi32>
            %parallel_loop3A_1785 = arith.shli %parallel_loop3A_1778, %parallel_loop3A_1784 : vector<16xi32>
            %parallel_loop3A_1786 = tpu.bitcast %parallel_loop3A_1785 : vector<16xi32> -> vector<16xf32>
            %parallel_loop3A_1787 = arith.constant 16 : i32
            %parallel_loop3A_1788 = vector.broadcast %parallel_loop3A_1787 : i32 to vector<16xi32>
            %parallel_loop3A_1789 = arith.shli %parallel_loop3A_1782, %parallel_loop3A_1788 : vector<16xi32>
            %parallel_loop3A_1790 = tpu.bitcast %parallel_loop3A_1789 : vector<16xi32> -> vector<16xf32>
            %parallel_loop3A_1791 = arith.mulf %parallel_loop3A_1786, %parallel_loop3A_1790 : vector<16xf32>
            %parallel_loop3A_1792 = arith.constant -65536 : i32
            %parallel_loop3A_1793 = vector.broadcast %parallel_loop3A_1792 : i32 to vector<16xi32>
            %parallel_loop3A_1794 = arith.andi %parallel_loop3A_1778, %parallel_loop3A_1793 : vector<16xi32>
            %parallel_loop3A_1795 = tpu.bitcast %parallel_loop3A_1794 : vector<16xi32> -> vector<16xf32>
            %parallel_loop3A_1796 = arith.constant -65536 : i32
            %parallel_loop3A_1797 = vector.broadcast %parallel_loop3A_1796 : i32 to vector<16xi32>
            %parallel_loop3A_1798 = arith.andi %parallel_loop3A_1782, %parallel_loop3A_1797 : vector<16xi32>
            %parallel_loop3A_1799 = tpu.bitcast %parallel_loop3A_1798 : vector<16xi32> -> vector<16xf32>
            %parallel_loop3A_1800 = arith.mulf %parallel_loop3A_1795, %parallel_loop3A_1799 : vector<16xf32>
            %parallel_loop3A_1801 = arith.addf %parallel_loop3A_1791, %parallel_loop3A_1800 : vector<16xf32>
            %parallel_loop3A_1802 = arith.addf %scan3A_1376, %parallel_loop3A_1801 : vector<16xf32>
            %parallel_loop3A_1803 = arith.constant 16 : i32
            %parallel_loop3A_1804 = arith.muli %parallel_loop3A_209, %parallel_loop3A_1803 : i32
            %parallel_loop3A_1805 = arith.constant 13 : i32
            %parallel_loop3A_1806 = arith.addi %parallel_loop3A_1804, %parallel_loop3A_1805 : i32
            %parallel_loop3A_1807 = arith.index_cast %parallel_loop3A_1806 : i32 to index
            %parallel_loop3A_1808 = arith.index_cast %parallel_loop3A_1386 : i32 to index
            %parallel_loop3A_1809 = tpu.vector_load %arg10[%parallel_loop3A_1807, %parallel_loop3A_1808] {strides = array<i32>} : memref<128x128xi32, #tpu.memory_space<vmem>>, vector<1x16xi32>,
            %parallel_loop3A_1810 = vector.shape_cast %parallel_loop3A_1809 : vector<1x16xi32> to vector<16xi32>
            %parallel_loop3A_1811 = arith.index_cast %parallel_loop3A_1806 : i32 to index
            %parallel_loop3A_1812 = arith.index_cast %parallel_loop3A_1386 : i32 to index
            %parallel_loop3A_1813 = tpu.vector_load %arg12[%parallel_loop3A_1811, %parallel_loop3A_1812] {strides = array<i32>} : memref<128x128xi32, #tpu.memory_space<vmem>>, vector<1x16xi32>,
            %parallel_loop3A_1814 = vector.shape_cast %parallel_loop3A_1813 : vector<1x16xi32> to vector<16xi32>
            %parallel_loop3A_1815 = arith.constant 16 : i32
            %parallel_loop3A_1816 = vector.broadcast %parallel_loop3A_1815 : i32 to vector<16xi32>
            %parallel_loop3A_1817 = arith.shli %parallel_loop3A_1810, %parallel_loop3A_1816 : vector<16xi32>
            %parallel_loop3A_1818 = tpu.bitcast %parallel_loop3A_1817 : vector<16xi32> -> vector<16xf32>
            %parallel_loop3A_1819 = arith.constant 16 : i32
            %parallel_loop3A_1820 = vector.broadcast %parallel_loop3A_1819 : i32 to vector<16xi32>
            %parallel_loop3A_1821 = arith.shli %parallel_loop3A_1814, %parallel_loop3A_1820 : vector<16xi32>
            %parallel_loop3A_1822 = tpu.bitcast %parallel_loop3A_1821 : vector<16xi32> -> vector<16xf32>
            %parallel_loop3A_1823 = arith.mulf %parallel_loop3A_1818, %parallel_loop3A_1822 : vector<16xf32>
            %parallel_loop3A_1824 = arith.constant -65536 : i32
            %parallel_loop3A_1825 = vector.broadcast %parallel_loop3A_1824 : i32 to vector<16xi32>
            %parallel_loop3A_1826 = arith.andi %parallel_loop3A_1810, %parallel_loop3A_1825 : vector<16xi32>
            %parallel_loop3A_1827 = tpu.bitcast %parallel_loop3A_1826 : vector<16xi32> -> vector<16xf32>
            %parallel_loop3A_1828 = arith.constant -65536 : i32
            %parallel_loop3A_1829 = vector.broadcast %parallel_loop3A_1828 : i32 to vector<16xi32>
            %parallel_loop3A_1830 = arith.andi %parallel_loop3A_1814, %parallel_loop3A_1829 : vector<16xi32>
            %parallel_loop3A_1831 = tpu.bitcast %parallel_loop3A_1830 : vector<16xi32> -> vector<16xf32>
            %parallel_loop3A_1832 = arith.mulf %parallel_loop3A_1827, %parallel_loop3A_1831 : vector<16xf32>
            %parallel_loop3A_1833 = arith.addf %parallel_loop3A_1823, %parallel_loop3A_1832 : vector<16xf32>
            %parallel_loop3A_1834 = arith.addf %scan3A_1377, %parallel_loop3A_1833 : vector<16xf32>
            %parallel_loop3A_1835 = arith.constant 16 : i32
            %parallel_loop3A_1836 = arith.muli %parallel_loop3A_209, %parallel_loop3A_1835 : i32
            %parallel_loop3A_1837 = arith.constant 14 : i32
            %parallel_loop3A_1838 = arith.addi %parallel_loop3A_1836, %parallel_loop3A_1837 : i32
            %parallel_loop3A_1839 = arith.index_cast %parallel_loop3A_1838 : i32 to index
            %parallel_loop3A_1840 = arith.index_cast %parallel_loop3A_1386 : i32 to index
            %parallel_loop3A_1841 = tpu.vector_load %arg10[%parallel_loop3A_1839, %parallel_loop3A_1840] {strides = array<i32>} : memref<128x128xi32, #tpu.memory_space<vmem>>, vector<1x16xi32>,
            %parallel_loop3A_1842 = vector.shape_cast %parallel_loop3A_1841 : vector<1x16xi32> to vector<16xi32>
            %parallel_loop3A_1843 = arith.index_cast %parallel_loop3A_1838 : i32 to index
            %parallel_loop3A_1844 = arith.index_cast %parallel_loop3A_1386 : i32 to index
            %parallel_loop3A_1845 = tpu.vector_load %arg12[%parallel_loop3A_1843, %parallel_loop3A_1844] {strides = array<i32>} : memref<128x128xi32, #tpu.memory_space<vmem>>, vector<1x16xi32>,
            %parallel_loop3A_1846 = vector.shape_cast %parallel_loop3A_1845 : vector<1x16xi32> to vector<16xi32>
            %parallel_loop3A_1847 = arith.constant 16 : i32
            %parallel_loop3A_1848 = vector.broadcast %parallel_loop3A_1847 : i32 to vector<16xi32>
            %parallel_loop3A_1849 = arith.shli %parallel_loop3A_1842, %parallel_loop3A_1848 : vector<16xi32>
            %parallel_loop3A_1850 = tpu.bitcast %parallel_loop3A_1849 : vector<16xi32> -> vector<16xf32>
            %parallel_loop3A_1851 = arith.constant 16 : i32
            %parallel_loop3A_1852 = vector.broadcast %parallel_loop3A_1851 : i32 to vector<16xi32>
            %parallel_loop3A_1853 = arith.shli %parallel_loop3A_1846, %parallel_loop3A_1852 : vector<16xi32>
            %parallel_loop3A_1854 = tpu.bitcast %parallel_loop3A_1853 : vector<16xi32> -> vector<16xf32>
            %parallel_loop3A_1855 = arith.mulf %parallel_loop3A_1850, %parallel_loop3A_1854 : vector<16xf32>
            %parallel_loop3A_1856 = arith.constant -65536 : i32
            %parallel_loop3A_1857 = vector.broadcast %parallel_loop3A_1856 : i32 to vector<16xi32>
            %parallel_loop3A_1858 = arith.andi %parallel_loop3A_1842, %parallel_loop3A_1857 : vector<16xi32>
            %parallel_loop3A_1859 = tpu.bitcast %parallel_loop3A_1858 : vector<16xi32> -> vector<16xf32>
            %parallel_loop3A_1860 = arith.constant -65536 : i32
            %parallel_loop3A_1861 = vector.broadcast %parallel_loop3A_1860 : i32 to vector<16xi32>
            %parallel_loop3A_1862 = arith.andi %parallel_loop3A_1846, %parallel_loop3A_1861 : vector<16xi32>
            %parallel_loop3A_1863 = tpu.bitcast %parallel_loop3A_1862 : vector<16xi32> -> vector<16xf32>
            %parallel_loop3A_1864 = arith.mulf %parallel_loop3A_1859, %parallel_loop3A_1863 : vector<16xf32>
            %parallel_loop3A_1865 = arith.addf %parallel_loop3A_1855, %parallel_loop3A_1864 : vector<16xf32>
            %parallel_loop3A_1866 = arith.addf %scan3A_1378, %parallel_loop3A_1865 : vector<16xf32>
            %parallel_loop3A_1867 = arith.constant 16 : i32
            %parallel_loop3A_1868 = arith.muli %parallel_loop3A_209, %parallel_loop3A_1867 : i32
            %parallel_loop3A_1869 = arith.constant 15 : i32
            %parallel_loop3A_1870 = arith.addi %parallel_loop3A_1868, %parallel_loop3A_1869 : i32
            %parallel_loop3A_1871 = arith.index_cast %parallel_loop3A_1870 : i32 to index
            %parallel_loop3A_1872 = arith.index_cast %parallel_loop3A_1386 : i32 to index
            %parallel_loop3A_1873 = tpu.vector_load %arg10[%parallel_loop3A_1871, %parallel_loop3A_1872] {strides = array<i32>} : memref<128x128xi32, #tpu.memory_space<vmem>>, vector<1x16xi32>,
            %parallel_loop3A_1874 = vector.shape_cast %parallel_loop3A_1873 : vector<1x16xi32> to vector<16xi32>
            %parallel_loop3A_1875 = arith.index_cast %parallel_loop3A_1870 : i32 to index
            %parallel_loop3A_1876 = arith.index_cast %parallel_loop3A_1386 : i32 to index
            %parallel_loop3A_1877 = tpu.vector_load %arg12[%parallel_loop3A_1875, %parallel_loop3A_1876] {strides = array<i32>} : memref<128x128xi32, #tpu.memory_space<vmem>>, vector<1x16xi32>,
            %parallel_loop3A_1878 = vector.shape_cast %parallel_loop3A_1877 : vector<1x16xi32> to vector<16xi32>
            %parallel_loop3A_1879 = arith.constant 16 : i32
            %parallel_loop3A_1880 = vector.broadcast %parallel_loop3A_1879 : i32 to vector<16xi32>
            %parallel_loop3A_1881 = arith.shli %parallel_loop3A_1874, %parallel_loop3A_1880 : vector<16xi32>
            %parallel_loop3A_1882 = tpu.bitcast %parallel_loop3A_1881 : vector<16xi32> -> vector<16xf32>
            %parallel_loop3A_1883 = arith.constant 16 : i32
            %parallel_loop3A_1884 = vector.broadcast %parallel_loop3A_1883 : i32 to vector<16xi32>
            %parallel_loop3A_1885 = arith.shli %parallel_loop3A_1878, %parallel_loop3A_1884 : vector<16xi32>
            %parallel_loop3A_1886 = tpu.bitcast %parallel_loop3A_1885 : vector<16xi32> -> vector<16xf32>
            %parallel_loop3A_1887 = arith.mulf %parallel_loop3A_1882, %parallel_loop3A_1886 : vector<16xf32>
            %parallel_loop3A_1888 = arith.constant -65536 : i32
            %parallel_loop3A_1889 = vector.broadcast %parallel_loop3A_1888 : i32 to vector<16xi32>
            %parallel_loop3A_1890 = arith.andi %parallel_loop3A_1874, %parallel_loop3A_1889 : vector<16xi32>
            %parallel_loop3A_1891 = tpu.bitcast %parallel_loop3A_1890 : vector<16xi32> -> vector<16xf32>
            %parallel_loop3A_1892 = arith.constant -65536 : i32
            %parallel_loop3A_1893 = vector.broadcast %parallel_loop3A_1892 : i32 to vector<16xi32>
            %parallel_loop3A_1894 = arith.andi %parallel_loop3A_1878, %parallel_loop3A_1893 : vector<16xi32>
            %parallel_loop3A_1895 = tpu.bitcast %parallel_loop3A_1894 : vector<16xi32> -> vector<16xf32>
            %parallel_loop3A_1896 = arith.mulf %parallel_loop3A_1891, %parallel_loop3A_1895 : vector<16xf32>
            %parallel_loop3A_1897 = arith.addf %parallel_loop3A_1887, %parallel_loop3A_1896 : vector<16xf32>
            %parallel_loop3A_1898 = arith.addf %scan3A_1379, %parallel_loop3A_1897 : vector<16xf32>
            scf.yield %parallel_loop3A_1418, %parallel_loop3A_1450, %parallel_loop3A_1482, %parallel_loop3A_1514, %parallel_loop3A_1546, %parallel_loop3A_1578, %parallel_loop3A_1610, %parallel_loop3A_1642, %parallel_loop3A_1674, %parallel_loop3A_1706, %parallel_loop3A_1738, %parallel_loop3A_1770, %parallel_loop3A_1802, %parallel_loop3A_1834, %parallel_loop3A_1866, %parallel_loop3A_1898 : vector<16xf32>, vector<16xf32>, vector<16xf32>, vector<16xf32>, vector<16xf32>, vector<16xf32>, vector<16xf32>, vector<16xf32>, vector<16xf32>, vector<16xf32>, vector<16xf32>, vector<16xf32>, vector<16xf32>, vector<16xf32>, vector<16xf32>, vector<16xf32>
          }
          %parallel_loop3A_711 = arith.constant 7 : i32
          %parallel_loop3A_712 = arith.constant 0 : i32
          %parallel_loop3A_713 = vector.broadcast %parallel_loop3A_712 : i32 to vector<16xi32>
          %parallel_loop3A_714 = arith.cmpi slt, %select_n3A_45, %parallel_loop3A_713 : vector<16xi32>
          %parallel_loop3A_715 = arith.constant 16 : i32
          %parallel_loop3A_716 = vector.broadcast %parallel_loop3A_715 : i32 to vector<16xi32>
          %parallel_loop3A_717 = arith.addi %select_n3A_45, %parallel_loop3A_716 : vector<16xi32>
          %parallel_loop3A_718 = arith.select %parallel_loop3A_714, %parallel_loop3A_717, %select_n3A_45 : vector<16xi1>, vector<16xi32>
          %parallel_loop3A_719 = vector.shape_cast %parallel_loop3A_718 : vector<16xi32> to vector<16x1xi32>
          %parallel_loop3A_720 = vector.shape_cast %parallel_loop3A_719 : vector<16x1xi32> to vector<16xi32>
          %parallel_loop3A_721 = tpu.dynamic_gather %parallel_loop3A_710#0[%parallel_loop3A_720] in [0] : vector<16xf32>, vector<16xi32> -> vector<16xf32>
          %parallel_loop3A_722 = arith.constant 0 : i32
          %parallel_loop3A_723 = vector.broadcast %parallel_loop3A_722 : i32 to vector<16xi32>
          %parallel_loop3A_724 = arith.cmpi slt, %select_n3A_73, %parallel_loop3A_723 : vector<16xi32>
          %parallel_loop3A_725 = arith.constant 16 : i32
          %parallel_loop3A_726 = vector.broadcast %parallel_loop3A_725 : i32 to vector<16xi32>
          %parallel_loop3A_727 = arith.addi %select_n3A_73, %parallel_loop3A_726 : vector<16xi32>
          %parallel_loop3A_728 = arith.select %parallel_loop3A_724, %parallel_loop3A_727, %select_n3A_73 : vector<16xi1>, vector<16xi32>
          %parallel_loop3A_729 = vector.shape_cast %parallel_loop3A_728 : vector<16xi32> to vector<16x1xi32>
          %parallel_loop3A_730 = vector.shape_cast %parallel_loop3A_729 : vector<16x1xi32> to vector<16xi32>
          %parallel_loop3A_731 = tpu.dynamic_gather %parallel_loop3A_710#0[%parallel_loop3A_730] in [0] : vector<16xf32>, vector<16xi32> -> vector<16xf32>
          %parallel_loop3A_732 = arith.addf %parallel_loop3A_721, %parallel_loop3A_731 : vector<16xf32>
          %parallel_loop3A_733 = arith.constant 0 : i32
          %parallel_loop3A_734 = vector.broadcast %parallel_loop3A_733 : i32 to vector<16xi32>
          %parallel_loop3A_735 = arith.cmpi slt, %select_n3A_45, %parallel_loop3A_734 : vector<16xi32>
          %parallel_loop3A_736 = arith.constant 16 : i32
          %parallel_loop3A_737 = vector.broadcast %parallel_loop3A_736 : i32 to vector<16xi32>
          %parallel_loop3A_738 = arith.addi %select_n3A_45, %parallel_loop3A_737 : vector<16xi32>
          %parallel_loop3A_739 = arith.select %parallel_loop3A_735, %parallel_loop3A_738, %select_n3A_45 : vector<16xi1>, vector<16xi32>
          %parallel_loop3A_740 = vector.shape_cast %parallel_loop3A_739 : vector<16xi32> to vector<16x1xi32>
          %parallel_loop3A_741 = vector.shape_cast %parallel_loop3A_740 : vector<16x1xi32> to vector<16xi32>
          %parallel_loop3A_742 = tpu.dynamic_gather %parallel_loop3A_710#1[%parallel_loop3A_741] in [0] : vector<16xf32>, vector<16xi32> -> vector<16xf32>
          %parallel_loop3A_743 = arith.constant 0 : i32
          %parallel_loop3A_744 = vector.broadcast %parallel_loop3A_743 : i32 to vector<16xi32>
          %parallel_loop3A_745 = arith.cmpi slt, %select_n3A_73, %parallel_loop3A_744 : vector<16xi32>
          %parallel_loop3A_746 = arith.constant 16 : i32
          %parallel_loop3A_747 = vector.broadcast %parallel_loop3A_746 : i32 to vector<16xi32>
          %parallel_loop3A_748 = arith.addi %select_n3A_73, %parallel_loop3A_747 : vector<16xi32>
          %parallel_loop3A_749 = arith.select %parallel_loop3A_745, %parallel_loop3A_748, %select_n3A_73 : vector<16xi1>, vector<16xi32>
          %parallel_loop3A_750 = vector.shape_cast %parallel_loop3A_749 : vector<16xi32> to vector<16x1xi32>
          %parallel_loop3A_751 = vector.shape_cast %parallel_loop3A_750 : vector<16x1xi32> to vector<16xi32>
          %parallel_loop3A_752 = tpu.dynamic_gather %parallel_loop3A_710#1[%parallel_loop3A_751] in [0] : vector<16xf32>, vector<16xi32> -> vector<16xf32>
          %parallel_loop3A_753 = arith.addf %parallel_loop3A_742, %parallel_loop3A_752 : vector<16xf32>
          %parallel_loop3A_754 = arith.select %lt3A_76, %parallel_loop3A_732, %parallel_loop3A_753 : vector<16xi1>, vector<16xf32>
          %parallel_loop3A_755 = arith.constant 0 : i32
          %parallel_loop3A_756 = vector.broadcast %parallel_loop3A_755 : i32 to vector<16xi32>
          %parallel_loop3A_757 = arith.cmpi slt, %select_n3A_45, %parallel_loop3A_756 : vector<16xi32>
          %parallel_loop3A_758 = arith.constant 16 : i32
          %parallel_loop3A_759 = vector.broadcast %parallel_loop3A_758 : i32 to vector<16xi32>
          %parallel_loop3A_760 = arith.addi %select_n3A_45, %parallel_loop3A_759 : vector<16xi32>
          %parallel_loop3A_761 = arith.select %parallel_loop3A_757, %parallel_loop3A_760, %select_n3A_45 : vector<16xi1>, vector<16xi32>
          %parallel_loop3A_762 = vector.shape_cast %parallel_loop3A_761 : vector<16xi32> to vector<16x1xi32>
          %parallel_loop3A_763 = vector.shape_cast %parallel_loop3A_762 : vector<16x1xi32> to vector<16xi32>
          %parallel_loop3A_764 = tpu.dynamic_gather %parallel_loop3A_710#2[%parallel_loop3A_763] in [0] : vector<16xf32>, vector<16xi32> -> vector<16xf32>
          %parallel_loop3A_765 = arith.constant 0 : i32
          %parallel_loop3A_766 = vector.broadcast %parallel_loop3A_765 : i32 to vector<16xi32>
          %parallel_loop3A_767 = arith.cmpi slt, %select_n3A_73, %parallel_loop3A_766 : vector<16xi32>
          %parallel_loop3A_768 = arith.constant 16 : i32
          %parallel_loop3A_769 = vector.broadcast %parallel_loop3A_768 : i32 to vector<16xi32>
          %parallel_loop3A_770 = arith.addi %select_n3A_73, %parallel_loop3A_769 : vector<16xi32>
          %parallel_loop3A_771 = arith.select %parallel_loop3A_767, %parallel_loop3A_770, %select_n3A_73 : vector<16xi1>, vector<16xi32>
          %parallel_loop3A_772 = vector.shape_cast %parallel_loop3A_771 : vector<16xi32> to vector<16x1xi32>
          %parallel_loop3A_773 = vector.shape_cast %parallel_loop3A_772 : vector<16x1xi32> to vector<16xi32>
          %parallel_loop3A_774 = tpu.dynamic_gather %parallel_loop3A_710#2[%parallel_loop3A_773] in [0] : vector<16xf32>, vector<16xi32> -> vector<16xf32>
          %parallel_loop3A_775 = arith.addf %parallel_loop3A_764, %parallel_loop3A_774 : vector<16xf32>
          %parallel_loop3A_776 = arith.constant 0 : i32
          %parallel_loop3A_777 = vector.broadcast %parallel_loop3A_776 : i32 to vector<16xi32>
          %parallel_loop3A_778 = arith.cmpi slt, %select_n3A_45, %parallel_loop3A_777 : vector<16xi32>
          %parallel_loop3A_779 = arith.constant 16 : i32
          %parallel_loop3A_780 = vector.broadcast %parallel_loop3A_779 : i32 to vector<16xi32>
          %parallel_loop3A_781 = arith.addi %select_n3A_45, %parallel_loop3A_780 : vector<16xi32>
          %parallel_loop3A_782 = arith.select %parallel_loop3A_778, %parallel_loop3A_781, %select_n3A_45 : vector<16xi1>, vector<16xi32>
          %parallel_loop3A_783 = vector.shape_cast %parallel_loop3A_782 : vector<16xi32> to vector<16x1xi32>
          %parallel_loop3A_784 = vector.shape_cast %parallel_loop3A_783 : vector<16x1xi32> to vector<16xi32>
          %parallel_loop3A_785 = tpu.dynamic_gather %parallel_loop3A_710#3[%parallel_loop3A_784] in [0] : vector<16xf32>, vector<16xi32> -> vector<16xf32>
          %parallel_loop3A_786 = arith.constant 0 : i32
          %parallel_loop3A_787 = vector.broadcast %parallel_loop3A_786 : i32 to vector<16xi32>
          %parallel_loop3A_788 = arith.cmpi slt, %select_n3A_73, %parallel_loop3A_787 : vector<16xi32>
          %parallel_loop3A_789 = arith.constant 16 : i32
          %parallel_loop3A_790 = vector.broadcast %parallel_loop3A_789 : i32 to vector<16xi32>
          %parallel_loop3A_791 = arith.addi %select_n3A_73, %parallel_loop3A_790 : vector<16xi32>
          %parallel_loop3A_792 = arith.select %parallel_loop3A_788, %parallel_loop3A_791, %select_n3A_73 : vector<16xi1>, vector<16xi32>
          %parallel_loop3A_793 = vector.shape_cast %parallel_loop3A_792 : vector<16xi32> to vector<16x1xi32>
          %parallel_loop3A_794 = vector.shape_cast %parallel_loop3A_793 : vector<16x1xi32> to vector<16xi32>
          %parallel_loop3A_795 = tpu.dynamic_gather %parallel_loop3A_710#3[%parallel_loop3A_794] in [0] : vector<16xf32>, vector<16xi32> -> vector<16xf32>
          %parallel_loop3A_796 = arith.addf %parallel_loop3A_785, %parallel_loop3A_795 : vector<16xf32>
          %parallel_loop3A_797 = arith.select %lt3A_76, %parallel_loop3A_775, %parallel_loop3A_796 : vector<16xi1>, vector<16xf32>
          %parallel_loop3A_798 = arith.constant 0 : i32
          %parallel_loop3A_799 = vector.broadcast %parallel_loop3A_798 : i32 to vector<16xi32>
          %parallel_loop3A_800 = arith.cmpi slt, %select_n3A_45, %parallel_loop3A_799 : vector<16xi32>
          %parallel_loop3A_801 = arith.constant 16 : i32
          %parallel_loop3A_802 = vector.broadcast %parallel_loop3A_801 : i32 to vector<16xi32>
          %parallel_loop3A_803 = arith.addi %select_n3A_45, %parallel_loop3A_802 : vector<16xi32>
          %parallel_loop3A_804 = arith.select %parallel_loop3A_800, %parallel_loop3A_803, %select_n3A_45 : vector<16xi1>, vector<16xi32>
          %parallel_loop3A_805 = vector.shape_cast %parallel_loop3A_804 : vector<16xi32> to vector<16x1xi32>
          %parallel_loop3A_806 = vector.shape_cast %parallel_loop3A_805 : vector<16x1xi32> to vector<16xi32>
          %parallel_loop3A_807 = tpu.dynamic_gather %parallel_loop3A_710#4[%parallel_loop3A_806] in [0] : vector<16xf32>, vector<16xi32> -> vector<16xf32>
          %parallel_loop3A_808 = arith.constant 0 : i32
          %parallel_loop3A_809 = vector.broadcast %parallel_loop3A_808 : i32 to vector<16xi32>
          %parallel_loop3A_810 = arith.cmpi slt, %select_n3A_73, %parallel_loop3A_809 : vector<16xi32>
          %parallel_loop3A_811 = arith.constant 16 : i32
          %parallel_loop3A_812 = vector.broadcast %parallel_loop3A_811 : i32 to vector<16xi32>
          %parallel_loop3A_813 = arith.addi %select_n3A_73, %parallel_loop3A_812 : vector<16xi32>
          %parallel_loop3A_814 = arith.select %parallel_loop3A_810, %parallel_loop3A_813, %select_n3A_73 : vector<16xi1>, vector<16xi32>
          %parallel_loop3A_815 = vector.shape_cast %parallel_loop3A_814 : vector<16xi32> to vector<16x1xi32>
          %parallel_loop3A_816 = vector.shape_cast %parallel_loop3A_815 : vector<16x1xi32> to vector<16xi32>
          %parallel_loop3A_817 = tpu.dynamic_gather %parallel_loop3A_710#4[%parallel_loop3A_816] in [0] : vector<16xf32>, vector<16xi32> -> vector<16xf32>
          %parallel_loop3A_818 = arith.addf %parallel_loop3A_807, %parallel_loop3A_817 : vector<16xf32>
          %parallel_loop3A_819 = arith.constant 0 : i32
          %parallel_loop3A_820 = vector.broadcast %parallel_loop3A_819 : i32 to vector<16xi32>
          %parallel_loop3A_821 = arith.cmpi slt, %select_n3A_45, %parallel_loop3A_820 : vector<16xi32>
          %parallel_loop3A_822 = arith.constant 16 : i32
          %parallel_loop3A_823 = vector.broadcast %parallel_loop3A_822 : i32 to vector<16xi32>
          %parallel_loop3A_824 = arith.addi %select_n3A_45, %parallel_loop3A_823 : vector<16xi32>
          %parallel_loop3A_825 = arith.select %parallel_loop3A_821, %parallel_loop3A_824, %select_n3A_45 : vector<16xi1>, vector<16xi32>
          %parallel_loop3A_826 = vector.shape_cast %parallel_loop3A_825 : vector<16xi32> to vector<16x1xi32>
          %parallel_loop3A_827 = vector.shape_cast %parallel_loop3A_826 : vector<16x1xi32> to vector<16xi32>
          %parallel_loop3A_828 = tpu.dynamic_gather %parallel_loop3A_710#5[%parallel_loop3A_827] in [0] : vector<16xf32>, vector<16xi32> -> vector<16xf32>
          %parallel_loop3A_829 = arith.constant 0 : i32
          %parallel_loop3A_830 = vector.broadcast %parallel_loop3A_829 : i32 to vector<16xi32>
          %parallel_loop3A_831 = arith.cmpi slt, %select_n3A_73, %parallel_loop3A_830 : vector<16xi32>
          %parallel_loop3A_832 = arith.constant 16 : i32
          %parallel_loop3A_833 = vector.broadcast %parallel_loop3A_832 : i32 to vector<16xi32>
          %parallel_loop3A_834 = arith.addi %select_n3A_73, %parallel_loop3A_833 : vector<16xi32>
          %parallel_loop3A_835 = arith.select %parallel_loop3A_831, %parallel_loop3A_834, %select_n3A_73 : vector<16xi1>, vector<16xi32>
          %parallel_loop3A_836 = vector.shape_cast %parallel_loop3A_835 : vector<16xi32> to vector<16x1xi32>
          %parallel_loop3A_837 = vector.shape_cast %parallel_loop3A_836 : vector<16x1xi32> to vector<16xi32>
          %parallel_loop3A_838 = tpu.dynamic_gather %parallel_loop3A_710#5[%parallel_loop3A_837] in [0] : vector<16xf32>, vector<16xi32> -> vector<16xf32>
          %parallel_loop3A_839 = arith.addf %parallel_loop3A_828, %parallel_loop3A_838 : vector<16xf32>
          %parallel_loop3A_840 = arith.select %lt3A_76, %parallel_loop3A_818, %parallel_loop3A_839 : vector<16xi1>, vector<16xf32>
          %parallel_loop3A_841 = arith.constant 0 : i32
          %parallel_loop3A_842 = vector.broadcast %parallel_loop3A_841 : i32 to vector<16xi32>
          %parallel_loop3A_843 = arith.cmpi slt, %select_n3A_45, %parallel_loop3A_842 : vector<16xi32>
          %parallel_loop3A_844 = arith.constant 16 : i32
          %parallel_loop3A_845 = vector.broadcast %parallel_loop3A_844 : i32 to vector<16xi32>
          %parallel_loop3A_846 = arith.addi %select_n3A_45, %parallel_loop3A_845 : vector<16xi32>
          %parallel_loop3A_847 = arith.select %parallel_loop3A_843, %parallel_loop3A_846, %select_n3A_45 : vector<16xi1>, vector<16xi32>
          %parallel_loop3A_848 = vector.shape_cast %parallel_loop3A_847 : vector<16xi32> to vector<16x1xi32>
          %parallel_loop3A_849 = vector.shape_cast %parallel_loop3A_848 : vector<16x1xi32> to vector<16xi32>
          %parallel_loop3A_850 = tpu.dynamic_gather %parallel_loop3A_710#6[%parallel_loop3A_849] in [0] : vector<16xf32>, vector<16xi32> -> vector<16xf32>
          %parallel_loop3A_851 = arith.constant 0 : i32
          %parallel_loop3A_852 = vector.broadcast %parallel_loop3A_851 : i32 to vector<16xi32>
          %parallel_loop3A_853 = arith.cmpi slt, %select_n3A_73, %parallel_loop3A_852 : vector<16xi32>
          %parallel_loop3A_854 = arith.constant 16 : i32
          %parallel_loop3A_855 = vector.broadcast %parallel_loop3A_854 : i32 to vector<16xi32>
          %parallel_loop3A_856 = arith.addi %select_n3A_73, %parallel_loop3A_855 : vector<16xi32>
          %parallel_loop3A_857 = arith.select %parallel_loop3A_853, %parallel_loop3A_856, %select_n3A_73 : vector<16xi1>, vector<16xi32>
          %parallel_loop3A_858 = vector.shape_cast %parallel_loop3A_857 : vector<16xi32> to vector<16x1xi32>
          %parallel_loop3A_859 = vector.shape_cast %parallel_loop3A_858 : vector<16x1xi32> to vector<16xi32>
          %parallel_loop3A_860 = tpu.dynamic_gather %parallel_loop3A_710#6[%parallel_loop3A_859] in [0] : vector<16xf32>, vector<16xi32> -> vector<16xf32>
          %parallel_loop3A_861 = arith.addf %parallel_loop3A_850, %parallel_loop3A_860 : vector<16xf32>
          %parallel_loop3A_862 = arith.constant 0 : i32
          %parallel_loop3A_863 = vector.broadcast %parallel_loop3A_862 : i32 to vector<16xi32>
          %parallel_loop3A_864 = arith.cmpi slt, %select_n3A_45, %parallel_loop3A_863 : vector<16xi32>
          %parallel_loop3A_865 = arith.constant 16 : i32
          %parallel_loop3A_866 = vector.broadcast %parallel_loop3A_865 : i32 to vector<16xi32>
          %parallel_loop3A_867 = arith.addi %select_n3A_45, %parallel_loop3A_866 : vector<16xi32>
          %parallel_loop3A_868 = arith.select %parallel_loop3A_864, %parallel_loop3A_867, %select_n3A_45 : vector<16xi1>, vector<16xi32>
          %parallel_loop3A_869 = vector.shape_cast %parallel_loop3A_868 : vector<16xi32> to vector<16x1xi32>
          %parallel_loop3A_870 = vector.shape_cast %parallel_loop3A_869 : vector<16x1xi32> to vector<16xi32>
          %parallel_loop3A_871 = tpu.dynamic_gather %parallel_loop3A_710#7[%parallel_loop3A_870] in [0] : vector<16xf32>, vector<16xi32> -> vector<16xf32>
          %parallel_loop3A_872 = arith.constant 0 : i32
          %parallel_loop3A_873 = vector.broadcast %parallel_loop3A_872 : i32 to vector<16xi32>
          %parallel_loop3A_874 = arith.cmpi slt, %select_n3A_73, %parallel_loop3A_873 : vector<16xi32>
          %parallel_loop3A_875 = arith.constant 16 : i32
          %parallel_loop3A_876 = vector.broadcast %parallel_loop3A_875 : i32 to vector<16xi32>
          %parallel_loop3A_877 = arith.addi %select_n3A_73, %parallel_loop3A_876 : vector<16xi32>
          %parallel_loop3A_878 = arith.select %parallel_loop3A_874, %parallel_loop3A_877, %select_n3A_73 : vector<16xi1>, vector<16xi32>
          %parallel_loop3A_879 = vector.shape_cast %parallel_loop3A_878 : vector<16xi32> to vector<16x1xi32>
          %parallel_loop3A_880 = vector.shape_cast %parallel_loop3A_879 : vector<16x1xi32> to vector<16xi32>
          %parallel_loop3A_881 = tpu.dynamic_gather %parallel_loop3A_710#7[%parallel_loop3A_880] in [0] : vector<16xf32>, vector<16xi32> -> vector<16xf32>
          %parallel_loop3A_882 = arith.addf %parallel_loop3A_871, %parallel_loop3A_881 : vector<16xf32>
          %parallel_loop3A_883 = arith.select %lt3A_76, %parallel_loop3A_861, %parallel_loop3A_882 : vector<16xi1>, vector<16xf32>
          %parallel_loop3A_884 = arith.constant 0 : i32
          %parallel_loop3A_885 = vector.broadcast %parallel_loop3A_884 : i32 to vector<16xi32>
          %parallel_loop3A_886 = arith.cmpi slt, %select_n3A_45, %parallel_loop3A_885 : vector<16xi32>
          %parallel_loop3A_887 = arith.constant 16 : i32
          %parallel_loop3A_888 = vector.broadcast %parallel_loop3A_887 : i32 to vector<16xi32>
          %parallel_loop3A_889 = arith.addi %select_n3A_45, %parallel_loop3A_888 : vector<16xi32>
          %parallel_loop3A_890 = arith.select %parallel_loop3A_886, %parallel_loop3A_889, %select_n3A_45 : vector<16xi1>, vector<16xi32>
          %parallel_loop3A_891 = vector.shape_cast %parallel_loop3A_890 : vector<16xi32> to vector<16x1xi32>
          %parallel_loop3A_892 = vector.shape_cast %parallel_loop3A_891 : vector<16x1xi32> to vector<16xi32>
          %parallel_loop3A_893 = tpu.dynamic_gather %parallel_loop3A_710#8[%parallel_loop3A_892] in [0] : vector<16xf32>, vector<16xi32> -> vector<16xf32>
          %parallel_loop3A_894 = arith.constant 0 : i32
          %parallel_loop3A_895 = vector.broadcast %parallel_loop3A_894 : i32 to vector<16xi32>
          %parallel_loop3A_896 = arith.cmpi slt, %select_n3A_73, %parallel_loop3A_895 : vector<16xi32>
          %parallel_loop3A_897 = arith.constant 16 : i32
          %parallel_loop3A_898 = vector.broadcast %parallel_loop3A_897 : i32 to vector<16xi32>
          %parallel_loop3A_899 = arith.addi %select_n3A_73, %parallel_loop3A_898 : vector<16xi32>
          %parallel_loop3A_900 = arith.select %parallel_loop3A_896, %parallel_loop3A_899, %select_n3A_73 : vector<16xi1>, vector<16xi32>
          %parallel_loop3A_901 = vector.shape_cast %parallel_loop3A_900 : vector<16xi32> to vector<16x1xi32>
          %parallel_loop3A_902 = vector.shape_cast %parallel_loop3A_901 : vector<16x1xi32> to vector<16xi32>
          %parallel_loop3A_903 = tpu.dynamic_gather %parallel_loop3A_710#8[%parallel_loop3A_902] in [0] : vector<16xf32>, vector<16xi32> -> vector<16xf32>
          %parallel_loop3A_904 = arith.addf %parallel_loop3A_893, %parallel_loop3A_903 : vector<16xf32>
          %parallel_loop3A_905 = arith.constant 0 : i32
          %parallel_loop3A_906 = vector.broadcast %parallel_loop3A_905 : i32 to vector<16xi32>
          %parallel_loop3A_907 = arith.cmpi slt, %select_n3A_45, %parallel_loop3A_906 : vector<16xi32>
          %parallel_loop3A_908 = arith.constant 16 : i32
          %parallel_loop3A_909 = vector.broadcast %parallel_loop3A_908 : i32 to vector<16xi32>
          %parallel_loop3A_910 = arith.addi %select_n3A_45, %parallel_loop3A_909 : vector<16xi32>
          %parallel_loop3A_911 = arith.select %parallel_loop3A_907, %parallel_loop3A_910, %select_n3A_45 : vector<16xi1>, vector<16xi32>
          %parallel_loop3A_912 = vector.shape_cast %parallel_loop3A_911 : vector<16xi32> to vector<16x1xi32>
          %parallel_loop3A_913 = vector.shape_cast %parallel_loop3A_912 : vector<16x1xi32> to vector<16xi32>
          %parallel_loop3A_914 = tpu.dynamic_gather %parallel_loop3A_710#9[%parallel_loop3A_913] in [0] : vector<16xf32>, vector<16xi32> -> vector<16xf32>
          %parallel_loop3A_915 = arith.constant 0 : i32
          %parallel_loop3A_916 = vector.broadcast %parallel_loop3A_915 : i32 to vector<16xi32>
          %parallel_loop3A_917 = arith.cmpi slt, %select_n3A_73, %parallel_loop3A_916 : vector<16xi32>
          %parallel_loop3A_918 = arith.constant 16 : i32
          %parallel_loop3A_919 = vector.broadcast %parallel_loop3A_918 : i32 to vector<16xi32>
          %parallel_loop3A_920 = arith.addi %select_n3A_73, %parallel_loop3A_919 : vector<16xi32>
          %parallel_loop3A_921 = arith.select %parallel_loop3A_917, %parallel_loop3A_920, %select_n3A_73 : vector<16xi1>, vector<16xi32>
          %parallel_loop3A_922 = vector.shape_cast %parallel_loop3A_921 : vector<16xi32> to vector<16x1xi32>
          %parallel_loop3A_923 = vector.shape_cast %parallel_loop3A_922 : vector<16x1xi32> to vector<16xi32>
          %parallel_loop3A_924 = tpu.dynamic_gather %parallel_loop3A_710#9[%parallel_loop3A_923] in [0] : vector<16xf32>, vector<16xi32> -> vector<16xf32>
          %parallel_loop3A_925 = arith.addf %parallel_loop3A_914, %parallel_loop3A_924 : vector<16xf32>
          %parallel_loop3A_926 = arith.select %lt3A_76, %parallel_loop3A_904, %parallel_loop3A_925 : vector<16xi1>, vector<16xf32>
          %parallel_loop3A_927 = arith.constant 0 : i32
          %parallel_loop3A_928 = vector.broadcast %parallel_loop3A_927 : i32 to vector<16xi32>
          %parallel_loop3A_929 = arith.cmpi slt, %select_n3A_45, %parallel_loop3A_928 : vector<16xi32>
          %parallel_loop3A_930 = arith.constant 16 : i32
          %parallel_loop3A_931 = vector.broadcast %parallel_loop3A_930 : i32 to vector<16xi32>
          %parallel_loop3A_932 = arith.addi %select_n3A_45, %parallel_loop3A_931 : vector<16xi32>
          %parallel_loop3A_933 = arith.select %parallel_loop3A_929, %parallel_loop3A_932, %select_n3A_45 : vector<16xi1>, vector<16xi32>
          %parallel_loop3A_934 = vector.shape_cast %parallel_loop3A_933 : vector<16xi32> to vector<16x1xi32>
          %parallel_loop3A_935 = vector.shape_cast %parallel_loop3A_934 : vector<16x1xi32> to vector<16xi32>
          %parallel_loop3A_936 = tpu.dynamic_gather %parallel_loop3A_710#10[%parallel_loop3A_935] in [0] : vector<16xf32>, vector<16xi32> -> vector<16xf32>
          %parallel_loop3A_937 = arith.constant 0 : i32
          %parallel_loop3A_938 = vector.broadcast %parallel_loop3A_937 : i32 to vector<16xi32>
          %parallel_loop3A_939 = arith.cmpi slt, %select_n3A_73, %parallel_loop3A_938 : vector<16xi32>
          %parallel_loop3A_940 = arith.constant 16 : i32
          %parallel_loop3A_941 = vector.broadcast %parallel_loop3A_940 : i32 to vector<16xi32>
          %parallel_loop3A_942 = arith.addi %select_n3A_73, %parallel_loop3A_941 : vector<16xi32>
          %parallel_loop3A_943 = arith.select %parallel_loop3A_939, %parallel_loop3A_942, %select_n3A_73 : vector<16xi1>, vector<16xi32>
          %parallel_loop3A_944 = vector.shape_cast %parallel_loop3A_943 : vector<16xi32> to vector<16x1xi32>
          %parallel_loop3A_945 = vector.shape_cast %parallel_loop3A_944 : vector<16x1xi32> to vector<16xi32>
          %parallel_loop3A_946 = tpu.dynamic_gather %parallel_loop3A_710#10[%parallel_loop3A_945] in [0] : vector<16xf32>, vector<16xi32> -> vector<16xf32>
          %parallel_loop3A_947 = arith.addf %parallel_loop3A_936, %parallel_loop3A_946 : vector<16xf32>
          %parallel_loop3A_948 = arith.constant 0 : i32
          %parallel_loop3A_949 = vector.broadcast %parallel_loop3A_948 : i32 to vector<16xi32>
          %parallel_loop3A_950 = arith.cmpi slt, %select_n3A_45, %parallel_loop3A_949 : vector<16xi32>
          %parallel_loop3A_951 = arith.constant 16 : i32
          %parallel_loop3A_952 = vector.broadcast %parallel_loop3A_951 : i32 to vector<16xi32>
          %parallel_loop3A_953 = arith.addi %select_n3A_45, %parallel_loop3A_952 : vector<16xi32>
          %parallel_loop3A_954 = arith.select %parallel_loop3A_950, %parallel_loop3A_953, %select_n3A_45 : vector<16xi1>, vector<16xi32>
          %parallel_loop3A_955 = vector.shape_cast %parallel_loop3A_954 : vector<16xi32> to vector<16x1xi32>
          %parallel_loop3A_956 = vector.shape_cast %parallel_loop3A_955 : vector<16x1xi32> to vector<16xi32>
          %parallel_loop3A_957 = tpu.dynamic_gather %parallel_loop3A_710#11[%parallel_loop3A_956] in [0] : vector<16xf32>, vector<16xi32> -> vector<16xf32>
          %parallel_loop3A_958 = arith.constant 0 : i32
          %parallel_loop3A_959 = vector.broadcast %parallel_loop3A_958 : i32 to vector<16xi32>
          %parallel_loop3A_960 = arith.cmpi slt, %select_n3A_73, %parallel_loop3A_959 : vector<16xi32>
          %parallel_loop3A_961 = arith.constant 16 : i32
          %parallel_loop3A_962 = vector.broadcast %parallel_loop3A_961 : i32 to vector<16xi32>
          %parallel_loop3A_963 = arith.addi %select_n3A_73, %parallel_loop3A_962 : vector<16xi32>
          %parallel_loop3A_964 = arith.select %parallel_loop3A_960, %parallel_loop3A_963, %select_n3A_73 : vector<16xi1>, vector<16xi32>
          %parallel_loop3A_965 = vector.shape_cast %parallel_loop3A_964 : vector<16xi32> to vector<16x1xi32>
          %parallel_loop3A_966 = vector.shape_cast %parallel_loop3A_965 : vector<16x1xi32> to vector<16xi32>
          %parallel_loop3A_967 = tpu.dynamic_gather %parallel_loop3A_710#11[%parallel_loop3A_966] in [0] : vector<16xf32>, vector<16xi32> -> vector<16xf32>
          %parallel_loop3A_968 = arith.addf %parallel_loop3A_957, %parallel_loop3A_967 : vector<16xf32>
          %parallel_loop3A_969 = arith.select %lt3A_76, %parallel_loop3A_947, %parallel_loop3A_968 : vector<16xi1>, vector<16xf32>
          %parallel_loop3A_970 = arith.constant 0 : i32
          %parallel_loop3A_971 = vector.broadcast %parallel_loop3A_970 : i32 to vector<16xi32>
          %parallel_loop3A_972 = arith.cmpi slt, %select_n3A_45, %parallel_loop3A_971 : vector<16xi32>
          %parallel_loop3A_973 = arith.constant 16 : i32
          %parallel_loop3A_974 = vector.broadcast %parallel_loop3A_973 : i32 to vector<16xi32>
          %parallel_loop3A_975 = arith.addi %select_n3A_45, %parallel_loop3A_974 : vector<16xi32>
          %parallel_loop3A_976 = arith.select %parallel_loop3A_972, %parallel_loop3A_975, %select_n3A_45 : vector<16xi1>, vector<16xi32>
          %parallel_loop3A_977 = vector.shape_cast %parallel_loop3A_976 : vector<16xi32> to vector<16x1xi32>
          %parallel_loop3A_978 = vector.shape_cast %parallel_loop3A_977 : vector<16x1xi32> to vector<16xi32>
          %parallel_loop3A_979 = tpu.dynamic_gather %parallel_loop3A_710#12[%parallel_loop3A_978] in [0] : vector<16xf32>, vector<16xi32> -> vector<16xf32>
          %parallel_loop3A_980 = arith.constant 0 : i32
          %parallel_loop3A_981 = vector.broadcast %parallel_loop3A_980 : i32 to vector<16xi32>
          %parallel_loop3A_982 = arith.cmpi slt, %select_n3A_73, %parallel_loop3A_981 : vector<16xi32>
          %parallel_loop3A_983 = arith.constant 16 : i32
          %parallel_loop3A_984 = vector.broadcast %parallel_loop3A_983 : i32 to vector<16xi32>
          %parallel_loop3A_985 = arith.addi %select_n3A_73, %parallel_loop3A_984 : vector<16xi32>
          %parallel_loop3A_986 = arith.select %parallel_loop3A_982, %parallel_loop3A_985, %select_n3A_73 : vector<16xi1>, vector<16xi32>
          %parallel_loop3A_987 = vector.shape_cast %parallel_loop3A_986 : vector<16xi32> to vector<16x1xi32>
          %parallel_loop3A_988 = vector.shape_cast %parallel_loop3A_987 : vector<16x1xi32> to vector<16xi32>
          %parallel_loop3A_989 = tpu.dynamic_gather %parallel_loop3A_710#12[%parallel_loop3A_988] in [0] : vector<16xf32>, vector<16xi32> -> vector<16xf32>
          %parallel_loop3A_990 = arith.addf %parallel_loop3A_979, %parallel_loop3A_989 : vector<16xf32>
          %parallel_loop3A_991 = arith.constant 0 : i32
          %parallel_loop3A_992 = vector.broadcast %parallel_loop3A_991 : i32 to vector<16xi32>
          %parallel_loop3A_993 = arith.cmpi slt, %select_n3A_45, %parallel_loop3A_992 : vector<16xi32>
          %parallel_loop3A_994 = arith.constant 16 : i32
          %parallel_loop3A_995 = vector.broadcast %parallel_loop3A_994 : i32 to vector<16xi32>
          %parallel_loop3A_996 = arith.addi %select_n3A_45, %parallel_loop3A_995 : vector<16xi32>
          %parallel_loop3A_997 = arith.select %parallel_loop3A_993, %parallel_loop3A_996, %select_n3A_45 : vector<16xi1>, vector<16xi32>
          %parallel_loop3A_998 = vector.shape_cast %parallel_loop3A_997 : vector<16xi32> to vector<16x1xi32>
          %parallel_loop3A_999 = vector.shape_cast %parallel_loop3A_998 : vector<16x1xi32> to vector<16xi32>
          %parallel_loop3A_1000 = tpu.dynamic_gather %parallel_loop3A_710#13[%parallel_loop3A_999] in [0] : vector<16xf32>, vector<16xi32> -> vector<16xf32>
          %parallel_loop3A_1001 = arith.constant 0 : i32
          %parallel_loop3A_1002 = vector.broadcast %parallel_loop3A_1001 : i32 to vector<16xi32>
          %parallel_loop3A_1003 = arith.cmpi slt, %select_n3A_73, %parallel_loop3A_1002 : vector<16xi32>
          %parallel_loop3A_1004 = arith.constant 16 : i32
          %parallel_loop3A_1005 = vector.broadcast %parallel_loop3A_1004 : i32 to vector<16xi32>
          %parallel_loop3A_1006 = arith.addi %select_n3A_73, %parallel_loop3A_1005 : vector<16xi32>
          %parallel_loop3A_1007 = arith.select %parallel_loop3A_1003, %parallel_loop3A_1006, %select_n3A_73 : vector<16xi1>, vector<16xi32>
          %parallel_loop3A_1008 = vector.shape_cast %parallel_loop3A_1007 : vector<16xi32> to vector<16x1xi32>
          %parallel_loop3A_1009 = vector.shape_cast %parallel_loop3A_1008 : vector<16x1xi32> to vector<16xi32>
          %parallel_loop3A_1010 = tpu.dynamic_gather %parallel_loop3A_710#13[%parallel_loop3A_1009] in [0] : vector<16xf32>, vector<16xi32> -> vector<16xf32>
          %parallel_loop3A_1011 = arith.addf %parallel_loop3A_1000, %parallel_loop3A_1010 : vector<16xf32>
          %parallel_loop3A_1012 = arith.select %lt3A_76, %parallel_loop3A_990, %parallel_loop3A_1011 : vector<16xi1>, vector<16xf32>
          %parallel_loop3A_1013 = arith.constant 0 : i32
          %parallel_loop3A_1014 = vector.broadcast %parallel_loop3A_1013 : i32 to vector<16xi32>
          %parallel_loop3A_1015 = arith.cmpi slt, %select_n3A_45, %parallel_loop3A_1014 : vector<16xi32>
          %parallel_loop3A_1016 = arith.constant 16 : i32
          %parallel_loop3A_1017 = vector.broadcast %parallel_loop3A_1016 : i32 to vector<16xi32>
          %parallel_loop3A_1018 = arith.addi %select_n3A_45, %parallel_loop3A_1017 : vector<16xi32>
          %parallel_loop3A_1019 = arith.select %parallel_loop3A_1015, %parallel_loop3A_1018, %select_n3A_45 : vector<16xi1>, vector<16xi32>
          %parallel_loop3A_1020 = vector.shape_cast %parallel_loop3A_1019 : vector<16xi32> to vector<16x1xi32>
          %parallel_loop3A_1021 = vector.shape_cast %parallel_loop3A_1020 : vector<16x1xi32> to vector<16xi32>
          %parallel_loop3A_1022 = tpu.dynamic_gather %parallel_loop3A_710#14[%parallel_loop3A_1021] in [0] : vector<16xf32>, vector<16xi32> -> vector<16xf32>
          %parallel_loop3A_1023 = arith.constant 0 : i32
          %parallel_loop3A_1024 = vector.broadcast %parallel_loop3A_1023 : i32 to vector<16xi32>
          %parallel_loop3A_1025 = arith.cmpi slt, %select_n3A_73, %parallel_loop3A_1024 : vector<16xi32>
          %parallel_loop3A_1026 = arith.constant 16 : i32
          %parallel_loop3A_1027 = vector.broadcast %parallel_loop3A_1026 : i32 to vector<16xi32>
          %parallel_loop3A_1028 = arith.addi %select_n3A_73, %parallel_loop3A_1027 : vector<16xi32>
          %parallel_loop3A_1029 = arith.select %parallel_loop3A_1025, %parallel_loop3A_1028, %select_n3A_73 : vector<16xi1>, vector<16xi32>
          %parallel_loop3A_1030 = vector.shape_cast %parallel_loop3A_1029 : vector<16xi32> to vector<16x1xi32>
          %parallel_loop3A_1031 = vector.shape_cast %parallel_loop3A_1030 : vector<16x1xi32> to vector<16xi32>
          %parallel_loop3A_1032 = tpu.dynamic_gather %parallel_loop3A_710#14[%parallel_loop3A_1031] in [0] : vector<16xf32>, vector<16xi32> -> vector<16xf32>
          %parallel_loop3A_1033 = arith.addf %parallel_loop3A_1022, %parallel_loop3A_1032 : vector<16xf32>
          %parallel_loop3A_1034 = arith.constant 0 : i32
          %parallel_loop3A_1035 = vector.broadcast %parallel_loop3A_1034 : i32 to vector<16xi32>
          %parallel_loop3A_1036 = arith.cmpi slt, %select_n3A_45, %parallel_loop3A_1035 : vector<16xi32>
          %parallel_loop3A_1037 = arith.constant 16 : i32
          %parallel_loop3A_1038 = vector.broadcast %parallel_loop3A_1037 : i32 to vector<16xi32>
          %parallel_loop3A_1039 = arith.addi %select_n3A_45, %parallel_loop3A_1038 : vector<16xi32>
          %parallel_loop3A_1040 = arith.select %parallel_loop3A_1036, %parallel_loop3A_1039, %select_n3A_45 : vector<16xi1>, vector<16xi32>
          %parallel_loop3A_1041 = vector.shape_cast %parallel_loop3A_1040 : vector<16xi32> to vector<16x1xi32>
          %parallel_loop3A_1042 = vector.shape_cast %parallel_loop3A_1041 : vector<16x1xi32> to vector<16xi32>
          %parallel_loop3A_1043 = tpu.dynamic_gather %parallel_loop3A_710#15[%parallel_loop3A_1042] in [0] : vector<16xf32>, vector<16xi32> -> vector<16xf32>
          %parallel_loop3A_1044 = arith.constant 0 : i32
          %parallel_loop3A_1045 = vector.broadcast %parallel_loop3A_1044 : i32 to vector<16xi32>
          %parallel_loop3A_1046 = arith.cmpi slt, %select_n3A_73, %parallel_loop3A_1045 : vector<16xi32>
          %parallel_loop3A_1047 = arith.constant 16 : i32
          %parallel_loop3A_1048 = vector.broadcast %parallel_loop3A_1047 : i32 to vector<16xi32>
          %parallel_loop3A_1049 = arith.addi %select_n3A_73, %parallel_loop3A_1048 : vector<16xi32>
          %parallel_loop3A_1050 = arith.select %parallel_loop3A_1046, %parallel_loop3A_1049, %select_n3A_73 : vector<16xi1>, vector<16xi32>
          %parallel_loop3A_1051 = vector.shape_cast %parallel_loop3A_1050 : vector<16xi32> to vector<16x1xi32>
          %parallel_loop3A_1052 = vector.shape_cast %parallel_loop3A_1051 : vector<16x1xi32> to vector<16xi32>
          %parallel_loop3A_1053 = tpu.dynamic_gather %parallel_loop3A_710#15[%parallel_loop3A_1052] in [0] : vector<16xf32>, vector<16xi32> -> vector<16xf32>
          %parallel_loop3A_1054 = arith.addf %parallel_loop3A_1043, %parallel_loop3A_1053 : vector<16xf32>
          %parallel_loop3A_1055 = arith.select %lt3A_76, %parallel_loop3A_1033, %parallel_loop3A_1054 : vector<16xi1>, vector<16xf32>
          %parallel_loop3A_1056 = arith.constant 0 : i32
          %parallel_loop3A_1057 = vector.broadcast %parallel_loop3A_1056 : i32 to vector<16xi32>
          %parallel_loop3A_1058 = arith.cmpi slt, %select_n3A_45, %parallel_loop3A_1057 : vector<16xi32>
          %parallel_loop3A_1059 = arith.constant 16 : i32
          %parallel_loop3A_1060 = vector.broadcast %parallel_loop3A_1059 : i32 to vector<16xi32>
          %parallel_loop3A_1061 = arith.addi %select_n3A_45, %parallel_loop3A_1060 : vector<16xi32>
          %parallel_loop3A_1062 = arith.select %parallel_loop3A_1058, %parallel_loop3A_1061, %select_n3A_45 : vector<16xi1>, vector<16xi32>
          %parallel_loop3A_1063 = vector.shape_cast %parallel_loop3A_1062 : vector<16xi32> to vector<16x1xi32>
          %parallel_loop3A_1064 = vector.shape_cast %parallel_loop3A_1063 : vector<16x1xi32> to vector<16xi32>
          %parallel_loop3A_1065 = tpu.dynamic_gather %parallel_loop3A_754[%parallel_loop3A_1064] in [0] : vector<16xf32>, vector<16xi32> -> vector<16xf32>
          %parallel_loop3A_1066 = arith.constant 0 : i32
          %parallel_loop3A_1067 = vector.broadcast %parallel_loop3A_1066 : i32 to vector<16xi32>
          %parallel_loop3A_1068 = arith.cmpi slt, %select_n3A_73, %parallel_loop3A_1067 : vector<16xi32>
          %parallel_loop3A_1069 = arith.constant 16 : i32
          %parallel_loop3A_1070 = vector.broadcast %parallel_loop3A_1069 : i32 to vector<16xi32>
          %parallel_loop3A_1071 = arith.addi %select_n3A_73, %parallel_loop3A_1070 : vector<16xi32>
          %parallel_loop3A_1072 = arith.select %parallel_loop3A_1068, %parallel_loop3A_1071, %select_n3A_73 : vector<16xi1>, vector<16xi32>
          %parallel_loop3A_1073 = vector.shape_cast %parallel_loop3A_1072 : vector<16xi32> to vector<16x1xi32>
          %parallel_loop3A_1074 = vector.shape_cast %parallel_loop3A_1073 : vector<16x1xi32> to vector<16xi32>
          %parallel_loop3A_1075 = tpu.dynamic_gather %parallel_loop3A_754[%parallel_loop3A_1074] in [0] : vector<16xf32>, vector<16xi32> -> vector<16xf32>
          %parallel_loop3A_1076 = arith.addf %parallel_loop3A_1065, %parallel_loop3A_1075 : vector<16xf32>
          %parallel_loop3A_1077 = arith.constant 0 : i32
          %parallel_loop3A_1078 = vector.broadcast %parallel_loop3A_1077 : i32 to vector<16xi32>
          %parallel_loop3A_1079 = arith.cmpi slt, %select_n3A_45, %parallel_loop3A_1078 : vector<16xi32>
          %parallel_loop3A_1080 = arith.constant 16 : i32
          %parallel_loop3A_1081 = vector.broadcast %parallel_loop3A_1080 : i32 to vector<16xi32>
          %parallel_loop3A_1082 = arith.addi %select_n3A_45, %parallel_loop3A_1081 : vector<16xi32>
          %parallel_loop3A_1083 = arith.select %parallel_loop3A_1079, %parallel_loop3A_1082, %select_n3A_45 : vector<16xi1>, vector<16xi32>
          %parallel_loop3A_1084 = vector.shape_cast %parallel_loop3A_1083 : vector<16xi32> to vector<16x1xi32>
          %parallel_loop3A_1085 = vector.shape_cast %parallel_loop3A_1084 : vector<16x1xi32> to vector<16xi32>
          %parallel_loop3A_1086 = tpu.dynamic_gather %parallel_loop3A_797[%parallel_loop3A_1085] in [0] : vector<16xf32>, vector<16xi32> -> vector<16xf32>
          %parallel_loop3A_1087 = arith.constant 0 : i32
          %parallel_loop3A_1088 = vector.broadcast %parallel_loop3A_1087 : i32 to vector<16xi32>
          %parallel_loop3A_1089 = arith.cmpi slt, %select_n3A_73, %parallel_loop3A_1088 : vector<16xi32>
          %parallel_loop3A_1090 = arith.constant 16 : i32
          %parallel_loop3A_1091 = vector.broadcast %parallel_loop3A_1090 : i32 to vector<16xi32>
          %parallel_loop3A_1092 = arith.addi %select_n3A_73, %parallel_loop3A_1091 : vector<16xi32>
          %parallel_loop3A_1093 = arith.select %parallel_loop3A_1089, %parallel_loop3A_1092, %select_n3A_73 : vector<16xi1>, vector<16xi32>
          %parallel_loop3A_1094 = vector.shape_cast %parallel_loop3A_1093 : vector<16xi32> to vector<16x1xi32>
          %parallel_loop3A_1095 = vector.shape_cast %parallel_loop3A_1094 : vector<16x1xi32> to vector<16xi32>
          %parallel_loop3A_1096 = tpu.dynamic_gather %parallel_loop3A_797[%parallel_loop3A_1095] in [0] : vector<16xf32>, vector<16xi32> -> vector<16xf32>
          %parallel_loop3A_1097 = arith.addf %parallel_loop3A_1086, %parallel_loop3A_1096 : vector<16xf32>
          %parallel_loop3A_1098 = arith.select %lt3A_76, %parallel_loop3A_1076, %parallel_loop3A_1097 : vector<16xi1>, vector<16xf32>
          %parallel_loop3A_1099 = arith.constant 0 : i32
          %parallel_loop3A_1100 = vector.broadcast %parallel_loop3A_1099 : i32 to vector<16xi32>
          %parallel_loop3A_1101 = arith.cmpi slt, %select_n3A_45, %parallel_loop3A_1100 : vector<16xi32>
          %parallel_loop3A_1102 = arith.constant 16 : i32
          %parallel_loop3A_1103 = vector.broadcast %parallel_loop3A_1102 : i32 to vector<16xi32>
          %parallel_loop3A_1104 = arith.addi %select_n3A_45, %parallel_loop3A_1103 : vector<16xi32>
          %parallel_loop3A_1105 = arith.select %parallel_loop3A_1101, %parallel_loop3A_1104, %select_n3A_45 : vector<16xi1>, vector<16xi32>
          %parallel_loop3A_1106 = vector.shape_cast %parallel_loop3A_1105 : vector<16xi32> to vector<16x1xi32>
          %parallel_loop3A_1107 = vector.shape_cast %parallel_loop3A_1106 : vector<16x1xi32> to vector<16xi32>
          %parallel_loop3A_1108 = tpu.dynamic_gather %parallel_loop3A_840[%parallel_loop3A_1107] in [0] : vector<16xf32>, vector<16xi32> -> vector<16xf32>
          %parallel_loop3A_1109 = arith.constant 0 : i32
          %parallel_loop3A_1110 = vector.broadcast %parallel_loop3A_1109 : i32 to vector<16xi32>
          %parallel_loop3A_1111 = arith.cmpi slt, %select_n3A_73, %parallel_loop3A_1110 : vector<16xi32>
          %parallel_loop3A_1112 = arith.constant 16 : i32
          %parallel_loop3A_1113 = vector.broadcast %parallel_loop3A_1112 : i32 to vector<16xi32>
          %parallel_loop3A_1114 = arith.addi %select_n3A_73, %parallel_loop3A_1113 : vector<16xi32>
          %parallel_loop3A_1115 = arith.select %parallel_loop3A_1111, %parallel_loop3A_1114, %select_n3A_73 : vector<16xi1>, vector<16xi32>
          %parallel_loop3A_1116 = vector.shape_cast %parallel_loop3A_1115 : vector<16xi32> to vector<16x1xi32>
          %parallel_loop3A_1117 = vector.shape_cast %parallel_loop3A_1116 : vector<16x1xi32> to vector<16xi32>
          %parallel_loop3A_1118 = tpu.dynamic_gather %parallel_loop3A_840[%parallel_loop3A_1117] in [0] : vector<16xf32>, vector<16xi32> -> vector<16xf32>
          %parallel_loop3A_1119 = arith.addf %parallel_loop3A_1108, %parallel_loop3A_1118 : vector<16xf32>
          %parallel_loop3A_1120 = arith.constant 0 : i32
          %parallel_loop3A_1121 = vector.broadcast %parallel_loop3A_1120 : i32 to vector<16xi32>
          %parallel_loop3A_1122 = arith.cmpi slt, %select_n3A_45, %parallel_loop3A_1121 : vector<16xi32>
          %parallel_loop3A_1123 = arith.constant 16 : i32
          %parallel_loop3A_1124 = vector.broadcast %parallel_loop3A_1123 : i32 to vector<16xi32>
          %parallel_loop3A_1125 = arith.addi %select_n3A_45, %parallel_loop3A_1124 : vector<16xi32>
          %parallel_loop3A_1126 = arith.select %parallel_loop3A_1122, %parallel_loop3A_1125, %select_n3A_45 : vector<16xi1>, vector<16xi32>
          %parallel_loop3A_1127 = vector.shape_cast %parallel_loop3A_1126 : vector<16xi32> to vector<16x1xi32>
          %parallel_loop3A_1128 = vector.shape_cast %parallel_loop3A_1127 : vector<16x1xi32> to vector<16xi32>
          %parallel_loop3A_1129 = tpu.dynamic_gather %parallel_loop3A_883[%parallel_loop3A_1128] in [0] : vector<16xf32>, vector<16xi32> -> vector<16xf32>
          %parallel_loop3A_1130 = arith.constant 0 : i32
          %parallel_loop3A_1131 = vector.broadcast %parallel_loop3A_1130 : i32 to vector<16xi32>
          %parallel_loop3A_1132 = arith.cmpi slt, %select_n3A_73, %parallel_loop3A_1131 : vector<16xi32>
          %parallel_loop3A_1133 = arith.constant 16 : i32
          %parallel_loop3A_1134 = vector.broadcast %parallel_loop3A_1133 : i32 to vector<16xi32>
          %parallel_loop3A_1135 = arith.addi %select_n3A_73, %parallel_loop3A_1134 : vector<16xi32>
          %parallel_loop3A_1136 = arith.select %parallel_loop3A_1132, %parallel_loop3A_1135, %select_n3A_73 : vector<16xi1>, vector<16xi32>
          %parallel_loop3A_1137 = vector.shape_cast %parallel_loop3A_1136 : vector<16xi32> to vector<16x1xi32>
          %parallel_loop3A_1138 = vector.shape_cast %parallel_loop3A_1137 : vector<16x1xi32> to vector<16xi32>
          %parallel_loop3A_1139 = tpu.dynamic_gather %parallel_loop3A_883[%parallel_loop3A_1138] in [0] : vector<16xf32>, vector<16xi32> -> vector<16xf32>
          %parallel_loop3A_1140 = arith.addf %parallel_loop3A_1129, %parallel_loop3A_1139 : vector<16xf32>
          %parallel_loop3A_1141 = arith.select %lt3A_76, %parallel_loop3A_1119, %parallel_loop3A_1140 : vector<16xi1>, vector<16xf32>
          %parallel_loop3A_1142 = arith.constant 0 : i32
          %parallel_loop3A_1143 = vector.broadcast %parallel_loop3A_1142 : i32 to vector<16xi32>
          %parallel_loop3A_1144 = arith.cmpi slt, %select_n3A_45, %parallel_loop3A_1143 : vector<16xi32>
          %parallel_loop3A_1145 = arith.constant 16 : i32
          %parallel_loop3A_1146 = vector.broadcast %parallel_loop3A_1145 : i32 to vector<16xi32>
          %parallel_loop3A_1147 = arith.addi %select_n3A_45, %parallel_loop3A_1146 : vector<16xi32>
          %parallel_loop3A_1148 = arith.select %parallel_loop3A_1144, %parallel_loop3A_1147, %select_n3A_45 : vector<16xi1>, vector<16xi32>
          %parallel_loop3A_1149 = vector.shape_cast %parallel_loop3A_1148 : vector<16xi32> to vector<16x1xi32>
          %parallel_loop3A_1150 = vector.shape_cast %parallel_loop3A_1149 : vector<16x1xi32> to vector<16xi32>
          %parallel_loop3A_1151 = tpu.dynamic_gather %parallel_loop3A_926[%parallel_loop3A_1150] in [0] : vector<16xf32>, vector<16xi32> -> vector<16xf32>
          %parallel_loop3A_1152 = arith.constant 0 : i32
          %parallel_loop3A_1153 = vector.broadcast %parallel_loop3A_1152 : i32 to vector<16xi32>
          %parallel_loop3A_1154 = arith.cmpi slt, %select_n3A_73, %parallel_loop3A_1153 : vector<16xi32>
          %parallel_loop3A_1155 = arith.constant 16 : i32
          %parallel_loop3A_1156 = vector.broadcast %parallel_loop3A_1155 : i32 to vector<16xi32>
          %parallel_loop3A_1157 = arith.addi %select_n3A_73, %parallel_loop3A_1156 : vector<16xi32>
          %parallel_loop3A_1158 = arith.select %parallel_loop3A_1154, %parallel_loop3A_1157, %select_n3A_73 : vector<16xi1>, vector<16xi32>
          %parallel_loop3A_1159 = vector.shape_cast %parallel_loop3A_1158 : vector<16xi32> to vector<16x1xi32>
          %parallel_loop3A_1160 = vector.shape_cast %parallel_loop3A_1159 : vector<16x1xi32> to vector<16xi32>
          %parallel_loop3A_1161 = tpu.dynamic_gather %parallel_loop3A_926[%parallel_loop3A_1160] in [0] : vector<16xf32>, vector<16xi32> -> vector<16xf32>
          %parallel_loop3A_1162 = arith.addf %parallel_loop3A_1151, %parallel_loop3A_1161 : vector<16xf32>
          %parallel_loop3A_1163 = arith.constant 0 : i32
          %parallel_loop3A_1164 = vector.broadcast %parallel_loop3A_1163 : i32 to vector<16xi32>
          %parallel_loop3A_1165 = arith.cmpi slt, %select_n3A_45, %parallel_loop3A_1164 : vector<16xi32>
          %parallel_loop3A_1166 = arith.constant 16 : i32
          %parallel_loop3A_1167 = vector.broadcast %parallel_loop3A_1166 : i32 to vector<16xi32>
          %parallel_loop3A_1168 = arith.addi %select_n3A_45, %parallel_loop3A_1167 : vector<16xi32>
          %parallel_loop3A_1169 = arith.select %parallel_loop3A_1165, %parallel_loop3A_1168, %select_n3A_45 : vector<16xi1>, vector<16xi32>
          %parallel_loop3A_1170 = vector.shape_cast %parallel_loop3A_1169 : vector<16xi32> to vector<16x1xi32>
          %parallel_loop3A_1171 = vector.shape_cast %parallel_loop3A_1170 : vector<16x1xi32> to vector<16xi32>
          %parallel_loop3A_1172 = tpu.dynamic_gather %parallel_loop3A_969[%parallel_loop3A_1171] in [0] : vector<16xf32>, vector<16xi32> -> vector<16xf32>
          %parallel_loop3A_1173 = arith.constant 0 : i32
          %parallel_loop3A_1174 = vector.broadcast %parallel_loop3A_1173 : i32 to vector<16xi32>
          %parallel_loop3A_1175 = arith.cmpi slt, %select_n3A_73, %parallel_loop3A_1174 : vector<16xi32>
          %parallel_loop3A_1176 = arith.constant 16 : i32
          %parallel_loop3A_1177 = vector.broadcast %parallel_loop3A_1176 : i32 to vector<16xi32>
          %parallel_loop3A_1178 = arith.addi %select_n3A_73, %parallel_loop3A_1177 : vector<16xi32>
          %parallel_loop3A_1179 = arith.select %parallel_loop3A_1175, %parallel_loop3A_1178, %select_n3A_73 : vector<16xi1>, vector<16xi32>
          %parallel_loop3A_1180 = vector.shape_cast %parallel_loop3A_1179 : vector<16xi32> to vector<16x1xi32>
          %parallel_loop3A_1181 = vector.shape_cast %parallel_loop3A_1180 : vector<16x1xi32> to vector<16xi32>
          %parallel_loop3A_1182 = tpu.dynamic_gather %parallel_loop3A_969[%parallel_loop3A_1181] in [0] : vector<16xf32>, vector<16xi32> -> vector<16xf32>
          %parallel_loop3A_1183 = arith.addf %parallel_loop3A_1172, %parallel_loop3A_1182 : vector<16xf32>
          %parallel_loop3A_1184 = arith.select %lt3A_76, %parallel_loop3A_1162, %parallel_loop3A_1183 : vector<16xi1>, vector<16xf32>
          %parallel_loop3A_1185 = arith.constant 0 : i32
          %parallel_loop3A_1186 = vector.broadcast %parallel_loop3A_1185 : i32 to vector<16xi32>
          %parallel_loop3A_1187 = arith.cmpi slt, %select_n3A_45, %parallel_loop3A_1186 : vector<16xi32>
          %parallel_loop3A_1188 = arith.constant 16 : i32
          %parallel_loop3A_1189 = vector.broadcast %parallel_loop3A_1188 : i32 to vector<16xi32>
          %parallel_loop3A_1190 = arith.addi %select_n3A_45, %parallel_loop3A_1189 : vector<16xi32>
          %parallel_loop3A_1191 = arith.select %parallel_loop3A_1187, %parallel_loop3A_1190, %select_n3A_45 : vector<16xi1>, vector<16xi32>
          %parallel_loop3A_1192 = vector.shape_cast %parallel_loop3A_1191 : vector<16xi32> to vector<16x1xi32>
          %parallel_loop3A_1193 = vector.shape_cast %parallel_loop3A_1192 : vector<16x1xi32> to vector<16xi32>
          %parallel_loop3A_1194 = tpu.dynamic_gather %parallel_loop3A_1012[%parallel_loop3A_1193] in [0] : vector<16xf32>, vector<16xi32> -> vector<16xf32>
          %parallel_loop3A_1195 = arith.constant 0 : i32
          %parallel_loop3A_1196 = vector.broadcast %parallel_loop3A_1195 : i32 to vector<16xi32>
          %parallel_loop3A_1197 = arith.cmpi slt, %select_n3A_73, %parallel_loop3A_1196 : vector<16xi32>
          %parallel_loop3A_1198 = arith.constant 16 : i32
          %parallel_loop3A_1199 = vector.broadcast %parallel_loop3A_1198 : i32 to vector<16xi32>
          %parallel_loop3A_1200 = arith.addi %select_n3A_73, %parallel_loop3A_1199 : vector<16xi32>
          %parallel_loop3A_1201 = arith.select %parallel_loop3A_1197, %parallel_loop3A_1200, %select_n3A_73 : vector<16xi1>, vector<16xi32>
          %parallel_loop3A_1202 = vector.shape_cast %parallel_loop3A_1201 : vector<16xi32> to vector<16x1xi32>
          %parallel_loop3A_1203 = vector.shape_cast %parallel_loop3A_1202 : vector<16x1xi32> to vector<16xi32>
          %parallel_loop3A_1204 = tpu.dynamic_gather %parallel_loop3A_1012[%parallel_loop3A_1203] in [0] : vector<16xf32>, vector<16xi32> -> vector<16xf32>
          %parallel_loop3A_1205 = arith.addf %parallel_loop3A_1194, %parallel_loop3A_1204 : vector<16xf32>
          %parallel_loop3A_1206 = arith.constant 0 : i32
          %parallel_loop3A_1207 = vector.broadcast %parallel_loop3A_1206 : i32 to vector<16xi32>
          %parallel_loop3A_1208 = arith.cmpi slt, %select_n3A_45, %parallel_loop3A_1207 : vector<16xi32>
          %parallel_loop3A_1209 = arith.constant 16 : i32
          %parallel_loop3A_1210 = vector.broadcast %parallel_loop3A_1209 : i32 to vector<16xi32>
          %parallel_loop3A_1211 = arith.addi %select_n3A_45, %parallel_loop3A_1210 : vector<16xi32>
          %parallel_loop3A_1212 = arith.select %parallel_loop3A_1208, %parallel_loop3A_1211, %select_n3A_45 : vector<16xi1>, vector<16xi32>
          %parallel_loop3A_1213 = vector.shape_cast %parallel_loop3A_1212 : vector<16xi32> to vector<16x1xi32>
          %parallel_loop3A_1214 = vector.shape_cast %parallel_loop3A_1213 : vector<16x1xi32> to vector<16xi32>
          %parallel_loop3A_1215 = tpu.dynamic_gather %parallel_loop3A_1055[%parallel_loop3A_1214] in [0] : vector<16xf32>, vector<16xi32> -> vector<16xf32>
          %parallel_loop3A_1216 = arith.constant 0 : i32
          %parallel_loop3A_1217 = vector.broadcast %parallel_loop3A_1216 : i32 to vector<16xi32>
          %parallel_loop3A_1218 = arith.cmpi slt, %select_n3A_73, %parallel_loop3A_1217 : vector<16xi32>
          %parallel_loop3A_1219 = arith.constant 16 : i32
          %parallel_loop3A_1220 = vector.broadcast %parallel_loop3A_1219 : i32 to vector<16xi32>
          %parallel_loop3A_1221 = arith.addi %select_n3A_73, %parallel_loop3A_1220 : vector<16xi32>
          %parallel_loop3A_1222 = arith.select %parallel_loop3A_1218, %parallel_loop3A_1221, %select_n3A_73 : vector<16xi1>, vector<16xi32>
          %parallel_loop3A_1223 = vector.shape_cast %parallel_loop3A_1222 : vector<16xi32> to vector<16x1xi32>
          %parallel_loop3A_1224 = vector.shape_cast %parallel_loop3A_1223 : vector<16x1xi32> to vector<16xi32>
          %parallel_loop3A_1225 = tpu.dynamic_gather %parallel_loop3A_1055[%parallel_loop3A_1224] in [0] : vector<16xf32>, vector<16xi32> -> vector<16xf32>
          %parallel_loop3A_1226 = arith.addf %parallel_loop3A_1215, %parallel_loop3A_1225 : vector<16xf32>
          %parallel_loop3A_1227 = arith.select %lt3A_76, %parallel_loop3A_1205, %parallel_loop3A_1226 : vector<16xi1>, vector<16xf32>
          %parallel_loop3A_1228 = arith.constant 0 : i32
          %parallel_loop3A_1229 = vector.broadcast %parallel_loop3A_1228 : i32 to vector<16xi32>
          %parallel_loop3A_1230 = arith.cmpi slt, %select_n3A_45, %parallel_loop3A_1229 : vector<16xi32>
          %parallel_loop3A_1231 = arith.constant 16 : i32
          %parallel_loop3A_1232 = vector.broadcast %parallel_loop3A_1231 : i32 to vector<16xi32>
          %parallel_loop3A_1233 = arith.addi %select_n3A_45, %parallel_loop3A_1232 : vector<16xi32>
          %parallel_loop3A_1234 = arith.select %parallel_loop3A_1230, %parallel_loop3A_1233, %select_n3A_45 : vector<16xi1>, vector<16xi32>
          %parallel_loop3A_1235 = vector.shape_cast %parallel_loop3A_1234 : vector<16xi32> to vector<16x1xi32>
          %parallel_loop3A_1236 = vector.shape_cast %parallel_loop3A_1235 : vector<16x1xi32> to vector<16xi32>
          %parallel_loop3A_1237 = tpu.dynamic_gather %parallel_loop3A_1098[%parallel_loop3A_1236] in [0] : vector<16xf32>, vector<16xi32> -> vector<16xf32>
          %parallel_loop3A_1238 = arith.constant 0 : i32
          %parallel_loop3A_1239 = vector.broadcast %parallel_loop3A_1238 : i32 to vector<16xi32>
          %parallel_loop3A_1240 = arith.cmpi slt, %select_n3A_73, %parallel_loop3A_1239 : vector<16xi32>
          %parallel_loop3A_1241 = arith.constant 16 : i32
          %parallel_loop3A_1242 = vector.broadcast %parallel_loop3A_1241 : i32 to vector<16xi32>
          %parallel_loop3A_1243 = arith.addi %select_n3A_73, %parallel_loop3A_1242 : vector<16xi32>
          %parallel_loop3A_1244 = arith.select %parallel_loop3A_1240, %parallel_loop3A_1243, %select_n3A_73 : vector<16xi1>, vector<16xi32>
          %parallel_loop3A_1245 = vector.shape_cast %parallel_loop3A_1244 : vector<16xi32> to vector<16x1xi32>
          %parallel_loop3A_1246 = vector.shape_cast %parallel_loop3A_1245 : vector<16x1xi32> to vector<16xi32>
          %parallel_loop3A_1247 = tpu.dynamic_gather %parallel_loop3A_1098[%parallel_loop3A_1246] in [0] : vector<16xf32>, vector<16xi32> -> vector<16xf32>
          %parallel_loop3A_1248 = arith.addf %parallel_loop3A_1237, %parallel_loop3A_1247 : vector<16xf32>
          %parallel_loop3A_1249 = arith.constant 0 : i32
          %parallel_loop3A_1250 = vector.broadcast %parallel_loop3A_1249 : i32 to vector<16xi32>
          %parallel_loop3A_1251 = arith.cmpi slt, %select_n3A_45, %parallel_loop3A_1250 : vector<16xi32>
          %parallel_loop3A_1252 = arith.constant 16 : i32
          %parallel_loop3A_1253 = vector.broadcast %parallel_loop3A_1252 : i32 to vector<16xi32>
          %parallel_loop3A_1254 = arith.addi %select_n3A_45, %parallel_loop3A_1253 : vector<16xi32>
          %parallel_loop3A_1255 = arith.select %parallel_loop3A_1251, %parallel_loop3A_1254, %select_n3A_45 : vector<16xi1>, vector<16xi32>
          %parallel_loop3A_1256 = vector.shape_cast %parallel_loop3A_1255 : vector<16xi32> to vector<16x1xi32>
          %parallel_loop3A_1257 = vector.shape_cast %parallel_loop3A_1256 : vector<16x1xi32> to vector<16xi32>
          %parallel_loop3A_1258 = tpu.dynamic_gather %parallel_loop3A_1141[%parallel_loop3A_1257] in [0] : vector<16xf32>, vector<16xi32> -> vector<16xf32>
          %parallel_loop3A_1259 = arith.constant 0 : i32
          %parallel_loop3A_1260 = vector.broadcast %parallel_loop3A_1259 : i32 to vector<16xi32>
          %parallel_loop3A_1261 = arith.cmpi slt, %select_n3A_73, %parallel_loop3A_1260 : vector<16xi32>
          %parallel_loop3A_1262 = arith.constant 16 : i32
          %parallel_loop3A_1263 = vector.broadcast %parallel_loop3A_1262 : i32 to vector<16xi32>
          %parallel_loop3A_1264 = arith.addi %select_n3A_73, %parallel_loop3A_1263 : vector<16xi32>
          %parallel_loop3A_1265 = arith.select %parallel_loop3A_1261, %parallel_loop3A_1264, %select_n3A_73 : vector<16xi1>, vector<16xi32>
          %parallel_loop3A_1266 = vector.shape_cast %parallel_loop3A_1265 : vector<16xi32> to vector<16x1xi32>
          %parallel_loop3A_1267 = vector.shape_cast %parallel_loop3A_1266 : vector<16x1xi32> to vector<16xi32>
          %parallel_loop3A_1268 = tpu.dynamic_gather %parallel_loop3A_1141[%parallel_loop3A_1267] in [0] : vector<16xf32>, vector<16xi32> -> vector<16xf32>
          %parallel_loop3A_1269 = arith.addf %parallel_loop3A_1258, %parallel_loop3A_1268 : vector<16xf32>
          %parallel_loop3A_1270 = arith.select %lt3A_76, %parallel_loop3A_1248, %parallel_loop3A_1269 : vector<16xi1>, vector<16xf32>
          %parallel_loop3A_1271 = arith.constant 0 : i32
          %parallel_loop3A_1272 = vector.broadcast %parallel_loop3A_1271 : i32 to vector<16xi32>
          %parallel_loop3A_1273 = arith.cmpi slt, %select_n3A_45, %parallel_loop3A_1272 : vector<16xi32>
          %parallel_loop3A_1274 = arith.constant 16 : i32
          %parallel_loop3A_1275 = vector.broadcast %parallel_loop3A_1274 : i32 to vector<16xi32>
          %parallel_loop3A_1276 = arith.addi %select_n3A_45, %parallel_loop3A_1275 : vector<16xi32>
          %parallel_loop3A_1277 = arith.select %parallel_loop3A_1273, %parallel_loop3A_1276, %select_n3A_45 : vector<16xi1>, vector<16xi32>
          %parallel_loop3A_1278 = vector.shape_cast %parallel_loop3A_1277 : vector<16xi32> to vector<16x1xi32>
          %parallel_loop3A_1279 = vector.shape_cast %parallel_loop3A_1278 : vector<16x1xi32> to vector<16xi32>
          %parallel_loop3A_1280 = tpu.dynamic_gather %parallel_loop3A_1184[%parallel_loop3A_1279] in [0] : vector<16xf32>, vector<16xi32> -> vector<16xf32>
          %parallel_loop3A_1281 = arith.constant 0 : i32
          %parallel_loop3A_1282 = vector.broadcast %parallel_loop3A_1281 : i32 to vector<16xi32>
          %parallel_loop3A_1283 = arith.cmpi slt, %select_n3A_73, %parallel_loop3A_1282 : vector<16xi32>
          %parallel_loop3A_1284 = arith.constant 16 : i32
          %parallel_loop3A_1285 = vector.broadcast %parallel_loop3A_1284 : i32 to vector<16xi32>
          %parallel_loop3A_1286 = arith.addi %select_n3A_73, %parallel_loop3A_1285 : vector<16xi32>
          %parallel_loop3A_1287 = arith.select %parallel_loop3A_1283, %parallel_loop3A_1286, %select_n3A_73 : vector<16xi1>, vector<16xi32>
          %parallel_loop3A_1288 = vector.shape_cast %parallel_loop3A_1287 : vector<16xi32> to vector<16x1xi32>
          %parallel_loop3A_1289 = vector.shape_cast %parallel_loop3A_1288 : vector<16x1xi32> to vector<16xi32>
          %parallel_loop3A_1290 = tpu.dynamic_gather %parallel_loop3A_1184[%parallel_loop3A_1289] in [0] : vector<16xf32>, vector<16xi32> -> vector<16xf32>
          %parallel_loop3A_1291 = arith.addf %parallel_loop3A_1280, %parallel_loop3A_1290 : vector<16xf32>
          %parallel_loop3A_1292 = arith.constant 0 : i32
          %parallel_loop3A_1293 = vector.broadcast %parallel_loop3A_1292 : i32 to vector<16xi32>
          %parallel_loop3A_1294 = arith.cmpi slt, %select_n3A_45, %parallel_loop3A_1293 : vector<16xi32>
          %parallel_loop3A_1295 = arith.constant 16 : i32
          %parallel_loop3A_1296 = vector.broadcast %parallel_loop3A_1295 : i32 to vector<16xi32>
          %parallel_loop3A_1297 = arith.addi %select_n3A_45, %parallel_loop3A_1296 : vector<16xi32>
          %parallel_loop3A_1298 = arith.select %parallel_loop3A_1294, %parallel_loop3A_1297, %select_n3A_45 : vector<16xi1>, vector<16xi32>
          %parallel_loop3A_1299 = vector.shape_cast %parallel_loop3A_1298 : vector<16xi32> to vector<16x1xi32>
          %parallel_loop3A_1300 = vector.shape_cast %parallel_loop3A_1299 : vector<16x1xi32> to vector<16xi32>
          %parallel_loop3A_1301 = tpu.dynamic_gather %parallel_loop3A_1227[%parallel_loop3A_1300] in [0] : vector<16xf32>, vector<16xi32> -> vector<16xf32>
          %parallel_loop3A_1302 = arith.constant 0 : i32
          %parallel_loop3A_1303 = vector.broadcast %parallel_loop3A_1302 : i32 to vector<16xi32>
          %parallel_loop3A_1304 = arith.cmpi slt, %select_n3A_73, %parallel_loop3A_1303 : vector<16xi32>
          %parallel_loop3A_1305 = arith.constant 16 : i32
          %parallel_loop3A_1306 = vector.broadcast %parallel_loop3A_1305 : i32 to vector<16xi32>
          %parallel_loop3A_1307 = arith.addi %select_n3A_73, %parallel_loop3A_1306 : vector<16xi32>
          %parallel_loop3A_1308 = arith.select %parallel_loop3A_1304, %parallel_loop3A_1307, %select_n3A_73 : vector<16xi1>, vector<16xi32>
          %parallel_loop3A_1309 = vector.shape_cast %parallel_loop3A_1308 : vector<16xi32> to vector<16x1xi32>
          %parallel_loop3A_1310 = vector.shape_cast %parallel_loop3A_1309 : vector<16x1xi32> to vector<16xi32>
          %parallel_loop3A_1311 = tpu.dynamic_gather %parallel_loop3A_1227[%parallel_loop3A_1310] in [0] : vector<16xf32>, vector<16xi32> -> vector<16xf32>
          %parallel_loop3A_1312 = arith.addf %parallel_loop3A_1301, %parallel_loop3A_1311 : vector<16xf32>
          %parallel_loop3A_1313 = arith.select %lt3A_76, %parallel_loop3A_1291, %parallel_loop3A_1312 : vector<16xi1>, vector<16xf32>
          %parallel_loop3A_1314 = arith.constant 0 : i32
          %parallel_loop3A_1315 = vector.broadcast %parallel_loop3A_1314 : i32 to vector<16xi32>
          %parallel_loop3A_1316 = arith.cmpi slt, %select_n3A_45, %parallel_loop3A_1315 : vector<16xi32>
          %parallel_loop3A_1317 = arith.constant 16 : i32
          %parallel_loop3A_1318 = vector.broadcast %parallel_loop3A_1317 : i32 to vector<16xi32>
          %parallel_loop3A_1319 = arith.addi %select_n3A_45, %parallel_loop3A_1318 : vector<16xi32>
          %parallel_loop3A_1320 = arith.select %parallel_loop3A_1316, %parallel_loop3A_1319, %select_n3A_45 : vector<16xi1>, vector<16xi32>
          %parallel_loop3A_1321 = vector.shape_cast %parallel_loop3A_1320 : vector<16xi32> to vector<16x1xi32>
          %parallel_loop3A_1322 = vector.shape_cast %parallel_loop3A_1321 : vector<16x1xi32> to vector<16xi32>
          %parallel_loop3A_1323 = tpu.dynamic_gather %parallel_loop3A_1270[%parallel_loop3A_1322] in [0] : vector<16xf32>, vector<16xi32> -> vector<16xf32>
          %parallel_loop3A_1324 = arith.constant 0 : i32
          %parallel_loop3A_1325 = vector.broadcast %parallel_loop3A_1324 : i32 to vector<16xi32>
          %parallel_loop3A_1326 = arith.cmpi slt, %select_n3A_73, %parallel_loop3A_1325 : vector<16xi32>
          %parallel_loop3A_1327 = arith.constant 16 : i32
          %parallel_loop3A_1328 = vector.broadcast %parallel_loop3A_1327 : i32 to vector<16xi32>
          %parallel_loop3A_1329 = arith.addi %select_n3A_73, %parallel_loop3A_1328 : vector<16xi32>
          %parallel_loop3A_1330 = arith.select %parallel_loop3A_1326, %parallel_loop3A_1329, %select_n3A_73 : vector<16xi1>, vector<16xi32>
          %parallel_loop3A_1331 = vector.shape_cast %parallel_loop3A_1330 : vector<16xi32> to vector<16x1xi32>
          %parallel_loop3A_1332 = vector.shape_cast %parallel_loop3A_1331 : vector<16x1xi32> to vector<16xi32>
          %parallel_loop3A_1333 = tpu.dynamic_gather %parallel_loop3A_1270[%parallel_loop3A_1332] in [0] : vector<16xf32>, vector<16xi32> -> vector<16xf32>
          %parallel_loop3A_1334 = arith.addf %parallel_loop3A_1323, %parallel_loop3A_1333 : vector<16xf32>
          %parallel_loop3A_1335 = arith.constant 0 : i32
          %parallel_loop3A_1336 = vector.broadcast %parallel_loop3A_1335 : i32 to vector<16xi32>
          %parallel_loop3A_1337 = arith.cmpi slt, %select_n3A_45, %parallel_loop3A_1336 : vector<16xi32>
          %parallel_loop3A_1338 = arith.constant 16 : i32
          %parallel_loop3A_1339 = vector.broadcast %parallel_loop3A_1338 : i32 to vector<16xi32>
          %parallel_loop3A_1340 = arith.addi %select_n3A_45, %parallel_loop3A_1339 : vector<16xi32>
          %parallel_loop3A_1341 = arith.select %parallel_loop3A_1337, %parallel_loop3A_1340, %select_n3A_45 : vector<16xi1>, vector<16xi32>
          %parallel_loop3A_1342 = vector.shape_cast %parallel_loop3A_1341 : vector<16xi32> to vector<16x1xi32>
          %parallel_loop3A_1343 = vector.shape_cast %parallel_loop3A_1342 : vector<16x1xi32> to vector<16xi32>
          %parallel_loop3A_1344 = tpu.dynamic_gather %parallel_loop3A_1313[%parallel_loop3A_1343] in [0] : vector<16xf32>, vector<16xi32> -> vector<16xf32>
          %parallel_loop3A_1345 = arith.constant 0 : i32
          %parallel_loop3A_1346 = vector.broadcast %parallel_loop3A_1345 : i32 to vector<16xi32>
          %parallel_loop3A_1347 = arith.cmpi slt, %select_n3A_73, %parallel_loop3A_1346 : vector<16xi32>
          %parallel_loop3A_1348 = arith.constant 16 : i32
          %parallel_loop3A_1349 = vector.broadcast %parallel_loop3A_1348 : i32 to vector<16xi32>
          %parallel_loop3A_1350 = arith.addi %select_n3A_73, %parallel_loop3A_1349 : vector<16xi32>
          %parallel_loop3A_1351 = arith.select %parallel_loop3A_1347, %parallel_loop3A_1350, %select_n3A_73 : vector<16xi1>, vector<16xi32>
          %parallel_loop3A_1352 = vector.shape_cast %parallel_loop3A_1351 : vector<16xi32> to vector<16x1xi32>
          %parallel_loop3A_1353 = vector.shape_cast %parallel_loop3A_1352 : vector<16x1xi32> to vector<16xi32>
          %parallel_loop3A_1354 = tpu.dynamic_gather %parallel_loop3A_1313[%parallel_loop3A_1353] in [0] : vector<16xf32>, vector<16xi32> -> vector<16xf32>
          %parallel_loop3A_1355 = arith.addf %parallel_loop3A_1344, %parallel_loop3A_1354 : vector<16xf32>
          %parallel_loop3A_1356 = arith.select %lt3A_76, %parallel_loop3A_1334, %parallel_loop3A_1355 : vector<16xi1>, vector<16xf32>
          %parallel_loop3A_1357 = arith.constant 16 : i32
          %parallel_loop3A_1358 = arith.muli %parallel_loop3A_209, %parallel_loop3A_1357 : i32
          %parallel_loop3A_1359 = arith.index_cast %parallel_loop3A_1358 : i32 to index
          %parallel_loop3A_1360 = tpu.vector_load %arg14[%parallel_loop3A_1359] {strides = array<i32>} : memref<128xf32, #tpu.memory_space<vmem>>, vector<16xf32>,
          %parallel_loop3A_1361 = vector.shape_cast %parallel_loop3A_1360 : vector<16xf32> to vector<16xf32>
          %parallel_loop3A_1362 = vector.shape_cast %parallel_loop3A_1356 : vector<16xf32> to vector<16xf32>
          tpu.vector_store %arg14[%parallel_loop3A_1359], %parallel_loop3A_1362 {strides = array<i32>} : memref<128xf32, #tpu.memory_space<vmem>>, vector<16xf32>,
        } {sc.loop_unroll_factor = 1 : i64, sc.parallel_access}
        %mul3A_202 = arith.constant 32 : i32
        %mul3A_203 = arith.muli %add3A_167, %mul3A_202 : i32
        %add3A_204 = arith.addi %add3A, %mul3A_203 : i32
        %mul3A_205 = arith.constant 128 : i32
        %mul3A_206 = arith.muli %add3A_204, %mul3A_205 : i32
        %dma_start3A_207 = tpu.memref_slice %arg5[%mul3A_206] : memref<160000xf32, #tpu.memory_space<hbm>> -> memref<128xf32, #tpu.memory_space<hbm>>
        %dma_start3A_208 = tpu.memref_slice %arg5[%mul3A_206] : memref<160000xf32, #tpu.memory_space<hbm>> -> memref<128xf32, #tpu.memory_space<hbm>>
        tpu.enqueue_dma source(%arg14 : memref<128xf32, #tpu.memory_space<vmem>>) target(%dma_start3A_208 : memref<128xf32, #tpu.memory_space<hbm>>) target_semaphore(%arg24 : memref<!tpu.dma_semaphore, #tpu.memory_space<semaphore_mem>>)
      } else {
      }
      %add3A_172 = arith.constant 1 : i32
      %add3A_173 = arith.addi %add3A_165, %add3A_172 : i32
      %lt3A_174 = arith.cmpi slt, %add3A_173, %select_n3A : i32
      %convert_element_type3A_175 = arith.extui %lt3A_174 : i1 to i32
      %cond3A_176 = arith.constant 0 : i32
      %cond3A_177 = arith.cmpi ne, %convert_element_type3A_175, %cond3A_176 : i32
      scf.if %cond3A_177 {
        %dma_wait3A_178 = arith.constant 0 : i32
        %dma_wait3A_179 = arith.constant 0 : i32
        %dma_wait3A_180 = tpu.memref_slice %arg2[%dma_wait3A_178, %dma_wait3A_179] : memref<10000x128xi32, #tpu.memory_space<hbm>> -> memref<10000x128xi32, #tpu.memory_space<hbm>>
        tpu.wait_indirect_dma semaphore(%arg21 : memref<!tpu.dma_semaphore, #tpu.memory_space<semaphore_mem>>) src(%dma_wait3A_180 : memref<10000x128xi32, #tpu.memory_space<hbm>>) dst(%arg11 : memref<128x128xi32, #tpu.memory_space<vmem>>)
        %dma_wait3A_181 = arith.constant 0 : i32
        %dma_wait3A_182 = arith.constant 0 : i32
        %dma_wait3A_183 = tpu.memref_slice %arg2[%dma_wait3A_181, %dma_wait3A_182] : memref<10000x128xi32, #tpu.memory_space<hbm>> -> memref<10000x128xi32, #tpu.memory_space<hbm>>
        tpu.wait_indirect_dma semaphore(%arg23 : memref<!tpu.dma_semaphore, #tpu.memory_space<semaphore_mem>>) src(%dma_wait3A_183 : memref<10000x128xi32, #tpu.memory_space<hbm>>) dst(%arg13 : memref<128x128xi32, #tpu.memory_space<vmem>>)
        %add3A_184 = arith.constant 1 : i32
        %add3A_185 = arith.addi %add3A_173, %add3A_184 : i32
        %lt3A_186 = arith.cmpi slt, %add3A_185, %select_n3A : i32
        %convert_element_type3A_187 = arith.extui %lt3A_186 : i1 to i32
        %cond3A_188 = arith.constant 0 : i32
        %cond3A_189 = arith.cmpi ne, %convert_element_type3A_187, %cond3A_188 : i32
        scf.if %cond3A_189 {
          %add3A_209 = arith.constant 1 : i32
          %add3A_210 = arith.addi %add3A_173, %add3A_209 : i32
          %mul3A_211 = arith.constant 32 : i32
          %mul3A_212 = arith.muli %add3A_210, %mul3A_211 : i32
          %add3A_213 = arith.addi %add3A, %mul3A_212 : i32
          %mul3A_214 = arith.constant 128 : i32
          %mul3A_215 = arith.muli %add3A_213, %mul3A_214 : i32
          %dma_wait3A_216 = tpu.memref_slice %arg3[%mul3A_215] : memref<160000xi32, #tpu.memory_space<hbm>> -> memref<128xi32, #tpu.memory_space<hbm>>
          %dma_wait3A_217 = tpu.memref_slice %arg3[%mul3A_215] : memref<160000xi32, #tpu.memory_space<hbm>> -> memref<128xi32, #tpu.memory_space<hbm>>
          tpu.wait_dma2 semaphore(%arg16 : memref<!tpu.dma_semaphore, #tpu.memory_space<semaphore_mem>>) src(%dma_wait3A_217 : memref<128xi32, #tpu.memory_space<hbm>>) dst(%arg6 : memref<128xi32, #tpu.memory_space<vmem>>)
          %mul3A_218 = arith.constant 32 : i32
          %mul3A_219 = arith.muli %add3A_210, %mul3A_218 : i32
          %add3A_220 = arith.addi %add3A, %mul3A_219 : i32
          %mul3A_221 = arith.constant 128 : i32
          %mul3A_222 = arith.muli %add3A_220, %mul3A_221 : i32
          %dma_wait3A_223 = tpu.memref_slice %arg4[%mul3A_222] : memref<160000xi32, #tpu.memory_space<hbm>> -> memref<128xi32, #tpu.memory_space<hbm>>
          %dma_wait3A_224 = tpu.memref_slice %arg4[%mul3A_222] : memref<160000xi32, #tpu.memory_space<hbm>> -> memref<128xi32, #tpu.memory_space<hbm>>
          tpu.wait_dma2 semaphore(%arg18 : memref<!tpu.dma_semaphore, #tpu.memory_space<semaphore_mem>>) src(%dma_wait3A_224 : memref<128xi32, #tpu.memory_space<hbm>>) dst(%arg8 : memref<128xi32, #tpu.memory_space<vmem>>)
          %dma_start3A_225 = arith.constant 0 : i32
          %dma_start3A_226 = arith.constant 0 : i32
          %dma_start3A_227 = tpu.memref_slice %arg2[%dma_start3A_225, %dma_start3A_226] : memref<10000x128xi32, #tpu.memory_space<hbm>> -> memref<10000x128xi32, #tpu.memory_space<hbm>>
          tpu.enqueue_indirect_dma source(%dma_start3A_227 : memref<10000x128xi32, #tpu.memory_space<hbm>>) target(%arg10 : memref<128x128xi32, #tpu.memory_space<vmem>>) offsets(%arg6 : memref<128xi32, #tpu.memory_space<vmem>>) semaphore(%arg20 : memref<!tpu.dma_semaphore, #tpu.memory_space<semaphore_mem>>)
          %dma_start3A_228 = arith.constant 0 : i32
          %dma_start3A_229 = arith.constant 0 : i32
          %dma_start3A_230 = tpu.memref_slice %arg2[%dma_start3A_228, %dma_start3A_229] : memref<10000x128xi32, #tpu.memory_space<hbm>> -> memref<10000x128xi32, #tpu.memory_space<hbm>>
          tpu.enqueue_indirect_dma source(%dma_start3A_230 : memref<10000x128xi32, #tpu.memory_space<hbm>>) target(%arg12 : memref<128x128xi32, #tpu.memory_space<vmem>>) offsets(%arg8 : memref<128xi32, #tpu.memory_space<vmem>>) semaphore(%arg22 : memref<!tpu.dma_semaphore, #tpu.memory_space<semaphore_mem>>)
        } else {
        }
        %add3A_190 = arith.constant 2 : i32
        %add3A_191 = arith.addi %add3A_173, %add3A_190 : i32
        %lt3A_192 = arith.cmpi slt, %add3A_191, %select_n3A : i32
        %convert_element_type3A_193 = arith.extui %lt3A_192 : i1 to i32
        %cond3A_194 = arith.constant 0 : i32
        %cond3A_195 = arith.cmpi ne, %convert_element_type3A_193, %cond3A_194 : i32
        scf.if %cond3A_195 {
          %add3A_209 = arith.constant 2 : i32
          %add3A_210 = arith.addi %add3A_173, %add3A_209 : i32
          %mul3A_211 = arith.constant 32 : i32
          %mul3A_212 = arith.muli %add3A_210, %mul3A_211 : i32
          %add3A_213 = arith.addi %add3A, %mul3A_212 : i32
          %mul3A_214 = arith.constant 128 : i32
          %mul3A_215 = arith.muli %add3A_213, %mul3A_214 : i32
          %dma_start3A_216 = tpu.memref_slice %arg3[%mul3A_215] : memref<160000xi32, #tpu.memory_space<hbm>> -> memref<128xi32, #tpu.memory_space<hbm>>
          %dma_start3A_217 = tpu.memref_slice %arg3[%mul3A_215] : memref<160000xi32, #tpu.memory_space<hbm>> -> memref<128xi32, #tpu.memory_space<hbm>>
          tpu.enqueue_dma source(%dma_start3A_217 : memref<128xi32, #tpu.memory_space<hbm>>) target(%arg7 : memref<128xi32, #tpu.memory_space<vmem>>) target_semaphore(%arg17 : memref<!tpu.dma_semaphore, #tpu.memory_space<semaphore_mem>>)
          %mul3A_218 = arith.constant 32 : i32
          %mul3A_219 = arith.muli %add3A_210, %mul3A_218 : i32
          %add3A_220 = arith.addi %add3A, %mul3A_219 : i32
          %mul3A_221 = arith.constant 128 : i32
          %mul3A_222 = arith.muli %add3A_220, %mul3A_221 : i32
          %dma_start3A_223 = tpu.memref_slice %arg4[%mul3A_222] : memref<160000xi32, #tpu.memory_space<hbm>> -> memref<128xi32, #tpu.memory_space<hbm>>
          %dma_start3A_224 = tpu.memref_slice %arg4[%mul3A_222] : memref<160000xi32, #tpu.memory_space<hbm>> -> memref<128xi32, #tpu.memory_space<hbm>>
          tpu.enqueue_dma source(%dma_start3A_224 : memref<128xi32, #tpu.memory_space<hbm>>) target(%arg9 : memref<128xi32, #tpu.memory_space<vmem>>) target_semaphore(%arg19 : memref<!tpu.dma_semaphore, #tpu.memory_space<semaphore_mem>>)
        } else {
        }
        %ge3A = arith.constant 2 : i32
        %ge3A_196 = arith.cmpi sge, %add3A_173, %ge3A : i32
        %convert_element_type3A_197 = arith.extui %ge3A_196 : i1 to i32
        %cond3A_198 = arith.constant 0 : i32
        %cond3A_199 = arith.cmpi ne, %convert_element_type3A_197, %cond3A_198 : i32
        scf.if %cond3A_199 {
          %sub3A_209 = arith.constant 2 : i32
          %sub3A_210 = arith.subi %add3A_173, %sub3A_209 : i32
          %mul3A_211 = arith.constant 32 : i32
          %mul3A_212 = arith.muli %sub3A_210, %mul3A_211 : i32
          %add3A_213 = arith.addi %add3A, %mul3A_212 : i32
          %mul3A_214 = arith.constant 128 : i32
          %mul3A_215 = arith.muli %add3A_213, %mul3A_214 : i32
          %dma_wait3A_216 = tpu.memref_slice %arg5[%mul3A_215] : memref<160000xf32, #tpu.memory_space<hbm>> -> memref<128xf32, #tpu.memory_space<hbm>>
          %dma_wait3A_217 = tpu.memref_slice %arg5[%mul3A_215] : memref<160000xf32, #tpu.memory_space<hbm>> -> memref<128xf32, #tpu.memory_space<hbm>>
          tpu.wait_dma2 semaphore(%arg25 : memref<!tpu.dma_semaphore, #tpu.memory_space<semaphore_mem>>) src(%arg15 : memref<128xf32, #tpu.memory_space<vmem>>) dst(%dma_wait3A_217 : memref<128xf32, #tpu.memory_space<hbm>>)
        } else {
        }
        %parallel_loop3A = arith.constant 0 : i32
        %parallel_loop3A_200 = arith.constant 8 : i32
        %parallel_loop3A_201 = arith.constant 1 : i32
        scf.for %parallel_loop3A_209 = %parallel_loop3A to %parallel_loop3A_200 step %parallel_loop3A_201  : i32 {
          %parallel_loop3A_210 = arith.constant 16 : i32
          %parallel_loop3A_211 = arith.muli %parallel_loop3A_209, %parallel_loop3A_210 : i32
          %parallel_loop3A_212 = arith.constant 0 : i32
          %parallel_loop3A_213 = arith.addi %parallel_loop3A_211, %parallel_loop3A_212 : i32
          %parallel_loop3A_214 = arith.index_cast %parallel_loop3A_213 : i32 to index
          %parallel_loop3A_215 = arith.constant 0 : index
          %parallel_loop3A_216 = tpu.vector_load %arg11[%parallel_loop3A_214, %parallel_loop3A_215] {strides = array<i32>} : memref<128x128xi32, #tpu.memory_space<vmem>>, vector<1x16xi32>,
          %parallel_loop3A_217 = vector.shape_cast %parallel_loop3A_216 : vector<1x16xi32> to vector<16xi32>
          %parallel_loop3A_218 = arith.index_cast %parallel_loop3A_213 : i32 to index
          %parallel_loop3A_219 = arith.constant 0 : index
          %parallel_loop3A_220 = tpu.vector_load %arg13[%parallel_loop3A_218, %parallel_loop3A_219] {strides = array<i32>} : memref<128x128xi32, #tpu.memory_space<vmem>>, vector<1x16xi32>,
          %parallel_loop3A_221 = vector.shape_cast %parallel_loop3A_220 : vector<1x16xi32> to vector<16xi32>
          %parallel_loop3A_222 = arith.constant 16 : i32
          %parallel_loop3A_223 = vector.broadcast %parallel_loop3A_222 : i32 to vector<16xi32>
          %parallel_loop3A_224 = arith.shli %parallel_loop3A_217, %parallel_loop3A_223 : vector<16xi32>
          %parallel_loop3A_225 = tpu.bitcast %parallel_loop3A_224 : vector<16xi32> -> vector<16xf32>
          %parallel_loop3A_226 = arith.constant 16 : i32
          %parallel_loop3A_227 = vector.broadcast %parallel_loop3A_226 : i32 to vector<16xi32>
          %parallel_loop3A_228 = arith.shli %parallel_loop3A_221, %parallel_loop3A_227 : vector<16xi32>
          %parallel_loop3A_229 = tpu.bitcast %parallel_loop3A_228 : vector<16xi32> -> vector<16xf32>
          %parallel_loop3A_230 = arith.mulf %parallel_loop3A_225, %parallel_loop3A_229 : vector<16xf32>
          %parallel_loop3A_231 = arith.constant -65536 : i32
          %parallel_loop3A_232 = vector.broadcast %parallel_loop3A_231 : i32 to vector<16xi32>
          %parallel_loop3A_233 = arith.andi %parallel_loop3A_217, %parallel_loop3A_232 : vector<16xi32>
          %parallel_loop3A_234 = tpu.bitcast %parallel_loop3A_233 : vector<16xi32> -> vector<16xf32>
          %parallel_loop3A_235 = arith.constant -65536 : i32
          %parallel_loop3A_236 = vector.broadcast %parallel_loop3A_235 : i32 to vector<16xi32>
          %parallel_loop3A_237 = arith.andi %parallel_loop3A_221, %parallel_loop3A_236 : vector<16xi32>
          %parallel_loop3A_238 = tpu.bitcast %parallel_loop3A_237 : vector<16xi32> -> vector<16xf32>
          %parallel_loop3A_239 = arith.mulf %parallel_loop3A_234, %parallel_loop3A_238 : vector<16xf32>
          %parallel_loop3A_240 = arith.addf %parallel_loop3A_230, %parallel_loop3A_239 : vector<16xf32>
          %parallel_loop3A_241 = arith.constant 16 : i32
          %parallel_loop3A_242 = arith.muli %parallel_loop3A_209, %parallel_loop3A_241 : i32
          %parallel_loop3A_243 = arith.constant 1 : i32
          %parallel_loop3A_244 = arith.addi %parallel_loop3A_242, %parallel_loop3A_243 : i32
          %parallel_loop3A_245 = arith.index_cast %parallel_loop3A_244 : i32 to index
          %parallel_loop3A_246 = arith.constant 0 : index
          %parallel_loop3A_247 = tpu.vector_load %arg11[%parallel_loop3A_245, %parallel_loop3A_246] {strides = array<i32>} : memref<128x128xi32, #tpu.memory_space<vmem>>, vector<1x16xi32>,
          %parallel_loop3A_248 = vector.shape_cast %parallel_loop3A_247 : vector<1x16xi32> to vector<16xi32>
          %parallel_loop3A_249 = arith.index_cast %parallel_loop3A_244 : i32 to index
          %parallel_loop3A_250 = arith.constant 0 : index
          %parallel_loop3A_251 = tpu.vector_load %arg13[%parallel_loop3A_249, %parallel_loop3A_250] {strides = array<i32>} : memref<128x128xi32, #tpu.memory_space<vmem>>, vector<1x16xi32>,
          %parallel_loop3A_252 = vector.shape_cast %parallel_loop3A_251 : vector<1x16xi32> to vector<16xi32>
          %parallel_loop3A_253 = arith.constant 16 : i32
          %parallel_loop3A_254 = vector.broadcast %parallel_loop3A_253 : i32 to vector<16xi32>
          %parallel_loop3A_255 = arith.shli %parallel_loop3A_248, %parallel_loop3A_254 : vector<16xi32>
          %parallel_loop3A_256 = tpu.bitcast %parallel_loop3A_255 : vector<16xi32> -> vector<16xf32>
          %parallel_loop3A_257 = arith.constant 16 : i32
          %parallel_loop3A_258 = vector.broadcast %parallel_loop3A_257 : i32 to vector<16xi32>
          %parallel_loop3A_259 = arith.shli %parallel_loop3A_252, %parallel_loop3A_258 : vector<16xi32>
          %parallel_loop3A_260 = tpu.bitcast %parallel_loop3A_259 : vector<16xi32> -> vector<16xf32>
          %parallel_loop3A_261 = arith.mulf %parallel_loop3A_256, %parallel_loop3A_260 : vector<16xf32>
          %parallel_loop3A_262 = arith.constant -65536 : i32
          %parallel_loop3A_263 = vector.broadcast %parallel_loop3A_262 : i32 to vector<16xi32>
          %parallel_loop3A_264 = arith.andi %parallel_loop3A_248, %parallel_loop3A_263 : vector<16xi32>
          %parallel_loop3A_265 = tpu.bitcast %parallel_loop3A_264 : vector<16xi32> -> vector<16xf32>
          %parallel_loop3A_266 = arith.constant -65536 : i32
          %parallel_loop3A_267 = vector.broadcast %parallel_loop3A_266 : i32 to vector<16xi32>
          %parallel_loop3A_268 = arith.andi %parallel_loop3A_252, %parallel_loop3A_267 : vector<16xi32>
          %parallel_loop3A_269 = tpu.bitcast %parallel_loop3A_268 : vector<16xi32> -> vector<16xf32>
          %parallel_loop3A_270 = arith.mulf %parallel_loop3A_265, %parallel_loop3A_269 : vector<16xf32>
          %parallel_loop3A_271 = arith.addf %parallel_loop3A_261, %parallel_loop3A_270 : vector<16xf32>
          %parallel_loop3A_272 = arith.constant 16 : i32
          %parallel_loop3A_273 = arith.muli %parallel_loop3A_209, %parallel_loop3A_272 : i32
          %parallel_loop3A_274 = arith.constant 2 : i32
          %parallel_loop3A_275 = arith.addi %parallel_loop3A_273, %parallel_loop3A_274 : i32
          %parallel_loop3A_276 = arith.index_cast %parallel_loop3A_275 : i32 to index
          %parallel_loop3A_277 = arith.constant 0 : index
          %parallel_loop3A_278 = tpu.vector_load %arg11[%parallel_loop3A_276, %parallel_loop3A_277] {strides = array<i32>} : memref<128x128xi32, #tpu.memory_space<vmem>>, vector<1x16xi32>,
          %parallel_loop3A_279 = vector.shape_cast %parallel_loop3A_278 : vector<1x16xi32> to vector<16xi32>
          %parallel_loop3A_280 = arith.index_cast %parallel_loop3A_275 : i32 to index
          %parallel_loop3A_281 = arith.constant 0 : index
          %parallel_loop3A_282 = tpu.vector_load %arg13[%parallel_loop3A_280, %parallel_loop3A_281] {strides = array<i32>} : memref<128x128xi32, #tpu.memory_space<vmem>>, vector<1x16xi32>,
          %parallel_loop3A_283 = vector.shape_cast %parallel_loop3A_282 : vector<1x16xi32> to vector<16xi32>
          %parallel_loop3A_284 = arith.constant 16 : i32
          %parallel_loop3A_285 = vector.broadcast %parallel_loop3A_284 : i32 to vector<16xi32>
          %parallel_loop3A_286 = arith.shli %parallel_loop3A_279, %parallel_loop3A_285 : vector<16xi32>
          %parallel_loop3A_287 = tpu.bitcast %parallel_loop3A_286 : vector<16xi32> -> vector<16xf32>
          %parallel_loop3A_288 = arith.constant 16 : i32
          %parallel_loop3A_289 = vector.broadcast %parallel_loop3A_288 : i32 to vector<16xi32>
          %parallel_loop3A_290 = arith.shli %parallel_loop3A_283, %parallel_loop3A_289 : vector<16xi32>
          %parallel_loop3A_291 = tpu.bitcast %parallel_loop3A_290 : vector<16xi32> -> vector<16xf32>
          %parallel_loop3A_292 = arith.mulf %parallel_loop3A_287, %parallel_loop3A_291 : vector<16xf32>
          %parallel_loop3A_293 = arith.constant -65536 : i32
          %parallel_loop3A_294 = vector.broadcast %parallel_loop3A_293 : i32 to vector<16xi32>
          %parallel_loop3A_295 = arith.andi %parallel_loop3A_279, %parallel_loop3A_294 : vector<16xi32>
          %parallel_loop3A_296 = tpu.bitcast %parallel_loop3A_295 : vector<16xi32> -> vector<16xf32>
          %parallel_loop3A_297 = arith.constant -65536 : i32
          %parallel_loop3A_298 = vector.broadcast %parallel_loop3A_297 : i32 to vector<16xi32>
          %parallel_loop3A_299 = arith.andi %parallel_loop3A_283, %parallel_loop3A_298 : vector<16xi32>
          %parallel_loop3A_300 = tpu.bitcast %parallel_loop3A_299 : vector<16xi32> -> vector<16xf32>
          %parallel_loop3A_301 = arith.mulf %parallel_loop3A_296, %parallel_loop3A_300 : vector<16xf32>
          %parallel_loop3A_302 = arith.addf %parallel_loop3A_292, %parallel_loop3A_301 : vector<16xf32>
          %parallel_loop3A_303 = arith.constant 16 : i32
          %parallel_loop3A_304 = arith.muli %parallel_loop3A_209, %parallel_loop3A_303 : i32
          %parallel_loop3A_305 = arith.constant 3 : i32
          %parallel_loop3A_306 = arith.addi %parallel_loop3A_304, %parallel_loop3A_305 : i32
          %parallel_loop3A_307 = arith.index_cast %parallel_loop3A_306 : i32 to index
          %parallel_loop3A_308 = arith.constant 0 : index
          %parallel_loop3A_309 = tpu.vector_load %arg11[%parallel_loop3A_307, %parallel_loop3A_308] {strides = array<i32>} : memref<128x128xi32, #tpu.memory_space<vmem>>, vector<1x16xi32>,
          %parallel_loop3A_310 = vector.shape_cast %parallel_loop3A_309 : vector<1x16xi32> to vector<16xi32>
          %parallel_loop3A_311 = arith.index_cast %parallel_loop3A_306 : i32 to index
          %parallel_loop3A_312 = arith.constant 0 : index
          %parallel_loop3A_313 = tpu.vector_load %arg13[%parallel_loop3A_311, %parallel_loop3A_312] {strides = array<i32>} : memref<128x128xi32, #tpu.memory_space<vmem>>, vector<1x16xi32>,
          %parallel_loop3A_314 = vector.shape_cast %parallel_loop3A_313 : vector<1x16xi32> to vector<16xi32>
          %parallel_loop3A_315 = arith.constant 16 : i32
          %parallel_loop3A_316 = vector.broadcast %parallel_loop3A_315 : i32 to vector<16xi32>
          %parallel_loop3A_317 = arith.shli %parallel_loop3A_310, %parallel_loop3A_316 : vector<16xi32>
          %parallel_loop3A_318 = tpu.bitcast %parallel_loop3A_317 : vector<16xi32> -> vector<16xf32>
          %parallel_loop3A_319 = arith.constant 16 : i32
          %parallel_loop3A_320 = vector.broadcast %parallel_loop3A_319 : i32 to vector<16xi32>
          %parallel_loop3A_321 = arith.shli %parallel_loop3A_314, %parallel_loop3A_320 : vector<16xi32>
          %parallel_loop3A_322 = tpu.bitcast %parallel_loop3A_321 : vector<16xi32> -> vector<16xf32>
          %parallel_loop3A_323 = arith.mulf %parallel_loop3A_318, %parallel_loop3A_322 : vector<16xf32>
          %parallel_loop3A_324 = arith.constant -65536 : i32
          %parallel_loop3A_325 = vector.broadcast %parallel_loop3A_324 : i32 to vector<16xi32>
          %parallel_loop3A_326 = arith.andi %parallel_loop3A_310, %parallel_loop3A_325 : vector<16xi32>
          %parallel_loop3A_327 = tpu.bitcast %parallel_loop3A_326 : vector<16xi32> -> vector<16xf32>
          %parallel_loop3A_328 = arith.constant -65536 : i32
          %parallel_loop3A_329 = vector.broadcast %parallel_loop3A_328 : i32 to vector<16xi32>
          %parallel_loop3A_330 = arith.andi %parallel_loop3A_314, %parallel_loop3A_329 : vector<16xi32>
          %parallel_loop3A_331 = tpu.bitcast %parallel_loop3A_330 : vector<16xi32> -> vector<16xf32>
          %parallel_loop3A_332 = arith.mulf %parallel_loop3A_327, %parallel_loop3A_331 : vector<16xf32>
          %parallel_loop3A_333 = arith.addf %parallel_loop3A_323, %parallel_loop3A_332 : vector<16xf32>
          %parallel_loop3A_334 = arith.constant 16 : i32
          %parallel_loop3A_335 = arith.muli %parallel_loop3A_209, %parallel_loop3A_334 : i32
          %parallel_loop3A_336 = arith.constant 4 : i32
          %parallel_loop3A_337 = arith.addi %parallel_loop3A_335, %parallel_loop3A_336 : i32
          %parallel_loop3A_338 = arith.index_cast %parallel_loop3A_337 : i32 to index
          %parallel_loop3A_339 = arith.constant 0 : index
          %parallel_loop3A_340 = tpu.vector_load %arg11[%parallel_loop3A_338, %parallel_loop3A_339] {strides = array<i32>} : memref<128x128xi32, #tpu.memory_space<vmem>>, vector<1x16xi32>,
          %parallel_loop3A_341 = vector.shape_cast %parallel_loop3A_340 : vector<1x16xi32> to vector<16xi32>
          %parallel_loop3A_342 = arith.index_cast %parallel_loop3A_337 : i32 to index
          %parallel_loop3A_343 = arith.constant 0 : index
          %parallel_loop3A_344 = tpu.vector_load %arg13[%parallel_loop3A_342, %parallel_loop3A_343] {strides = array<i32>} : memref<128x128xi32, #tpu.memory_space<vmem>>, vector<1x16xi32>,
          %parallel_loop3A_345 = vector.shape_cast %parallel_loop3A_344 : vector<1x16xi32> to vector<16xi32>
          %parallel_loop3A_346 = arith.constant 16 : i32
          %parallel_loop3A_347 = vector.broadcast %parallel_loop3A_346 : i32 to vector<16xi32>
          %parallel_loop3A_348 = arith.shli %parallel_loop3A_341, %parallel_loop3A_347 : vector<16xi32>
          %parallel_loop3A_349 = tpu.bitcast %parallel_loop3A_348 : vector<16xi32> -> vector<16xf32>
          %parallel_loop3A_350 = arith.constant 16 : i32
          %parallel_loop3A_351 = vector.broadcast %parallel_loop3A_350 : i32 to vector<16xi32>
          %parallel_loop3A_352 = arith.shli %parallel_loop3A_345, %parallel_loop3A_351 : vector<16xi32>
          %parallel_loop3A_353 = tpu.bitcast %parallel_loop3A_352 : vector<16xi32> -> vector<16xf32>
          %parallel_loop3A_354 = arith.mulf %parallel_loop3A_349, %parallel_loop3A_353 : vector<16xf32>
          %parallel_loop3A_355 = arith.constant -65536 : i32
          %parallel_loop3A_356 = vector.broadcast %parallel_loop3A_355 : i32 to vector<16xi32>
          %parallel_loop3A_357 = arith.andi %parallel_loop3A_341, %parallel_loop3A_356 : vector<16xi32>
          %parallel_loop3A_358 = tpu.bitcast %parallel_loop3A_357 : vector<16xi32> -> vector<16xf32>
          %parallel_loop3A_359 = arith.constant -65536 : i32
          %parallel_loop3A_360 = vector.broadcast %parallel_loop3A_359 : i32 to vector<16xi32>
          %parallel_loop3A_361 = arith.andi %parallel_loop3A_345, %parallel_loop3A_360 : vector<16xi32>
          %parallel_loop3A_362 = tpu.bitcast %parallel_loop3A_361 : vector<16xi32> -> vector<16xf32>
          %parallel_loop3A_363 = arith.mulf %parallel_loop3A_358, %parallel_loop3A_362 : vector<16xf32>
          %parallel_loop3A_364 = arith.addf %parallel_loop3A_354, %parallel_loop3A_363 : vector<16xf32>
          %parallel_loop3A_365 = arith.constant 16 : i32
          %parallel_loop3A_366 = arith.muli %parallel_loop3A_209, %parallel_loop3A_365 : i32
          %parallel_loop3A_367 = arith.constant 5 : i32
          %parallel_loop3A_368 = arith.addi %parallel_loop3A_366, %parallel_loop3A_367 : i32
          %parallel_loop3A_369 = arith.index_cast %parallel_loop3A_368 : i32 to index
          %parallel_loop3A_370 = arith.constant 0 : index
          %parallel_loop3A_371 = tpu.vector_load %arg11[%parallel_loop3A_369, %parallel_loop3A_370] {strides = array<i32>} : memref<128x128xi32, #tpu.memory_space<vmem>>, vector<1x16xi32>,
          %parallel_loop3A_372 = vector.shape_cast %parallel_loop3A_371 : vector<1x16xi32> to vector<16xi32>
          %parallel_loop3A_373 = arith.index_cast %parallel_loop3A_368 : i32 to index
          %parallel_loop3A_374 = arith.constant 0 : index
          %parallel_loop3A_375 = tpu.vector_load %arg13[%parallel_loop3A_373, %parallel_loop3A_374] {strides = array<i32>} : memref<128x128xi32, #tpu.memory_space<vmem>>, vector<1x16xi32>,
          %parallel_loop3A_376 = vector.shape_cast %parallel_loop3A_375 : vector<1x16xi32> to vector<16xi32>
          %parallel_loop3A_377 = arith.constant 16 : i32
          %parallel_loop3A_378 = vector.broadcast %parallel_loop3A_377 : i32 to vector<16xi32>
          %parallel_loop3A_379 = arith.shli %parallel_loop3A_372, %parallel_loop3A_378 : vector<16xi32>
          %parallel_loop3A_380 = tpu.bitcast %parallel_loop3A_379 : vector<16xi32> -> vector<16xf32>
          %parallel_loop3A_381 = arith.constant 16 : i32
          %parallel_loop3A_382 = vector.broadcast %parallel_loop3A_381 : i32 to vector<16xi32>
          %parallel_loop3A_383 = arith.shli %parallel_loop3A_376, %parallel_loop3A_382 : vector<16xi32>
          %parallel_loop3A_384 = tpu.bitcast %parallel_loop3A_383 : vector<16xi32> -> vector<16xf32>
          %parallel_loop3A_385 = arith.mulf %parallel_loop3A_380, %parallel_loop3A_384 : vector<16xf32>
          %parallel_loop3A_386 = arith.constant -65536 : i32
          %parallel_loop3A_387 = vector.broadcast %parallel_loop3A_386 : i32 to vector<16xi32>
          %parallel_loop3A_388 = arith.andi %parallel_loop3A_372, %parallel_loop3A_387 : vector<16xi32>
          %parallel_loop3A_389 = tpu.bitcast %parallel_loop3A_388 : vector<16xi32> -> vector<16xf32>
          %parallel_loop3A_390 = arith.constant -65536 : i32
          %parallel_loop3A_391 = vector.broadcast %parallel_loop3A_390 : i32 to vector<16xi32>
          %parallel_loop3A_392 = arith.andi %parallel_loop3A_376, %parallel_loop3A_391 : vector<16xi32>
          %parallel_loop3A_393 = tpu.bitcast %parallel_loop3A_392 : vector<16xi32> -> vector<16xf32>
          %parallel_loop3A_394 = arith.mulf %parallel_loop3A_389, %parallel_loop3A_393 : vector<16xf32>
          %parallel_loop3A_395 = arith.addf %parallel_loop3A_385, %parallel_loop3A_394 : vector<16xf32>
          %parallel_loop3A_396 = arith.constant 16 : i32
          %parallel_loop3A_397 = arith.muli %parallel_loop3A_209, %parallel_loop3A_396 : i32
          %parallel_loop3A_398 = arith.constant 6 : i32
          %parallel_loop3A_399 = arith.addi %parallel_loop3A_397, %parallel_loop3A_398 : i32
          %parallel_loop3A_400 = arith.index_cast %parallel_loop3A_399 : i32 to index
          %parallel_loop3A_401 = arith.constant 0 : index
          %parallel_loop3A_402 = tpu.vector_load %arg11[%parallel_loop3A_400, %parallel_loop3A_401] {strides = array<i32>} : memref<128x128xi32, #tpu.memory_space<vmem>>, vector<1x16xi32>,
          %parallel_loop3A_403 = vector.shape_cast %parallel_loop3A_402 : vector<1x16xi32> to vector<16xi32>
          %parallel_loop3A_404 = arith.index_cast %parallel_loop3A_399 : i32 to index
          %parallel_loop3A_405 = arith.constant 0 : index
          %parallel_loop3A_406 = tpu.vector_load %arg13[%parallel_loop3A_404, %parallel_loop3A_405] {strides = array<i32>} : memref<128x128xi32, #tpu.memory_space<vmem>>, vector<1x16xi32>,
          %parallel_loop3A_407 = vector.shape_cast %parallel_loop3A_406 : vector<1x16xi32> to vector<16xi32>
          %parallel_loop3A_408 = arith.constant 16 : i32
          %parallel_loop3A_409 = vector.broadcast %parallel_loop3A_408 : i32 to vector<16xi32>
          %parallel_loop3A_410 = arith.shli %parallel_loop3A_403, %parallel_loop3A_409 : vector<16xi32>
          %parallel_loop3A_411 = tpu.bitcast %parallel_loop3A_410 : vector<16xi32> -> vector<16xf32>
          %parallel_loop3A_412 = arith.constant 16 : i32
          %parallel_loop3A_413 = vector.broadcast %parallel_loop3A_412 : i32 to vector<16xi32>
          %parallel_loop3A_414 = arith.shli %parallel_loop3A_407, %parallel_loop3A_413 : vector<16xi32>
          %parallel_loop3A_415 = tpu.bitcast %parallel_loop3A_414 : vector<16xi32> -> vector<16xf32>
          %parallel_loop3A_416 = arith.mulf %parallel_loop3A_411, %parallel_loop3A_415 : vector<16xf32>
          %parallel_loop3A_417 = arith.constant -65536 : i32
          %parallel_loop3A_418 = vector.broadcast %parallel_loop3A_417 : i32 to vector<16xi32>
          %parallel_loop3A_419 = arith.andi %parallel_loop3A_403, %parallel_loop3A_418 : vector<16xi32>
          %parallel_loop3A_420 = tpu.bitcast %parallel_loop3A_419 : vector<16xi32> -> vector<16xf32>
          %parallel_loop3A_421 = arith.constant -65536 : i32
          %parallel_loop3A_422 = vector.broadcast %parallel_loop3A_421 : i32 to vector<16xi32>
          %parallel_loop3A_423 = arith.andi %parallel_loop3A_407, %parallel_loop3A_422 : vector<16xi32>
          %parallel_loop3A_424 = tpu.bitcast %parallel_loop3A_423 : vector<16xi32> -> vector<16xf32>
          %parallel_loop3A_425 = arith.mulf %parallel_loop3A_420, %parallel_loop3A_424 : vector<16xf32>
          %parallel_loop3A_426 = arith.addf %parallel_loop3A_416, %parallel_loop3A_425 : vector<16xf32>
          %parallel_loop3A_427 = arith.constant 16 : i32
          %parallel_loop3A_428 = arith.muli %parallel_loop3A_209, %parallel_loop3A_427 : i32
          %parallel_loop3A_429 = arith.constant 7 : i32
          %parallel_loop3A_430 = arith.addi %parallel_loop3A_428, %parallel_loop3A_429 : i32
          %parallel_loop3A_431 = arith.index_cast %parallel_loop3A_430 : i32 to index
          %parallel_loop3A_432 = arith.constant 0 : index
          %parallel_loop3A_433 = tpu.vector_load %arg11[%parallel_loop3A_431, %parallel_loop3A_432] {strides = array<i32>} : memref<128x128xi32, #tpu.memory_space<vmem>>, vector<1x16xi32>,
          %parallel_loop3A_434 = vector.shape_cast %parallel_loop3A_433 : vector<1x16xi32> to vector<16xi32>
          %parallel_loop3A_435 = arith.index_cast %parallel_loop3A_430 : i32 to index
          %parallel_loop3A_436 = arith.constant 0 : index
          %parallel_loop3A_437 = tpu.vector_load %arg13[%parallel_loop3A_435, %parallel_loop3A_436] {strides = array<i32>} : memref<128x128xi32, #tpu.memory_space<vmem>>, vector<1x16xi32>,
          %parallel_loop3A_438 = vector.shape_cast %parallel_loop3A_437 : vector<1x16xi32> to vector<16xi32>
          %parallel_loop3A_439 = arith.constant 16 : i32
          %parallel_loop3A_440 = vector.broadcast %parallel_loop3A_439 : i32 to vector<16xi32>
          %parallel_loop3A_441 = arith.shli %parallel_loop3A_434, %parallel_loop3A_440 : vector<16xi32>
          %parallel_loop3A_442 = tpu.bitcast %parallel_loop3A_441 : vector<16xi32> -> vector<16xf32>
          %parallel_loop3A_443 = arith.constant 16 : i32
          %parallel_loop3A_444 = vector.broadcast %parallel_loop3A_443 : i32 to vector<16xi32>
          %parallel_loop3A_445 = arith.shli %parallel_loop3A_438, %parallel_loop3A_444 : vector<16xi32>
          %parallel_loop3A_446 = tpu.bitcast %parallel_loop3A_445 : vector<16xi32> -> vector<16xf32>
          %parallel_loop3A_447 = arith.mulf %parallel_loop3A_442, %parallel_loop3A_446 : vector<16xf32>
          %parallel_loop3A_448 = arith.constant -65536 : i32
          %parallel_loop3A_449 = vector.broadcast %parallel_loop3A_448 : i32 to vector<16xi32>
          %parallel_loop3A_450 = arith.andi %parallel_loop3A_434, %parallel_loop3A_449 : vector<16xi32>
          %parallel_loop3A_451 = tpu.bitcast %parallel_loop3A_450 : vector<16xi32> -> vector<16xf32>
          %parallel_loop3A_452 = arith.constant -65536 : i32
          %parallel_loop3A_453 = vector.broadcast %parallel_loop3A_452 : i32 to vector<16xi32>
          %parallel_loop3A_454 = arith.andi %parallel_loop3A_438, %parallel_loop3A_453 : vector<16xi32>
          %parallel_loop3A_455 = tpu.bitcast %parallel_loop3A_454 : vector<16xi32> -> vector<16xf32>
          %parallel_loop3A_456 = arith.mulf %parallel_loop3A_451, %parallel_loop3A_455 : vector<16xf32>
          %parallel_loop3A_457 = arith.addf %parallel_loop3A_447, %parallel_loop3A_456 : vector<16xf32>
          %parallel_loop3A_458 = arith.constant 16 : i32
          %parallel_loop3A_459 = arith.muli %parallel_loop3A_209, %parallel_loop3A_458 : i32
          %parallel_loop3A_460 = arith.constant 8 : i32
          %parallel_loop3A_461 = arith.addi %parallel_loop3A_459, %parallel_loop3A_460 : i32
          %parallel_loop3A_462 = arith.index_cast %parallel_loop3A_461 : i32 to index
          %parallel_loop3A_463 = arith.constant 0 : index
          %parallel_loop3A_464 = tpu.vector_load %arg11[%parallel_loop3A_462, %parallel_loop3A_463] {strides = array<i32>} : memref<128x128xi32, #tpu.memory_space<vmem>>, vector<1x16xi32>,
          %parallel_loop3A_465 = vector.shape_cast %parallel_loop3A_464 : vector<1x16xi32> to vector<16xi32>
          %parallel_loop3A_466 = arith.index_cast %parallel_loop3A_461 : i32 to index
          %parallel_loop3A_467 = arith.constant 0 : index
          %parallel_loop3A_468 = tpu.vector_load %arg13[%parallel_loop3A_466, %parallel_loop3A_467] {strides = array<i32>} : memref<128x128xi32, #tpu.memory_space<vmem>>, vector<1x16xi32>,
          %parallel_loop3A_469 = vector.shape_cast %parallel_loop3A_468 : vector<1x16xi32> to vector<16xi32>
          %parallel_loop3A_470 = arith.constant 16 : i32
          %parallel_loop3A_471 = vector.broadcast %parallel_loop3A_470 : i32 to vector<16xi32>
          %parallel_loop3A_472 = arith.shli %parallel_loop3A_465, %parallel_loop3A_471 : vector<16xi32>
          %parallel_loop3A_473 = tpu.bitcast %parallel_loop3A_472 : vector<16xi32> -> vector<16xf32>
          %parallel_loop3A_474 = arith.constant 16 : i32
          %parallel_loop3A_475 = vector.broadcast %parallel_loop3A_474 : i32 to vector<16xi32>
          %parallel_loop3A_476 = arith.shli %parallel_loop3A_469, %parallel_loop3A_475 : vector<16xi32>
          %parallel_loop3A_477 = tpu.bitcast %parallel_loop3A_476 : vector<16xi32> -> vector<16xf32>
          %parallel_loop3A_478 = arith.mulf %parallel_loop3A_473, %parallel_loop3A_477 : vector<16xf32>
          %parallel_loop3A_479 = arith.constant -65536 : i32
          %parallel_loop3A_480 = vector.broadcast %parallel_loop3A_479 : i32 to vector<16xi32>
          %parallel_loop3A_481 = arith.andi %parallel_loop3A_465, %parallel_loop3A_480 : vector<16xi32>
          %parallel_loop3A_482 = tpu.bitcast %parallel_loop3A_481 : vector<16xi32> -> vector<16xf32>
          %parallel_loop3A_483 = arith.constant -65536 : i32
          %parallel_loop3A_484 = vector.broadcast %parallel_loop3A_483 : i32 to vector<16xi32>
          %parallel_loop3A_485 = arith.andi %parallel_loop3A_469, %parallel_loop3A_484 : vector<16xi32>
          %parallel_loop3A_486 = tpu.bitcast %parallel_loop3A_485 : vector<16xi32> -> vector<16xf32>
          %parallel_loop3A_487 = arith.mulf %parallel_loop3A_482, %parallel_loop3A_486 : vector<16xf32>
          %parallel_loop3A_488 = arith.addf %parallel_loop3A_478, %parallel_loop3A_487 : vector<16xf32>
          %parallel_loop3A_489 = arith.constant 16 : i32
          %parallel_loop3A_490 = arith.muli %parallel_loop3A_209, %parallel_loop3A_489 : i32
          %parallel_loop3A_491 = arith.constant 9 : i32
          %parallel_loop3A_492 = arith.addi %parallel_loop3A_490, %parallel_loop3A_491 : i32
          %parallel_loop3A_493 = arith.index_cast %parallel_loop3A_492 : i32 to index
          %parallel_loop3A_494 = arith.constant 0 : index
          %parallel_loop3A_495 = tpu.vector_load %arg11[%parallel_loop3A_493, %parallel_loop3A_494] {strides = array<i32>} : memref<128x128xi32, #tpu.memory_space<vmem>>, vector<1x16xi32>,
          %parallel_loop3A_496 = vector.shape_cast %parallel_loop3A_495 : vector<1x16xi32> to vector<16xi32>
          %parallel_loop3A_497 = arith.index_cast %parallel_loop3A_492 : i32 to index
          %parallel_loop3A_498 = arith.constant 0 : index
          %parallel_loop3A_499 = tpu.vector_load %arg13[%parallel_loop3A_497, %parallel_loop3A_498] {strides = array<i32>} : memref<128x128xi32, #tpu.memory_space<vmem>>, vector<1x16xi32>,
          %parallel_loop3A_500 = vector.shape_cast %parallel_loop3A_499 : vector<1x16xi32> to vector<16xi32>
          %parallel_loop3A_501 = arith.constant 16 : i32
          %parallel_loop3A_502 = vector.broadcast %parallel_loop3A_501 : i32 to vector<16xi32>
          %parallel_loop3A_503 = arith.shli %parallel_loop3A_496, %parallel_loop3A_502 : vector<16xi32>
          %parallel_loop3A_504 = tpu.bitcast %parallel_loop3A_503 : vector<16xi32> -> vector<16xf32>
          %parallel_loop3A_505 = arith.constant 16 : i32
          %parallel_loop3A_506 = vector.broadcast %parallel_loop3A_505 : i32 to vector<16xi32>
          %parallel_loop3A_507 = arith.shli %parallel_loop3A_500, %parallel_loop3A_506 : vector<16xi32>
          %parallel_loop3A_508 = tpu.bitcast %parallel_loop3A_507 : vector<16xi32> -> vector<16xf32>
          %parallel_loop3A_509 = arith.mulf %parallel_loop3A_504, %parallel_loop3A_508 : vector<16xf32>
          %parallel_loop3A_510 = arith.constant -65536 : i32
          %parallel_loop3A_511 = vector.broadcast %parallel_loop3A_510 : i32 to vector<16xi32>
          %parallel_loop3A_512 = arith.andi %parallel_loop3A_496, %parallel_loop3A_511 : vector<16xi32>
          %parallel_loop3A_513 = tpu.bitcast %parallel_loop3A_512 : vector<16xi32> -> vector<16xf32>
          %parallel_loop3A_514 = arith.constant -65536 : i32
          %parallel_loop3A_515 = vector.broadcast %parallel_loop3A_514 : i32 to vector<16xi32>
          %parallel_loop3A_516 = arith.andi %parallel_loop3A_500, %parallel_loop3A_515 : vector<16xi32>
          %parallel_loop3A_517 = tpu.bitcast %parallel_loop3A_516 : vector<16xi32> -> vector<16xf32>
          %parallel_loop3A_518 = arith.mulf %parallel_loop3A_513, %parallel_loop3A_517 : vector<16xf32>
          %parallel_loop3A_519 = arith.addf %parallel_loop3A_509, %parallel_loop3A_518 : vector<16xf32>
          %parallel_loop3A_520 = arith.constant 16 : i32
          %parallel_loop3A_521 = arith.muli %parallel_loop3A_209, %parallel_loop3A_520 : i32
          %parallel_loop3A_522 = arith.constant 10 : i32
          %parallel_loop3A_523 = arith.addi %parallel_loop3A_521, %parallel_loop3A_522 : i32
          %parallel_loop3A_524 = arith.index_cast %parallel_loop3A_523 : i32 to index
          %parallel_loop3A_525 = arith.constant 0 : index
          %parallel_loop3A_526 = tpu.vector_load %arg11[%parallel_loop3A_524, %parallel_loop3A_525] {strides = array<i32>} : memref<128x128xi32, #tpu.memory_space<vmem>>, vector<1x16xi32>,
          %parallel_loop3A_527 = vector.shape_cast %parallel_loop3A_526 : vector<1x16xi32> to vector<16xi32>
          %parallel_loop3A_528 = arith.index_cast %parallel_loop3A_523 : i32 to index
          %parallel_loop3A_529 = arith.constant 0 : index
          %parallel_loop3A_530 = tpu.vector_load %arg13[%parallel_loop3A_528, %parallel_loop3A_529] {strides = array<i32>} : memref<128x128xi32, #tpu.memory_space<vmem>>, vector<1x16xi32>,
          %parallel_loop3A_531 = vector.shape_cast %parallel_loop3A_530 : vector<1x16xi32> to vector<16xi32>
          %parallel_loop3A_532 = arith.constant 16 : i32
          %parallel_loop3A_533 = vector.broadcast %parallel_loop3A_532 : i32 to vector<16xi32>
          %parallel_loop3A_534 = arith.shli %parallel_loop3A_527, %parallel_loop3A_533 : vector<16xi32>
          %parallel_loop3A_535 = tpu.bitcast %parallel_loop3A_534 : vector<16xi32> -> vector<16xf32>
          %parallel_loop3A_536 = arith.constant 16 : i32
          %parallel_loop3A_537 = vector.broadcast %parallel_loop3A_536 : i32 to vector<16xi32>
          %parallel_loop3A_538 = arith.shli %parallel_loop3A_531, %parallel_loop3A_537 : vector<16xi32>
          %parallel_loop3A_539 = tpu.bitcast %parallel_loop3A_538 : vector<16xi32> -> vector<16xf32>
          %parallel_loop3A_540 = arith.mulf %parallel_loop3A_535, %parallel_loop3A_539 : vector<16xf32>
          %parallel_loop3A_541 = arith.constant -65536 : i32
          %parallel_loop3A_542 = vector.broadcast %parallel_loop3A_541 : i32 to vector<16xi32>
          %parallel_loop3A_543 = arith.andi %parallel_loop3A_527, %parallel_loop3A_542 : vector<16xi32>
          %parallel_loop3A_544 = tpu.bitcast %parallel_loop3A_543 : vector<16xi32> -> vector<16xf32>
          %parallel_loop3A_545 = arith.constant -65536 : i32
          %parallel_loop3A_546 = vector.broadcast %parallel_loop3A_545 : i32 to vector<16xi32>
          %parallel_loop3A_547 = arith.andi %parallel_loop3A_531, %parallel_loop3A_546 : vector<16xi32>
          %parallel_loop3A_548 = tpu.bitcast %parallel_loop3A_547 : vector<16xi32> -> vector<16xf32>
          %parallel_loop3A_549 = arith.mulf %parallel_loop3A_544, %parallel_loop3A_548 : vector<16xf32>
          %parallel_loop3A_550 = arith.addf %parallel_loop3A_540, %parallel_loop3A_549 : vector<16xf32>
          %parallel_loop3A_551 = arith.constant 16 : i32
          %parallel_loop3A_552 = arith.muli %parallel_loop3A_209, %parallel_loop3A_551 : i32
          %parallel_loop3A_553 = arith.constant 11 : i32
          %parallel_loop3A_554 = arith.addi %parallel_loop3A_552, %parallel_loop3A_553 : i32
          %parallel_loop3A_555 = arith.index_cast %parallel_loop3A_554 : i32 to index
          %parallel_loop3A_556 = arith.constant 0 : index
          %parallel_loop3A_557 = tpu.vector_load %arg11[%parallel_loop3A_555, %parallel_loop3A_556] {strides = array<i32>} : memref<128x128xi32, #tpu.memory_space<vmem>>, vector<1x16xi32>,
          %parallel_loop3A_558 = vector.shape_cast %parallel_loop3A_557 : vector<1x16xi32> to vector<16xi32>
          %parallel_loop3A_559 = arith.index_cast %parallel_loop3A_554 : i32 to index
          %parallel_loop3A_560 = arith.constant 0 : index
          %parallel_loop3A_561 = tpu.vector_load %arg13[%parallel_loop3A_559, %parallel_loop3A_560] {strides = array<i32>} : memref<128x128xi32, #tpu.memory_space<vmem>>, vector<1x16xi32>,
          %parallel_loop3A_562 = vector.shape_cast %parallel_loop3A_561 : vector<1x16xi32> to vector<16xi32>
          %parallel_loop3A_563 = arith.constant 16 : i32
          %parallel_loop3A_564 = vector.broadcast %parallel_loop3A_563 : i32 to vector<16xi32>
          %parallel_loop3A_565 = arith.shli %parallel_loop3A_558, %parallel_loop3A_564 : vector<16xi32>
          %parallel_loop3A_566 = tpu.bitcast %parallel_loop3A_565 : vector<16xi32> -> vector<16xf32>
          %parallel_loop3A_567 = arith.constant 16 : i32
          %parallel_loop3A_568 = vector.broadcast %parallel_loop3A_567 : i32 to vector<16xi32>
          %parallel_loop3A_569 = arith.shli %parallel_loop3A_562, %parallel_loop3A_568 : vector<16xi32>
          %parallel_loop3A_570 = tpu.bitcast %parallel_loop3A_569 : vector<16xi32> -> vector<16xf32>
          %parallel_loop3A_571 = arith.mulf %parallel_loop3A_566, %parallel_loop3A_570 : vector<16xf32>
          %parallel_loop3A_572 = arith.constant -65536 : i32
          %parallel_loop3A_573 = vector.broadcast %parallel_loop3A_572 : i32 to vector<16xi32>
          %parallel_loop3A_574 = arith.andi %parallel_loop3A_558, %parallel_loop3A_573 : vector<16xi32>
          %parallel_loop3A_575 = tpu.bitcast %parallel_loop3A_574 : vector<16xi32> -> vector<16xf32>
          %parallel_loop3A_576 = arith.constant -65536 : i32
          %parallel_loop3A_577 = vector.broadcast %parallel_loop3A_576 : i32 to vector<16xi32>
          %parallel_loop3A_578 = arith.andi %parallel_loop3A_562, %parallel_loop3A_577 : vector<16xi32>
          %parallel_loop3A_579 = tpu.bitcast %parallel_loop3A_578 : vector<16xi32> -> vector<16xf32>
          %parallel_loop3A_580 = arith.mulf %parallel_loop3A_575, %parallel_loop3A_579 : vector<16xf32>
          %parallel_loop3A_581 = arith.addf %parallel_loop3A_571, %parallel_loop3A_580 : vector<16xf32>
          %parallel_loop3A_582 = arith.constant 16 : i32
          %parallel_loop3A_583 = arith.muli %parallel_loop3A_209, %parallel_loop3A_582 : i32
          %parallel_loop3A_584 = arith.constant 12 : i32
          %parallel_loop3A_585 = arith.addi %parallel_loop3A_583, %parallel_loop3A_584 : i32
          %parallel_loop3A_586 = arith.index_cast %parallel_loop3A_585 : i32 to index
          %parallel_loop3A_587 = arith.constant 0 : index
          %parallel_loop3A_588 = tpu.vector_load %arg11[%parallel_loop3A_586, %parallel_loop3A_587] {strides = array<i32>} : memref<128x128xi32, #tpu.memory_space<vmem>>, vector<1x16xi32>,
          %parallel_loop3A_589 = vector.shape_cast %parallel_loop3A_588 : vector<1x16xi32> to vector<16xi32>
          %parallel_loop3A_590 = arith.index_cast %parallel_loop3A_585 : i32 to index
          %parallel_loop3A_591 = arith.constant 0 : index
          %parallel_loop3A_592 = tpu.vector_load %arg13[%parallel_loop3A_590, %parallel_loop3A_591] {strides = array<i32>} : memref<128x128xi32, #tpu.memory_space<vmem>>, vector<1x16xi32>,
          %parallel_loop3A_593 = vector.shape_cast %parallel_loop3A_592 : vector<1x16xi32> to vector<16xi32>
          %parallel_loop3A_594 = arith.constant 16 : i32
          %parallel_loop3A_595 = vector.broadcast %parallel_loop3A_594 : i32 to vector<16xi32>
          %parallel_loop3A_596 = arith.shli %parallel_loop3A_589, %parallel_loop3A_595 : vector<16xi32>
          %parallel_loop3A_597 = tpu.bitcast %parallel_loop3A_596 : vector<16xi32> -> vector<16xf32>
          %parallel_loop3A_598 = arith.constant 16 : i32
          %parallel_loop3A_599 = vector.broadcast %parallel_loop3A_598 : i32 to vector<16xi32>
          %parallel_loop3A_600 = arith.shli %parallel_loop3A_593, %parallel_loop3A_599 : vector<16xi32>
          %parallel_loop3A_601 = tpu.bitcast %parallel_loop3A_600 : vector<16xi32> -> vector<16xf32>
          %parallel_loop3A_602 = arith.mulf %parallel_loop3A_597, %parallel_loop3A_601 : vector<16xf32>
          %parallel_loop3A_603 = arith.constant -65536 : i32
          %parallel_loop3A_604 = vector.broadcast %parallel_loop3A_603 : i32 to vector<16xi32>
          %parallel_loop3A_605 = arith.andi %parallel_loop3A_589, %parallel_loop3A_604 : vector<16xi32>
          %parallel_loop3A_606 = tpu.bitcast %parallel_loop3A_605 : vector<16xi32> -> vector<16xf32>
          %parallel_loop3A_607 = arith.constant -65536 : i32
          %parallel_loop3A_608 = vector.broadcast %parallel_loop3A_607 : i32 to vector<16xi32>
          %parallel_loop3A_609 = arith.andi %parallel_loop3A_593, %parallel_loop3A_608 : vector<16xi32>
          %parallel_loop3A_610 = tpu.bitcast %parallel_loop3A_609 : vector<16xi32> -> vector<16xf32>
          %parallel_loop3A_611 = arith.mulf %parallel_loop3A_606, %parallel_loop3A_610 : vector<16xf32>
          %parallel_loop3A_612 = arith.addf %parallel_loop3A_602, %parallel_loop3A_611 : vector<16xf32>
          %parallel_loop3A_613 = arith.constant 16 : i32
          %parallel_loop3A_614 = arith.muli %parallel_loop3A_209, %parallel_loop3A_613 : i32
          %parallel_loop3A_615 = arith.constant 13 : i32
          %parallel_loop3A_616 = arith.addi %parallel_loop3A_614, %parallel_loop3A_615 : i32
          %parallel_loop3A_617 = arith.index_cast %parallel_loop3A_616 : i32 to index
          %parallel_loop3A_618 = arith.constant 0 : index
          %parallel_loop3A_619 = tpu.vector_load %arg11[%parallel_loop3A_617, %parallel_loop3A_618] {strides = array<i32>} : memref<128x128xi32, #tpu.memory_space<vmem>>, vector<1x16xi32>,
          %parallel_loop3A_620 = vector.shape_cast %parallel_loop3A_619 : vector<1x16xi32> to vector<16xi32>
          %parallel_loop3A_621 = arith.index_cast %parallel_loop3A_616 : i32 to index
          %parallel_loop3A_622 = arith.constant 0 : index
          %parallel_loop3A_623 = tpu.vector_load %arg13[%parallel_loop3A_621, %parallel_loop3A_622] {strides = array<i32>} : memref<128x128xi32, #tpu.memory_space<vmem>>, vector<1x16xi32>,
          %parallel_loop3A_624 = vector.shape_cast %parallel_loop3A_623 : vector<1x16xi32> to vector<16xi32>
          %parallel_loop3A_625 = arith.constant 16 : i32
          %parallel_loop3A_626 = vector.broadcast %parallel_loop3A_625 : i32 to vector<16xi32>
          %parallel_loop3A_627 = arith.shli %parallel_loop3A_620, %parallel_loop3A_626 : vector<16xi32>
          %parallel_loop3A_628 = tpu.bitcast %parallel_loop3A_627 : vector<16xi32> -> vector<16xf32>
          %parallel_loop3A_629 = arith.constant 16 : i32
          %parallel_loop3A_630 = vector.broadcast %parallel_loop3A_629 : i32 to vector<16xi32>
          %parallel_loop3A_631 = arith.shli %parallel_loop3A_624, %parallel_loop3A_630 : vector<16xi32>
          %parallel_loop3A_632 = tpu.bitcast %parallel_loop3A_631 : vector<16xi32> -> vector<16xf32>
          %parallel_loop3A_633 = arith.mulf %parallel_loop3A_628, %parallel_loop3A_632 : vector<16xf32>
          %parallel_loop3A_634 = arith.constant -65536 : i32
          %parallel_loop3A_635 = vector.broadcast %parallel_loop3A_634 : i32 to vector<16xi32>
          %parallel_loop3A_636 = arith.andi %parallel_loop3A_620, %parallel_loop3A_635 : vector<16xi32>
          %parallel_loop3A_637 = tpu.bitcast %parallel_loop3A_636 : vector<16xi32> -> vector<16xf32>
          %parallel_loop3A_638 = arith.constant -65536 : i32
          %parallel_loop3A_639 = vector.broadcast %parallel_loop3A_638 : i32 to vector<16xi32>
          %parallel_loop3A_640 = arith.andi %parallel_loop3A_624, %parallel_loop3A_639 : vector<16xi32>
          %parallel_loop3A_641 = tpu.bitcast %parallel_loop3A_640 : vector<16xi32> -> vector<16xf32>
          %parallel_loop3A_642 = arith.mulf %parallel_loop3A_637, %parallel_loop3A_641 : vector<16xf32>
          %parallel_loop3A_643 = arith.addf %parallel_loop3A_633, %parallel_loop3A_642 : vector<16xf32>
          %parallel_loop3A_644 = arith.constant 16 : i32
          %parallel_loop3A_645 = arith.muli %parallel_loop3A_209, %parallel_loop3A_644 : i32
          %parallel_loop3A_646 = arith.constant 14 : i32
          %parallel_loop3A_647 = arith.addi %parallel_loop3A_645, %parallel_loop3A_646 : i32
          %parallel_loop3A_648 = arith.index_cast %parallel_loop3A_647 : i32 to index
          %parallel_loop3A_649 = arith.constant 0 : index
          %parallel_loop3A_650 = tpu.vector_load %arg11[%parallel_loop3A_648, %parallel_loop3A_649] {strides = array<i32>} : memref<128x128xi32, #tpu.memory_space<vmem>>, vector<1x16xi32>,
          %parallel_loop3A_651 = vector.shape_cast %parallel_loop3A_650 : vector<1x16xi32> to vector<16xi32>
          %parallel_loop3A_652 = arith.index_cast %parallel_loop3A_647 : i32 to index
          %parallel_loop3A_653 = arith.constant 0 : index
          %parallel_loop3A_654 = tpu.vector_load %arg13[%parallel_loop3A_652, %parallel_loop3A_653] {strides = array<i32>} : memref<128x128xi32, #tpu.memory_space<vmem>>, vector<1x16xi32>,
          %parallel_loop3A_655 = vector.shape_cast %parallel_loop3A_654 : vector<1x16xi32> to vector<16xi32>
          %parallel_loop3A_656 = arith.constant 16 : i32
          %parallel_loop3A_657 = vector.broadcast %parallel_loop3A_656 : i32 to vector<16xi32>
          %parallel_loop3A_658 = arith.shli %parallel_loop3A_651, %parallel_loop3A_657 : vector<16xi32>
          %parallel_loop3A_659 = tpu.bitcast %parallel_loop3A_658 : vector<16xi32> -> vector<16xf32>
          %parallel_loop3A_660 = arith.constant 16 : i32
          %parallel_loop3A_661 = vector.broadcast %parallel_loop3A_660 : i32 to vector<16xi32>
          %parallel_loop3A_662 = arith.shli %parallel_loop3A_655, %parallel_loop3A_661 : vector<16xi32>
          %parallel_loop3A_663 = tpu.bitcast %parallel_loop3A_662 : vector<16xi32> -> vector<16xf32>
          %parallel_loop3A_664 = arith.mulf %parallel_loop3A_659, %parallel_loop3A_663 : vector<16xf32>
          %parallel_loop3A_665 = arith.constant -65536 : i32
          %parallel_loop3A_666 = vector.broadcast %parallel_loop3A_665 : i32 to vector<16xi32>
          %parallel_loop3A_667 = arith.andi %parallel_loop3A_651, %parallel_loop3A_666 : vector<16xi32>
          %parallel_loop3A_668 = tpu.bitcast %parallel_loop3A_667 : vector<16xi32> -> vector<16xf32>
          %parallel_loop3A_669 = arith.constant -65536 : i32
          %parallel_loop3A_670 = vector.broadcast %parallel_loop3A_669 : i32 to vector<16xi32>
          %parallel_loop3A_671 = arith.andi %parallel_loop3A_655, %parallel_loop3A_670 : vector<16xi32>
          %parallel_loop3A_672 = tpu.bitcast %parallel_loop3A_671 : vector<16xi32> -> vector<16xf32>
          %parallel_loop3A_673 = arith.mulf %parallel_loop3A_668, %parallel_loop3A_672 : vector<16xf32>
          %parallel_loop3A_674 = arith.addf %parallel_loop3A_664, %parallel_loop3A_673 : vector<16xf32>
          %parallel_loop3A_675 = arith.constant 16 : i32
          %parallel_loop3A_676 = arith.muli %parallel_loop3A_209, %parallel_loop3A_675 : i32
          %parallel_loop3A_677 = arith.constant 15 : i32
          %parallel_loop3A_678 = arith.addi %parallel_loop3A_676, %parallel_loop3A_677 : i32
          %parallel_loop3A_679 = arith.index_cast %parallel_loop3A_678 : i32 to index
          %parallel_loop3A_680 = arith.constant 0 : index
          %parallel_loop3A_681 = tpu.vector_load %arg11[%parallel_loop3A_679, %parallel_loop3A_680] {strides = array<i32>} : memref<128x128xi32, #tpu.memory_space<vmem>>, vector<1x16xi32>,
          %parallel_loop3A_682 = vector.shape_cast %parallel_loop3A_681 : vector<1x16xi32> to vector<16xi32>
          %parallel_loop3A_683 = arith.index_cast %parallel_loop3A_678 : i32 to index
          %parallel_loop3A_684 = arith.constant 0 : index
          %parallel_loop3A_685 = tpu.vector_load %arg13[%parallel_loop3A_683, %parallel_loop3A_684] {strides = array<i32>} : memref<128x128xi32, #tpu.memory_space<vmem>>, vector<1x16xi32>,
          %parallel_loop3A_686 = vector.shape_cast %parallel_loop3A_685 : vector<1x16xi32> to vector<16xi32>
          %parallel_loop3A_687 = arith.constant 16 : i32
          %parallel_loop3A_688 = vector.broadcast %parallel_loop3A_687 : i32 to vector<16xi32>
          %parallel_loop3A_689 = arith.shli %parallel_loop3A_682, %parallel_loop3A_688 : vector<16xi32>
          %parallel_loop3A_690 = tpu.bitcast %parallel_loop3A_689 : vector<16xi32> -> vector<16xf32>
          %parallel_loop3A_691 = arith.constant 16 : i32
          %parallel_loop3A_692 = vector.broadcast %parallel_loop3A_691 : i32 to vector<16xi32>
          %parallel_loop3A_693 = arith.shli %parallel_loop3A_686, %parallel_loop3A_692 : vector<16xi32>
          %parallel_loop3A_694 = tpu.bitcast %parallel_loop3A_693 : vector<16xi32> -> vector<16xf32>
          %parallel_loop3A_695 = arith.mulf %parallel_loop3A_690, %parallel_loop3A_694 : vector<16xf32>
          %parallel_loop3A_696 = arith.constant -65536 : i32
          %parallel_loop3A_697 = vector.broadcast %parallel_loop3A_696 : i32 to vector<16xi32>
          %parallel_loop3A_698 = arith.andi %parallel_loop3A_682, %parallel_loop3A_697 : vector<16xi32>
          %parallel_loop3A_699 = tpu.bitcast %parallel_loop3A_698 : vector<16xi32> -> vector<16xf32>
          %parallel_loop3A_700 = arith.constant -65536 : i32
          %parallel_loop3A_701 = vector.broadcast %parallel_loop3A_700 : i32 to vector<16xi32>
          %parallel_loop3A_702 = arith.andi %parallel_loop3A_686, %parallel_loop3A_701 : vector<16xi32>
          %parallel_loop3A_703 = tpu.bitcast %parallel_loop3A_702 : vector<16xi32> -> vector<16xf32>
          %parallel_loop3A_704 = arith.mulf %parallel_loop3A_699, %parallel_loop3A_703 : vector<16xf32>
          %parallel_loop3A_705 = arith.addf %parallel_loop3A_695, %parallel_loop3A_704 : vector<16xf32>
          %parallel_loop3A_706 = arith.constant 0 : i32
          %parallel_loop3A_707 = arith.constant 7 : i32
          %parallel_loop3A_708 = arith.addi %parallel_loop3A_706, %parallel_loop3A_707 : i32
          %parallel_loop3A_709 = arith.constant 1 : i32
          %parallel_loop3A_710:16 = scf.for %scan3A_1363 = %parallel_loop3A_706 to %parallel_loop3A_708 step %parallel_loop3A_709 iter_args(%scan3A_1364 = %parallel_loop3A_240, %scan3A_1365 = %parallel_loop3A_271, %scan3A_1366 = %parallel_loop3A_302, %scan3A_1367 = %parallel_loop3A_333, %scan3A_1368 = %parallel_loop3A_364, %scan3A_1369 = %parallel_loop3A_395, %scan3A_1370 = %parallel_loop3A_426, %scan3A_1371 = %parallel_loop3A_457, %scan3A_1372 = %parallel_loop3A_488, %scan3A_1373 = %parallel_loop3A_519, %scan3A_1374 = %parallel_loop3A_550, %scan3A_1375 = %parallel_loop3A_581, %scan3A_1376 = %parallel_loop3A_612, %scan3A_1377 = %parallel_loop3A_643, %scan3A_1378 = %parallel_loop3A_674, %scan3A_1379 = %parallel_loop3A_705) -> (vector<16xf32>, vector<16xf32>, vector<16xf32>, vector<16xf32>, vector<16xf32>, vector<16xf32>, vector<16xf32>, vector<16xf32>, vector<16xf32>, vector<16xf32>, vector<16xf32>, vector<16xf32>, vector<16xf32>, vector<16xf32>, vector<16xf32>, vector<16xf32>)  : i32 {
            %parallel_loop3A_1380 = arith.constant 1 : i32
            %parallel_loop3A_1381 = arith.muli %scan3A_1363, %parallel_loop3A_1380 : i32
            %parallel_loop3A_1382 = arith.constant 1 : i32
            %parallel_loop3A_1383 = arith.addi %parallel_loop3A_1382, %parallel_loop3A_1381 : i32
            %parallel_loop3A_1384 = arith.constant 16 : i32
            %parallel_loop3A_1385 = arith.muli %parallel_loop3A_1383, %parallel_loop3A_1384 : i32
            %parallel_loop3A_1386 = tpu.assume_multiple %parallel_loop3A_1385, 16 : i32
            %parallel_loop3A_1387 = arith.constant 16 : i32
            %parallel_loop3A_1388 = arith.muli %parallel_loop3A_209, %parallel_loop3A_1387 : i32
            %parallel_loop3A_1389 = arith.constant 0 : i32
            %parallel_loop3A_1390 = arith.addi %parallel_loop3A_1388, %parallel_loop3A_1389 : i32
            %parallel_loop3A_1391 = arith.index_cast %parallel_loop3A_1390 : i32 to index
            %parallel_loop3A_1392 = arith.index_cast %parallel_loop3A_1386 : i32 to index
            %parallel_loop3A_1393 = tpu.vector_load %arg11[%parallel_loop3A_1391, %parallel_loop3A_1392] {strides = array<i32>} : memref<128x128xi32, #tpu.memory_space<vmem>>, vector<1x16xi32>,
            %parallel_loop3A_1394 = vector.shape_cast %parallel_loop3A_1393 : vector<1x16xi32> to vector<16xi32>
            %parallel_loop3A_1395 = arith.index_cast %parallel_loop3A_1390 : i32 to index
            %parallel_loop3A_1396 = arith.index_cast %parallel_loop3A_1386 : i32 to index
            %parallel_loop3A_1397 = tpu.vector_load %arg13[%parallel_loop3A_1395, %parallel_loop3A_1396] {strides = array<i32>} : memref<128x128xi32, #tpu.memory_space<vmem>>, vector<1x16xi32>,
            %parallel_loop3A_1398 = vector.shape_cast %parallel_loop3A_1397 : vector<1x16xi32> to vector<16xi32>
            %parallel_loop3A_1399 = arith.constant 16 : i32
            %parallel_loop3A_1400 = vector.broadcast %parallel_loop3A_1399 : i32 to vector<16xi32>
            %parallel_loop3A_1401 = arith.shli %parallel_loop3A_1394, %parallel_loop3A_1400 : vector<16xi32>
            %parallel_loop3A_1402 = tpu.bitcast %parallel_loop3A_1401 : vector<16xi32> -> vector<16xf32>
            %parallel_loop3A_1403 = arith.constant 16 : i32
            %parallel_loop3A_1404 = vector.broadcast %parallel_loop3A_1403 : i32 to vector<16xi32>
            %parallel_loop3A_1405 = arith.shli %parallel_loop3A_1398, %parallel_loop3A_1404 : vector<16xi32>
            %parallel_loop3A_1406 = tpu.bitcast %parallel_loop3A_1405 : vector<16xi32> -> vector<16xf32>
            %parallel_loop3A_1407 = arith.mulf %parallel_loop3A_1402, %parallel_loop3A_1406 : vector<16xf32>
            %parallel_loop3A_1408 = arith.constant -65536 : i32
            %parallel_loop3A_1409 = vector.broadcast %parallel_loop3A_1408 : i32 to vector<16xi32>
            %parallel_loop3A_1410 = arith.andi %parallel_loop3A_1394, %parallel_loop3A_1409 : vector<16xi32>
            %parallel_loop3A_1411 = tpu.bitcast %parallel_loop3A_1410 : vector<16xi32> -> vector<16xf32>
            %parallel_loop3A_1412 = arith.constant -65536 : i32
            %parallel_loop3A_1413 = vector.broadcast %parallel_loop3A_1412 : i32 to vector<16xi32>
            %parallel_loop3A_1414 = arith.andi %parallel_loop3A_1398, %parallel_loop3A_1413 : vector<16xi32>
            %parallel_loop3A_1415 = tpu.bitcast %parallel_loop3A_1414 : vector<16xi32> -> vector<16xf32>
            %parallel_loop3A_1416 = arith.mulf %parallel_loop3A_1411, %parallel_loop3A_1415 : vector<16xf32>
            %parallel_loop3A_1417 = arith.addf %parallel_loop3A_1407, %parallel_loop3A_1416 : vector<16xf32>
            %parallel_loop3A_1418 = arith.addf %scan3A_1364, %parallel_loop3A_1417 : vector<16xf32>
            %parallel_loop3A_1419 = arith.constant 16 : i32
            %parallel_loop3A_1420 = arith.muli %parallel_loop3A_209, %parallel_loop3A_1419 : i32
            %parallel_loop3A_1421 = arith.constant 1 : i32
            %parallel_loop3A_1422 = arith.addi %parallel_loop3A_1420, %parallel_loop3A_1421 : i32
            %parallel_loop3A_1423 = arith.index_cast %parallel_loop3A_1422 : i32 to index
            %parallel_loop3A_1424 = arith.index_cast %parallel_loop3A_1386 : i32 to index
            %parallel_loop3A_1425 = tpu.vector_load %arg11[%parallel_loop3A_1423, %parallel_loop3A_1424] {strides = array<i32>} : memref<128x128xi32, #tpu.memory_space<vmem>>, vector<1x16xi32>,
            %parallel_loop3A_1426 = vector.shape_cast %parallel_loop3A_1425 : vector<1x16xi32> to vector<16xi32>
            %parallel_loop3A_1427 = arith.index_cast %parallel_loop3A_1422 : i32 to index
            %parallel_loop3A_1428 = arith.index_cast %parallel_loop3A_1386 : i32 to index
            %parallel_loop3A_1429 = tpu.vector_load %arg13[%parallel_loop3A_1427, %parallel_loop3A_1428] {strides = array<i32>} : memref<128x128xi32, #tpu.memory_space<vmem>>, vector<1x16xi32>,
            %parallel_loop3A_1430 = vector.shape_cast %parallel_loop3A_1429 : vector<1x16xi32> to vector<16xi32>
            %parallel_loop3A_1431 = arith.constant 16 : i32
            %parallel_loop3A_1432 = vector.broadcast %parallel_loop3A_1431 : i32 to vector<16xi32>
            %parallel_loop3A_1433 = arith.shli %parallel_loop3A_1426, %parallel_loop3A_1432 : vector<16xi32>
            %parallel_loop3A_1434 = tpu.bitcast %parallel_loop3A_1433 : vector<16xi32> -> vector<16xf32>
            %parallel_loop3A_1435 = arith.constant 16 : i32
            %parallel_loop3A_1436 = vector.broadcast %parallel_loop3A_1435 : i32 to vector<16xi32>
            %parallel_loop3A_1437 = arith.shli %parallel_loop3A_1430, %parallel_loop3A_1436 : vector<16xi32>
            %parallel_loop3A_1438 = tpu.bitcast %parallel_loop3A_1437 : vector<16xi32> -> vector<16xf32>
            %parallel_loop3A_1439 = arith.mulf %parallel_loop3A_1434, %parallel_loop3A_1438 : vector<16xf32>
            %parallel_loop3A_1440 = arith.constant -65536 : i32
            %parallel_loop3A_1441 = vector.broadcast %parallel_loop3A_1440 : i32 to vector<16xi32>
            %parallel_loop3A_1442 = arith.andi %parallel_loop3A_1426, %parallel_loop3A_1441 : vector<16xi32>
            %parallel_loop3A_1443 = tpu.bitcast %parallel_loop3A_1442 : vector<16xi32> -> vector<16xf32>
            %parallel_loop3A_1444 = arith.constant -65536 : i32
            %parallel_loop3A_1445 = vector.broadcast %parallel_loop3A_1444 : i32 to vector<16xi32>
            %parallel_loop3A_1446 = arith.andi %parallel_loop3A_1430, %parallel_loop3A_1445 : vector<16xi32>
            %parallel_loop3A_1447 = tpu.bitcast %parallel_loop3A_1446 : vector<16xi32> -> vector<16xf32>
            %parallel_loop3A_1448 = arith.mulf %parallel_loop3A_1443, %parallel_loop3A_1447 : vector<16xf32>
            %parallel_loop3A_1449 = arith.addf %parallel_loop3A_1439, %parallel_loop3A_1448 : vector<16xf32>
            %parallel_loop3A_1450 = arith.addf %scan3A_1365, %parallel_loop3A_1449 : vector<16xf32>
            %parallel_loop3A_1451 = arith.constant 16 : i32
            %parallel_loop3A_1452 = arith.muli %parallel_loop3A_209, %parallel_loop3A_1451 : i32
            %parallel_loop3A_1453 = arith.constant 2 : i32
            %parallel_loop3A_1454 = arith.addi %parallel_loop3A_1452, %parallel_loop3A_1453 : i32
            %parallel_loop3A_1455 = arith.index_cast %parallel_loop3A_1454 : i32 to index
            %parallel_loop3A_1456 = arith.index_cast %parallel_loop3A_1386 : i32 to index
            %parallel_loop3A_1457 = tpu.vector_load %arg11[%parallel_loop3A_1455, %parallel_loop3A_1456] {strides = array<i32>} : memref<128x128xi32, #tpu.memory_space<vmem>>, vector<1x16xi32>,
            %parallel_loop3A_1458 = vector.shape_cast %parallel_loop3A_1457 : vector<1x16xi32> to vector<16xi32>
            %parallel_loop3A_1459 = arith.index_cast %parallel_loop3A_1454 : i32 to index
            %parallel_loop3A_1460 = arith.index_cast %parallel_loop3A_1386 : i32 to index
            %parallel_loop3A_1461 = tpu.vector_load %arg13[%parallel_loop3A_1459, %parallel_loop3A_1460] {strides = array<i32>} : memref<128x128xi32, #tpu.memory_space<vmem>>, vector<1x16xi32>,
            %parallel_loop3A_1462 = vector.shape_cast %parallel_loop3A_1461 : vector<1x16xi32> to vector<16xi32>
            %parallel_loop3A_1463 = arith.constant 16 : i32
            %parallel_loop3A_1464 = vector.broadcast %parallel_loop3A_1463 : i32 to vector<16xi32>
            %parallel_loop3A_1465 = arith.shli %parallel_loop3A_1458, %parallel_loop3A_1464 : vector<16xi32>
            %parallel_loop3A_1466 = tpu.bitcast %parallel_loop3A_1465 : vector<16xi32> -> vector<16xf32>
            %parallel_loop3A_1467 = arith.constant 16 : i32
            %parallel_loop3A_1468 = vector.broadcast %parallel_loop3A_1467 : i32 to vector<16xi32>
            %parallel_loop3A_1469 = arith.shli %parallel_loop3A_1462, %parallel_loop3A_1468 : vector<16xi32>
            %parallel_loop3A_1470 = tpu.bitcast %parallel_loop3A_1469 : vector<16xi32> -> vector<16xf32>
            %parallel_loop3A_1471 = arith.mulf %parallel_loop3A_1466, %parallel_loop3A_1470 : vector<16xf32>
            %parallel_loop3A_1472 = arith.constant -65536 : i32
            %parallel_loop3A_1473 = vector.broadcast %parallel_loop3A_1472 : i32 to vector<16xi32>
            %parallel_loop3A_1474 = arith.andi %parallel_loop3A_1458, %parallel_loop3A_1473 : vector<16xi32>
            %parallel_loop3A_1475 = tpu.bitcast %parallel_loop3A_1474 : vector<16xi32> -> vector<16xf32>
            %parallel_loop3A_1476 = arith.constant -65536 : i32
            %parallel_loop3A_1477 = vector.broadcast %parallel_loop3A_1476 : i32 to vector<16xi32>
            %parallel_loop3A_1478 = arith.andi %parallel_loop3A_1462, %parallel_loop3A_1477 : vector<16xi32>
            %parallel_loop3A_1479 = tpu.bitcast %parallel_loop3A_1478 : vector<16xi32> -> vector<16xf32>
            %parallel_loop3A_1480 = arith.mulf %parallel_loop3A_1475, %parallel_loop3A_1479 : vector<16xf32>
            %parallel_loop3A_1481 = arith.addf %parallel_loop3A_1471, %parallel_loop3A_1480 : vector<16xf32>
            %parallel_loop3A_1482 = arith.addf %scan3A_1366, %parallel_loop3A_1481 : vector<16xf32>
            %parallel_loop3A_1483 = arith.constant 16 : i32
            %parallel_loop3A_1484 = arith.muli %parallel_loop3A_209, %parallel_loop3A_1483 : i32
            %parallel_loop3A_1485 = arith.constant 3 : i32
            %parallel_loop3A_1486 = arith.addi %parallel_loop3A_1484, %parallel_loop3A_1485 : i32
            %parallel_loop3A_1487 = arith.index_cast %parallel_loop3A_1486 : i32 to index
            %parallel_loop3A_1488 = arith.index_cast %parallel_loop3A_1386 : i32 to index
            %parallel_loop3A_1489 = tpu.vector_load %arg11[%parallel_loop3A_1487, %parallel_loop3A_1488] {strides = array<i32>} : memref<128x128xi32, #tpu.memory_space<vmem>>, vector<1x16xi32>,
            %parallel_loop3A_1490 = vector.shape_cast %parallel_loop3A_1489 : vector<1x16xi32> to vector<16xi32>
            %parallel_loop3A_1491 = arith.index_cast %parallel_loop3A_1486 : i32 to index
            %parallel_loop3A_1492 = arith.index_cast %parallel_loop3A_1386 : i32 to index
            %parallel_loop3A_1493 = tpu.vector_load %arg13[%parallel_loop3A_1491, %parallel_loop3A_1492] {strides = array<i32>} : memref<128x128xi32, #tpu.memory_space<vmem>>, vector<1x16xi32>,
            %parallel_loop3A_1494 = vector.shape_cast %parallel_loop3A_1493 : vector<1x16xi32> to vector<16xi32>
            %parallel_loop3A_1495 = arith.constant 16 : i32
            %parallel_loop3A_1496 = vector.broadcast %parallel_loop3A_1495 : i32 to vector<16xi32>
            %parallel_loop3A_1497 = arith.shli %parallel_loop3A_1490, %parallel_loop3A_1496 : vector<16xi32>
            %parallel_loop3A_1498 = tpu.bitcast %parallel_loop3A_1497 : vector<16xi32> -> vector<16xf32>
            %parallel_loop3A_1499 = arith.constant 16 : i32
            %parallel_loop3A_1500 = vector.broadcast %parallel_loop3A_1499 : i32 to vector<16xi32>
            %parallel_loop3A_1501 = arith.shli %parallel_loop3A_1494, %parallel_loop3A_1500 : vector<16xi32>
            %parallel_loop3A_1502 = tpu.bitcast %parallel_loop3A_1501 : vector<16xi32> -> vector<16xf32>
            %parallel_loop3A_1503 = arith.mulf %parallel_loop3A_1498, %parallel_loop3A_1502 : vector<16xf32>
            %parallel_loop3A_1504 = arith.constant -65536 : i32
            %parallel_loop3A_1505 = vector.broadcast %parallel_loop3A_1504 : i32 to vector<16xi32>
            %parallel_loop3A_1506 = arith.andi %parallel_loop3A_1490, %parallel_loop3A_1505 : vector<16xi32>
            %parallel_loop3A_1507 = tpu.bitcast %parallel_loop3A_1506 : vector<16xi32> -> vector<16xf32>
            %parallel_loop3A_1508 = arith.constant -65536 : i32
            %parallel_loop3A_1509 = vector.broadcast %parallel_loop3A_1508 : i32 to vector<16xi32>
            %parallel_loop3A_1510 = arith.andi %parallel_loop3A_1494, %parallel_loop3A_1509 : vector<16xi32>
            %parallel_loop3A_1511 = tpu.bitcast %parallel_loop3A_1510 : vector<16xi32> -> vector<16xf32>
            %parallel_loop3A_1512 = arith.mulf %parallel_loop3A_1507, %parallel_loop3A_1511 : vector<16xf32>
            %parallel_loop3A_1513 = arith.addf %parallel_loop3A_1503, %parallel_loop3A_1512 : vector<16xf32>
            %parallel_loop3A_1514 = arith.addf %scan3A_1367, %parallel_loop3A_1513 : vector<16xf32>
            %parallel_loop3A_1515 = arith.constant 16 : i32
            %parallel_loop3A_1516 = arith.muli %parallel_loop3A_209, %parallel_loop3A_1515 : i32
            %parallel_loop3A_1517 = arith.constant 4 : i32
            %parallel_loop3A_1518 = arith.addi %parallel_loop3A_1516, %parallel_loop3A_1517 : i32
            %parallel_loop3A_1519 = arith.index_cast %parallel_loop3A_1518 : i32 to index
            %parallel_loop3A_1520 = arith.index_cast %parallel_loop3A_1386 : i32 to index
            %parallel_loop3A_1521 = tpu.vector_load %arg11[%parallel_loop3A_1519, %parallel_loop3A_1520] {strides = array<i32>} : memref<128x128xi32, #tpu.memory_space<vmem>>, vector<1x16xi32>,
            %parallel_loop3A_1522 = vector.shape_cast %parallel_loop3A_1521 : vector<1x16xi32> to vector<16xi32>
            %parallel_loop3A_1523 = arith.index_cast %parallel_loop3A_1518 : i32 to index
            %parallel_loop3A_1524 = arith.index_cast %parallel_loop3A_1386 : i32 to index
            %parallel_loop3A_1525 = tpu.vector_load %arg13[%parallel_loop3A_1523, %parallel_loop3A_1524] {strides = array<i32>} : memref<128x128xi32, #tpu.memory_space<vmem>>, vector<1x16xi32>,
            %parallel_loop3A_1526 = vector.shape_cast %parallel_loop3A_1525 : vector<1x16xi32> to vector<16xi32>
            %parallel_loop3A_1527 = arith.constant 16 : i32
            %parallel_loop3A_1528 = vector.broadcast %parallel_loop3A_1527 : i32 to vector<16xi32>
            %parallel_loop3A_1529 = arith.shli %parallel_loop3A_1522, %parallel_loop3A_1528 : vector<16xi32>
            %parallel_loop3A_1530 = tpu.bitcast %parallel_loop3A_1529 : vector<16xi32> -> vector<16xf32>
            %parallel_loop3A_1531 = arith.constant 16 : i32
            %parallel_loop3A_1532 = vector.broadcast %parallel_loop3A_1531 : i32 to vector<16xi32>
            %parallel_loop3A_1533 = arith.shli %parallel_loop3A_1526, %parallel_loop3A_1532 : vector<16xi32>
            %parallel_loop3A_1534 = tpu.bitcast %parallel_loop3A_1533 : vector<16xi32> -> vector<16xf32>
            %parallel_loop3A_1535 = arith.mulf %parallel_loop3A_1530, %parallel_loop3A_1534 : vector<16xf32>
            %parallel_loop3A_1536 = arith.constant -65536 : i32
            %parallel_loop3A_1537 = vector.broadcast %parallel_loop3A_1536 : i32 to vector<16xi32>
            %parallel_loop3A_1538 = arith.andi %parallel_loop3A_1522, %parallel_loop3A_1537 : vector<16xi32>
            %parallel_loop3A_1539 = tpu.bitcast %parallel_loop3A_1538 : vector<16xi32> -> vector<16xf32>
            %parallel_loop3A_1540 = arith.constant -65536 : i32
            %parallel_loop3A_1541 = vector.broadcast %parallel_loop3A_1540 : i32 to vector<16xi32>
            %parallel_loop3A_1542 = arith.andi %parallel_loop3A_1526, %parallel_loop3A_1541 : vector<16xi32>
            %parallel_loop3A_1543 = tpu.bitcast %parallel_loop3A_1542 : vector<16xi32> -> vector<16xf32>
            %parallel_loop3A_1544 = arith.mulf %parallel_loop3A_1539, %parallel_loop3A_1543 : vector<16xf32>
            %parallel_loop3A_1545 = arith.addf %parallel_loop3A_1535, %parallel_loop3A_1544 : vector<16xf32>
            %parallel_loop3A_1546 = arith.addf %scan3A_1368, %parallel_loop3A_1545 : vector<16xf32>
            %parallel_loop3A_1547 = arith.constant 16 : i32
            %parallel_loop3A_1548 = arith.muli %parallel_loop3A_209, %parallel_loop3A_1547 : i32
            %parallel_loop3A_1549 = arith.constant 5 : i32
            %parallel_loop3A_1550 = arith.addi %parallel_loop3A_1548, %parallel_loop3A_1549 : i32
            %parallel_loop3A_1551 = arith.index_cast %parallel_loop3A_1550 : i32 to index
            %parallel_loop3A_1552 = arith.index_cast %parallel_loop3A_1386 : i32 to index
            %parallel_loop3A_1553 = tpu.vector_load %arg11[%parallel_loop3A_1551, %parallel_loop3A_1552] {strides = array<i32>} : memref<128x128xi32, #tpu.memory_space<vmem>>, vector<1x16xi32>,
            %parallel_loop3A_1554 = vector.shape_cast %parallel_loop3A_1553 : vector<1x16xi32> to vector<16xi32>
            %parallel_loop3A_1555 = arith.index_cast %parallel_loop3A_1550 : i32 to index
            %parallel_loop3A_1556 = arith.index_cast %parallel_loop3A_1386 : i32 to index
            %parallel_loop3A_1557 = tpu.vector_load %arg13[%parallel_loop3A_1555, %parallel_loop3A_1556] {strides = array<i32>} : memref<128x128xi32, #tpu.memory_space<vmem>>, vector<1x16xi32>,
            %parallel_loop3A_1558 = vector.shape_cast %parallel_loop3A_1557 : vector<1x16xi32> to vector<16xi32>
            %parallel_loop3A_1559 = arith.constant 16 : i32
            %parallel_loop3A_1560 = vector.broadcast %parallel_loop3A_1559 : i32 to vector<16xi32>
            %parallel_loop3A_1561 = arith.shli %parallel_loop3A_1554, %parallel_loop3A_1560 : vector<16xi32>
            %parallel_loop3A_1562 = tpu.bitcast %parallel_loop3A_1561 : vector<16xi32> -> vector<16xf32>
            %parallel_loop3A_1563 = arith.constant 16 : i32
            %parallel_loop3A_1564 = vector.broadcast %parallel_loop3A_1563 : i32 to vector<16xi32>
            %parallel_loop3A_1565 = arith.shli %parallel_loop3A_1558, %parallel_loop3A_1564 : vector<16xi32>
            %parallel_loop3A_1566 = tpu.bitcast %parallel_loop3A_1565 : vector<16xi32> -> vector<16xf32>
            %parallel_loop3A_1567 = arith.mulf %parallel_loop3A_1562, %parallel_loop3A_1566 : vector<16xf32>
            %parallel_loop3A_1568 = arith.constant -65536 : i32
            %parallel_loop3A_1569 = vector.broadcast %parallel_loop3A_1568 : i32 to vector<16xi32>
            %parallel_loop3A_1570 = arith.andi %parallel_loop3A_1554, %parallel_loop3A_1569 : vector<16xi32>
            %parallel_loop3A_1571 = tpu.bitcast %parallel_loop3A_1570 : vector<16xi32> -> vector<16xf32>
            %parallel_loop3A_1572 = arith.constant -65536 : i32
            %parallel_loop3A_1573 = vector.broadcast %parallel_loop3A_1572 : i32 to vector<16xi32>
            %parallel_loop3A_1574 = arith.andi %parallel_loop3A_1558, %parallel_loop3A_1573 : vector<16xi32>
            %parallel_loop3A_1575 = tpu.bitcast %parallel_loop3A_1574 : vector<16xi32> -> vector<16xf32>
            %parallel_loop3A_1576 = arith.mulf %parallel_loop3A_1571, %parallel_loop3A_1575 : vector<16xf32>
            %parallel_loop3A_1577 = arith.addf %parallel_loop3A_1567, %parallel_loop3A_1576 : vector<16xf32>
            %parallel_loop3A_1578 = arith.addf %scan3A_1369, %parallel_loop3A_1577 : vector<16xf32>
            %parallel_loop3A_1579 = arith.constant 16 : i32
            %parallel_loop3A_1580 = arith.muli %parallel_loop3A_209, %parallel_loop3A_1579 : i32
            %parallel_loop3A_1581 = arith.constant 6 : i32
            %parallel_loop3A_1582 = arith.addi %parallel_loop3A_1580, %parallel_loop3A_1581 : i32
            %parallel_loop3A_1583 = arith.index_cast %parallel_loop3A_1582 : i32 to index
            %parallel_loop3A_1584 = arith.index_cast %parallel_loop3A_1386 : i32 to index
            %parallel_loop3A_1585 = tpu.vector_load %arg11[%parallel_loop3A_1583, %parallel_loop3A_1584] {strides = array<i32>} : memref<128x128xi32, #tpu.memory_space<vmem>>, vector<1x16xi32>,
            %parallel_loop3A_1586 = vector.shape_cast %parallel_loop3A_1585 : vector<1x16xi32> to vector<16xi32>
            %parallel_loop3A_1587 = arith.index_cast %parallel_loop3A_1582 : i32 to index
            %parallel_loop3A_1588 = arith.index_cast %parallel_loop3A_1386 : i32 to index
            %parallel_loop3A_1589 = tpu.vector_load %arg13[%parallel_loop3A_1587, %parallel_loop3A_1588] {strides = array<i32>} : memref<128x128xi32, #tpu.memory_space<vmem>>, vector<1x16xi32>,
            %parallel_loop3A_1590 = vector.shape_cast %parallel_loop3A_1589 : vector<1x16xi32> to vector<16xi32>
            %parallel_loop3A_1591 = arith.constant 16 : i32
            %parallel_loop3A_1592 = vector.broadcast %parallel_loop3A_1591 : i32 to vector<16xi32>
            %parallel_loop3A_1593 = arith.shli %parallel_loop3A_1586, %parallel_loop3A_1592 : vector<16xi32>
            %parallel_loop3A_1594 = tpu.bitcast %parallel_loop3A_1593 : vector<16xi32> -> vector<16xf32>
            %parallel_loop3A_1595 = arith.constant 16 : i32
            %parallel_loop3A_1596 = vector.broadcast %parallel_loop3A_1595 : i32 to vector<16xi32>
            %parallel_loop3A_1597 = arith.shli %parallel_loop3A_1590, %parallel_loop3A_1596 : vector<16xi32>
            %parallel_loop3A_1598 = tpu.bitcast %parallel_loop3A_1597 : vector<16xi32> -> vector<16xf32>
            %parallel_loop3A_1599 = arith.mulf %parallel_loop3A_1594, %parallel_loop3A_1598 : vector<16xf32>
            %parallel_loop3A_1600 = arith.constant -65536 : i32
            %parallel_loop3A_1601 = vector.broadcast %parallel_loop3A_1600 : i32 to vector<16xi32>
            %parallel_loop3A_1602 = arith.andi %parallel_loop3A_1586, %parallel_loop3A_1601 : vector<16xi32>
            %parallel_loop3A_1603 = tpu.bitcast %parallel_loop3A_1602 : vector<16xi32> -> vector<16xf32>
            %parallel_loop3A_1604 = arith.constant -65536 : i32
            %parallel_loop3A_1605 = vector.broadcast %parallel_loop3A_1604 : i32 to vector<16xi32>
            %parallel_loop3A_1606 = arith.andi %parallel_loop3A_1590, %parallel_loop3A_1605 : vector<16xi32>
            %parallel_loop3A_1607 = tpu.bitcast %parallel_loop3A_1606 : vector<16xi32> -> vector<16xf32>
            %parallel_loop3A_1608 = arith.mulf %parallel_loop3A_1603, %parallel_loop3A_1607 : vector<16xf32>
            %parallel_loop3A_1609 = arith.addf %parallel_loop3A_1599, %parallel_loop3A_1608 : vector<16xf32>
            %parallel_loop3A_1610 = arith.addf %scan3A_1370, %parallel_loop3A_1609 : vector<16xf32>
            %parallel_loop3A_1611 = arith.constant 16 : i32
            %parallel_loop3A_1612 = arith.muli %parallel_loop3A_209, %parallel_loop3A_1611 : i32
            %parallel_loop3A_1613 = arith.constant 7 : i32
            %parallel_loop3A_1614 = arith.addi %parallel_loop3A_1612, %parallel_loop3A_1613 : i32
            %parallel_loop3A_1615 = arith.index_cast %parallel_loop3A_1614 : i32 to index
            %parallel_loop3A_1616 = arith.index_cast %parallel_loop3A_1386 : i32 to index
            %parallel_loop3A_1617 = tpu.vector_load %arg11[%parallel_loop3A_1615, %parallel_loop3A_1616] {strides = array<i32>} : memref<128x128xi32, #tpu.memory_space<vmem>>, vector<1x16xi32>,
            %parallel_loop3A_1618 = vector.shape_cast %parallel_loop3A_1617 : vector<1x16xi32> to vector<16xi32>
            %parallel_loop3A_1619 = arith.index_cast %parallel_loop3A_1614 : i32 to index
            %parallel_loop3A_1620 = arith.index_cast %parallel_loop3A_1386 : i32 to index
            %parallel_loop3A_1621 = tpu.vector_load %arg13[%parallel_loop3A_1619, %parallel_loop3A_1620] {strides = array<i32>} : memref<128x128xi32, #tpu.memory_space<vmem>>, vector<1x16xi32>,
            %parallel_loop3A_1622 = vector.shape_cast %parallel_loop3A_1621 : vector<1x16xi32> to vector<16xi32>
            %parallel_loop3A_1623 = arith.constant 16 : i32
            %parallel_loop3A_1624 = vector.broadcast %parallel_loop3A_1623 : i32 to vector<16xi32>
            %parallel_loop3A_1625 = arith.shli %parallel_loop3A_1618, %parallel_loop3A_1624 : vector<16xi32>
            %parallel_loop3A_1626 = tpu.bitcast %parallel_loop3A_1625 : vector<16xi32> -> vector<16xf32>
            %parallel_loop3A_1627 = arith.constant 16 : i32
            %parallel_loop3A_1628 = vector.broadcast %parallel_loop3A_1627 : i32 to vector<16xi32>
            %parallel_loop3A_1629 = arith.shli %parallel_loop3A_1622, %parallel_loop3A_1628 : vector<16xi32>
            %parallel_loop3A_1630 = tpu.bitcast %parallel_loop3A_1629 : vector<16xi32> -> vector<16xf32>
            %parallel_loop3A_1631 = arith.mulf %parallel_loop3A_1626, %parallel_loop3A_1630 : vector<16xf32>
            %parallel_loop3A_1632 = arith.constant -65536 : i32
            %parallel_loop3A_1633 = vector.broadcast %parallel_loop3A_1632 : i32 to vector<16xi32>
            %parallel_loop3A_1634 = arith.andi %parallel_loop3A_1618, %parallel_loop3A_1633 : vector<16xi32>
            %parallel_loop3A_1635 = tpu.bitcast %parallel_loop3A_1634 : vector<16xi32> -> vector<16xf32>
            %parallel_loop3A_1636 = arith.constant -65536 : i32
            %parallel_loop3A_1637 = vector.broadcast %parallel_loop3A_1636 : i32 to vector<16xi32>
            %parallel_loop3A_1638 = arith.andi %parallel_loop3A_1622, %parallel_loop3A_1637 : vector<16xi32>
            %parallel_loop3A_1639 = tpu.bitcast %parallel_loop3A_1638 : vector<16xi32> -> vector<16xf32>
            %parallel_loop3A_1640 = arith.mulf %parallel_loop3A_1635, %parallel_loop3A_1639 : vector<16xf32>
            %parallel_loop3A_1641 = arith.addf %parallel_loop3A_1631, %parallel_loop3A_1640 : vector<16xf32>
            %parallel_loop3A_1642 = arith.addf %scan3A_1371, %parallel_loop3A_1641 : vector<16xf32>
            %parallel_loop3A_1643 = arith.constant 16 : i32
            %parallel_loop3A_1644 = arith.muli %parallel_loop3A_209, %parallel_loop3A_1643 : i32
            %parallel_loop3A_1645 = arith.constant 8 : i32
            %parallel_loop3A_1646 = arith.addi %parallel_loop3A_1644, %parallel_loop3A_1645 : i32
            %parallel_loop3A_1647 = arith.index_cast %parallel_loop3A_1646 : i32 to index
            %parallel_loop3A_1648 = arith.index_cast %parallel_loop3A_1386 : i32 to index
            %parallel_loop3A_1649 = tpu.vector_load %arg11[%parallel_loop3A_1647, %parallel_loop3A_1648] {strides = array<i32>} : memref<128x128xi32, #tpu.memory_space<vmem>>, vector<1x16xi32>,
            %parallel_loop3A_1650 = vector.shape_cast %parallel_loop3A_1649 : vector<1x16xi32> to vector<16xi32>
            %parallel_loop3A_1651 = arith.index_cast %parallel_loop3A_1646 : i32 to index
            %parallel_loop3A_1652 = arith.index_cast %parallel_loop3A_1386 : i32 to index
            %parallel_loop3A_1653 = tpu.vector_load %arg13[%parallel_loop3A_1651, %parallel_loop3A_1652] {strides = array<i32>} : memref<128x128xi32, #tpu.memory_space<vmem>>, vector<1x16xi32>,
            %parallel_loop3A_1654 = vector.shape_cast %parallel_loop3A_1653 : vector<1x16xi32> to vector<16xi32>
            %parallel_loop3A_1655 = arith.constant 16 : i32
            %parallel_loop3A_1656 = vector.broadcast %parallel_loop3A_1655 : i32 to vector<16xi32>
            %parallel_loop3A_1657 = arith.shli %parallel_loop3A_1650, %parallel_loop3A_1656 : vector<16xi32>
            %parallel_loop3A_1658 = tpu.bitcast %parallel_loop3A_1657 : vector<16xi32> -> vector<16xf32>
            %parallel_loop3A_1659 = arith.constant 16 : i32
            %parallel_loop3A_1660 = vector.broadcast %parallel_loop3A_1659 : i32 to vector<16xi32>
            %parallel_loop3A_1661 = arith.shli %parallel_loop3A_1654, %parallel_loop3A_1660 : vector<16xi32>
            %parallel_loop3A_1662 = tpu.bitcast %parallel_loop3A_1661 : vector<16xi32> -> vector<16xf32>
            %parallel_loop3A_1663 = arith.mulf %parallel_loop3A_1658, %parallel_loop3A_1662 : vector<16xf32>
            %parallel_loop3A_1664 = arith.constant -65536 : i32
            %parallel_loop3A_1665 = vector.broadcast %parallel_loop3A_1664 : i32 to vector<16xi32>
            %parallel_loop3A_1666 = arith.andi %parallel_loop3A_1650, %parallel_loop3A_1665 : vector<16xi32>
            %parallel_loop3A_1667 = tpu.bitcast %parallel_loop3A_1666 : vector<16xi32> -> vector<16xf32>
            %parallel_loop3A_1668 = arith.constant -65536 : i32
            %parallel_loop3A_1669 = vector.broadcast %parallel_loop3A_1668 : i32 to vector<16xi32>
            %parallel_loop3A_1670 = arith.andi %parallel_loop3A_1654, %parallel_loop3A_1669 : vector<16xi32>
            %parallel_loop3A_1671 = tpu.bitcast %parallel_loop3A_1670 : vector<16xi32> -> vector<16xf32>
            %parallel_loop3A_1672 = arith.mulf %parallel_loop3A_1667, %parallel_loop3A_1671 : vector<16xf32>
            %parallel_loop3A_1673 = arith.addf %parallel_loop3A_1663, %parallel_loop3A_1672 : vector<16xf32>
            %parallel_loop3A_1674 = arith.addf %scan3A_1372, %parallel_loop3A_1673 : vector<16xf32>
            %parallel_loop3A_1675 = arith.constant 16 : i32
            %parallel_loop3A_1676 = arith.muli %parallel_loop3A_209, %parallel_loop3A_1675 : i32
            %parallel_loop3A_1677 = arith.constant 9 : i32
            %parallel_loop3A_1678 = arith.addi %parallel_loop3A_1676, %parallel_loop3A_1677 : i32
            %parallel_loop3A_1679 = arith.index_cast %parallel_loop3A_1678 : i32 to index
            %parallel_loop3A_1680 = arith.index_cast %parallel_loop3A_1386 : i32 to index
            %parallel_loop3A_1681 = tpu.vector_load %arg11[%parallel_loop3A_1679, %parallel_loop3A_1680] {strides = array<i32>} : memref<128x128xi32, #tpu.memory_space<vmem>>, vector<1x16xi32>,
            %parallel_loop3A_1682 = vector.shape_cast %parallel_loop3A_1681 : vector<1x16xi32> to vector<16xi32>
            %parallel_loop3A_1683 = arith.index_cast %parallel_loop3A_1678 : i32 to index
            %parallel_loop3A_1684 = arith.index_cast %parallel_loop3A_1386 : i32 to index
            %parallel_loop3A_1685 = tpu.vector_load %arg13[%parallel_loop3A_1683, %parallel_loop3A_1684] {strides = array<i32>} : memref<128x128xi32, #tpu.memory_space<vmem>>, vector<1x16xi32>,
            %parallel_loop3A_1686 = vector.shape_cast %parallel_loop3A_1685 : vector<1x16xi32> to vector<16xi32>
            %parallel_loop3A_1687 = arith.constant 16 : i32
            %parallel_loop3A_1688 = vector.broadcast %parallel_loop3A_1687 : i32 to vector<16xi32>
            %parallel_loop3A_1689 = arith.shli %parallel_loop3A_1682, %parallel_loop3A_1688 : vector<16xi32>
            %parallel_loop3A_1690 = tpu.bitcast %parallel_loop3A_1689 : vector<16xi32> -> vector<16xf32>
            %parallel_loop3A_1691 = arith.constant 16 : i32
            %parallel_loop3A_1692 = vector.broadcast %parallel_loop3A_1691 : i32 to vector<16xi32>
            %parallel_loop3A_1693 = arith.shli %parallel_loop3A_1686, %parallel_loop3A_1692 : vector<16xi32>
            %parallel_loop3A_1694 = tpu.bitcast %parallel_loop3A_1693 : vector<16xi32> -> vector<16xf32>
            %parallel_loop3A_1695 = arith.mulf %parallel_loop3A_1690, %parallel_loop3A_1694 : vector<16xf32>
            %parallel_loop3A_1696 = arith.constant -65536 : i32
            %parallel_loop3A_1697 = vector.broadcast %parallel_loop3A_1696 : i32 to vector<16xi32>
            %parallel_loop3A_1698 = arith.andi %parallel_loop3A_1682, %parallel_loop3A_1697 : vector<16xi32>
            %parallel_loop3A_1699 = tpu.bitcast %parallel_loop3A_1698 : vector<16xi32> -> vector<16xf32>
            %parallel_loop3A_1700 = arith.constant -65536 : i32
            %parallel_loop3A_1701 = vector.broadcast %parallel_loop3A_1700 : i32 to vector<16xi32>
            %parallel_loop3A_1702 = arith.andi %parallel_loop3A_1686, %parallel_loop3A_1701 : vector<16xi32>
            %parallel_loop3A_1703 = tpu.bitcast %parallel_loop3A_1702 : vector<16xi32> -> vector<16xf32>
            %parallel_loop3A_1704 = arith.mulf %parallel_loop3A_1699, %parallel_loop3A_1703 : vector<16xf32>
            %parallel_loop3A_1705 = arith.addf %parallel_loop3A_1695, %parallel_loop3A_1704 : vector<16xf32>
            %parallel_loop3A_1706 = arith.addf %scan3A_1373, %parallel_loop3A_1705 : vector<16xf32>
            %parallel_loop3A_1707 = arith.constant 16 : i32
            %parallel_loop3A_1708 = arith.muli %parallel_loop3A_209, %parallel_loop3A_1707 : i32
            %parallel_loop3A_1709 = arith.constant 10 : i32
            %parallel_loop3A_1710 = arith.addi %parallel_loop3A_1708, %parallel_loop3A_1709 : i32
            %parallel_loop3A_1711 = arith.index_cast %parallel_loop3A_1710 : i32 to index
            %parallel_loop3A_1712 = arith.index_cast %parallel_loop3A_1386 : i32 to index
            %parallel_loop3A_1713 = tpu.vector_load %arg11[%parallel_loop3A_1711, %parallel_loop3A_1712] {strides = array<i32>} : memref<128x128xi32, #tpu.memory_space<vmem>>, vector<1x16xi32>,
            %parallel_loop3A_1714 = vector.shape_cast %parallel_loop3A_1713 : vector<1x16xi32> to vector<16xi32>
            %parallel_loop3A_1715 = arith.index_cast %parallel_loop3A_1710 : i32 to index
            %parallel_loop3A_1716 = arith.index_cast %parallel_loop3A_1386 : i32 to index
            %parallel_loop3A_1717 = tpu.vector_load %arg13[%parallel_loop3A_1715, %parallel_loop3A_1716] {strides = array<i32>} : memref<128x128xi32, #tpu.memory_space<vmem>>, vector<1x16xi32>,
            %parallel_loop3A_1718 = vector.shape_cast %parallel_loop3A_1717 : vector<1x16xi32> to vector<16xi32>
            %parallel_loop3A_1719 = arith.constant 16 : i32
            %parallel_loop3A_1720 = vector.broadcast %parallel_loop3A_1719 : i32 to vector<16xi32>
            %parallel_loop3A_1721 = arith.shli %parallel_loop3A_1714, %parallel_loop3A_1720 : vector<16xi32>
            %parallel_loop3A_1722 = tpu.bitcast %parallel_loop3A_1721 : vector<16xi32> -> vector<16xf32>
            %parallel_loop3A_1723 = arith.constant 16 : i32
            %parallel_loop3A_1724 = vector.broadcast %parallel_loop3A_1723 : i32 to vector<16xi32>
            %parallel_loop3A_1725 = arith.shli %parallel_loop3A_1718, %parallel_loop3A_1724 : vector<16xi32>
            %parallel_loop3A_1726 = tpu.bitcast %parallel_loop3A_1725 : vector<16xi32> -> vector<16xf32>
            %parallel_loop3A_1727 = arith.mulf %parallel_loop3A_1722, %parallel_loop3A_1726 : vector<16xf32>
            %parallel_loop3A_1728 = arith.constant -65536 : i32
            %parallel_loop3A_1729 = vector.broadcast %parallel_loop3A_1728 : i32 to vector<16xi32>
            %parallel_loop3A_1730 = arith.andi %parallel_loop3A_1714, %parallel_loop3A_1729 : vector<16xi32>
            %parallel_loop3A_1731 = tpu.bitcast %parallel_loop3A_1730 : vector<16xi32> -> vector<16xf32>
            %parallel_loop3A_1732 = arith.constant -65536 : i32
            %parallel_loop3A_1733 = vector.broadcast %parallel_loop3A_1732 : i32 to vector<16xi32>
            %parallel_loop3A_1734 = arith.andi %parallel_loop3A_1718, %parallel_loop3A_1733 : vector<16xi32>
            %parallel_loop3A_1735 = tpu.bitcast %parallel_loop3A_1734 : vector<16xi32> -> vector<16xf32>
            %parallel_loop3A_1736 = arith.mulf %parallel_loop3A_1731, %parallel_loop3A_1735 : vector<16xf32>
            %parallel_loop3A_1737 = arith.addf %parallel_loop3A_1727, %parallel_loop3A_1736 : vector<16xf32>
            %parallel_loop3A_1738 = arith.addf %scan3A_1374, %parallel_loop3A_1737 : vector<16xf32>
            %parallel_loop3A_1739 = arith.constant 16 : i32
            %parallel_loop3A_1740 = arith.muli %parallel_loop3A_209, %parallel_loop3A_1739 : i32
            %parallel_loop3A_1741 = arith.constant 11 : i32
            %parallel_loop3A_1742 = arith.addi %parallel_loop3A_1740, %parallel_loop3A_1741 : i32
            %parallel_loop3A_1743 = arith.index_cast %parallel_loop3A_1742 : i32 to index
            %parallel_loop3A_1744 = arith.index_cast %parallel_loop3A_1386 : i32 to index
            %parallel_loop3A_1745 = tpu.vector_load %arg11[%parallel_loop3A_1743, %parallel_loop3A_1744] {strides = array<i32>} : memref<128x128xi32, #tpu.memory_space<vmem>>, vector<1x16xi32>,
            %parallel_loop3A_1746 = vector.shape_cast %parallel_loop3A_1745 : vector<1x16xi32> to vector<16xi32>
            %parallel_loop3A_1747 = arith.index_cast %parallel_loop3A_1742 : i32 to index
            %parallel_loop3A_1748 = arith.index_cast %parallel_loop3A_1386 : i32 to index
            %parallel_loop3A_1749 = tpu.vector_load %arg13[%parallel_loop3A_1747, %parallel_loop3A_1748] {strides = array<i32>} : memref<128x128xi32, #tpu.memory_space<vmem>>, vector<1x16xi32>,
            %parallel_loop3A_1750 = vector.shape_cast %parallel_loop3A_1749 : vector<1x16xi32> to vector<16xi32>
            %parallel_loop3A_1751 = arith.constant 16 : i32
            %parallel_loop3A_1752 = vector.broadcast %parallel_loop3A_1751 : i32 to vector<16xi32>
            %parallel_loop3A_1753 = arith.shli %parallel_loop3A_1746, %parallel_loop3A_1752 : vector<16xi32>
            %parallel_loop3A_1754 = tpu.bitcast %parallel_loop3A_1753 : vector<16xi32> -> vector<16xf32>
            %parallel_loop3A_1755 = arith.constant 16 : i32
            %parallel_loop3A_1756 = vector.broadcast %parallel_loop3A_1755 : i32 to vector<16xi32>
            %parallel_loop3A_1757 = arith.shli %parallel_loop3A_1750, %parallel_loop3A_1756 : vector<16xi32>
            %parallel_loop3A_1758 = tpu.bitcast %parallel_loop3A_1757 : vector<16xi32> -> vector<16xf32>
            %parallel_loop3A_1759 = arith.mulf %parallel_loop3A_1754, %parallel_loop3A_1758 : vector<16xf32>
            %parallel_loop3A_1760 = arith.constant -65536 : i32
            %parallel_loop3A_1761 = vector.broadcast %parallel_loop3A_1760 : i32 to vector<16xi32>
            %parallel_loop3A_1762 = arith.andi %parallel_loop3A_1746, %parallel_loop3A_1761 : vector<16xi32>
            %parallel_loop3A_1763 = tpu.bitcast %parallel_loop3A_1762 : vector<16xi32> -> vector<16xf32>
            %parallel_loop3A_1764 = arith.constant -65536 : i32
            %parallel_loop3A_1765 = vector.broadcast %parallel_loop3A_1764 : i32 to vector<16xi32>
            %parallel_loop3A_1766 = arith.andi %parallel_loop3A_1750, %parallel_loop3A_1765 : vector<16xi32>
            %parallel_loop3A_1767 = tpu.bitcast %parallel_loop3A_1766 : vector<16xi32> -> vector<16xf32>
            %parallel_loop3A_1768 = arith.mulf %parallel_loop3A_1763, %parallel_loop3A_1767 : vector<16xf32>
            %parallel_loop3A_1769 = arith.addf %parallel_loop3A_1759, %parallel_loop3A_1768 : vector<16xf32>
            %parallel_loop3A_1770 = arith.addf %scan3A_1375, %parallel_loop3A_1769 : vector<16xf32>
            %parallel_loop3A_1771 = arith.constant 16 : i32
            %parallel_loop3A_1772 = arith.muli %parallel_loop3A_209, %parallel_loop3A_1771 : i32
            %parallel_loop3A_1773 = arith.constant 12 : i32
            %parallel_loop3A_1774 = arith.addi %parallel_loop3A_1772, %parallel_loop3A_1773 : i32
            %parallel_loop3A_1775 = arith.index_cast %parallel_loop3A_1774 : i32 to index
            %parallel_loop3A_1776 = arith.index_cast %parallel_loop3A_1386 : i32 to index
            %parallel_loop3A_1777 = tpu.vector_load %arg11[%parallel_loop3A_1775, %parallel_loop3A_1776] {strides = array<i32>} : memref<128x128xi32, #tpu.memory_space<vmem>>, vector<1x16xi32>,
            %parallel_loop3A_1778 = vector.shape_cast %parallel_loop3A_1777 : vector<1x16xi32> to vector<16xi32>
            %parallel_loop3A_1779 = arith.index_cast %parallel_loop3A_1774 : i32 to index
            %parallel_loop3A_1780 = arith.index_cast %parallel_loop3A_1386 : i32 to index
            %parallel_loop3A_1781 = tpu.vector_load %arg13[%parallel_loop3A_1779, %parallel_loop3A_1780] {strides = array<i32>} : memref<128x128xi32, #tpu.memory_space<vmem>>, vector<1x16xi32>,
            %parallel_loop3A_1782 = vector.shape_cast %parallel_loop3A_1781 : vector<1x16xi32> to vector<16xi32>
            %parallel_loop3A_1783 = arith.constant 16 : i32
            %parallel_loop3A_1784 = vector.broadcast %parallel_loop3A_1783 : i32 to vector<16xi32>
            %parallel_loop3A_1785 = arith.shli %parallel_loop3A_1778, %parallel_loop3A_1784 : vector<16xi32>
            %parallel_loop3A_1786 = tpu.bitcast %parallel_loop3A_1785 : vector<16xi32> -> vector<16xf32>
            %parallel_loop3A_1787 = arith.constant 16 : i32
            %parallel_loop3A_1788 = vector.broadcast %parallel_loop3A_1787 : i32 to vector<16xi32>
            %parallel_loop3A_1789 = arith.shli %parallel_loop3A_1782, %parallel_loop3A_1788 : vector<16xi32>
            %parallel_loop3A_1790 = tpu.bitcast %parallel_loop3A_1789 : vector<16xi32> -> vector<16xf32>
            %parallel_loop3A_1791 = arith.mulf %parallel_loop3A_1786, %parallel_loop3A_1790 : vector<16xf32>
            %parallel_loop3A_1792 = arith.constant -65536 : i32
            %parallel_loop3A_1793 = vector.broadcast %parallel_loop3A_1792 : i32 to vector<16xi32>
            %parallel_loop3A_1794 = arith.andi %parallel_loop3A_1778, %parallel_loop3A_1793 : vector<16xi32>
            %parallel_loop3A_1795 = tpu.bitcast %parallel_loop3A_1794 : vector<16xi32> -> vector<16xf32>
            %parallel_loop3A_1796 = arith.constant -65536 : i32
            %parallel_loop3A_1797 = vector.broadcast %parallel_loop3A_1796 : i32 to vector<16xi32>
            %parallel_loop3A_1798 = arith.andi %parallel_loop3A_1782, %parallel_loop3A_1797 : vector<16xi32>
            %parallel_loop3A_1799 = tpu.bitcast %parallel_loop3A_1798 : vector<16xi32> -> vector<16xf32>
            %parallel_loop3A_1800 = arith.mulf %parallel_loop3A_1795, %parallel_loop3A_1799 : vector<16xf32>
            %parallel_loop3A_1801 = arith.addf %parallel_loop3A_1791, %parallel_loop3A_1800 : vector<16xf32>
            %parallel_loop3A_1802 = arith.addf %scan3A_1376, %parallel_loop3A_1801 : vector<16xf32>
            %parallel_loop3A_1803 = arith.constant 16 : i32
            %parallel_loop3A_1804 = arith.muli %parallel_loop3A_209, %parallel_loop3A_1803 : i32
            %parallel_loop3A_1805 = arith.constant 13 : i32
            %parallel_loop3A_1806 = arith.addi %parallel_loop3A_1804, %parallel_loop3A_1805 : i32
            %parallel_loop3A_1807 = arith.index_cast %parallel_loop3A_1806 : i32 to index
            %parallel_loop3A_1808 = arith.index_cast %parallel_loop3A_1386 : i32 to index
            %parallel_loop3A_1809 = tpu.vector_load %arg11[%parallel_loop3A_1807, %parallel_loop3A_1808] {strides = array<i32>} : memref<128x128xi32, #tpu.memory_space<vmem>>, vector<1x16xi32>,
            %parallel_loop3A_1810 = vector.shape_cast %parallel_loop3A_1809 : vector<1x16xi32> to vector<16xi32>
            %parallel_loop3A_1811 = arith.index_cast %parallel_loop3A_1806 : i32 to index
            %parallel_loop3A_1812 = arith.index_cast %parallel_loop3A_1386 : i32 to index
            %parallel_loop3A_1813 = tpu.vector_load %arg13[%parallel_loop3A_1811, %parallel_loop3A_1812] {strides = array<i32>} : memref<128x128xi32, #tpu.memory_space<vmem>>, vector<1x16xi32>,
            %parallel_loop3A_1814 = vector.shape_cast %parallel_loop3A_1813 : vector<1x16xi32> to vector<16xi32>
            %parallel_loop3A_1815 = arith.constant 16 : i32
            %parallel_loop3A_1816 = vector.broadcast %parallel_loop3A_1815 : i32 to vector<16xi32>
            %parallel_loop3A_1817 = arith.shli %parallel_loop3A_1810, %parallel_loop3A_1816 : vector<16xi32>
            %parallel_loop3A_1818 = tpu.bitcast %parallel_loop3A_1817 : vector<16xi32> -> vector<16xf32>
            %parallel_loop3A_1819 = arith.constant 16 : i32
            %parallel_loop3A_1820 = vector.broadcast %parallel_loop3A_1819 : i32 to vector<16xi32>
            %parallel_loop3A_1821 = arith.shli %parallel_loop3A_1814, %parallel_loop3A_1820 : vector<16xi32>
            %parallel_loop3A_1822 = tpu.bitcast %parallel_loop3A_1821 : vector<16xi32> -> vector<16xf32>
            %parallel_loop3A_1823 = arith.mulf %parallel_loop3A_1818, %parallel_loop3A_1822 : vector<16xf32>
            %parallel_loop3A_1824 = arith.constant -65536 : i32
            %parallel_loop3A_1825 = vector.broadcast %parallel_loop3A_1824 : i32 to vector<16xi32>
            %parallel_loop3A_1826 = arith.andi %parallel_loop3A_1810, %parallel_loop3A_1825 : vector<16xi32>
            %parallel_loop3A_1827 = tpu.bitcast %parallel_loop3A_1826 : vector<16xi32> -> vector<16xf32>
            %parallel_loop3A_1828 = arith.constant -65536 : i32
            %parallel_loop3A_1829 = vector.broadcast %parallel_loop3A_1828 : i32 to vector<16xi32>
            %parallel_loop3A_1830 = arith.andi %parallel_loop3A_1814, %parallel_loop3A_1829 : vector<16xi32>
            %parallel_loop3A_1831 = tpu.bitcast %parallel_loop3A_1830 : vector<16xi32> -> vector<16xf32>
            %parallel_loop3A_1832 = arith.mulf %parallel_loop3A_1827, %parallel_loop3A_1831 : vector<16xf32>
            %parallel_loop3A_1833 = arith.addf %parallel_loop3A_1823, %parallel_loop3A_1832 : vector<16xf32>
            %parallel_loop3A_1834 = arith.addf %scan3A_1377, %parallel_loop3A_1833 : vector<16xf32>
            %parallel_loop3A_1835 = arith.constant 16 : i32
            %parallel_loop3A_1836 = arith.muli %parallel_loop3A_209, %parallel_loop3A_1835 : i32
            %parallel_loop3A_1837 = arith.constant 14 : i32
            %parallel_loop3A_1838 = arith.addi %parallel_loop3A_1836, %parallel_loop3A_1837 : i32
            %parallel_loop3A_1839 = arith.index_cast %parallel_loop3A_1838 : i32 to index
            %parallel_loop3A_1840 = arith.index_cast %parallel_loop3A_1386 : i32 to index
            %parallel_loop3A_1841 = tpu.vector_load %arg11[%parallel_loop3A_1839, %parallel_loop3A_1840] {strides = array<i32>} : memref<128x128xi32, #tpu.memory_space<vmem>>, vector<1x16xi32>,
            %parallel_loop3A_1842 = vector.shape_cast %parallel_loop3A_1841 : vector<1x16xi32> to vector<16xi32>
            %parallel_loop3A_1843 = arith.index_cast %parallel_loop3A_1838 : i32 to index
            %parallel_loop3A_1844 = arith.index_cast %parallel_loop3A_1386 : i32 to index
            %parallel_loop3A_1845 = tpu.vector_load %arg13[%parallel_loop3A_1843, %parallel_loop3A_1844] {strides = array<i32>} : memref<128x128xi32, #tpu.memory_space<vmem>>, vector<1x16xi32>,
            %parallel_loop3A_1846 = vector.shape_cast %parallel_loop3A_1845 : vector<1x16xi32> to vector<16xi32>
            %parallel_loop3A_1847 = arith.constant 16 : i32
            %parallel_loop3A_1848 = vector.broadcast %parallel_loop3A_1847 : i32 to vector<16xi32>
            %parallel_loop3A_1849 = arith.shli %parallel_loop3A_1842, %parallel_loop3A_1848 : vector<16xi32>
            %parallel_loop3A_1850 = tpu.bitcast %parallel_loop3A_1849 : vector<16xi32> -> vector<16xf32>
            %parallel_loop3A_1851 = arith.constant 16 : i32
            %parallel_loop3A_1852 = vector.broadcast %parallel_loop3A_1851 : i32 to vector<16xi32>
            %parallel_loop3A_1853 = arith.shli %parallel_loop3A_1846, %parallel_loop3A_1852 : vector<16xi32>
            %parallel_loop3A_1854 = tpu.bitcast %parallel_loop3A_1853 : vector<16xi32> -> vector<16xf32>
            %parallel_loop3A_1855 = arith.mulf %parallel_loop3A_1850, %parallel_loop3A_1854 : vector<16xf32>
            %parallel_loop3A_1856 = arith.constant -65536 : i32
            %parallel_loop3A_1857 = vector.broadcast %parallel_loop3A_1856 : i32 to vector<16xi32>
            %parallel_loop3A_1858 = arith.andi %parallel_loop3A_1842, %parallel_loop3A_1857 : vector<16xi32>
            %parallel_loop3A_1859 = tpu.bitcast %parallel_loop3A_1858 : vector<16xi32> -> vector<16xf32>
            %parallel_loop3A_1860 = arith.constant -65536 : i32
            %parallel_loop3A_1861 = vector.broadcast %parallel_loop3A_1860 : i32 to vector<16xi32>
            %parallel_loop3A_1862 = arith.andi %parallel_loop3A_1846, %parallel_loop3A_1861 : vector<16xi32>
            %parallel_loop3A_1863 = tpu.bitcast %parallel_loop3A_1862 : vector<16xi32> -> vector<16xf32>
            %parallel_loop3A_1864 = arith.mulf %parallel_loop3A_1859, %parallel_loop3A_1863 : vector<16xf32>
            %parallel_loop3A_1865 = arith.addf %parallel_loop3A_1855, %parallel_loop3A_1864 : vector<16xf32>
            %parallel_loop3A_1866 = arith.addf %scan3A_1378, %parallel_loop3A_1865 : vector<16xf32>
            %parallel_loop3A_1867 = arith.constant 16 : i32
            %parallel_loop3A_1868 = arith.muli %parallel_loop3A_209, %parallel_loop3A_1867 : i32
            %parallel_loop3A_1869 = arith.constant 15 : i32
            %parallel_loop3A_1870 = arith.addi %parallel_loop3A_1868, %parallel_loop3A_1869 : i32
            %parallel_loop3A_1871 = arith.index_cast %parallel_loop3A_1870 : i32 to index
            %parallel_loop3A_1872 = arith.index_cast %parallel_loop3A_1386 : i32 to index
            %parallel_loop3A_1873 = tpu.vector_load %arg11[%parallel_loop3A_1871, %parallel_loop3A_1872] {strides = array<i32>} : memref<128x128xi32, #tpu.memory_space<vmem>>, vector<1x16xi32>,
            %parallel_loop3A_1874 = vector.shape_cast %parallel_loop3A_1873 : vector<1x16xi32> to vector<16xi32>
            %parallel_loop3A_1875 = arith.index_cast %parallel_loop3A_1870 : i32 to index
            %parallel_loop3A_1876 = arith.index_cast %parallel_loop3A_1386 : i32 to index
            %parallel_loop3A_1877 = tpu.vector_load %arg13[%parallel_loop3A_1875, %parallel_loop3A_1876] {strides = array<i32>} : memref<128x128xi32, #tpu.memory_space<vmem>>, vector<1x16xi32>,
            %parallel_loop3A_1878 = vector.shape_cast %parallel_loop3A_1877 : vector<1x16xi32> to vector<16xi32>
            %parallel_loop3A_1879 = arith.constant 16 : i32
            %parallel_loop3A_1880 = vector.broadcast %parallel_loop3A_1879 : i32 to vector<16xi32>
            %parallel_loop3A_1881 = arith.shli %parallel_loop3A_1874, %parallel_loop3A_1880 : vector<16xi32>
            %parallel_loop3A_1882 = tpu.bitcast %parallel_loop3A_1881 : vector<16xi32> -> vector<16xf32>
            %parallel_loop3A_1883 = arith.constant 16 : i32
            %parallel_loop3A_1884 = vector.broadcast %parallel_loop3A_1883 : i32 to vector<16xi32>
            %parallel_loop3A_1885 = arith.shli %parallel_loop3A_1878, %parallel_loop3A_1884 : vector<16xi32>
            %parallel_loop3A_1886 = tpu.bitcast %parallel_loop3A_1885 : vector<16xi32> -> vector<16xf32>
            %parallel_loop3A_1887 = arith.mulf %parallel_loop3A_1882, %parallel_loop3A_1886 : vector<16xf32>
            %parallel_loop3A_1888 = arith.constant -65536 : i32
            %parallel_loop3A_1889 = vector.broadcast %parallel_loop3A_1888 : i32 to vector<16xi32>
            %parallel_loop3A_1890 = arith.andi %parallel_loop3A_1874, %parallel_loop3A_1889 : vector<16xi32>
            %parallel_loop3A_1891 = tpu.bitcast %parallel_loop3A_1890 : vector<16xi32> -> vector<16xf32>
            %parallel_loop3A_1892 = arith.constant -65536 : i32
            %parallel_loop3A_1893 = vector.broadcast %parallel_loop3A_1892 : i32 to vector<16xi32>
            %parallel_loop3A_1894 = arith.andi %parallel_loop3A_1878, %parallel_loop3A_1893 : vector<16xi32>
            %parallel_loop3A_1895 = tpu.bitcast %parallel_loop3A_1894 : vector<16xi32> -> vector<16xf32>
            %parallel_loop3A_1896 = arith.mulf %parallel_loop3A_1891, %parallel_loop3A_1895 : vector<16xf32>
            %parallel_loop3A_1897 = arith.addf %parallel_loop3A_1887, %parallel_loop3A_1896 : vector<16xf32>
            %parallel_loop3A_1898 = arith.addf %scan3A_1379, %parallel_loop3A_1897 : vector<16xf32>
            scf.yield %parallel_loop3A_1418, %parallel_loop3A_1450, %parallel_loop3A_1482, %parallel_loop3A_1514, %parallel_loop3A_1546, %parallel_loop3A_1578, %parallel_loop3A_1610, %parallel_loop3A_1642, %parallel_loop3A_1674, %parallel_loop3A_1706, %parallel_loop3A_1738, %parallel_loop3A_1770, %parallel_loop3A_1802, %parallel_loop3A_1834, %parallel_loop3A_1866, %parallel_loop3A_1898 : vector<16xf32>, vector<16xf32>, vector<16xf32>, vector<16xf32>, vector<16xf32>, vector<16xf32>, vector<16xf32>, vector<16xf32>, vector<16xf32>, vector<16xf32>, vector<16xf32>, vector<16xf32>, vector<16xf32>, vector<16xf32>, vector<16xf32>, vector<16xf32>
          }
          %parallel_loop3A_711 = arith.constant 7 : i32
          %parallel_loop3A_712 = arith.constant 0 : i32
          %parallel_loop3A_713 = vector.broadcast %parallel_loop3A_712 : i32 to vector<16xi32>
          %parallel_loop3A_714 = arith.cmpi slt, %select_n3A_45, %parallel_loop3A_713 : vector<16xi32>
          %parallel_loop3A_715 = arith.constant 16 : i32
          %parallel_loop3A_716 = vector.broadcast %parallel_loop3A_715 : i32 to vector<16xi32>
          %parallel_loop3A_717 = arith.addi %select_n3A_45, %parallel_loop3A_716 : vector<16xi32>
          %parallel_loop3A_718 = arith.select %parallel_loop3A_714, %parallel_loop3A_717, %select_n3A_45 : vector<16xi1>, vector<16xi32>
          %parallel_loop3A_719 = vector.shape_cast %parallel_loop3A_718 : vector<16xi32> to vector<16x1xi32>
          %parallel_loop3A_720 = vector.shape_cast %parallel_loop3A_719 : vector<16x1xi32> to vector<16xi32>
          %parallel_loop3A_721 = tpu.dynamic_gather %parallel_loop3A_710#0[%parallel_loop3A_720] in [0] : vector<16xf32>, vector<16xi32> -> vector<16xf32>
          %parallel_loop3A_722 = arith.constant 0 : i32
          %parallel_loop3A_723 = vector.broadcast %parallel_loop3A_722 : i32 to vector<16xi32>
          %parallel_loop3A_724 = arith.cmpi slt, %select_n3A_73, %parallel_loop3A_723 : vector<16xi32>
          %parallel_loop3A_725 = arith.constant 16 : i32
          %parallel_loop3A_726 = vector.broadcast %parallel_loop3A_725 : i32 to vector<16xi32>
          %parallel_loop3A_727 = arith.addi %select_n3A_73, %parallel_loop3A_726 : vector<16xi32>
          %parallel_loop3A_728 = arith.select %parallel_loop3A_724, %parallel_loop3A_727, %select_n3A_73 : vector<16xi1>, vector<16xi32>
          %parallel_loop3A_729 = vector.shape_cast %parallel_loop3A_728 : vector<16xi32> to vector<16x1xi32>
          %parallel_loop3A_730 = vector.shape_cast %parallel_loop3A_729 : vector<16x1xi32> to vector<16xi32>
          %parallel_loop3A_731 = tpu.dynamic_gather %parallel_loop3A_710#0[%parallel_loop3A_730] in [0] : vector<16xf32>, vector<16xi32> -> vector<16xf32>
          %parallel_loop3A_732 = arith.addf %parallel_loop3A_721, %parallel_loop3A_731 : vector<16xf32>
          %parallel_loop3A_733 = arith.constant 0 : i32
          %parallel_loop3A_734 = vector.broadcast %parallel_loop3A_733 : i32 to vector<16xi32>
          %parallel_loop3A_735 = arith.cmpi slt, %select_n3A_45, %parallel_loop3A_734 : vector<16xi32>
          %parallel_loop3A_736 = arith.constant 16 : i32
          %parallel_loop3A_737 = vector.broadcast %parallel_loop3A_736 : i32 to vector<16xi32>
          %parallel_loop3A_738 = arith.addi %select_n3A_45, %parallel_loop3A_737 : vector<16xi32>
          %parallel_loop3A_739 = arith.select %parallel_loop3A_735, %parallel_loop3A_738, %select_n3A_45 : vector<16xi1>, vector<16xi32>
          %parallel_loop3A_740 = vector.shape_cast %parallel_loop3A_739 : vector<16xi32> to vector<16x1xi32>
          %parallel_loop3A_741 = vector.shape_cast %parallel_loop3A_740 : vector<16x1xi32> to vector<16xi32>
          %parallel_loop3A_742 = tpu.dynamic_gather %parallel_loop3A_710#1[%parallel_loop3A_741] in [0] : vector<16xf32>, vector<16xi32> -> vector<16xf32>
          %parallel_loop3A_743 = arith.constant 0 : i32
          %parallel_loop3A_744 = vector.broadcast %parallel_loop3A_743 : i32 to vector<16xi32>
          %parallel_loop3A_745 = arith.cmpi slt, %select_n3A_73, %parallel_loop3A_744 : vector<16xi32>
          %parallel_loop3A_746 = arith.constant 16 : i32
          %parallel_loop3A_747 = vector.broadcast %parallel_loop3A_746 : i32 to vector<16xi32>
          %parallel_loop3A_748 = arith.addi %select_n3A_73, %parallel_loop3A_747 : vector<16xi32>
          %parallel_loop3A_749 = arith.select %parallel_loop3A_745, %parallel_loop3A_748, %select_n3A_73 : vector<16xi1>, vector<16xi32>
          %parallel_loop3A_750 = vector.shape_cast %parallel_loop3A_749 : vector<16xi32> to vector<16x1xi32>
          %parallel_loop3A_751 = vector.shape_cast %parallel_loop3A_750 : vector<16x1xi32> to vector<16xi32>
          %parallel_loop3A_752 = tpu.dynamic_gather %parallel_loop3A_710#1[%parallel_loop3A_751] in [0] : vector<16xf32>, vector<16xi32> -> vector<16xf32>
          %parallel_loop3A_753 = arith.addf %parallel_loop3A_742, %parallel_loop3A_752 : vector<16xf32>
          %parallel_loop3A_754 = arith.select %lt3A_76, %parallel_loop3A_732, %parallel_loop3A_753 : vector<16xi1>, vector<16xf32>
          %parallel_loop3A_755 = arith.constant 0 : i32
          %parallel_loop3A_756 = vector.broadcast %parallel_loop3A_755 : i32 to vector<16xi32>
          %parallel_loop3A_757 = arith.cmpi slt, %select_n3A_45, %parallel_loop3A_756 : vector<16xi32>
          %parallel_loop3A_758 = arith.constant 16 : i32
          %parallel_loop3A_759 = vector.broadcast %parallel_loop3A_758 : i32 to vector<16xi32>
          %parallel_loop3A_760 = arith.addi %select_n3A_45, %parallel_loop3A_759 : vector<16xi32>
          %parallel_loop3A_761 = arith.select %parallel_loop3A_757, %parallel_loop3A_760, %select_n3A_45 : vector<16xi1>, vector<16xi32>
          %parallel_loop3A_762 = vector.shape_cast %parallel_loop3A_761 : vector<16xi32> to vector<16x1xi32>
          %parallel_loop3A_763 = vector.shape_cast %parallel_loop3A_762 : vector<16x1xi32> to vector<16xi32>
          %parallel_loop3A_764 = tpu.dynamic_gather %parallel_loop3A_710#2[%parallel_loop3A_763] in [0] : vector<16xf32>, vector<16xi32> -> vector<16xf32>
          %parallel_loop3A_765 = arith.constant 0 : i32
          %parallel_loop3A_766 = vector.broadcast %parallel_loop3A_765 : i32 to vector<16xi32>
          %parallel_loop3A_767 = arith.cmpi slt, %select_n3A_73, %parallel_loop3A_766 : vector<16xi32>
          %parallel_loop3A_768 = arith.constant 16 : i32
          %parallel_loop3A_769 = vector.broadcast %parallel_loop3A_768 : i32 to vector<16xi32>
          %parallel_loop3A_770 = arith.addi %select_n3A_73, %parallel_loop3A_769 : vector<16xi32>
          %parallel_loop3A_771 = arith.select %parallel_loop3A_767, %parallel_loop3A_770, %select_n3A_73 : vector<16xi1>, vector<16xi32>
          %parallel_loop3A_772 = vector.shape_cast %parallel_loop3A_771 : vector<16xi32> to vector<16x1xi32>
          %parallel_loop3A_773 = vector.shape_cast %parallel_loop3A_772 : vector<16x1xi32> to vector<16xi32>
          %parallel_loop3A_774 = tpu.dynamic_gather %parallel_loop3A_710#2[%parallel_loop3A_773] in [0] : vector<16xf32>, vector<16xi32> -> vector<16xf32>
          %parallel_loop3A_775 = arith.addf %parallel_loop3A_764, %parallel_loop3A_774 : vector<16xf32>
          %parallel_loop3A_776 = arith.constant 0 : i32
          %parallel_loop3A_777 = vector.broadcast %parallel_loop3A_776 : i32 to vector<16xi32>
          %parallel_loop3A_778 = arith.cmpi slt, %select_n3A_45, %parallel_loop3A_777 : vector<16xi32>
          %parallel_loop3A_779 = arith.constant 16 : i32
          %parallel_loop3A_780 = vector.broadcast %parallel_loop3A_779 : i32 to vector<16xi32>
          %parallel_loop3A_781 = arith.addi %select_n3A_45, %parallel_loop3A_780 : vector<16xi32>
          %parallel_loop3A_782 = arith.select %parallel_loop3A_778, %parallel_loop3A_781, %select_n3A_45 : vector<16xi1>, vector<16xi32>
          %parallel_loop3A_783 = vector.shape_cast %parallel_loop3A_782 : vector<16xi32> to vector<16x1xi32>
          %parallel_loop3A_784 = vector.shape_cast %parallel_loop3A_783 : vector<16x1xi32> to vector<16xi32>
          %parallel_loop3A_785 = tpu.dynamic_gather %parallel_loop3A_710#3[%parallel_loop3A_784] in [0] : vector<16xf32>, vector<16xi32> -> vector<16xf32>
          %parallel_loop3A_786 = arith.constant 0 : i32
          %parallel_loop3A_787 = vector.broadcast %parallel_loop3A_786 : i32 to vector<16xi32>
          %parallel_loop3A_788 = arith.cmpi slt, %select_n3A_73, %parallel_loop3A_787 : vector<16xi32>
          %parallel_loop3A_789 = arith.constant 16 : i32
          %parallel_loop3A_790 = vector.broadcast %parallel_loop3A_789 : i32 to vector<16xi32>
          %parallel_loop3A_791 = arith.addi %select_n3A_73, %parallel_loop3A_790 : vector<16xi32>
          %parallel_loop3A_792 = arith.select %parallel_loop3A_788, %parallel_loop3A_791, %select_n3A_73 : vector<16xi1>, vector<16xi32>
          %parallel_loop3A_793 = vector.shape_cast %parallel_loop3A_792 : vector<16xi32> to vector<16x1xi32>
          %parallel_loop3A_794 = vector.shape_cast %parallel_loop3A_793 : vector<16x1xi32> to vector<16xi32>
          %parallel_loop3A_795 = tpu.dynamic_gather %parallel_loop3A_710#3[%parallel_loop3A_794] in [0] : vector<16xf32>, vector<16xi32> -> vector<16xf32>
          %parallel_loop3A_796 = arith.addf %parallel_loop3A_785, %parallel_loop3A_795 : vector<16xf32>
          %parallel_loop3A_797 = arith.select %lt3A_76, %parallel_loop3A_775, %parallel_loop3A_796 : vector<16xi1>, vector<16xf32>
          %parallel_loop3A_798 = arith.constant 0 : i32
          %parallel_loop3A_799 = vector.broadcast %parallel_loop3A_798 : i32 to vector<16xi32>
          %parallel_loop3A_800 = arith.cmpi slt, %select_n3A_45, %parallel_loop3A_799 : vector<16xi32>
          %parallel_loop3A_801 = arith.constant 16 : i32
          %parallel_loop3A_802 = vector.broadcast %parallel_loop3A_801 : i32 to vector<16xi32>
          %parallel_loop3A_803 = arith.addi %select_n3A_45, %parallel_loop3A_802 : vector<16xi32>
          %parallel_loop3A_804 = arith.select %parallel_loop3A_800, %parallel_loop3A_803, %select_n3A_45 : vector<16xi1>, vector<16xi32>
          %parallel_loop3A_805 = vector.shape_cast %parallel_loop3A_804 : vector<16xi32> to vector<16x1xi32>
          %parallel_loop3A_806 = vector.shape_cast %parallel_loop3A_805 : vector<16x1xi32> to vector<16xi32>
          %parallel_loop3A_807 = tpu.dynamic_gather %parallel_loop3A_710#4[%parallel_loop3A_806] in [0] : vector<16xf32>, vector<16xi32> -> vector<16xf32>
          %parallel_loop3A_808 = arith.constant 0 : i32
          %parallel_loop3A_809 = vector.broadcast %parallel_loop3A_808 : i32 to vector<16xi32>
          %parallel_loop3A_810 = arith.cmpi slt, %select_n3A_73, %parallel_loop3A_809 : vector<16xi32>
          %parallel_loop3A_811 = arith.constant 16 : i32
          %parallel_loop3A_812 = vector.broadcast %parallel_loop3A_811 : i32 to vector<16xi32>
          %parallel_loop3A_813 = arith.addi %select_n3A_73, %parallel_loop3A_812 : vector<16xi32>
          %parallel_loop3A_814 = arith.select %parallel_loop3A_810, %parallel_loop3A_813, %select_n3A_73 : vector<16xi1>, vector<16xi32>
          %parallel_loop3A_815 = vector.shape_cast %parallel_loop3A_814 : vector<16xi32> to vector<16x1xi32>
          %parallel_loop3A_816 = vector.shape_cast %parallel_loop3A_815 : vector<16x1xi32> to vector<16xi32>
          %parallel_loop3A_817 = tpu.dynamic_gather %parallel_loop3A_710#4[%parallel_loop3A_816] in [0] : vector<16xf32>, vector<16xi32> -> vector<16xf32>
          %parallel_loop3A_818 = arith.addf %parallel_loop3A_807, %parallel_loop3A_817 : vector<16xf32>
          %parallel_loop3A_819 = arith.constant 0 : i32
          %parallel_loop3A_820 = vector.broadcast %parallel_loop3A_819 : i32 to vector<16xi32>
          %parallel_loop3A_821 = arith.cmpi slt, %select_n3A_45, %parallel_loop3A_820 : vector<16xi32>
          %parallel_loop3A_822 = arith.constant 16 : i32
          %parallel_loop3A_823 = vector.broadcast %parallel_loop3A_822 : i32 to vector<16xi32>
          %parallel_loop3A_824 = arith.addi %select_n3A_45, %parallel_loop3A_823 : vector<16xi32>
          %parallel_loop3A_825 = arith.select %parallel_loop3A_821, %parallel_loop3A_824, %select_n3A_45 : vector<16xi1>, vector<16xi32>
          %parallel_loop3A_826 = vector.shape_cast %parallel_loop3A_825 : vector<16xi32> to vector<16x1xi32>
          %parallel_loop3A_827 = vector.shape_cast %parallel_loop3A_826 : vector<16x1xi32> to vector<16xi32>
          %parallel_loop3A_828 = tpu.dynamic_gather %parallel_loop3A_710#5[%parallel_loop3A_827] in [0] : vector<16xf32>, vector<16xi32> -> vector<16xf32>
          %parallel_loop3A_829 = arith.constant 0 : i32
          %parallel_loop3A_830 = vector.broadcast %parallel_loop3A_829 : i32 to vector<16xi32>
          %parallel_loop3A_831 = arith.cmpi slt, %select_n3A_73, %parallel_loop3A_830 : vector<16xi32>
          %parallel_loop3A_832 = arith.constant 16 : i32
          %parallel_loop3A_833 = vector.broadcast %parallel_loop3A_832 : i32 to vector<16xi32>
          %parallel_loop3A_834 = arith.addi %select_n3A_73, %parallel_loop3A_833 : vector<16xi32>
          %parallel_loop3A_835 = arith.select %parallel_loop3A_831, %parallel_loop3A_834, %select_n3A_73 : vector<16xi1>, vector<16xi32>
          %parallel_loop3A_836 = vector.shape_cast %parallel_loop3A_835 : vector<16xi32> to vector<16x1xi32>
          %parallel_loop3A_837 = vector.shape_cast %parallel_loop3A_836 : vector<16x1xi32> to vector<16xi32>
          %parallel_loop3A_838 = tpu.dynamic_gather %parallel_loop3A_710#5[%parallel_loop3A_837] in [0] : vector<16xf32>, vector<16xi32> -> vector<16xf32>
          %parallel_loop3A_839 = arith.addf %parallel_loop3A_828, %parallel_loop3A_838 : vector<16xf32>
          %parallel_loop3A_840 = arith.select %lt3A_76, %parallel_loop3A_818, %parallel_loop3A_839 : vector<16xi1>, vector<16xf32>
          %parallel_loop3A_841 = arith.constant 0 : i32
          %parallel_loop3A_842 = vector.broadcast %parallel_loop3A_841 : i32 to vector<16xi32>
          %parallel_loop3A_843 = arith.cmpi slt, %select_n3A_45, %parallel_loop3A_842 : vector<16xi32>
          %parallel_loop3A_844 = arith.constant 16 : i32
          %parallel_loop3A_845 = vector.broadcast %parallel_loop3A_844 : i32 to vector<16xi32>
          %parallel_loop3A_846 = arith.addi %select_n3A_45, %parallel_loop3A_845 : vector<16xi32>
          %parallel_loop3A_847 = arith.select %parallel_loop3A_843, %parallel_loop3A_846, %select_n3A_45 : vector<16xi1>, vector<16xi32>
          %parallel_loop3A_848 = vector.shape_cast %parallel_loop3A_847 : vector<16xi32> to vector<16x1xi32>
          %parallel_loop3A_849 = vector.shape_cast %parallel_loop3A_848 : vector<16x1xi32> to vector<16xi32>
          %parallel_loop3A_850 = tpu.dynamic_gather %parallel_loop3A_710#6[%parallel_loop3A_849] in [0] : vector<16xf32>, vector<16xi32> -> vector<16xf32>
          %parallel_loop3A_851 = arith.constant 0 : i32
          %parallel_loop3A_852 = vector.broadcast %parallel_loop3A_851 : i32 to vector<16xi32>
          %parallel_loop3A_853 = arith.cmpi slt, %select_n3A_73, %parallel_loop3A_852 : vector<16xi32>
          %parallel_loop3A_854 = arith.constant 16 : i32
          %parallel_loop3A_855 = vector.broadcast %parallel_loop3A_854 : i32 to vector<16xi32>
          %parallel_loop3A_856 = arith.addi %select_n3A_73, %parallel_loop3A_855 : vector<16xi32>
          %parallel_loop3A_857 = arith.select %parallel_loop3A_853, %parallel_loop3A_856, %select_n3A_73 : vector<16xi1>, vector<16xi32>
          %parallel_loop3A_858 = vector.shape_cast %parallel_loop3A_857 : vector<16xi32> to vector<16x1xi32>
          %parallel_loop3A_859 = vector.shape_cast %parallel_loop3A_858 : vector<16x1xi32> to vector<16xi32>
          %parallel_loop3A_860 = tpu.dynamic_gather %parallel_loop3A_710#6[%parallel_loop3A_859] in [0] : vector<16xf32>, vector<16xi32> -> vector<16xf32>
          %parallel_loop3A_861 = arith.addf %parallel_loop3A_850, %parallel_loop3A_860 : vector<16xf32>
          %parallel_loop3A_862 = arith.constant 0 : i32
          %parallel_loop3A_863 = vector.broadcast %parallel_loop3A_862 : i32 to vector<16xi32>
          %parallel_loop3A_864 = arith.cmpi slt, %select_n3A_45, %parallel_loop3A_863 : vector<16xi32>
          %parallel_loop3A_865 = arith.constant 16 : i32
          %parallel_loop3A_866 = vector.broadcast %parallel_loop3A_865 : i32 to vector<16xi32>
          %parallel_loop3A_867 = arith.addi %select_n3A_45, %parallel_loop3A_866 : vector<16xi32>
          %parallel_loop3A_868 = arith.select %parallel_loop3A_864, %parallel_loop3A_867, %select_n3A_45 : vector<16xi1>, vector<16xi32>
          %parallel_loop3A_869 = vector.shape_cast %parallel_loop3A_868 : vector<16xi32> to vector<16x1xi32>
          %parallel_loop3A_870 = vector.shape_cast %parallel_loop3A_869 : vector<16x1xi32> to vector<16xi32>
          %parallel_loop3A_871 = tpu.dynamic_gather %parallel_loop3A_710#7[%parallel_loop3A_870] in [0] : vector<16xf32>, vector<16xi32> -> vector<16xf32>
          %parallel_loop3A_872 = arith.constant 0 : i32
          %parallel_loop3A_873 = vector.broadcast %parallel_loop3A_872 : i32 to vector<16xi32>
          %parallel_loop3A_874 = arith.cmpi slt, %select_n3A_73, %parallel_loop3A_873 : vector<16xi32>
          %parallel_loop3A_875 = arith.constant 16 : i32
          %parallel_loop3A_876 = vector.broadcast %parallel_loop3A_875 : i32 to vector<16xi32>
          %parallel_loop3A_877 = arith.addi %select_n3A_73, %parallel_loop3A_876 : vector<16xi32>
          %parallel_loop3A_878 = arith.select %parallel_loop3A_874, %parallel_loop3A_877, %select_n3A_73 : vector<16xi1>, vector<16xi32>
          %parallel_loop3A_879 = vector.shape_cast %parallel_loop3A_878 : vector<16xi32> to vector<16x1xi32>
          %parallel_loop3A_880 = vector.shape_cast %parallel_loop3A_879 : vector<16x1xi32> to vector<16xi32>
          %parallel_loop3A_881 = tpu.dynamic_gather %parallel_loop3A_710#7[%parallel_loop3A_880] in [0] : vector<16xf32>, vector<16xi32> -> vector<16xf32>
          %parallel_loop3A_882 = arith.addf %parallel_loop3A_871, %parallel_loop3A_881 : vector<16xf32>
          %parallel_loop3A_883 = arith.select %lt3A_76, %parallel_loop3A_861, %parallel_loop3A_882 : vector<16xi1>, vector<16xf32>
          %parallel_loop3A_884 = arith.constant 0 : i32
          %parallel_loop3A_885 = vector.broadcast %parallel_loop3A_884 : i32 to vector<16xi32>
          %parallel_loop3A_886 = arith.cmpi slt, %select_n3A_45, %parallel_loop3A_885 : vector<16xi32>
          %parallel_loop3A_887 = arith.constant 16 : i32
          %parallel_loop3A_888 = vector.broadcast %parallel_loop3A_887 : i32 to vector<16xi32>
          %parallel_loop3A_889 = arith.addi %select_n3A_45, %parallel_loop3A_888 : vector<16xi32>
          %parallel_loop3A_890 = arith.select %parallel_loop3A_886, %parallel_loop3A_889, %select_n3A_45 : vector<16xi1>, vector<16xi32>
          %parallel_loop3A_891 = vector.shape_cast %parallel_loop3A_890 : vector<16xi32> to vector<16x1xi32>
          %parallel_loop3A_892 = vector.shape_cast %parallel_loop3A_891 : vector<16x1xi32> to vector<16xi32>
          %parallel_loop3A_893 = tpu.dynamic_gather %parallel_loop3A_710#8[%parallel_loop3A_892] in [0] : vector<16xf32>, vector<16xi32> -> vector<16xf32>
          %parallel_loop3A_894 = arith.constant 0 : i32
          %parallel_loop3A_895 = vector.broadcast %parallel_loop3A_894 : i32 to vector<16xi32>
          %parallel_loop3A_896 = arith.cmpi slt, %select_n3A_73, %parallel_loop3A_895 : vector<16xi32>
          %parallel_loop3A_897 = arith.constant 16 : i32
          %parallel_loop3A_898 = vector.broadcast %parallel_loop3A_897 : i32 to vector<16xi32>
          %parallel_loop3A_899 = arith.addi %select_n3A_73, %parallel_loop3A_898 : vector<16xi32>
          %parallel_loop3A_900 = arith.select %parallel_loop3A_896, %parallel_loop3A_899, %select_n3A_73 : vector<16xi1>, vector<16xi32>
          %parallel_loop3A_901 = vector.shape_cast %parallel_loop3A_900 : vector<16xi32> to vector<16x1xi32>
          %parallel_loop3A_902 = vector.shape_cast %parallel_loop3A_901 : vector<16x1xi32> to vector<16xi32>
          %parallel_loop3A_903 = tpu.dynamic_gather %parallel_loop3A_710#8[%parallel_loop3A_902] in [0] : vector<16xf32>, vector<16xi32> -> vector<16xf32>
          %parallel_loop3A_904 = arith.addf %parallel_loop3A_893, %parallel_loop3A_903 : vector<16xf32>
          %parallel_loop3A_905 = arith.constant 0 : i32
          %parallel_loop3A_906 = vector.broadcast %parallel_loop3A_905 : i32 to vector<16xi32>
          %parallel_loop3A_907 = arith.cmpi slt, %select_n3A_45, %parallel_loop3A_906 : vector<16xi32>
          %parallel_loop3A_908 = arith.constant 16 : i32
          %parallel_loop3A_909 = vector.broadcast %parallel_loop3A_908 : i32 to vector<16xi32>
          %parallel_loop3A_910 = arith.addi %select_n3A_45, %parallel_loop3A_909 : vector<16xi32>
          %parallel_loop3A_911 = arith.select %parallel_loop3A_907, %parallel_loop3A_910, %select_n3A_45 : vector<16xi1>, vector<16xi32>
          %parallel_loop3A_912 = vector.shape_cast %parallel_loop3A_911 : vector<16xi32> to vector<16x1xi32>
          %parallel_loop3A_913 = vector.shape_cast %parallel_loop3A_912 : vector<16x1xi32> to vector<16xi32>
          %parallel_loop3A_914 = tpu.dynamic_gather %parallel_loop3A_710#9[%parallel_loop3A_913] in [0] : vector<16xf32>, vector<16xi32> -> vector<16xf32>
          %parallel_loop3A_915 = arith.constant 0 : i32
          %parallel_loop3A_916 = vector.broadcast %parallel_loop3A_915 : i32 to vector<16xi32>
          %parallel_loop3A_917 = arith.cmpi slt, %select_n3A_73, %parallel_loop3A_916 : vector<16xi32>
          %parallel_loop3A_918 = arith.constant 16 : i32
          %parallel_loop3A_919 = vector.broadcast %parallel_loop3A_918 : i32 to vector<16xi32>
          %parallel_loop3A_920 = arith.addi %select_n3A_73, %parallel_loop3A_919 : vector<16xi32>
          %parallel_loop3A_921 = arith.select %parallel_loop3A_917, %parallel_loop3A_920, %select_n3A_73 : vector<16xi1>, vector<16xi32>
          %parallel_loop3A_922 = vector.shape_cast %parallel_loop3A_921 : vector<16xi32> to vector<16x1xi32>
          %parallel_loop3A_923 = vector.shape_cast %parallel_loop3A_922 : vector<16x1xi32> to vector<16xi32>
          %parallel_loop3A_924 = tpu.dynamic_gather %parallel_loop3A_710#9[%parallel_loop3A_923] in [0] : vector<16xf32>, vector<16xi32> -> vector<16xf32>
          %parallel_loop3A_925 = arith.addf %parallel_loop3A_914, %parallel_loop3A_924 : vector<16xf32>
          %parallel_loop3A_926 = arith.select %lt3A_76, %parallel_loop3A_904, %parallel_loop3A_925 : vector<16xi1>, vector<16xf32>
          %parallel_loop3A_927 = arith.constant 0 : i32
          %parallel_loop3A_928 = vector.broadcast %parallel_loop3A_927 : i32 to vector<16xi32>
          %parallel_loop3A_929 = arith.cmpi slt, %select_n3A_45, %parallel_loop3A_928 : vector<16xi32>
          %parallel_loop3A_930 = arith.constant 16 : i32
          %parallel_loop3A_931 = vector.broadcast %parallel_loop3A_930 : i32 to vector<16xi32>
          %parallel_loop3A_932 = arith.addi %select_n3A_45, %parallel_loop3A_931 : vector<16xi32>
          %parallel_loop3A_933 = arith.select %parallel_loop3A_929, %parallel_loop3A_932, %select_n3A_45 : vector<16xi1>, vector<16xi32>
          %parallel_loop3A_934 = vector.shape_cast %parallel_loop3A_933 : vector<16xi32> to vector<16x1xi32>
          %parallel_loop3A_935 = vector.shape_cast %parallel_loop3A_934 : vector<16x1xi32> to vector<16xi32>
          %parallel_loop3A_936 = tpu.dynamic_gather %parallel_loop3A_710#10[%parallel_loop3A_935] in [0] : vector<16xf32>, vector<16xi32> -> vector<16xf32>
          %parallel_loop3A_937 = arith.constant 0 : i32
          %parallel_loop3A_938 = vector.broadcast %parallel_loop3A_937 : i32 to vector<16xi32>
          %parallel_loop3A_939 = arith.cmpi slt, %select_n3A_73, %parallel_loop3A_938 : vector<16xi32>
          %parallel_loop3A_940 = arith.constant 16 : i32
          %parallel_loop3A_941 = vector.broadcast %parallel_loop3A_940 : i32 to vector<16xi32>
          %parallel_loop3A_942 = arith.addi %select_n3A_73, %parallel_loop3A_941 : vector<16xi32>
          %parallel_loop3A_943 = arith.select %parallel_loop3A_939, %parallel_loop3A_942, %select_n3A_73 : vector<16xi1>, vector<16xi32>
          %parallel_loop3A_944 = vector.shape_cast %parallel_loop3A_943 : vector<16xi32> to vector<16x1xi32>
          %parallel_loop3A_945 = vector.shape_cast %parallel_loop3A_944 : vector<16x1xi32> to vector<16xi32>
          %parallel_loop3A_946 = tpu.dynamic_gather %parallel_loop3A_710#10[%parallel_loop3A_945] in [0] : vector<16xf32>, vector<16xi32> -> vector<16xf32>
          %parallel_loop3A_947 = arith.addf %parallel_loop3A_936, %parallel_loop3A_946 : vector<16xf32>
          %parallel_loop3A_948 = arith.constant 0 : i32
          %parallel_loop3A_949 = vector.broadcast %parallel_loop3A_948 : i32 to vector<16xi32>
          %parallel_loop3A_950 = arith.cmpi slt, %select_n3A_45, %parallel_loop3A_949 : vector<16xi32>
          %parallel_loop3A_951 = arith.constant 16 : i32
          %parallel_loop3A_952 = vector.broadcast %parallel_loop3A_951 : i32 to vector<16xi32>
          %parallel_loop3A_953 = arith.addi %select_n3A_45, %parallel_loop3A_952 : vector<16xi32>
          %parallel_loop3A_954 = arith.select %parallel_loop3A_950, %parallel_loop3A_953, %select_n3A_45 : vector<16xi1>, vector<16xi32>
          %parallel_loop3A_955 = vector.shape_cast %parallel_loop3A_954 : vector<16xi32> to vector<16x1xi32>
          %parallel_loop3A_956 = vector.shape_cast %parallel_loop3A_955 : vector<16x1xi32> to vector<16xi32>
          %parallel_loop3A_957 = tpu.dynamic_gather %parallel_loop3A_710#11[%parallel_loop3A_956] in [0] : vector<16xf32>, vector<16xi32> -> vector<16xf32>
          %parallel_loop3A_958 = arith.constant 0 : i32
          %parallel_loop3A_959 = vector.broadcast %parallel_loop3A_958 : i32 to vector<16xi32>
          %parallel_loop3A_960 = arith.cmpi slt, %select_n3A_73, %parallel_loop3A_959 : vector<16xi32>
          %parallel_loop3A_961 = arith.constant 16 : i32
          %parallel_loop3A_962 = vector.broadcast %parallel_loop3A_961 : i32 to vector<16xi32>
          %parallel_loop3A_963 = arith.addi %select_n3A_73, %parallel_loop3A_962 : vector<16xi32>
          %parallel_loop3A_964 = arith.select %parallel_loop3A_960, %parallel_loop3A_963, %select_n3A_73 : vector<16xi1>, vector<16xi32>
          %parallel_loop3A_965 = vector.shape_cast %parallel_loop3A_964 : vector<16xi32> to vector<16x1xi32>
          %parallel_loop3A_966 = vector.shape_cast %parallel_loop3A_965 : vector<16x1xi32> to vector<16xi32>
          %parallel_loop3A_967 = tpu.dynamic_gather %parallel_loop3A_710#11[%parallel_loop3A_966] in [0] : vector<16xf32>, vector<16xi32> -> vector<16xf32>
          %parallel_loop3A_968 = arith.addf %parallel_loop3A_957, %parallel_loop3A_967 : vector<16xf32>
          %parallel_loop3A_969 = arith.select %lt3A_76, %parallel_loop3A_947, %parallel_loop3A_968 : vector<16xi1>, vector<16xf32>
          %parallel_loop3A_970 = arith.constant 0 : i32
          %parallel_loop3A_971 = vector.broadcast %parallel_loop3A_970 : i32 to vector<16xi32>
          %parallel_loop3A_972 = arith.cmpi slt, %select_n3A_45, %parallel_loop3A_971 : vector<16xi32>
          %parallel_loop3A_973 = arith.constant 16 : i32
          %parallel_loop3A_974 = vector.broadcast %parallel_loop3A_973 : i32 to vector<16xi32>
          %parallel_loop3A_975 = arith.addi %select_n3A_45, %parallel_loop3A_974 : vector<16xi32>
          %parallel_loop3A_976 = arith.select %parallel_loop3A_972, %parallel_loop3A_975, %select_n3A_45 : vector<16xi1>, vector<16xi32>
          %parallel_loop3A_977 = vector.shape_cast %parallel_loop3A_976 : vector<16xi32> to vector<16x1xi32>
          %parallel_loop3A_978 = vector.shape_cast %parallel_loop3A_977 : vector<16x1xi32> to vector<16xi32>
          %parallel_loop3A_979 = tpu.dynamic_gather %parallel_loop3A_710#12[%parallel_loop3A_978] in [0] : vector<16xf32>, vector<16xi32> -> vector<16xf32>
          %parallel_loop3A_980 = arith.constant 0 : i32
          %parallel_loop3A_981 = vector.broadcast %parallel_loop3A_980 : i32 to vector<16xi32>
          %parallel_loop3A_982 = arith.cmpi slt, %select_n3A_73, %parallel_loop3A_981 : vector<16xi32>
          %parallel_loop3A_983 = arith.constant 16 : i32
          %parallel_loop3A_984 = vector.broadcast %parallel_loop3A_983 : i32 to vector<16xi32>
          %parallel_loop3A_985 = arith.addi %select_n3A_73, %parallel_loop3A_984 : vector<16xi32>
          %parallel_loop3A_986 = arith.select %parallel_loop3A_982, %parallel_loop3A_985, %select_n3A_73 : vector<16xi1>, vector<16xi32>
          %parallel_loop3A_987 = vector.shape_cast %parallel_loop3A_986 : vector<16xi32> to vector<16x1xi32>
          %parallel_loop3A_988 = vector.shape_cast %parallel_loop3A_987 : vector<16x1xi32> to vector<16xi32>
          %parallel_loop3A_989 = tpu.dynamic_gather %parallel_loop3A_710#12[%parallel_loop3A_988] in [0] : vector<16xf32>, vector<16xi32> -> vector<16xf32>
          %parallel_loop3A_990 = arith.addf %parallel_loop3A_979, %parallel_loop3A_989 : vector<16xf32>
          %parallel_loop3A_991 = arith.constant 0 : i32
          %parallel_loop3A_992 = vector.broadcast %parallel_loop3A_991 : i32 to vector<16xi32>
          %parallel_loop3A_993 = arith.cmpi slt, %select_n3A_45, %parallel_loop3A_992 : vector<16xi32>
          %parallel_loop3A_994 = arith.constant 16 : i32
          %parallel_loop3A_995 = vector.broadcast %parallel_loop3A_994 : i32 to vector<16xi32>
          %parallel_loop3A_996 = arith.addi %select_n3A_45, %parallel_loop3A_995 : vector<16xi32>
          %parallel_loop3A_997 = arith.select %parallel_loop3A_993, %parallel_loop3A_996, %select_n3A_45 : vector<16xi1>, vector<16xi32>
          %parallel_loop3A_998 = vector.shape_cast %parallel_loop3A_997 : vector<16xi32> to vector<16x1xi32>
          %parallel_loop3A_999 = vector.shape_cast %parallel_loop3A_998 : vector<16x1xi32> to vector<16xi32>
          %parallel_loop3A_1000 = tpu.dynamic_gather %parallel_loop3A_710#13[%parallel_loop3A_999] in [0] : vector<16xf32>, vector<16xi32> -> vector<16xf32>
          %parallel_loop3A_1001 = arith.constant 0 : i32
          %parallel_loop3A_1002 = vector.broadcast %parallel_loop3A_1001 : i32 to vector<16xi32>
          %parallel_loop3A_1003 = arith.cmpi slt, %select_n3A_73, %parallel_loop3A_1002 : vector<16xi32>
          %parallel_loop3A_1004 = arith.constant 16 : i32
          %parallel_loop3A_1005 = vector.broadcast %parallel_loop3A_1004 : i32 to vector<16xi32>
          %parallel_loop3A_1006 = arith.addi %select_n3A_73, %parallel_loop3A_1005 : vector<16xi32>
          %parallel_loop3A_1007 = arith.select %parallel_loop3A_1003, %parallel_loop3A_1006, %select_n3A_73 : vector<16xi1>, vector<16xi32>
          %parallel_loop3A_1008 = vector.shape_cast %parallel_loop3A_1007 : vector<16xi32> to vector<16x1xi32>
          %parallel_loop3A_1009 = vector.shape_cast %parallel_loop3A_1008 : vector<16x1xi32> to vector<16xi32>
          %parallel_loop3A_1010 = tpu.dynamic_gather %parallel_loop3A_710#13[%parallel_loop3A_1009] in [0] : vector<16xf32>, vector<16xi32> -> vector<16xf32>
          %parallel_loop3A_1011 = arith.addf %parallel_loop3A_1000, %parallel_loop3A_1010 : vector<16xf32>
          %parallel_loop3A_1012 = arith.select %lt3A_76, %parallel_loop3A_990, %parallel_loop3A_1011 : vector<16xi1>, vector<16xf32>
          %parallel_loop3A_1013 = arith.constant 0 : i32
          %parallel_loop3A_1014 = vector.broadcast %parallel_loop3A_1013 : i32 to vector<16xi32>
          %parallel_loop3A_1015 = arith.cmpi slt, %select_n3A_45, %parallel_loop3A_1014 : vector<16xi32>
          %parallel_loop3A_1016 = arith.constant 16 : i32
          %parallel_loop3A_1017 = vector.broadcast %parallel_loop3A_1016 : i32 to vector<16xi32>
          %parallel_loop3A_1018 = arith.addi %select_n3A_45, %parallel_loop3A_1017 : vector<16xi32>
          %parallel_loop3A_1019 = arith.select %parallel_loop3A_1015, %parallel_loop3A_1018, %select_n3A_45 : vector<16xi1>, vector<16xi32>
          %parallel_loop3A_1020 = vector.shape_cast %parallel_loop3A_1019 : vector<16xi32> to vector<16x1xi32>
          %parallel_loop3A_1021 = vector.shape_cast %parallel_loop3A_1020 : vector<16x1xi32> to vector<16xi32>
          %parallel_loop3A_1022 = tpu.dynamic_gather %parallel_loop3A_710#14[%parallel_loop3A_1021] in [0] : vector<16xf32>, vector<16xi32> -> vector<16xf32>
          %parallel_loop3A_1023 = arith.constant 0 : i32
          %parallel_loop3A_1024 = vector.broadcast %parallel_loop3A_1023 : i32 to vector<16xi32>
          %parallel_loop3A_1025 = arith.cmpi slt, %select_n3A_73, %parallel_loop3A_1024 : vector<16xi32>
          %parallel_loop3A_1026 = arith.constant 16 : i32
          %parallel_loop3A_1027 = vector.broadcast %parallel_loop3A_1026 : i32 to vector<16xi32>
          %parallel_loop3A_1028 = arith.addi %select_n3A_73, %parallel_loop3A_1027 : vector<16xi32>
          %parallel_loop3A_1029 = arith.select %parallel_loop3A_1025, %parallel_loop3A_1028, %select_n3A_73 : vector<16xi1>, vector<16xi32>
          %parallel_loop3A_1030 = vector.shape_cast %parallel_loop3A_1029 : vector<16xi32> to vector<16x1xi32>
          %parallel_loop3A_1031 = vector.shape_cast %parallel_loop3A_1030 : vector<16x1xi32> to vector<16xi32>
          %parallel_loop3A_1032 = tpu.dynamic_gather %parallel_loop3A_710#14[%parallel_loop3A_1031] in [0] : vector<16xf32>, vector<16xi32> -> vector<16xf32>
          %parallel_loop3A_1033 = arith.addf %parallel_loop3A_1022, %parallel_loop3A_1032 : vector<16xf32>
          %parallel_loop3A_1034 = arith.constant 0 : i32
          %parallel_loop3A_1035 = vector.broadcast %parallel_loop3A_1034 : i32 to vector<16xi32>
          %parallel_loop3A_1036 = arith.cmpi slt, %select_n3A_45, %parallel_loop3A_1035 : vector<16xi32>
          %parallel_loop3A_1037 = arith.constant 16 : i32
          %parallel_loop3A_1038 = vector.broadcast %parallel_loop3A_1037 : i32 to vector<16xi32>
          %parallel_loop3A_1039 = arith.addi %select_n3A_45, %parallel_loop3A_1038 : vector<16xi32>
          %parallel_loop3A_1040 = arith.select %parallel_loop3A_1036, %parallel_loop3A_1039, %select_n3A_45 : vector<16xi1>, vector<16xi32>
          %parallel_loop3A_1041 = vector.shape_cast %parallel_loop3A_1040 : vector<16xi32> to vector<16x1xi32>
          %parallel_loop3A_1042 = vector.shape_cast %parallel_loop3A_1041 : vector<16x1xi32> to vector<16xi32>
          %parallel_loop3A_1043 = tpu.dynamic_gather %parallel_loop3A_710#15[%parallel_loop3A_1042] in [0] : vector<16xf32>, vector<16xi32> -> vector<16xf32>
          %parallel_loop3A_1044 = arith.constant 0 : i32
          %parallel_loop3A_1045 = vector.broadcast %parallel_loop3A_1044 : i32 to vector<16xi32>
          %parallel_loop3A_1046 = arith.cmpi slt, %select_n3A_73, %parallel_loop3A_1045 : vector<16xi32>
          %parallel_loop3A_1047 = arith.constant 16 : i32
          %parallel_loop3A_1048 = vector.broadcast %parallel_loop3A_1047 : i32 to vector<16xi32>
          %parallel_loop3A_1049 = arith.addi %select_n3A_73, %parallel_loop3A_1048 : vector<16xi32>
          %parallel_loop3A_1050 = arith.select %parallel_loop3A_1046, %parallel_loop3A_1049, %select_n3A_73 : vector<16xi1>, vector<16xi32>
          %parallel_loop3A_1051 = vector.shape_cast %parallel_loop3A_1050 : vector<16xi32> to vector<16x1xi32>
          %parallel_loop3A_1052 = vector.shape_cast %parallel_loop3A_1051 : vector<16x1xi32> to vector<16xi32>
          %parallel_loop3A_1053 = tpu.dynamic_gather %parallel_loop3A_710#15[%parallel_loop3A_1052] in [0] : vector<16xf32>, vector<16xi32> -> vector<16xf32>
          %parallel_loop3A_1054 = arith.addf %parallel_loop3A_1043, %parallel_loop3A_1053 : vector<16xf32>
          %parallel_loop3A_1055 = arith.select %lt3A_76, %parallel_loop3A_1033, %parallel_loop3A_1054 : vector<16xi1>, vector<16xf32>
          %parallel_loop3A_1056 = arith.constant 0 : i32
          %parallel_loop3A_1057 = vector.broadcast %parallel_loop3A_1056 : i32 to vector<16xi32>
          %parallel_loop3A_1058 = arith.cmpi slt, %select_n3A_45, %parallel_loop3A_1057 : vector<16xi32>
          %parallel_loop3A_1059 = arith.constant 16 : i32
          %parallel_loop3A_1060 = vector.broadcast %parallel_loop3A_1059 : i32 to vector<16xi32>
          %parallel_loop3A_1061 = arith.addi %select_n3A_45, %parallel_loop3A_1060 : vector<16xi32>
          %parallel_loop3A_1062 = arith.select %parallel_loop3A_1058, %parallel_loop3A_1061, %select_n3A_45 : vector<16xi1>, vector<16xi32>
          %parallel_loop3A_1063 = vector.shape_cast %parallel_loop3A_1062 : vector<16xi32> to vector<16x1xi32>
          %parallel_loop3A_1064 = vector.shape_cast %parallel_loop3A_1063 : vector<16x1xi32> to vector<16xi32>
          %parallel_loop3A_1065 = tpu.dynamic_gather %parallel_loop3A_754[%parallel_loop3A_1064] in [0] : vector<16xf32>, vector<16xi32> -> vector<16xf32>
          %parallel_loop3A_1066 = arith.constant 0 : i32
          %parallel_loop3A_1067 = vector.broadcast %parallel_loop3A_1066 : i32 to vector<16xi32>
          %parallel_loop3A_1068 = arith.cmpi slt, %select_n3A_73, %parallel_loop3A_1067 : vector<16xi32>
          %parallel_loop3A_1069 = arith.constant 16 : i32
          %parallel_loop3A_1070 = vector.broadcast %parallel_loop3A_1069 : i32 to vector<16xi32>
          %parallel_loop3A_1071 = arith.addi %select_n3A_73, %parallel_loop3A_1070 : vector<16xi32>
          %parallel_loop3A_1072 = arith.select %parallel_loop3A_1068, %parallel_loop3A_1071, %select_n3A_73 : vector<16xi1>, vector<16xi32>
          %parallel_loop3A_1073 = vector.shape_cast %parallel_loop3A_1072 : vector<16xi32> to vector<16x1xi32>
          %parallel_loop3A_1074 = vector.shape_cast %parallel_loop3A_1073 : vector<16x1xi32> to vector<16xi32>
          %parallel_loop3A_1075 = tpu.dynamic_gather %parallel_loop3A_754[%parallel_loop3A_1074] in [0] : vector<16xf32>, vector<16xi32> -> vector<16xf32>
          %parallel_loop3A_1076 = arith.addf %parallel_loop3A_1065, %parallel_loop3A_1075 : vector<16xf32>
          %parallel_loop3A_1077 = arith.constant 0 : i32
          %parallel_loop3A_1078 = vector.broadcast %parallel_loop3A_1077 : i32 to vector<16xi32>
          %parallel_loop3A_1079 = arith.cmpi slt, %select_n3A_45, %parallel_loop3A_1078 : vector<16xi32>
          %parallel_loop3A_1080 = arith.constant 16 : i32
          %parallel_loop3A_1081 = vector.broadcast %parallel_loop3A_1080 : i32 to vector<16xi32>
          %parallel_loop3A_1082 = arith.addi %select_n3A_45, %parallel_loop3A_1081 : vector<16xi32>
          %parallel_loop3A_1083 = arith.select %parallel_loop3A_1079, %parallel_loop3A_1082, %select_n3A_45 : vector<16xi1>, vector<16xi32>
          %parallel_loop3A_1084 = vector.shape_cast %parallel_loop3A_1083 : vector<16xi32> to vector<16x1xi32>
          %parallel_loop3A_1085 = vector.shape_cast %parallel_loop3A_1084 : vector<16x1xi32> to vector<16xi32>
          %parallel_loop3A_1086 = tpu.dynamic_gather %parallel_loop3A_797[%parallel_loop3A_1085] in [0] : vector<16xf32>, vector<16xi32> -> vector<16xf32>
          %parallel_loop3A_1087 = arith.constant 0 : i32
          %parallel_loop3A_1088 = vector.broadcast %parallel_loop3A_1087 : i32 to vector<16xi32>
          %parallel_loop3A_1089 = arith.cmpi slt, %select_n3A_73, %parallel_loop3A_1088 : vector<16xi32>
          %parallel_loop3A_1090 = arith.constant 16 : i32
          %parallel_loop3A_1091 = vector.broadcast %parallel_loop3A_1090 : i32 to vector<16xi32>
          %parallel_loop3A_1092 = arith.addi %select_n3A_73, %parallel_loop3A_1091 : vector<16xi32>
          %parallel_loop3A_1093 = arith.select %parallel_loop3A_1089, %parallel_loop3A_1092, %select_n3A_73 : vector<16xi1>, vector<16xi32>
          %parallel_loop3A_1094 = vector.shape_cast %parallel_loop3A_1093 : vector<16xi32> to vector<16x1xi32>
          %parallel_loop3A_1095 = vector.shape_cast %parallel_loop3A_1094 : vector<16x1xi32> to vector<16xi32>
          %parallel_loop3A_1096 = tpu.dynamic_gather %parallel_loop3A_797[%parallel_loop3A_1095] in [0] : vector<16xf32>, vector<16xi32> -> vector<16xf32>
          %parallel_loop3A_1097 = arith.addf %parallel_loop3A_1086, %parallel_loop3A_1096 : vector<16xf32>
          %parallel_loop3A_1098 = arith.select %lt3A_76, %parallel_loop3A_1076, %parallel_loop3A_1097 : vector<16xi1>, vector<16xf32>
          %parallel_loop3A_1099 = arith.constant 0 : i32
          %parallel_loop3A_1100 = vector.broadcast %parallel_loop3A_1099 : i32 to vector<16xi32>
          %parallel_loop3A_1101 = arith.cmpi slt, %select_n3A_45, %parallel_loop3A_1100 : vector<16xi32>
          %parallel_loop3A_1102 = arith.constant 16 : i32
          %parallel_loop3A_1103 = vector.broadcast %parallel_loop3A_1102 : i32 to vector<16xi32>
          %parallel_loop3A_1104 = arith.addi %select_n3A_45, %parallel_loop3A_1103 : vector<16xi32>
          %parallel_loop3A_1105 = arith.select %parallel_loop3A_1101, %parallel_loop3A_1104, %select_n3A_45 : vector<16xi1>, vector<16xi32>
          %parallel_loop3A_1106 = vector.shape_cast %parallel_loop3A_1105 : vector<16xi32> to vector<16x1xi32>
          %parallel_loop3A_1107 = vector.shape_cast %parallel_loop3A_1106 : vector<16x1xi32> to vector<16xi32>
          %parallel_loop3A_1108 = tpu.dynamic_gather %parallel_loop3A_840[%parallel_loop3A_1107] in [0] : vector<16xf32>, vector<16xi32> -> vector<16xf32>
          %parallel_loop3A_1109 = arith.constant 0 : i32
          %parallel_loop3A_1110 = vector.broadcast %parallel_loop3A_1109 : i32 to vector<16xi32>
          %parallel_loop3A_1111 = arith.cmpi slt, %select_n3A_73, %parallel_loop3A_1110 : vector<16xi32>
          %parallel_loop3A_1112 = arith.constant 16 : i32
          %parallel_loop3A_1113 = vector.broadcast %parallel_loop3A_1112 : i32 to vector<16xi32>
          %parallel_loop3A_1114 = arith.addi %select_n3A_73, %parallel_loop3A_1113 : vector<16xi32>
          %parallel_loop3A_1115 = arith.select %parallel_loop3A_1111, %parallel_loop3A_1114, %select_n3A_73 : vector<16xi1>, vector<16xi32>
          %parallel_loop3A_1116 = vector.shape_cast %parallel_loop3A_1115 : vector<16xi32> to vector<16x1xi32>
          %parallel_loop3A_1117 = vector.shape_cast %parallel_loop3A_1116 : vector<16x1xi32> to vector<16xi32>
          %parallel_loop3A_1118 = tpu.dynamic_gather %parallel_loop3A_840[%parallel_loop3A_1117] in [0] : vector<16xf32>, vector<16xi32> -> vector<16xf32>
          %parallel_loop3A_1119 = arith.addf %parallel_loop3A_1108, %parallel_loop3A_1118 : vector<16xf32>
          %parallel_loop3A_1120 = arith.constant 0 : i32
          %parallel_loop3A_1121 = vector.broadcast %parallel_loop3A_1120 : i32 to vector<16xi32>
          %parallel_loop3A_1122 = arith.cmpi slt, %select_n3A_45, %parallel_loop3A_1121 : vector<16xi32>
          %parallel_loop3A_1123 = arith.constant 16 : i32
          %parallel_loop3A_1124 = vector.broadcast %parallel_loop3A_1123 : i32 to vector<16xi32>
          %parallel_loop3A_1125 = arith.addi %select_n3A_45, %parallel_loop3A_1124 : vector<16xi32>
          %parallel_loop3A_1126 = arith.select %parallel_loop3A_1122, %parallel_loop3A_1125, %select_n3A_45 : vector<16xi1>, vector<16xi32>
          %parallel_loop3A_1127 = vector.shape_cast %parallel_loop3A_1126 : vector<16xi32> to vector<16x1xi32>
          %parallel_loop3A_1128 = vector.shape_cast %parallel_loop3A_1127 : vector<16x1xi32> to vector<16xi32>
          %parallel_loop3A_1129 = tpu.dynamic_gather %parallel_loop3A_883[%parallel_loop3A_1128] in [0] : vector<16xf32>, vector<16xi32> -> vector<16xf32>
          %parallel_loop3A_1130 = arith.constant 0 : i32
          %parallel_loop3A_1131 = vector.broadcast %parallel_loop3A_1130 : i32 to vector<16xi32>
          %parallel_loop3A_1132 = arith.cmpi slt, %select_n3A_73, %parallel_loop3A_1131 : vector<16xi32>
          %parallel_loop3A_1133 = arith.constant 16 : i32
          %parallel_loop3A_1134 = vector.broadcast %parallel_loop3A_1133 : i32 to vector<16xi32>
          %parallel_loop3A_1135 = arith.addi %select_n3A_73, %parallel_loop3A_1134 : vector<16xi32>
          %parallel_loop3A_1136 = arith.select %parallel_loop3A_1132, %parallel_loop3A_1135, %select_n3A_73 : vector<16xi1>, vector<16xi32>
          %parallel_loop3A_1137 = vector.shape_cast %parallel_loop3A_1136 : vector<16xi32> to vector<16x1xi32>
          %parallel_loop3A_1138 = vector.shape_cast %parallel_loop3A_1137 : vector<16x1xi32> to vector<16xi32>
          %parallel_loop3A_1139 = tpu.dynamic_gather %parallel_loop3A_883[%parallel_loop3A_1138] in [0] : vector<16xf32>, vector<16xi32> -> vector<16xf32>
          %parallel_loop3A_1140 = arith.addf %parallel_loop3A_1129, %parallel_loop3A_1139 : vector<16xf32>
          %parallel_loop3A_1141 = arith.select %lt3A_76, %parallel_loop3A_1119, %parallel_loop3A_1140 : vector<16xi1>, vector<16xf32>
          %parallel_loop3A_1142 = arith.constant 0 : i32
          %parallel_loop3A_1143 = vector.broadcast %parallel_loop3A_1142 : i32 to vector<16xi32>
          %parallel_loop3A_1144 = arith.cmpi slt, %select_n3A_45, %parallel_loop3A_1143 : vector<16xi32>
          %parallel_loop3A_1145 = arith.constant 16 : i32
          %parallel_loop3A_1146 = vector.broadcast %parallel_loop3A_1145 : i32 to vector<16xi32>
          %parallel_loop3A_1147 = arith.addi %select_n3A_45, %parallel_loop3A_1146 : vector<16xi32>
          %parallel_loop3A_1148 = arith.select %parallel_loop3A_1144, %parallel_loop3A_1147, %select_n3A_45 : vector<16xi1>, vector<16xi32>
          %parallel_loop3A_1149 = vector.shape_cast %parallel_loop3A_1148 : vector<16xi32> to vector<16x1xi32>
          %parallel_loop3A_1150 = vector.shape_cast %parallel_loop3A_1149 : vector<16x1xi32> to vector<16xi32>
          %parallel_loop3A_1151 = tpu.dynamic_gather %parallel_loop3A_926[%parallel_loop3A_1150] in [0] : vector<16xf32>, vector<16xi32> -> vector<16xf32>
          %parallel_loop3A_1152 = arith.constant 0 : i32
          %parallel_loop3A_1153 = vector.broadcast %parallel_loop3A_1152 : i32 to vector<16xi32>
          %parallel_loop3A_1154 = arith.cmpi slt, %select_n3A_73, %parallel_loop3A_1153 : vector<16xi32>
          %parallel_loop3A_1155 = arith.constant 16 : i32
          %parallel_loop3A_1156 = vector.broadcast %parallel_loop3A_1155 : i32 to vector<16xi32>
          %parallel_loop3A_1157 = arith.addi %select_n3A_73, %parallel_loop3A_1156 : vector<16xi32>
          %parallel_loop3A_1158 = arith.select %parallel_loop3A_1154, %parallel_loop3A_1157, %select_n3A_73 : vector<16xi1>, vector<16xi32>
          %parallel_loop3A_1159 = vector.shape_cast %parallel_loop3A_1158 : vector<16xi32> to vector<16x1xi32>
          %parallel_loop3A_1160 = vector.shape_cast %parallel_loop3A_1159 : vector<16x1xi32> to vector<16xi32>
          %parallel_loop3A_1161 = tpu.dynamic_gather %parallel_loop3A_926[%parallel_loop3A_1160] in [0] : vector<16xf32>, vector<16xi32> -> vector<16xf32>
          %parallel_loop3A_1162 = arith.addf %parallel_loop3A_1151, %parallel_loop3A_1161 : vector<16xf32>
          %parallel_loop3A_1163 = arith.constant 0 : i32
          %parallel_loop3A_1164 = vector.broadcast %parallel_loop3A_1163 : i32 to vector<16xi32>
          %parallel_loop3A_1165 = arith.cmpi slt, %select_n3A_45, %parallel_loop3A_1164 : vector<16xi32>
          %parallel_loop3A_1166 = arith.constant 16 : i32
          %parallel_loop3A_1167 = vector.broadcast %parallel_loop3A_1166 : i32 to vector<16xi32>
          %parallel_loop3A_1168 = arith.addi %select_n3A_45, %parallel_loop3A_1167 : vector<16xi32>
          %parallel_loop3A_1169 = arith.select %parallel_loop3A_1165, %parallel_loop3A_1168, %select_n3A_45 : vector<16xi1>, vector<16xi32>
          %parallel_loop3A_1170 = vector.shape_cast %parallel_loop3A_1169 : vector<16xi32> to vector<16x1xi32>
          %parallel_loop3A_1171 = vector.shape_cast %parallel_loop3A_1170 : vector<16x1xi32> to vector<16xi32>
          %parallel_loop3A_1172 = tpu.dynamic_gather %parallel_loop3A_969[%parallel_loop3A_1171] in [0] : vector<16xf32>, vector<16xi32> -> vector<16xf32>
          %parallel_loop3A_1173 = arith.constant 0 : i32
          %parallel_loop3A_1174 = vector.broadcast %parallel_loop3A_1173 : i32 to vector<16xi32>
          %parallel_loop3A_1175 = arith.cmpi slt, %select_n3A_73, %parallel_loop3A_1174 : vector<16xi32>
          %parallel_loop3A_1176 = arith.constant 16 : i32
          %parallel_loop3A_1177 = vector.broadcast %parallel_loop3A_1176 : i32 to vector<16xi32>
          %parallel_loop3A_1178 = arith.addi %select_n3A_73, %parallel_loop3A_1177 : vector<16xi32>
          %parallel_loop3A_1179 = arith.select %parallel_loop3A_1175, %parallel_loop3A_1178, %select_n3A_73 : vector<16xi1>, vector<16xi32>
          %parallel_loop3A_1180 = vector.shape_cast %parallel_loop3A_1179 : vector<16xi32> to vector<16x1xi32>
          %parallel_loop3A_1181 = vector.shape_cast %parallel_loop3A_1180 : vector<16x1xi32> to vector<16xi32>
          %parallel_loop3A_1182 = tpu.dynamic_gather %parallel_loop3A_969[%parallel_loop3A_1181] in [0] : vector<16xf32>, vector<16xi32> -> vector<16xf32>
          %parallel_loop3A_1183 = arith.addf %parallel_loop3A_1172, %parallel_loop3A_1182 : vector<16xf32>
          %parallel_loop3A_1184 = arith.select %lt3A_76, %parallel_loop3A_1162, %parallel_loop3A_1183 : vector<16xi1>, vector<16xf32>
          %parallel_loop3A_1185 = arith.constant 0 : i32
          %parallel_loop3A_1186 = vector.broadcast %parallel_loop3A_1185 : i32 to vector<16xi32>
          %parallel_loop3A_1187 = arith.cmpi slt, %select_n3A_45, %parallel_loop3A_1186 : vector<16xi32>
          %parallel_loop3A_1188 = arith.constant 16 : i32
          %parallel_loop3A_1189 = vector.broadcast %parallel_loop3A_1188 : i32 to vector<16xi32>
          %parallel_loop3A_1190 = arith.addi %select_n3A_45, %parallel_loop3A_1189 : vector<16xi32>
          %parallel_loop3A_1191 = arith.select %parallel_loop3A_1187, %parallel_loop3A_1190, %select_n3A_45 : vector<16xi1>, vector<16xi32>
          %parallel_loop3A_1192 = vector.shape_cast %parallel_loop3A_1191 : vector<16xi32> to vector<16x1xi32>
          %parallel_loop3A_1193 = vector.shape_cast %parallel_loop3A_1192 : vector<16x1xi32> to vector<16xi32>
          %parallel_loop3A_1194 = tpu.dynamic_gather %parallel_loop3A_1012[%parallel_loop3A_1193] in [0] : vector<16xf32>, vector<16xi32> -> vector<16xf32>
          %parallel_loop3A_1195 = arith.constant 0 : i32
          %parallel_loop3A_1196 = vector.broadcast %parallel_loop3A_1195 : i32 to vector<16xi32>
          %parallel_loop3A_1197 = arith.cmpi slt, %select_n3A_73, %parallel_loop3A_1196 : vector<16xi32>
          %parallel_loop3A_1198 = arith.constant 16 : i32
          %parallel_loop3A_1199 = vector.broadcast %parallel_loop3A_1198 : i32 to vector<16xi32>
          %parallel_loop3A_1200 = arith.addi %select_n3A_73, %parallel_loop3A_1199 : vector<16xi32>
          %parallel_loop3A_1201 = arith.select %parallel_loop3A_1197, %parallel_loop3A_1200, %select_n3A_73 : vector<16xi1>, vector<16xi32>
          %parallel_loop3A_1202 = vector.shape_cast %parallel_loop3A_1201 : vector<16xi32> to vector<16x1xi32>
          %parallel_loop3A_1203 = vector.shape_cast %parallel_loop3A_1202 : vector<16x1xi32> to vector<16xi32>
          %parallel_loop3A_1204 = tpu.dynamic_gather %parallel_loop3A_1012[%parallel_loop3A_1203] in [0] : vector<16xf32>, vector<16xi32> -> vector<16xf32>
          %parallel_loop3A_1205 = arith.addf %parallel_loop3A_1194, %parallel_loop3A_1204 : vector<16xf32>
          %parallel_loop3A_1206 = arith.constant 0 : i32
          %parallel_loop3A_1207 = vector.broadcast %parallel_loop3A_1206 : i32 to vector<16xi32>
          %parallel_loop3A_1208 = arith.cmpi slt, %select_n3A_45, %parallel_loop3A_1207 : vector<16xi32>
          %parallel_loop3A_1209 = arith.constant 16 : i32
          %parallel_loop3A_1210 = vector.broadcast %parallel_loop3A_1209 : i32 to vector<16xi32>
          %parallel_loop3A_1211 = arith.addi %select_n3A_45, %parallel_loop3A_1210 : vector<16xi32>
          %parallel_loop3A_1212 = arith.select %parallel_loop3A_1208, %parallel_loop3A_1211, %select_n3A_45 : vector<16xi1>, vector<16xi32>
          %parallel_loop3A_1213 = vector.shape_cast %parallel_loop3A_1212 : vector<16xi32> to vector<16x1xi32>
          %parallel_loop3A_1214 = vector.shape_cast %parallel_loop3A_1213 : vector<16x1xi32> to vector<16xi32>
          %parallel_loop3A_1215 = tpu.dynamic_gather %parallel_loop3A_1055[%parallel_loop3A_1214] in [0] : vector<16xf32>, vector<16xi32> -> vector<16xf32>
          %parallel_loop3A_1216 = arith.constant 0 : i32
          %parallel_loop3A_1217 = vector.broadcast %parallel_loop3A_1216 : i32 to vector<16xi32>
          %parallel_loop3A_1218 = arith.cmpi slt, %select_n3A_73, %parallel_loop3A_1217 : vector<16xi32>
          %parallel_loop3A_1219 = arith.constant 16 : i32
          %parallel_loop3A_1220 = vector.broadcast %parallel_loop3A_1219 : i32 to vector<16xi32>
          %parallel_loop3A_1221 = arith.addi %select_n3A_73, %parallel_loop3A_1220 : vector<16xi32>
          %parallel_loop3A_1222 = arith.select %parallel_loop3A_1218, %parallel_loop3A_1221, %select_n3A_73 : vector<16xi1>, vector<16xi32>
          %parallel_loop3A_1223 = vector.shape_cast %parallel_loop3A_1222 : vector<16xi32> to vector<16x1xi32>
          %parallel_loop3A_1224 = vector.shape_cast %parallel_loop3A_1223 : vector<16x1xi32> to vector<16xi32>
          %parallel_loop3A_1225 = tpu.dynamic_gather %parallel_loop3A_1055[%parallel_loop3A_1224] in [0] : vector<16xf32>, vector<16xi32> -> vector<16xf32>
          %parallel_loop3A_1226 = arith.addf %parallel_loop3A_1215, %parallel_loop3A_1225 : vector<16xf32>
          %parallel_loop3A_1227 = arith.select %lt3A_76, %parallel_loop3A_1205, %parallel_loop3A_1226 : vector<16xi1>, vector<16xf32>
          %parallel_loop3A_1228 = arith.constant 0 : i32
          %parallel_loop3A_1229 = vector.broadcast %parallel_loop3A_1228 : i32 to vector<16xi32>
          %parallel_loop3A_1230 = arith.cmpi slt, %select_n3A_45, %parallel_loop3A_1229 : vector<16xi32>
          %parallel_loop3A_1231 = arith.constant 16 : i32
          %parallel_loop3A_1232 = vector.broadcast %parallel_loop3A_1231 : i32 to vector<16xi32>
          %parallel_loop3A_1233 = arith.addi %select_n3A_45, %parallel_loop3A_1232 : vector<16xi32>
          %parallel_loop3A_1234 = arith.select %parallel_loop3A_1230, %parallel_loop3A_1233, %select_n3A_45 : vector<16xi1>, vector<16xi32>
          %parallel_loop3A_1235 = vector.shape_cast %parallel_loop3A_1234 : vector<16xi32> to vector<16x1xi32>
          %parallel_loop3A_1236 = vector.shape_cast %parallel_loop3A_1235 : vector<16x1xi32> to vector<16xi32>
          %parallel_loop3A_1237 = tpu.dynamic_gather %parallel_loop3A_1098[%parallel_loop3A_1236] in [0] : vector<16xf32>, vector<16xi32> -> vector<16xf32>
          %parallel_loop3A_1238 = arith.constant 0 : i32
          %parallel_loop3A_1239 = vector.broadcast %parallel_loop3A_1238 : i32 to vector<16xi32>
          %parallel_loop3A_1240 = arith.cmpi slt, %select_n3A_73, %parallel_loop3A_1239 : vector<16xi32>
          %parallel_loop3A_1241 = arith.constant 16 : i32
          %parallel_loop3A_1242 = vector.broadcast %parallel_loop3A_1241 : i32 to vector<16xi32>
          %parallel_loop3A_1243 = arith.addi %select_n3A_73, %parallel_loop3A_1242 : vector<16xi32>
          %parallel_loop3A_1244 = arith.select %parallel_loop3A_1240, %parallel_loop3A_1243, %select_n3A_73 : vector<16xi1>, vector<16xi32>
          %parallel_loop3A_1245 = vector.shape_cast %parallel_loop3A_1244 : vector<16xi32> to vector<16x1xi32>
          %parallel_loop3A_1246 = vector.shape_cast %parallel_loop3A_1245 : vector<16x1xi32> to vector<16xi32>
          %parallel_loop3A_1247 = tpu.dynamic_gather %parallel_loop3A_1098[%parallel_loop3A_1246] in [0] : vector<16xf32>, vector<16xi32> -> vector<16xf32>
          %parallel_loop3A_1248 = arith.addf %parallel_loop3A_1237, %parallel_loop3A_1247 : vector<16xf32>
          %parallel_loop3A_1249 = arith.constant 0 : i32
          %parallel_loop3A_1250 = vector.broadcast %parallel_loop3A_1249 : i32 to vector<16xi32>
          %parallel_loop3A_1251 = arith.cmpi slt, %select_n3A_45, %parallel_loop3A_1250 : vector<16xi32>
          %parallel_loop3A_1252 = arith.constant 16 : i32
          %parallel_loop3A_1253 = vector.broadcast %parallel_loop3A_1252 : i32 to vector<16xi32>
          %parallel_loop3A_1254 = arith.addi %select_n3A_45, %parallel_loop3A_1253 : vector<16xi32>
          %parallel_loop3A_1255 = arith.select %parallel_loop3A_1251, %parallel_loop3A_1254, %select_n3A_45 : vector<16xi1>, vector<16xi32>
          %parallel_loop3A_1256 = vector.shape_cast %parallel_loop3A_1255 : vector<16xi32> to vector<16x1xi32>
          %parallel_loop3A_1257 = vector.shape_cast %parallel_loop3A_1256 : vector<16x1xi32> to vector<16xi32>
          %parallel_loop3A_1258 = tpu.dynamic_gather %parallel_loop3A_1141[%parallel_loop3A_1257] in [0] : vector<16xf32>, vector<16xi32> -> vector<16xf32>
          %parallel_loop3A_1259 = arith.constant 0 : i32
          %parallel_loop3A_1260 = vector.broadcast %parallel_loop3A_1259 : i32 to vector<16xi32>
          %parallel_loop3A_1261 = arith.cmpi slt, %select_n3A_73, %parallel_loop3A_1260 : vector<16xi32>
          %parallel_loop3A_1262 = arith.constant 16 : i32
          %parallel_loop3A_1263 = vector.broadcast %parallel_loop3A_1262 : i32 to vector<16xi32>
          %parallel_loop3A_1264 = arith.addi %select_n3A_73, %parallel_loop3A_1263 : vector<16xi32>
          %parallel_loop3A_1265 = arith.select %parallel_loop3A_1261, %parallel_loop3A_1264, %select_n3A_73 : vector<16xi1>, vector<16xi32>
          %parallel_loop3A_1266 = vector.shape_cast %parallel_loop3A_1265 : vector<16xi32> to vector<16x1xi32>
          %parallel_loop3A_1267 = vector.shape_cast %parallel_loop3A_1266 : vector<16x1xi32> to vector<16xi32>
          %parallel_loop3A_1268 = tpu.dynamic_gather %parallel_loop3A_1141[%parallel_loop3A_1267] in [0] : vector<16xf32>, vector<16xi32> -> vector<16xf32>
          %parallel_loop3A_1269 = arith.addf %parallel_loop3A_1258, %parallel_loop3A_1268 : vector<16xf32>
          %parallel_loop3A_1270 = arith.select %lt3A_76, %parallel_loop3A_1248, %parallel_loop3A_1269 : vector<16xi1>, vector<16xf32>
          %parallel_loop3A_1271 = arith.constant 0 : i32
          %parallel_loop3A_1272 = vector.broadcast %parallel_loop3A_1271 : i32 to vector<16xi32>
          %parallel_loop3A_1273 = arith.cmpi slt, %select_n3A_45, %parallel_loop3A_1272 : vector<16xi32>
          %parallel_loop3A_1274 = arith.constant 16 : i32
          %parallel_loop3A_1275 = vector.broadcast %parallel_loop3A_1274 : i32 to vector<16xi32>
          %parallel_loop3A_1276 = arith.addi %select_n3A_45, %parallel_loop3A_1275 : vector<16xi32>
          %parallel_loop3A_1277 = arith.select %parallel_loop3A_1273, %parallel_loop3A_1276, %select_n3A_45 : vector<16xi1>, vector<16xi32>
          %parallel_loop3A_1278 = vector.shape_cast %parallel_loop3A_1277 : vector<16xi32> to vector<16x1xi32>
          %parallel_loop3A_1279 = vector.shape_cast %parallel_loop3A_1278 : vector<16x1xi32> to vector<16xi32>
          %parallel_loop3A_1280 = tpu.dynamic_gather %parallel_loop3A_1184[%parallel_loop3A_1279] in [0] : vector<16xf32>, vector<16xi32> -> vector<16xf32>
          %parallel_loop3A_1281 = arith.constant 0 : i32
          %parallel_loop3A_1282 = vector.broadcast %parallel_loop3A_1281 : i32 to vector<16xi32>
          %parallel_loop3A_1283 = arith.cmpi slt, %select_n3A_73, %parallel_loop3A_1282 : vector<16xi32>
          %parallel_loop3A_1284 = arith.constant 16 : i32
          %parallel_loop3A_1285 = vector.broadcast %parallel_loop3A_1284 : i32 to vector<16xi32>
          %parallel_loop3A_1286 = arith.addi %select_n3A_73, %parallel_loop3A_1285 : vector<16xi32>
          %parallel_loop3A_1287 = arith.select %parallel_loop3A_1283, %parallel_loop3A_1286, %select_n3A_73 : vector<16xi1>, vector<16xi32>
          %parallel_loop3A_1288 = vector.shape_cast %parallel_loop3A_1287 : vector<16xi32> to vector<16x1xi32>
          %parallel_loop3A_1289 = vector.shape_cast %parallel_loop3A_1288 : vector<16x1xi32> to vector<16xi32>
          %parallel_loop3A_1290 = tpu.dynamic_gather %parallel_loop3A_1184[%parallel_loop3A_1289] in [0] : vector<16xf32>, vector<16xi32> -> vector<16xf32>
          %parallel_loop3A_1291 = arith.addf %parallel_loop3A_1280, %parallel_loop3A_1290 : vector<16xf32>
          %parallel_loop3A_1292 = arith.constant 0 : i32
          %parallel_loop3A_1293 = vector.broadcast %parallel_loop3A_1292 : i32 to vector<16xi32>
          %parallel_loop3A_1294 = arith.cmpi slt, %select_n3A_45, %parallel_loop3A_1293 : vector<16xi32>
          %parallel_loop3A_1295 = arith.constant 16 : i32
          %parallel_loop3A_1296 = vector.broadcast %parallel_loop3A_1295 : i32 to vector<16xi32>
          %parallel_loop3A_1297 = arith.addi %select_n3A_45, %parallel_loop3A_1296 : vector<16xi32>
          %parallel_loop3A_1298 = arith.select %parallel_loop3A_1294, %parallel_loop3A_1297, %select_n3A_45 : vector<16xi1>, vector<16xi32>
          %parallel_loop3A_1299 = vector.shape_cast %parallel_loop3A_1298 : vector<16xi32> to vector<16x1xi32>
          %parallel_loop3A_1300 = vector.shape_cast %parallel_loop3A_1299 : vector<16x1xi32> to vector<16xi32>
          %parallel_loop3A_1301 = tpu.dynamic_gather %parallel_loop3A_1227[%parallel_loop3A_1300] in [0] : vector<16xf32>, vector<16xi32> -> vector<16xf32>
          %parallel_loop3A_1302 = arith.constant 0 : i32
          %parallel_loop3A_1303 = vector.broadcast %parallel_loop3A_1302 : i32 to vector<16xi32>
          %parallel_loop3A_1304 = arith.cmpi slt, %select_n3A_73, %parallel_loop3A_1303 : vector<16xi32>
          %parallel_loop3A_1305 = arith.constant 16 : i32
          %parallel_loop3A_1306 = vector.broadcast %parallel_loop3A_1305 : i32 to vector<16xi32>
          %parallel_loop3A_1307 = arith.addi %select_n3A_73, %parallel_loop3A_1306 : vector<16xi32>
          %parallel_loop3A_1308 = arith.select %parallel_loop3A_1304, %parallel_loop3A_1307, %select_n3A_73 : vector<16xi1>, vector<16xi32>
          %parallel_loop3A_1309 = vector.shape_cast %parallel_loop3A_1308 : vector<16xi32> to vector<16x1xi32>
          %parallel_loop3A_1310 = vector.shape_cast %parallel_loop3A_1309 : vector<16x1xi32> to vector<16xi32>
          %parallel_loop3A_1311 = tpu.dynamic_gather %parallel_loop3A_1227[%parallel_loop3A_1310] in [0] : vector<16xf32>, vector<16xi32> -> vector<16xf32>
          %parallel_loop3A_1312 = arith.addf %parallel_loop3A_1301, %parallel_loop3A_1311 : vector<16xf32>
          %parallel_loop3A_1313 = arith.select %lt3A_76, %parallel_loop3A_1291, %parallel_loop3A_1312 : vector<16xi1>, vector<16xf32>
          %parallel_loop3A_1314 = arith.constant 0 : i32
          %parallel_loop3A_1315 = vector.broadcast %parallel_loop3A_1314 : i32 to vector<16xi32>
          %parallel_loop3A_1316 = arith.cmpi slt, %select_n3A_45, %parallel_loop3A_1315 : vector<16xi32>
          %parallel_loop3A_1317 = arith.constant 16 : i32
          %parallel_loop3A_1318 = vector.broadcast %parallel_loop3A_1317 : i32 to vector<16xi32>
          %parallel_loop3A_1319 = arith.addi %select_n3A_45, %parallel_loop3A_1318 : vector<16xi32>
          %parallel_loop3A_1320 = arith.select %parallel_loop3A_1316, %parallel_loop3A_1319, %select_n3A_45 : vector<16xi1>, vector<16xi32>
          %parallel_loop3A_1321 = vector.shape_cast %parallel_loop3A_1320 : vector<16xi32> to vector<16x1xi32>
          %parallel_loop3A_1322 = vector.shape_cast %parallel_loop3A_1321 : vector<16x1xi32> to vector<16xi32>
          %parallel_loop3A_1323 = tpu.dynamic_gather %parallel_loop3A_1270[%parallel_loop3A_1322] in [0] : vector<16xf32>, vector<16xi32> -> vector<16xf32>
          %parallel_loop3A_1324 = arith.constant 0 : i32
          %parallel_loop3A_1325 = vector.broadcast %parallel_loop3A_1324 : i32 to vector<16xi32>
          %parallel_loop3A_1326 = arith.cmpi slt, %select_n3A_73, %parallel_loop3A_1325 : vector<16xi32>
          %parallel_loop3A_1327 = arith.constant 16 : i32
          %parallel_loop3A_1328 = vector.broadcast %parallel_loop3A_1327 : i32 to vector<16xi32>
          %parallel_loop3A_1329 = arith.addi %select_n3A_73, %parallel_loop3A_1328 : vector<16xi32>
          %parallel_loop3A_1330 = arith.select %parallel_loop3A_1326, %parallel_loop3A_1329, %select_n3A_73 : vector<16xi1>, vector<16xi32>
          %parallel_loop3A_1331 = vector.shape_cast %parallel_loop3A_1330 : vector<16xi32> to vector<16x1xi32>
          %parallel_loop3A_1332 = vector.shape_cast %parallel_loop3A_1331 : vector<16x1xi32> to vector<16xi32>
          %parallel_loop3A_1333 = tpu.dynamic_gather %parallel_loop3A_1270[%parallel_loop3A_1332] in [0] : vector<16xf32>, vector<16xi32> -> vector<16xf32>
          %parallel_loop3A_1334 = arith.addf %parallel_loop3A_1323, %parallel_loop3A_1333 : vector<16xf32>
          %parallel_loop3A_1335 = arith.constant 0 : i32
          %parallel_loop3A_1336 = vector.broadcast %parallel_loop3A_1335 : i32 to vector<16xi32>
          %parallel_loop3A_1337 = arith.cmpi slt, %select_n3A_45, %parallel_loop3A_1336 : vector<16xi32>
          %parallel_loop3A_1338 = arith.constant 16 : i32
          %parallel_loop3A_1339 = vector.broadcast %parallel_loop3A_1338 : i32 to vector<16xi32>
          %parallel_loop3A_1340 = arith.addi %select_n3A_45, %parallel_loop3A_1339 : vector<16xi32>
          %parallel_loop3A_1341 = arith.select %parallel_loop3A_1337, %parallel_loop3A_1340, %select_n3A_45 : vector<16xi1>, vector<16xi32>
          %parallel_loop3A_1342 = vector.shape_cast %parallel_loop3A_1341 : vector<16xi32> to vector<16x1xi32>
          %parallel_loop3A_1343 = vector.shape_cast %parallel_loop3A_1342 : vector<16x1xi32> to vector<16xi32>
          %parallel_loop3A_1344 = tpu.dynamic_gather %parallel_loop3A_1313[%parallel_loop3A_1343] in [0] : vector<16xf32>, vector<16xi32> -> vector<16xf32>
          %parallel_loop3A_1345 = arith.constant 0 : i32
          %parallel_loop3A_1346 = vector.broadcast %parallel_loop3A_1345 : i32 to vector<16xi32>
          %parallel_loop3A_1347 = arith.cmpi slt, %select_n3A_73, %parallel_loop3A_1346 : vector<16xi32>
          %parallel_loop3A_1348 = arith.constant 16 : i32
          %parallel_loop3A_1349 = vector.broadcast %parallel_loop3A_1348 : i32 to vector<16xi32>
          %parallel_loop3A_1350 = arith.addi %select_n3A_73, %parallel_loop3A_1349 : vector<16xi32>
          %parallel_loop3A_1351 = arith.select %parallel_loop3A_1347, %parallel_loop3A_1350, %select_n3A_73 : vector<16xi1>, vector<16xi32>
          %parallel_loop3A_1352 = vector.shape_cast %parallel_loop3A_1351 : vector<16xi32> to vector<16x1xi32>
          %parallel_loop3A_1353 = vector.shape_cast %parallel_loop3A_1352 : vector<16x1xi32> to vector<16xi32>
          %parallel_loop3A_1354 = tpu.dynamic_gather %parallel_loop3A_1313[%parallel_loop3A_1353] in [0] : vector<16xf32>, vector<16xi32> -> vector<16xf32>
          %parallel_loop3A_1355 = arith.addf %parallel_loop3A_1344, %parallel_loop3A_1354 : vector<16xf32>
          %parallel_loop3A_1356 = arith.select %lt3A_76, %parallel_loop3A_1334, %parallel_loop3A_1355 : vector<16xi1>, vector<16xf32>
          %parallel_loop3A_1357 = arith.constant 16 : i32
          %parallel_loop3A_1358 = arith.muli %parallel_loop3A_209, %parallel_loop3A_1357 : i32
          %parallel_loop3A_1359 = arith.index_cast %parallel_loop3A_1358 : i32 to index
          %parallel_loop3A_1360 = tpu.vector_load %arg15[%parallel_loop3A_1359] {strides = array<i32>} : memref<128xf32, #tpu.memory_space<vmem>>, vector<16xf32>,
          %parallel_loop3A_1361 = vector.shape_cast %parallel_loop3A_1360 : vector<16xf32> to vector<16xf32>
          %parallel_loop3A_1362 = vector.shape_cast %parallel_loop3A_1356 : vector<16xf32> to vector<16xf32>
          tpu.vector_store %arg15[%parallel_loop3A_1359], %parallel_loop3A_1362 {strides = array<i32>} : memref<128xf32, #tpu.memory_space<vmem>>, vector<16xf32>,
        } {sc.loop_unroll_factor = 1 : i64, sc.parallel_access}
        %mul3A_202 = arith.constant 32 : i32
        %mul3A_203 = arith.muli %add3A_173, %mul3A_202 : i32
        %add3A_204 = arith.addi %add3A, %mul3A_203 : i32
        %mul3A_205 = arith.constant 128 : i32
        %mul3A_206 = arith.muli %add3A_204, %mul3A_205 : i32
        %dma_start3A_207 = tpu.memref_slice %arg5[%mul3A_206] : memref<160000xf32, #tpu.memory_space<hbm>> -> memref<128xf32, #tpu.memory_space<hbm>>
        %dma_start3A_208 = tpu.memref_slice %arg5[%mul3A_206] : memref<160000xf32, #tpu.memory_space<hbm>> -> memref<128xf32, #tpu.memory_space<hbm>>
        tpu.enqueue_dma source(%arg15 : memref<128xf32, #tpu.memory_space<vmem>>) target(%dma_start3A_208 : memref<128xf32, #tpu.memory_space<hbm>>) target_semaphore(%arg25 : memref<!tpu.dma_semaphore, #tpu.memory_space<semaphore_mem>>)
      } else {
      }
    }
    %scan3A_120 = arith.constant 20 : i32
    %jit3A_121 = arith.constant 2 : i32
    %eq3A_122 = arith.constant 0 : i32
    %eq3A_123 = arith.cmpi eq, %jit3A_121, %eq3A_122 : i32
    %jit3A_124 = arith.constant 1 : i32
    %select_n3A_125 = arith.select %eq3A_123, %jit3A_124, %jit3A_121 : i32
    %rem3A_126 = arith.remsi %select_n3A, %select_n3A_125 : i32
    %ne3A_127 = arith.constant 0 : i32
    %ne3A_128 = arith.cmpi ne, %rem3A_126, %ne3A_127 : i32
    %lt3A_129 = arith.constant 0 : i32
    %lt3A_130 = arith.cmpi slt, %rem3A_126, %lt3A_129 : i32
    %lt3A_131 = arith.constant 0 : i32
    %lt3A_132 = arith.cmpi slt, %select_n3A_125, %lt3A_131 : i32
    %ne3A_133 = arith.xori %lt3A_130, %lt3A_132 : i1
    %and3A_134 = arith.andi %ne3A_133, %ne3A_128 : i1
    %add3A_135 = arith.addi %rem3A_126, %select_n3A_125 : i32
    %select_n3A_136 = arith.select %and3A_134, %add3A_135, %rem3A_126 : i32
    %eq3A_137 = arith.constant 1 : i32
    %eq3A_138 = arith.cmpi eq, %select_n3A_136, %eq3A_137 : i32
    %convert_element_type3A = arith.extui %eq3A_138 : i1 to i32
    %cond3A = arith.constant 0 : i32
    %cond3A_139 = arith.cmpi ne, %convert_element_type3A, %cond3A : i32
    scf.if %cond3A_139 {
      %sub3A_161 = arith.constant 2 : i32
      %sub3A_162 = arith.subi %select_n3A, %sub3A_161 : i32
      %mul3A_163 = arith.constant 32 : i32
      %mul3A_164 = arith.muli %sub3A_162, %mul3A_163 : i32
      %add3A_165 = arith.addi %add3A, %mul3A_164 : i32
      %mul3A_166 = arith.constant 128 : i32
      %mul3A_167 = arith.muli %add3A_165, %mul3A_166 : i32
      %dma_wait3A_168 = tpu.memref_slice %arg5[%mul3A_167] : memref<160000xf32, #tpu.memory_space<hbm>> -> memref<128xf32, #tpu.memory_space<hbm>>
      %dma_wait3A_169 = tpu.memref_slice %arg5[%mul3A_167] : memref<160000xf32, #tpu.memory_space<hbm>> -> memref<128xf32, #tpu.memory_space<hbm>>
      tpu.wait_dma2 semaphore(%arg25 : memref<!tpu.dma_semaphore, #tpu.memory_space<semaphore_mem>>) src(%arg15 : memref<128xf32, #tpu.memory_space<vmem>>) dst(%dma_wait3A_169 : memref<128xf32, #tpu.memory_space<hbm>>)
      %sub3A_170 = arith.constant 1 : i32
      %sub3A_171 = arith.subi %select_n3A, %sub3A_170 : i32
      %mul3A_172 = arith.constant 32 : i32
      %mul3A_173 = arith.muli %sub3A_171, %mul3A_172 : i32
      %add3A_174 = arith.addi %add3A, %mul3A_173 : i32
      %mul3A_175 = arith.constant 128 : i32
      %mul3A_176 = arith.muli %add3A_174, %mul3A_175 : i32
      %dma_wait3A_177 = tpu.memref_slice %arg5[%mul3A_176] : memref<160000xf32, #tpu.memory_space<hbm>> -> memref<128xf32, #tpu.memory_space<hbm>>
      %dma_wait3A_178 = tpu.memref_slice %arg5[%mul3A_176] : memref<160000xf32, #tpu.memory_space<hbm>> -> memref<128xf32, #tpu.memory_space<hbm>>
      tpu.wait_dma2 semaphore(%arg24 : memref<!tpu.dma_semaphore, #tpu.memory_space<semaphore_mem>>) src(%arg14 : memref<128xf32, #tpu.memory_space<vmem>>) dst(%dma_wait3A_178 : memref<128xf32, #tpu.memory_space<hbm>>)
    } else {
    }
    %jit3A_140 = arith.constant 2 : i32
    %eq3A_141 = arith.constant 0 : i32
    %eq3A_142 = arith.cmpi eq, %jit3A_140, %eq3A_141 : i32
    %jit3A_143 = arith.constant 1 : i32
    %select_n3A_144 = arith.select %eq3A_142, %jit3A_143, %jit3A_140 : i32
    %rem3A_145 = arith.remsi %select_n3A, %select_n3A_144 : i32
    %ne3A_146 = arith.constant 0 : i32
    %ne3A_147 = arith.cmpi ne, %rem3A_145, %ne3A_146 : i32
    %lt3A_148 = arith.constant 0 : i32
    %lt3A_149 = arith.cmpi slt, %rem3A_145, %lt3A_148 : i32
    %lt3A_150 = arith.constant 0 : i32
    %lt3A_151 = arith.cmpi slt, %select_n3A_144, %lt3A_150 : i32
    %ne3A_152 = arith.xori %lt3A_149, %lt3A_151 : i1
    %and3A_153 = arith.andi %ne3A_152, %ne3A_147 : i1
    %add3A_154 = arith.addi %rem3A_145, %select_n3A_144 : i32
    %select_n3A_155 = arith.select %and3A_153, %add3A_154, %rem3A_145 : i32
    %eq3A_156 = arith.constant 0 : i32
    %eq3A_157 = arith.cmpi eq, %select_n3A_155, %eq3A_156 : i32
    %convert_element_type3A_158 = arith.extui %eq3A_157 : i1 to i32
    %cond3A_159 = arith.constant 0 : i32
    %cond3A_160 = arith.cmpi ne, %convert_element_type3A_158, %cond3A_159 : i32
    scf.if %cond3A_160 {
      %sub3A_161 = arith.constant 2 : i32
      %sub3A_162 = arith.subi %select_n3A, %sub3A_161 : i32
      %mul3A_163 = arith.constant 32 : i32
      %mul3A_164 = arith.muli %sub3A_162, %mul3A_163 : i32
      %add3A_165 = arith.addi %add3A, %mul3A_164 : i32
      %mul3A_166 = arith.constant 128 : i32
      %mul3A_167 = arith.muli %add3A_165, %mul3A_166 : i32
      %dma_wait3A_168 = tpu.memref_slice %arg5[%mul3A_167] : memref<160000xf32, #tpu.memory_space<hbm>> -> memref<128xf32, #tpu.memory_space<hbm>>
      %dma_wait3A_169 = tpu.memref_slice %arg5[%mul3A_167] : memref<160000xf32, #tpu.memory_space<hbm>> -> memref<128xf32, #tpu.memory_space<hbm>>
      tpu.wait_dma2 semaphore(%arg24 : memref<!tpu.dma_semaphore, #tpu.memory_space<semaphore_mem>>) src(%arg14 : memref<128xf32, #tpu.memory_space<vmem>>) dst(%dma_wait3A_169 : memref<128xf32, #tpu.memory_space<hbm>>)
      %sub3A_170 = arith.constant 1 : i32
      %sub3A_171 = arith.subi %select_n3A, %sub3A_170 : i32
      %mul3A_172 = arith.constant 32 : i32
      %mul3A_173 = arith.muli %sub3A_171, %mul3A_172 : i32
      %add3A_174 = arith.addi %add3A, %mul3A_173 : i32
      %mul3A_175 = arith.constant 128 : i32
      %mul3A_176 = arith.muli %add3A_174, %mul3A_175 : i32
      %dma_wait3A_177 = tpu.memref_slice %arg5[%mul3A_176] : memref<160000xf32, #tpu.memory_space<hbm>> -> memref<128xf32, #tpu.memory_space<hbm>>
      %dma_wait3A_178 = tpu.memref_slice %arg5[%mul3A_176] : memref<160000xf32, #tpu.memory_space<hbm>> -> memref<128xf32, #tpu.memory_space<hbm>>
      tpu.wait_dma2 semaphore(%arg25 : memref<!tpu.dma_semaphore, #tpu.memory_space<semaphore_mem>>) src(%arg15 : memref<128xf32, #tpu.memory_space<vmem>>) dst(%dma_wait3A_178 : memref<128xf32, #tpu.memory_space<hbm>>)
    } else {
    }
    return
  }
}

</mosaic_0001>

<sc_bundles>
// kernel: kernel.3.cloned.1.call-start
scs
__scs_entry_jumppad:
0x0: {  	(pc) =	sbr.rel $0x88, $3  }
0x1: {  	(tag) =	ssettag $0x0;
	lr =	simm.s32 $0x1  }
0x2: {  	[smem:$0x3F9E] =	sst lr;
	_ =	strace $0xD0000000  }
0x3: {  	_ = 	snop  }
0x4: {  	_ = 	snop  }
0x5: {  	_ = 	snop  }
0x6: {  	_ = 	snop  }
0x7: {  	_ = 	snop  }
__scs_overlays_trampoline_lowered:
0x8: {  	[smem:$0x3FAD] =	sst s0  }
0x9: {  	[smem:$0x3FAE] =	sst s1  }
0xa: {  	[smem:$0x3FAF] =	sst s2  }
0xb: {  	[smem:$0x3FB0] =	sst s3  }
0xc: {  	[smem:$0x3FB1] =	sst s4  }
0xd: {  	[smem:$0x3FB2] =	sst s5  }
0xe: {  	[smem:$0x3FB3] =	sst s6  }
0xf: {  	[smem:$0x3FB4] =	sst s7  }
0x10: {  	[smem:$0x3FB5] =	sst s8  }
0x11: {  	[smem:$0x3FB6] =	sst s9;
	s0 =	simm.s32 @!p0 $0x0  }
0x12: {  	s1 =	sld [smem:$0x3F9C];
	s0 =	simm.s32 @p0 $0x1  }
0x13: {  	[smem:$0x3FB7] =	sst s0;
	s0 =	simm.s32 @!p1 $0x0  }
0x14: {  	s2 =	sld [smem:$0x3F9B];
	s0 =	simm.s32 @p1 $0x1  }
0x15: {  	[smem:$0x3FB8] =	sst s0;
	s0 =	simm.s32 @!p2 $0x0  }
0x16: {  	s3 =	sld [smem:$0x3FDB];
	s0 =	simm.s32 @p2 $0x1  }
0x17: {  	s4 =	simm.s32 $0x1BF5;
	[smem:$0x3FBA] =	sst s0  }
0x18: {  	s0 =	sld [smem:$0x3F9D];
	_ =	swait.ge [sflag:s4], $0x0  }
0x19: {  	s7 =	sld [smem:$0x3F9E]  }
0x1a: {  	s8 =	sadd.s32 $0xFFFFE003, lr  }
0x1b: {  	s9 =	sadd.s32 $0xFFFFFEF7, lr;
	s5 =	simm.s32 $0xFFFFFFFF;
	p2 =	slt.u32 s8, $0xFFFFF086  }
0x1c: {  	p1 =	slt.u32 s9, $0xF7A;
	s5 =	simm.s32 @!p2 $0x0  }
0x1d: {  	s5 =	simm.s32 @p1 $0x1;
	p0 =	seq.s32 s7, s2  }
0x1e: {  	s7 =	smul.u32 @!p0 $0xF7A, s2;
	p2 =	seq.s32 @!p0 s5, $0x0  }
0x1f: {  	s9 =	smul.u32 $0xF7A, s1;
	s8 =	simm.s32 @!p0 $0x1BF5;
	p2 =	por !p2, p0  }
0x20: {  	[sflag:s8] =	ssyncset.s32 @!p0 $0xFFFFF086;
	s6 =	sadd.s32 @!p0 s3, s7;
	s7 =	simm.s32 @!p0 $0x108  }
0x21: {  	s3 =	sadd.s32 s3, s9;
	s6 =	sadd.s32 @!p0 $0x88, s6;
	s7 =	simm.s32 @p2 $0x1082  }
0x22: {  	[simem:s7], [sflag:s8] =	dma.local @!p0 [hbm:s6], $0xF7A  }
0x23: {  	s9 =	sor.u32 $0xD0000000, s2;
	s6 =	simm.s32 $0x108;
	_ =	swait.ge @!p0 [sflag:s8], $0x0  }
0x24: {  	s3 =	sadd.s32 $0x88, s3;
	s6 =	simm.s32 @!p1 $0x1082;
	[sflag:s4] =	ssyncset.s32 $0xFFFFF086  }
0x25: {  	[simem:s6], [sflag:s4] =	dma.local [hbm:s3], $0xF7A  }
0x26: {  	[smem:$0x3F9E] =	sst s1;
	(tag) =	ssettag s2;
	_ =	strace s9  }
0x27: {  	s1 =	sld [smem:$0x3FAE]  }
0x28: {  	s2 =	sld [smem:$0x3FAF]  }
0x29: {  	s4 =	sld [smem:$0x3FB1]  }
0x2a: {  	p0 =	seq.s32 s5, $0x0;
	s5 =	sld [smem:$0x3FB2]  }
0x2b: {  	s6 =	sld [smem:$0x3FB3]  }
0x2c: {  	s7 =	sld [smem:$0x3FB4]  }
0x2d: {  	s3 =	simm.s32 $0x108;
	s8 =	sld [smem:$0x3FB5]  }
0x2e: {  	s3 =	simm.s32 @!p0 $0x1082;
	s9 =	sld [smem:$0x3FB6]  }
0x2f: {  	lr =	sadd.s32 s0, s3;
	s0 =	sld [smem:$0x3FAD]  }
0x30: {  	s3 =	sld [smem:$0x3FB0]  }
0x31: {  	[smem:$0x3FB9] =	sst s10  }
0x32: {  	s10 =	sld [smem:$0x3FB7];
	_ =	sdelay $0x3  }
0x33: {  	p0 =	seq.s32 s10, $0x1;
	s10 =	sld [smem:$0x3FB9];
	_ =	sdelay $0x3  }
0x34: {  	[smem:$0x3FB9] =	sst s10  }
0x35: {  	s10 =	sld [smem:$0x3FB8];
	_ =	sdelay $0x3  }
0x36: {  	p1 =	seq.s32 s10, $0x1;
	s10 =	sld [smem:$0x3FB9];
	_ =	sdelay $0x3  }
0x37: {  	[smem:$0x3FB9] =	sst s10  }
0x38: {  	s10 =	sld [smem:$0x3FBA]  }
0x39: {  	_ = 	snop;
	(pc) =	sbr.ind lr, $3  }
0x3a: {  	_ = 	snop  }
0x3b: {  	_ = 	snop  }
0x3c: {  	p2 =	seq.s32 s10, $0x1;
	s10 =	sld [smem:$0x3FB9]  }
0x3d: {  	_ =	shalt  }
0x3e: {  	_ =	shalt  }
0x3f: {  	_ =	shalt  }
0x40: {  	_ =	shalt  }
0x41: {  	_ =	shalt  }
0x42: {  	_ =	shalt  }
0x43: {  	_ =	shalt  }
0x44: {  	_ =	shalt  }
0x45: {  	_ =	shalt  }
0x46: {  	_ =	shalt  }
0x47: {  	_ =	shalt  }
0x48: {  	_ =	shalt  }
0x49: {  	_ =	shalt  }
0x4a: {  	_ =	shalt  }
0x4b: {  	_ =	shalt  }
0x4c: {  	_ =	shalt  }
0x4d: {  	_ =	shalt  }
0x4e: {  	_ =	shalt  }
0x4f: {  	_ =	shalt  }
0x50: {  	_ =	shalt  }
0x51: {  	_ =	shalt  }
0x52: {  	_ =	shalt  }
0x53: {  	_ =	shalt  }
0x54: {  	_ =	shalt  }
0x55: {  	_ =	shalt  }
0x56: {  	_ =	shalt  }
0x57: {  	_ =	shalt  }
0x58: {  	_ =	shalt  }
0x59: {  	_ =	shalt  }
0x5a: {  	_ =	shalt  }
0x5b: {  	_ =	shalt  }
0x5c: {  	_ =	shalt  }
0x5d: {  	_ =	shalt  }
0x5e: {  	_ =	shalt  }
0x5f: {  	_ =	shalt  }
0x60: {  	_ =	shalt  }
0x61: {  	_ =	shalt  }
0x62: {  	_ =	shalt  }
0x63: {  	_ =	shalt  }
0x64: {  	_ =	shalt  }
0x65: {  	_ =	shalt  }
0x66: {  	_ =	shalt  }
0x67: {  	_ =	shalt  }
0x68: {  	_ =	shalt  }
0x69: {  	_ =	shalt  }
0x6a: {  	_ =	shalt  }
0x6b: {  	_ =	shalt  }
0x6c: {  	_ =	shalt  }
0x6d: {  	_ =	shalt  }
0x6e: {  	_ =	shalt  }
0x6f: {  	_ =	shalt  }
0x70: {  	_ =	shalt  }
0x71: {  	_ =	shalt  }
0x72: {  	_ =	shalt  }
0x73: {  	_ =	shalt  }
0x74: {  	_ =	shalt  }
0x75: {  	_ =	shalt  }
0x76: {  	_ =	shalt  }
0x77: {  	_ =	shalt  }
0x78: {  	_ =	shalt  }
0x79: {  	_ =	shalt  }
0x7a: {  	_ =	shalt  }
0x7b: {  	_ =	shalt  }
0x7c: {  	_ =	shalt  }
0x7d: {  	_ =	shalt  }
0x7e: {  	_ =	shalt  }
0x7f: {  	_ =	shalt  }
0x80: {  	_ =	shalt  }
0x81: {  	_ =	shalt  }
0x82: {  	_ =	shalt  }
0x83: {  	_ =	shalt  }
0x84: {  	_ =	shalt  }
0x85: {  	_ =	shalt  }
0x86: {  	_ =	shalt  }
0x87: {  	_ =	shalt  }
.Lfunc_end0:
.L_simem_size_0:
called_computation_lowered:
.L_overlay_start_0:
0x88: {  	s2 =	sld [smem:$0x3FD9]  }
0x89: {  	s3 =	sld [smem:$0x3FFE];
	_ =	sdelay $0x1  }
0x8a: {  	s1 =	srdreg.scid  }
0x8b: {  	s0 =	sand.u32 $0x1, s1  }
0x8c: {  	s17 =	sshll.u32 s0, $0xA;
	s2 =	sadd.s32 s3, s2  }
0x8d: {  	s2 =	sadd.s32 s2, s17  }
0x8e: {  	[smem:$0x3FC5] =	sst s2  }
0x8f: {  	_ = 	snop  }
0x90: {  	s2 =	sld [smem:$0x3FC8]  }
0x91: {  	s18 =	sld [smem:$0x3FC7]  }
0x92: {  	s4 =	sld [smem:$0x3FD0];
	(tm) =	ssettm $0x1  }
0x93: {  	s5 =	sld [smem:$0x3FFB];
	_ =	sdelay $0x3  }
0x94: {  	_ =	strace s5  }
0x95: {  	s5 =	sld [smem:$0x3FFC];
	_ =	sdelay $0x3  }
0x96: {  	_ =	strace s5  }
0x97: {  	s5 =	sld [smem:$0x3FFD];
	_ =	sdelay $0x3  }
0x98: {  	_ =	strace s5  }
0x99: {  	_ =	strace $0x8FFFFFFF  }
0x9a: {  	s19 =	sld [smem:$0x3FDB];
	_ =	sdelay $0x1  }
0x9b: {  	s6 =	simm.s32 $_scs_section_size  }
0x9c: {  	s7 =	simm.s32 $_size__tile_overlayer_lowered;
	s8 =	simm.s32 $_tile_overlayer_lowered  }
0x9d: {  	s22 =	simm.s32 $0x1BFF;
	s21 =	sshll.u32 s8, $0x1;
	s5 =	sadd.s32 s6, s19  }
0x9e: {  	s9 =	simm.s32 $0x0;
	s20 =	sshll.u32 s7, $0x1;
	s7 =	sadd.s32 s21, s5  }
0x9f: {  	[timem:s9], [sflag:s22] =	dma.local [hbm:s7], s20  }
0xa0: {  	_ =	swait.ge [sflag:s22], s20  }
0xa1: {  	s6 =	ssub.s32 $0x0, s20;
	[sflag:s22] =	ssyncset.done $0x0  }
0xa2: {  	[sflag:s22] =	ssyncadd.s32 s6;
	_ =	sdelay $0x1  }
0xa3: {  	s23 =	simm.s32 $0x1B8B  }
0xa4: {  	_ =	swait.ge [sflag:s23], $0x1  }
0xa5: {  	[sflag:s23] =	ssyncset.done $0x0  }
0xa6: {  	s25 =	simm.s32 $0x1B8E;
	s24 =	sld [smem:$0x3FFE];
	[sflag:s23] =	ssyncadd.s32 $0xFFFFFFFF  }
0xa7: {  	s26 =	simm.s32 $execute0_lowered;
	[smem:$0x3FD2] =	sst s25  }
0xa8: {  	s7 =	sshll.u32 s26, $0x1;
	_ =	strace $0x80000046;
	[dreg:$0x1] =	wrdreg $0xFFFFFFFF  }
0xa9: {  	s28 =	simm.s32 $_size_execute0_lowered;
	s5 =	sadd.s32 s5, s7;
	[dreg:$0x0] =	wrdreg $0x0  }
0xaa: {  	s7 =	sshll.u32 s28, $0x1;
	[dreg:$0x2] =	wrdreg s5  }
0xab: {  	[dreg:$0x3] =	wrdreg s7  }
0xac: {  	[dreg:$0x4] =	wrdreg $0xC0  }
0xad: {  	_ =	task [dreg:s9], $0x5FFFF  }
0xae: {  	[dreg:$0x1] =	wrdreg $0xFFFFFFFF  }
0xaf: {  	[dreg:$0x0] =	wrdreg $0x60  }
0xb0: {  	[dreg:$0x2] =	wrdreg s24  }
0xb1: {  	[dreg:$0x3] =	wrdreg s2  }
0xb2: {  	[dreg:$0x4] =	wrdreg s18  }
0xb3: {  	[dreg:$0x5] =	wrdreg s4  }
0xb4: {  	[dreg:$0x6] =	wrdreg $0x9  }
0xb5: {  	_ =	task.clear_ibuf [dreg:s9], $0x7FFFF;
	_ =	strace $0x90000046  }
0xb6: {  	s29 =	simm.s32 $0x9;
	_ =	strace $0x80000048  }
0xb7: {  	_ =	swait.ge [sflag:s29], $0x1  }
0xb8: {  	[sflag:s29] =	ssyncadd.s32 $0xFFFFFFFF  }
0xb9: {  	_ =	strace $0x90000048  }
0xba: {  	_ =	sfence  }
0xbb: {  	s30 =	sld [smem:$0x0];
	_ =	sdelay $0x2  }
0xbc: {  	s31 =	sshll.u32 s1, $0xD;
	s1 =	sshrl.u32 s1, $0x2  }
0xbd: {  	s3 =	sand.u32 $0x4000, s31;
	s1 =	sadd.s32 s1, s30  }
0xbe: {  	s0 =	sor.u32 s3, s0;
	s1 =	sshll.u32 s1, $0x11  }
0xbf: {  	s0 =	sor.u32 s1, s0  }
0xc0: {  	s0 =	sadd.s32 $0x8F2B, s0  }
0xc1: {  	[sflag:s0] =	ssyncadd.remote.s32 $0x1  }
0xc2: {  	_ =	sfence.sel $0xFFFF  }
0xc3: {  	[dreg:$0x0] =	wrdreg $0xFFFFFFFF;
	(pc) =	sbr.abs _section_cstart, $3  }
0xc4: {  	[dreg:$0x1] =	wrdreg $0xFFFFFFFF  }
0xc5: {  	_ =	task.clear_ibuf [dreg:s9], $0x2FFFF;
	_ =	strace $0x9FFFFFFF  }
0xc6: {  	(tm) =	ssettm $0x7FFFFFFF  }
0xc7: {  	_ =	shalt  }
tec
execute0_lowered:
.L_overlay_start_1:
0x0: {  	(tag) =	ssettag $0x1  }
0x1: {  	s1 =	rddreg [dreg:$0x0]  }
0x2: {  	s2 =	rddreg [dreg:$0x1]  }
0x3: {  	s3 =	rddreg [dreg:$0x2]  }
0x4: {  	s0 =	rddreg [dreg:$0x3];
	s4 =	srdreg.scid  }
0x5: {  	s5 =	simm.s32 $0x0;
	s7 =	stileid.u32;
	s15 =	simm.s32 $0xA  }
0x6: {  	s17 =	simm.s32 $0x9;
	s22 =	simm.s32 $0x3;
	s28 =	simm.s32 $0x10200  }
0x7: {  	s29 =	simm.s32 $0x6;
	s30 =	simm.s32 $0x8;
	s4 =	sand.u32 $0x1, s4  }
0x8: {  	s31 =	simm.s32 $0x10280;
	s7 =	sshll.u32 s7, $0x1;
	s6 =	ssub.s32 $0x2, s4  }
0x9: {  	[smem:$0x7FF] =	sst s5;
	s4 =	sor.u32 s4, s7;
	s8 =	sshrl.u32 s6, $0x1  }
0xa: {  	s7 =	ssub.s32 $0x501, s4;
	s8 =	ssub.s32 s6, s8;
	s6 =	sshll.u32 s4, $0x4  }
0xb: {  	_ =	strace $0x80000047;
	s7 =	sshrl.u32 s7, $0x5;
	s4 =	sadd.s32 s2, s6  }
0xc: {  	s23 =	sor.u32 $0x200, s6;
	s9 =	sadd.s32 s3, s6;
	s12 =	sadd.s32 $0xFFFFFFFF, s7  }
0xd: {  	s13 =	sadd.s32 $0xFFFFFFFE, s7;
	s25 =	sand.u32 $0x1, s7;
	s14 =	sadd.s32 s0, s6  }
.Ltmp0:
0xe: {  	s26 =	smax.u32 s8, $0x1;
	[dreg:$0x5] =	wrdreg s4;
	(pc) =	sbr.rel .LBB2_1-.Ltmp0, $4  }
0xf: {  	s0 =	simm.s32 $0x0;
	[dreg:$0x6] =	wrdreg s9;
	s24 =	sadd.s32 s2, s23  }
0x10: {  	v0 =	vlaneseq.u32;
	s4 =	sadd.s32 s3, s23;
	p0 =	seq.s32 s25, $0x1;
	[dreg:$0x9] =	wrdreg s26  }
0x11: {  	v0 =	vand.u32 $0x7, v0;
	s25 =	simm.s32 $0x5;
	s26 =	simm.s32 $0x7;
	[dreg:$0x7] =	wrdreg s24  }
0x12: {  	vm0 =	vmmov $0xff;
	v0 =	vmul.u32 $0x2, v0;
	[dreg:$0x8] =	wrdreg s4;
	s15 =	simm.s32 @!p0 $0x9;
	s17 =	simm.s32 @!p0 $0xA  }
.LBB2_13:
0x13: {  	_ =	swait.ge [sflag:s15], $0x80  }
0x14: {  	[sflag:s15] =	ssyncset.done $0x0  }
0x15: {  	[sflag:s15] =	ssyncadd.s32 $0xFFFFFF80  }
0x16: {  	_ =	swait.ge [sflag:s17], $0x80  }
0x17: {  	s0 =	sadd.s32 $0x1, s0;
	s4 =	rddreg [dreg:$0x9]  }
0x18: {  	p0 =	sne.s32 s0, s4  }
.Ltmp1:
0x19: {  	_ = 	snop;
	(pc) =	sbr.rel @!p0 .LBB2_14-.Ltmp1, $3  }
0x1a: {  	_ =	sdelay $0x1  }
0x1b: {  	[sflag:s17] =	ssyncset.done $0x0  }
0x1c: {  	[sflag:s17] =	ssyncadd.s32 $0xFFFFFF80  }
.LBB2_1:
0x1d: {  	s4 =	rddreg [dreg:$0x5]  }
0x1e: {  	[tilespmem:s5], [sflag:$0x1] =	stream.linear.gather [hbm4b:s4+s5], $0x80, $0x38;
	[tilespmem:$0x10300] =	vst v63  }
0x1f: {  	s18 =	rddreg [dreg:$0x6];
	s8 =	simm.s32 $0x100  }
0x20: {  	[tilespmem:s8], [sflag:$0x3] =	stream.linear.gather [hbm4b:s18+s5], $0x80, $0x38;
	[tilespmem:$0x10300] =	vst v63  }
0x21: {  	s19 =	rddreg [dreg:$0x7];
	s9 =	simm.s32 $0x80  }
0x22: {  	[tilespmem:s9], [sflag:$0x2] =	stream.linear.gather [hbm4b:s19+s5], $0x80, $0x38;
	[tilespmem:$0x10300] =	vst v63  }
0x23: {  	s20 =	rddreg [dreg:$0x8];
	s10 =	simm.s32 $0x180;
	s21 =	simm.s32 $0x1  }
0x24: {  	[tilespmem:s10], [sflag:$0x4] =	stream.linear.gather [hbm4b:s20+s5], $0x80, $0x38;
	[tilespmem:$0x10300] =	vst v63  }
0x25: {  	_ =	swait.ge [sflag:s21], $0x80  }
0x26: {  	[sflag:s21] =	ssyncset.done $0x0  }
0x27: {  	[sflag:s21] =	ssyncadd.s32 $0xFFFFFF80  }
0x28: {  	_ =	swait.ge [sflag:s22], $0x80  }
.Ltmp2:
0x29: {  	[sflag:s22] =	ssyncset.done $0x0;
	(pc) =	sbr.rel .LBB2_2-.Ltmp2, $4  }
0x2a: {  	s23 =	simm.s32 $0x200;
	[sflag:s22] =	ssyncadd.s32 $0xFFFFFF80  }
0x2b: {  	[tilespmem:s23], [sflag:$0x5] =	stream.indirect.gather [hbm4b:s1+s9], $0x80, s5, s9, $0xb8;
	[tilespmem:$0x10300] =	vst v63  }
0x2c: {  	s24 =	simm.s32 $0x8200;
	s4 =	simm.s32 $0x0  }
0x2d: {  	[tilespmem:s24], [sflag:$0x7] =	stream.indirect.gather [hbm4b:s1+s9], $0x80, s8, s9, $0xb8;
	[tilespmem:$0x10300] =	vst v63  }
.LBB2_12:
0x2e: {  	s4 =	sadd.s32 $0x1, s4  }
0x2f: {  	p0 =	sne.s32 s4, $0x14  }
.Ltmp3:
0x30: {  	_ = 	snop;
	(pc) =	sbr.rel @!p0 .LBB2_13-.Ltmp3, $1  }
0x31: {  	_ =	sdelay $0x3  }
.LBB2_2:
0x32: {  	_ =	swait.ge [sflag:s25], $0x4000  }
0x33: {  	[sflag:s25] =	ssyncset.done $0x0  }
0x34: {  	[sflag:s25] =	ssyncadd.s32 $0xFFFFC000  }
0x35: {  	s20 =	sshll.u32 s4, $0x1;
	_ =	swait.ge [sflag:s26], $0x4000  }
0x36: {  	p0 =	sge.u32 s20, s12;
	[sflag:s26] =	ssyncset.done $0x0  }
0x37: {  	s8 =	simm.s32 @!p0 $0x2;
	[sflag:s26] =	ssyncadd.s32 $0xFFFFC000  }
0x38: {  	_ =	swait.ge @!p0 [sflag:s8], $0x80  }
0x39: {  	[sflag:s8] =	ssyncset.done @!p0 $0x0  }
0x3a: {  	[sflag:s8] =	ssyncadd.s32 @!p0 $0xFFFFFF80;
	s8 =	simm.s32 @!p0 $0x4  }
0x3b: {  	_ =	swait.ge @!p0 [sflag:s8], $0x80  }
0x3c: {  	[sflag:s8] =	ssyncset.done @!p0 $0x0  }
0x3d: {  	s9 =	simm.s32 @!p0 $0x4200;
	[sflag:s8] =	ssyncadd.s32 @!p0 $0xFFFFFF80;
	s8 =	simm.s32 @!p0 $0x80  }
0x3e: {  	[tilespmem:s9], [sflag:$0x6] =	stream.indirect.gather @!p0 [hbm4b:s1+s8], $0x80, s8, s8, $0xb8;
	[tilespmem:$0x10300] =	vst v63  }
0x3f: {  	s10 =	simm.s32 @!p0 $0xC200;
	s9 =	simm.s32 @!p0 $0x180  }
0x40: {  	[tilespmem:s10], [sflag:$0x8] =	stream.indirect.gather @!p0 [hbm4b:s1+s8], $0x80, s9, s8, $0xb8;
	[tilespmem:$0x10300] =	vst v63  }
0x41: {  	s8 =	sadd.s32 $0x2, s20  }
0x42: {  	p0 =	sge.u32 s8, s7  }
0x43: {  	s8 =	sshll.u32 @!p0 s8, $0x9  }
0x44: {  	s8 =	sor.u32 @!p0 s6, s8  }
0x45: {  	s10 =	simm.s32 @!p0 $0x0;
	s9 =	sadd.s32 @!p0 s2, s8  }
0x46: {  	[tilespmem:s10], [sflag:$0x1] =	stream.linear.gather @!p0 [hbm4b:s9+s10], $0x80, $0x38;
	[tilespmem:$0x10300] =	vst v63  }
0x47: {  	s8 =	sadd.s32 @!p0 s3, s8;
	s9 =	simm.s32 @!p0 $0x100  }
0x48: {  	[tilespmem:s9], [sflag:$0x3] =	stream.linear.gather @!p0 [hbm4b:s8+s10], $0x80, $0x38;
	[tilespmem:$0x10300] =	vst v63  }
0x49: {  	p0 =	seq.s32 s4, $0x0  }
0x4a: {  	s8 =	simm.s32 @!p0 $0x9  }
0x4b: {  	s23 =	simm.s32 $0x0;
	_ =	swait.ge @!p0 [sflag:s8], $0x80  }
0x4c: {  	s24 =	simm.s32 $0x8590;
	s18 =	simm.s32 $0x590;
	[sflag:s8] =	ssyncset.done @!p0 $0x0  }
0x4d: {  	s9 =	simm.s32 $0x200;
	[sflag:s8] =	ssyncadd.s32 @!p0 $0xFFFFFF80;
	s8 =	simm.s32 $0x8200  }
.LBB2_3:
0x4e: {  	s10 =	sshll.u32 s23, $0xB  }
0x4f: {  	v1 =	vld [tilespmem:s10+$0x200]  }
0x50: {  	v2 =	vld [tilespmem:s10+$0x8200]  }
0x51: {  	s19 =	simm.s32 $0x10;
	v4 =	vld [tilespmem:s10+$0x8280]  }
0x52: {  	v3 =	vld [tilespmem:s10+$0x280];
	s11 =	sand.u32 $0x3FFFFF80, s19  }
0x53: {  	s16 =	sadd.s32 s11, s18;
	s11 =	sadd.s32 s11, s24  }
0x54: {  	v7 =	vld [tilespmem:s10+$0x300];
	s11 =	sadd.s32 $0x0, s11;
	v5 =	vshll.u32 v1, $0x10  }
0x55: {  	v27 =	vld [tilespmem:s11+$0x400];
	v6 =	vshll.u32 v2, $0x10;
	v1 =	vand.u32 $0xFFFF0000, v1;
	v2 =	vand.u32 $0xFFFF0000, v2  }
0x56: {  	v8 =	vshll.u32 v4, $0x10;
	v4 =	vand.u32 $0xFFFF0000, v4;
	v5 =	vmul.f32 v6, v5;
	v6 =	vld [tilespmem:s10+$0x8300]  }
0x57: {  	v9 =	vld [tilespmem:s10+$0x380];
	v1 =	vmul.f32 v2, v1;
	v2 =	vshll.u32 v3, $0x10;
	v3 =	vand.u32 $0xFFFF0000, v3  }
0x58: {  	v8 =	vmul.f32 v8, v2;
	v3 =	vmul.f32 v4, v3;
	v4 =	vld [tilespmem:s10+$0x8380]  }
0x59: {  	v10 =	vld [tilespmem:s10+$0x400];
	v2 =	vadd.f32 v1, v5  }
0x5a: {  	v1 =	vshll.u32 v7, $0x10;
	v7 =	vand.u32 $0xFFFF0000, v7;
	v14 =	vadd.f32 v3, v8;
	v3 =	vld [tilespmem:s10+$0x8400]  }
0x5b: {  	v29 =	vshll.u32 v27, $0x10;
	v8 =	vld [tilespmem:s10+$0x480];
	v5 =	vshll.u32 v6, $0x10;
	v6 =	vand.u32 $0xFFFF0000, v6  }
0x5c: {  	v1 =	vmul.f32 v5, v1;
	v5 =	vmul.f32 v6, v7;
	v6 =	vshll.u32 v9, $0x10;
	v7 =	vld [tilespmem:s10+$0x8480]  }
0x5d: {  	v12 =	vld [tilespmem:s10+$0x500];
	v11 =	vshll.u32 v4, $0x10;
	v9 =	vand.u32 $0xFFFF0000, v9;
	v4 =	vand.u32 $0xFFFF0000, v4  }
0x5e: {  	v6 =	vmul.f32 v11, v6;
	v9 =	vmul.f32 v4, v9;
	v4 =	vshll.u32 v10, $0x10;
	v11 =	vld [tilespmem:s10+$0x8500]  }
0x5f: {  	v10 =	vand.u32 $0xFFFF0000, v10;
	v13 =	vshll.u32 v3, $0x10;
	v3 =	vand.u32 $0xFFFF0000, v3  }
0x60: {  	v15 =	vld [tilespmem:s10+$0x580];
	v13 =	vmul.f32 v13, v4;
	v3 =	vmul.f32 v3, v10;
	v4 =	vshll.u32 v8, $0x10  }
0x61: {  	v18 =	vld [tilespmem:s10+$0x8580];
	v8 =	vand.u32 $0xFFFF0000, v8;
	v10 =	vshll.u32 v7, $0x10;
	v7 =	vand.u32 $0xFFFF0000, v7  }
0x62: {  	v10 =	vmul.f32 v10, v4;
	v7 =	vmul.f32 v7, v8;
	v8 =	vshll.u32 v12, $0x10  }
0x63: {  	v19 =	vld [tilespmem:s10+$0x600];
	v16 =	vshll.u32 v11, $0x10;
	v12 =	vand.u32 $0xFFFF0000, v12;
	v11 =	vand.u32 $0xFFFF0000, v11  }
0x64: {  	v4 =	vadd.f32 v5, v1;
	v1 =	vmul.f32 v16, v8;
	v8 =	vmul.f32 v11, v12;
	v11 =	vld [tilespmem:s10+$0x8600]  }
0x65: {  	v27 =	vand.u32 $0xFFFF0000, v27;
	v5 =	vadd.f32 v3, v13;
	v3 =	vld [tilespmem:s10+$0x680];
	v16 =	vadd.f32 v9, v6  }
0x66: {  	v9 =	vand.u32 $0xFFFF0000, v15;
	v17 =	vadd.f32 v7, v10;
	v7 =	vld [tilespmem:s10+$0x8680];
	v10 =	vand.u32 $0xFFFF0000, v18  }
0x67: {  	v12 =	vld [tilespmem:s10+$0x700];
	v6 =	vadd.f32 v8, v1;
	v1 =	vshll.u32 v15, $0x10;
	v8 =	vshll.u32 v18, $0x10  }
0x68: {  	s16 =	sadd.s32 $0x0, s16;
	v15 =	vand.u32 $0xFFFF0000, v19;
	v1 =	vmul.f32 v8, v1;
	v8 =	vmul.f32 v10, v9;
	v10 =	vld [tilespmem:s10+$0x8700]  }
0x69: {  	v28 =	vld [tilespmem:s16+$0xFFFFFF00];
	v9 =	vshll.u32 v19, $0x10;
	v13 =	vshll.u32 v11, $0x10;
	v11 =	vand.u32 $0xFFFF0000, v11  }
0x6a: {  	v19 =	vld [tilespmem:s10+$0x8780];
	v13 =	vmul.f32 v13, v9;
	v11 =	vmul.f32 v11, v15;
	v9 =	vshll.u32 v3, $0x10  }
0x6b: {  	v15 =	vld [tilespmem:s10+$0x780];
	v18 =	vshll.u32 v7, $0x10;
	v3 =	vand.u32 $0xFFFF0000, v3;
	v7 =	vand.u32 $0xFFFF0000, v7  }
0x6c: {  	v36 =	vld [tilespmem:s11+$0x200];
	v18 =	vmul.f32 v18, v9;
	v3 =	vmul.f32 v7, v3;
	v7 =	vshll.u32 v12, $0x10  }
0x6d: {  	v21 =	vld [tilespmem:s10+$0x800];
	v12 =	vand.u32 $0xFFFF0000, v12;
	v20 =	vshll.u32 v10, $0x10;
	v10 =	vand.u32 $0xFFFF0000, v10  }
0x6e: {  	v9 =	vadd.f32 v8, v1;
	v1 =	vmul.f32 v20, v7;
	v8 =	vmul.f32 v10, v12;
	v12 =	vld [tilespmem:s10+$0x8800]  }
0x6f: {  	v34 =	vshll.u32 v28, $0x10;
	v7 =	vadd.f32 v11, v13;
	v10 =	vadd.f32 v3, v18;
	v13 =	vld [tilespmem:s10+$0x8880]  }
0x70: {  	v3 =	vld [tilespmem:s10+$0x880];
	v11 =	vshll.u32 v19, $0x10;
	v8 =	vadd.f32 v8, v1;
	v1 =	vshll.u32 v15, $0x10  }
0x71: {  	v28 =	vand.u32 $0xFFFF0000, v28;
	v55 =	vshll.u32 v36, $0x10;
	v18 =	vld [tilespmem:s10+$0x900];
	v11 =	vmul.f32 v11, v1  }
0x72: {  	v20 =	vld [tilespmem:s10+$0x8900];
	v1 =	vand.u32 $0xFFFF0000, v15;
	v15 =	vand.u32 $0xFFFF0000, v19;
	v19 =	vshll.u32 v21, $0x10  }
0x73: {  	v37 =	vld [tilespmem:s16+$0x300];
	v21 =	vand.u32 $0xFFFF0000, v21;
	v15 =	vmul.f32 v15, v1;
	v1 =	vmov s9  }
0x74: {  	v22 =	vshll.u32 v12, $0x10;
	v12 =	vand.u32 $0xFFFF0000, v12;
	v24 =	vshll.u32 v13, $0x10  }
0x75: {  	v38 =	vld [tilespmem:s11+$0x300];
	v13 =	vand.u32 $0xFFFF0000, v13;
	v12 =	vmul.f32 v12, v21;
	v21 =	vshll.u32 v3, $0x10  }
0x76: {  	v23 =	vld [tilespmem:s10+$0x980];
	v19 =	vmul.f32 v22, v19;
	v3 =	vand.u32 $0xFFFF0000, v3;
	v21 =	vmul.f32 v24, v21  }
0x77: {  	v22 =	vld [tilespmem:s10+$0x8980];
	v3 =	vmul.f32 v13, v3;
	v13 =	vshll.u32 v18, $0x10;
	v24 =	vshll.u32 v20, $0x10  }
0x78: {  	v36 =	vand.u32 $0xFFFF0000, v36;
	v56 =	vshll.u32 v37, $0x10;
	v13 =	vmul.f32 v24, v13;
	v24 =	vld [tilespmem:s16+$0x400]  }
0x79: {  	s21 =	simm.s32 $0x0;
	v37 =	vand.u32 $0xFFFF0000, v37;
	v15 =	vadd.f32 v15, v11;
	v11 =	vadd.f32 v12, v19;
	v19 =	vld [tilespmem:s11+$0xFFFFFD00]  }
0x7a: {  	v57 =	vshll.u32 v38, $0x10;
	v18 =	vand.u32 $0xFFFF0000, v18;
	v20 =	vand.u32 $0xFFFF0000, v20;
	v25 =	vld.idx.msk [tilespmem:v1+s21+$0x10 ss:$0x1], $0xffff  }
0x7b: {  	v38 =	vand.u32 $0xFFFF0000, v38;
	v20 =	vmul.f32 v20, v18;
	v18 =	vshll.u32 v23, $0x10;
	v40 =	vld.idx.msk [tilespmem:v1+s21+$0x110 ss:$0x1], $0xffff  }
0x7c: {  	v23 =	vand.u32 $0xFFFF0000, v23;
	v63 =	vld.idx.msk [tilespmem:v1+s21+$0x410 ss:$0x1], $0xffff;
	v26 =	vshll.u32 v22, $0x10;
	v22 =	vand.u32 $0xFFFF0000, v22  }
0x7d: {  	v12 =	vadd.f32 v20, v13;
	v20 =	vld [tilespmem:s16+$0xFFFFFE00];
	v26 =	vmul.f32 v26, v18;
	v22 =	vmul.f32 v22, v23  }
0x7e: {  	v37 =	vmul.f32 v38, v37;
	v23 =	vld [tilespmem:s16+$0xFFFFFD00];
	v18 =	vadd.f32 v3, v21;
	v3 =	vmov s8  }
0x7f: {  	v13 =	vadd.f32 v22, v26;
	v21 =	vshll.u32 v25, $0x10;
	v22 =	vand.u32 $0xFFFF0000, v25  }
0x80: {  	v31 =	vld [tilespmem:s11+$0xFFFFFF00];
	v26 =	vshll.u32 v24, $0x10;
	v24 =	vand.u32 $0xFFFF0000, v24;
	v61 =	vshll.u32 v40, $0x10  }
0x81: {  	v25 =	vld [tilespmem:s11+$0xFFFFFE00];
	v62 =	vand.u32 $0xFFFF0000, v40;
	v40 =	vand.u32 $0xFFFF0000, v63;
	v26 =	vmul.f32 v29, v26  }
0x82: {  	v35 =	vld [tilespmem:s11+$0x100];
	v24 =	vmul.f32 v27, v24;
	v27 =	vshll.u32 v19, $0x10;
	v19 =	vand.u32 $0xFFFF0000, v19  }
0x83: {  	v33 =	vld [tilespmem:s11+$0x0];
	v32 =	vshll.u32 v20, $0x10;
	v20 =	vand.u32 $0xFFFF0000, v20;
	v30 =	vshll.u32 v23, $0x10  }
0x84: {  	v29 =	vld [tilespmem:s16+$0x0];
	v23 =	vand.u32 $0xFFFF0000, v23;
	v24 =	vadd.f32 v24, v26;
	v26 =	vmul.f32 v27, v30  }
0x85: {  	v39 =	vld.idx.msk [tilespmem:v3+s21+$0x10 ss:$0x1], $0xffff;
	v19 =	vmul.f32 v19, v23;
	v23 =	vshll.u32 v31, $0x10;
	v31 =	vand.u32 $0xFFFF0000, v31  }
0x86: {  	v41 =	vld.idx.msk [tilespmem:v3+s21+$0x110 ss:$0x1], $0xffff;
	v27 =	vshll.u32 v25, $0x10;
	v25 =	vand.u32 $0xFFFF0000, v25;
	v13 =	vadd.f32 v24, v13  }
0x87: {  	v60 =	vld.idx.msk [tilespmem:v3+s21+$0x310 ss:$0x1], $0xffff;
	v23 =	vmul.f32 v23, v34;
	v28 =	vmul.f32 v31, v28;
	v31 =	vshll.u32 v35, $0x10  }
0x88: {  	v30 =	vld [tilespmem:s16+$0x100];
	v35 =	vand.u32 $0xFFFF0000, v35;
	v34 =	vmul.f32 v57, v56;
	v27 =	vmul.f32 v27, v32  }
0x89: {  	v52 =	vshll.u32 v29, $0x10;
	v29 =	vand.u32 $0xFFFF0000, v29;
	v20 =	vmul.f32 v25, v20  }
0x8a: {  	v47 =	vld.idx.msk [tilespmem:v1+s21+$0x610 ss:$0x1], $0xffff;
	v25 =	vshll.u32 v33, $0x10;
	v33 =	vand.u32 $0xFFFF0000, v33;
	v44 =	vadd.f32 v19, v26  }
0x8b: {  	v49 =	vld.idx.msk [tilespmem:v1+s21+$0x710 ss:$0x1], $0xffff;
	v25 =	vmul.f32 v25, v52;
	v29 =	vmul.f32 v33, v29;
	v58 =	vshll.u32 v39, $0x10  }
0x8c: {  	v50 =	vld.idx.msk [tilespmem:v3+s21+$0x710 ss:$0x1], $0xffff;
	v59 =	vand.u32 $0xFFFF0000, v39;
	v51 =	vshll.u32 v41, $0x10;
	v52 =	vand.u32 $0xFFFF0000, v41  }
0x8d: {  	v57 =	vshll.u32 v60, $0x10;
	v14 =	vadd.f32 v44, v14;
	v53 =	vshll.u32 v30, $0x10  }
0x8e: {  	v24 =	vld [tilespmem:s16+$0x200];
	v30 =	vand.u32 $0xFFFF0000, v30;
	v21 =	vmul.f32 v58, v21;
	v22 =	vmul.f32 v59, v22  }
0x8f: {  	v32 =	vmul.f32 v51, v61;
	v38 =	vmul.f32 v52, v62;
	v58 =	vshll.u32 v63, $0x10  }
0x90: {  	v42 =	vld.idx.msk [tilespmem:v1+s21+$0x210 ss:$0x1], $0xffff;
	v61 =	vshll.u32 v47, $0x10;
	v47 =	vand.u32 $0xFFFF0000, v47;
	v62 =	vshll.u32 v49, $0x10  }
0x91: {  	v43 =	vld.idx.msk [tilespmem:v3+s21+$0x210 ss:$0x1], $0xffff;
	v49 =	vand.u32 $0xFFFF0000, v49;
	v51 =	vadd.f32 v20, v27;
	v20 =	vshll.u32 v50, $0x10  }
0x92: {  	v26 =	vld.idx.msk [tilespmem:v1+s21+$0x310 ss:$0x1], $0xffff;
	v52 =	vadd.f32 v28, v23;
	v27 =	vadd.f32 v29, v25;
	v23 =	vand.u32 $0xFFFF0000, v50  }
0x93: {  	v46 =	vld.idx.msk [tilespmem:v3+s21+$0x510 ss:$0x1], $0xffff;
	v29 =	vadd.f32 v37, v34;
	v54 =	vshll.u32 v24, $0x10;
	v31 =	vmul.f32 v31, v53  }
0x94: {  	v24 =	vand.u32 $0xFFFF0000, v24;
	v30 =	vmul.f32 v35, v30;
	v63 =	vmul.f32 v23, v49  }
0x95: {  	v45 =	vld.idx.msk [tilespmem:v1+s21+$0x510 ss:$0x1], $0xffff;
	v19 =	vmul.f32 v55, v54;
	v24 =	vmul.f32 v36, v24;
	v54 =	vshll.u32 v42, $0x10  }
0x96: {  	v42 =	vand.u32 $0xFFFF0000, v42;
	v55 =	vshll.u32 v43, $0x10;
	v43 =	vand.u32 $0xFFFF0000, v43  }
0x97: {  	v48 =	vld.idx.msk [tilespmem:v3+s21+$0x610 ss:$0x1], $0xffff;
	v56 =	vshll.u32 v26, $0x10;
	v26 =	vand.u32 $0xFFFF0000, v26;
	v36 =	vand.u32 $0xFFFF0000, v60  }
0x98: {  	v60 =	vshll.u32 v46, $0x10;
	v46 =	vand.u32 $0xFFFF0000, v46;
	v16 =	vadd.f32 v51, v16  }
0x99: {  	v53 =	vld.idx.msk [tilespmem:v3+s21+$0x410 ss:$0x1], $0xffff;
	v17 =	vadd.f32 v52, v17;
	v33 =	vmul.f32 v55, v54;
	v42 =	vmul.f32 v43, v42  }
0x9a: {  	v35 =	vmul.f32 v57, v56;
	v36 =	vmul.f32 v36, v26;
	v26 =	vshll.u32 v45, $0x10  }
0x9b: {  	v45 =	vand.u32 $0xFFFF0000, v45;
	v30 =	vadd.f32 v30, v31;
	v31 =	vmul.f32 v20, v62  }
0x9c: {  	v43 =	vmul.f32 v60, v26;
	v26 =	vshll.u32 v48, $0x10;
	v48 =	vand.u32 $0xFFFF0000, v48  }
0x9d: {  	v45 =	vmul.f32 v46, v45;
	v24 =	vadd.f32 v24, v19;
	v19 =	vadd.f32 v22, v21  }
0x9e: {  	v28 =	vmul.f32 v48, v47;
	v59 =	vshll.u32 v53, $0x10;
	v41 =	vand.u32 $0xFFFF0000, v53  }
0x9f: {  	v20 =	vadd.f32 v42, v33;
	v39 =	vmul.f32 v59, v58;
	v40 =	vmul.f32 v41, v40  }
0xa0: {  	s11 =	simm.s32 $0x20;
	v25 =	vadd.f32 v36, v35;
	v23 =	vadd.f32 v45, v43;
	v41 =	vmul.f32 v26, v61  }
0xa1: {  	s19 =	sand.u32 $0x3FFFFF80, s11;
	v26 =	vadd.f32 v38, v32;
	v22 =	vadd.f32 v40, v39  }
0xa2: {  	s10 =	simm.s32 $0x10;
	s16 =	simm.s32 $0x80;
	s21 =	sadd.s32 s19, s18;
	v21 =	vadd.f32 v28, v41;
	v28 =	vadd.f32 v63, v31  }
.LBB2_4:
0xa3: {  	p1 =	sne.s32 s16, $0x180;
	s19 =	sadd.s32 s19, s24;
	v31 =	vld.idx.msk [tilespmem:v1+s10+$0x10 ss:$0x1], $0xffff;
	s21 =	sadd.s32 s10, s21;
	v9 =	vadd.f32 v27, v9;
	v10 =	vadd.f32 v30, v10  }
0xa4: {  	v15 =	vadd.f32 v24, v15;
	v18 =	vadd.f32 v29, v18;
	s19 =	sadd.s32 s10, s19;
	v27 =	vld [tilespmem:s21+$0x400]  }
0xa5: {  	v2 =	vadd.f32 v19, v2;
	v4 =	vadd.f32 v26, v4;
	v24 =	vld [tilespmem:s19+$0x400]  }
0xa6: {  	v5 =	vadd.f32 v20, v5;
	v6 =	vadd.f32 v25, v6;
	v19 =	vld [tilespmem:s21+$0xFFFFFD00]  }
0xa7: {  	v7 =	vadd.f32 v22, v7;
	v8 =	vadd.f32 v23, v8;
	v20 =	vld [tilespmem:s19+$0xFFFFFD00]  }
0xa8: {  	v11 =	vadd.f32 v21, v11;
	v12 =	vadd.f32 v28, v12;
	v22 =	vld [tilespmem:s21+$0xFFFFFE00]  }
0xa9: {  	v21 =	vshll.u32 v31, $0x10;
	v23 =	vand.u32 $0xFFFF0000, v31;
	v25 =	vld [tilespmem:s19+$0xFFFFFE00];
	v26 =	vshll.u32 v27, $0x10  }
0xaa: {  	v27 =	vand.u32 $0xFFFF0000, v27;
	v28 =	vld [tilespmem:s21+$0xFFFFFF00];
	v29 =	vshll.u32 v24, $0x10;
	v24 =	vand.u32 $0xFFFF0000, v24  }
0xab: {  	v30 =	vshll.u32 v19, $0x10;
	v31 =	vld [tilespmem:s19+$0xFFFFFF00];
	v26 =	vmul.f32 v29, v26;
	v24 =	vmul.f32 v24, v27  }
0xac: {  	v19 =	vand.u32 $0xFFFF0000, v19;
	v27 =	vshll.u32 v20, $0x10;
	v20 =	vand.u32 $0xFFFF0000, v20;
	v29 =	vld [tilespmem:s21+$0x0]  }
0xad: {  	v32 =	vshll.u32 v22, $0x10;
	v22 =	vand.u32 $0xFFFF0000, v22;
	v33 =	vld [tilespmem:s19+$0x0];
	v24 =	vadd.f32 v24, v26  }
0xae: {  	v26 =	vmul.f32 v27, v30;
	v27 =	vshll.u32 v25, $0x10;
	v25 =	vand.u32 $0xFFFF0000, v25;
	v30 =	vld [tilespmem:s21+$0x100]  }
0xaf: {  	v34 =	vshll.u32 v28, $0x10;
	v28 =	vand.u32 $0xFFFF0000, v28;
	v35 =	vld [tilespmem:s19+$0x100];
	v13 =	vadd.f32 v24, v13  }
0xb0: {  	v19 =	vmul.f32 v20, v19;
	v20 =	vshll.u32 v31, $0x10;
	v24 =	vand.u32 $0xFFFF0000, v31;
	v31 =	vld [tilespmem:s21+$0x200]  }
0xb1: {  	v27 =	vmul.f32 v27, v32;
	v32 =	vshll.u32 v29, $0x10;
	v29 =	vand.u32 $0xFFFF0000, v29;
	v36 =	vld [tilespmem:s19+$0x200]  }
0xb2: {  	v22 =	vmul.f32 v25, v22;
	v25 =	vshll.u32 v33, $0x10;
	v33 =	vand.u32 $0xFFFF0000, v33;
	v37 =	vld [tilespmem:s21+$0x300]  }
0xb3: {  	v20 =	vmul.f32 v20, v34;
	v34 =	vshll.u32 v30, $0x10;
	v30 =	vand.u32 $0xFFFF0000, v30;
	v38 =	vld [tilespmem:s19+$0x300]  }
0xb4: {  	v24 =	vmul.f32 v24, v28;
	v39 =	vld.idx.msk [tilespmem:v3+s10+$0x10 ss:$0x1], $0xffff;
	v28 =	vshll.u32 v35, $0x10;
	v35 =	vand.u32 $0xFFFF0000, v35  }
0xb5: {  	v25 =	vmul.f32 v25, v32;
	v40 =	vld.idx.msk [tilespmem:v1+s10+$0x110 ss:$0x1], $0xffff;
	v32 =	vshll.u32 v31, $0x10;
	v31 =	vand.u32 $0xFFFF0000, v31  }
0xb6: {  	v29 =	vmul.f32 v33, v29;
	v41 =	vld.idx.msk [tilespmem:v3+s10+$0x110 ss:$0x1], $0xffff;
	v33 =	vshll.u32 v36, $0x10;
	v36 =	vand.u32 $0xFFFF0000, v36  }
0xb7: {  	v28 =	vmul.f32 v28, v34;
	v42 =	vld.idx.msk [tilespmem:v1+s10+$0x210 ss:$0x1], $0xffff;
	v34 =	vshll.u32 v37, $0x10;
	v37 =	vand.u32 $0xFFFF0000, v37  }
0xb8: {  	v30 =	vmul.f32 v35, v30;
	v43 =	vld.idx.msk [tilespmem:v3+s10+$0x210 ss:$0x1], $0xffff;
	v35 =	vshll.u32 v38, $0x10;
	v38 =	vand.u32 $0xFFFF0000, v38  }
0xb9: {  	v44 =	vadd.f32 v19, v26;
	v26 =	vmul.f32 v33, v32;
	v31 =	vmul.f32 v36, v31;
	v19 =	vld.idx.msk [tilespmem:v1+s10+$0x310 ss:$0x1], $0xffff  }
0xba: {  	v32 =	vshll.u32 v39, $0x10;
	v33 =	vand.u32 $0xFFFF0000, v39;
	v34 =	vmul.f32 v35, v34;
	v36 =	vld.idx.msk [tilespmem:v3+s10+$0x310 ss:$0x1], $0xffff  }
0xbb: {  	v37 =	vmul.f32 v38, v37;
	v35 =	vshll.u32 v40, $0x10;
	v39 =	vand.u32 $0xFFFF0000, v40;
	v40 =	vld.idx.msk [tilespmem:v1+s10+$0x410 ss:$0x1], $0xffff  }
0xbc: {  	v21 =	vmul.f32 v32, v21;
	v32 =	vshll.u32 v41, $0x10;
	v38 =	vand.u32 $0xFFFF0000, v41;
	v41 =	vld.idx.msk [tilespmem:v3+s10+$0x410 ss:$0x1], $0xffff  }
0xbd: {  	v23 =	vmul.f32 v33, v23;
	v33 =	vshll.u32 v42, $0x10;
	v42 =	vand.u32 $0xFFFF0000, v42;
	v45 =	vld.idx.msk [tilespmem:v1+s10+$0x510 ss:$0x1], $0xffff  }
0xbe: {  	v32 =	vmul.f32 v32, v35;
	v35 =	vshll.u32 v43, $0x10;
	v43 =	vand.u32 $0xFFFF0000, v43;
	v46 =	vld.idx.msk [tilespmem:v3+s10+$0x510 ss:$0x1], $0xffff  }
0xbf: {  	v38 =	vmul.f32 v38, v39;
	v39 =	vshll.u32 v19, $0x10;
	v19 =	vand.u32 $0xFFFF0000, v19;
	v47 =	vld.idx.msk [tilespmem:v1+s10+$0x610 ss:$0x1], $0xffff  }
0xc0: {  	v33 =	vmul.f32 v35, v33;
	v35 =	vshll.u32 v36, $0x10;
	v36 =	vand.u32 $0xFFFF0000, v36;
	v48 =	vld.idx.msk [tilespmem:v3+s10+$0x610 ss:$0x1], $0xffff  }
0xc1: {  	v42 =	vmul.f32 v43, v42;
	v43 =	vshll.u32 v40, $0x10;
	v40 =	vand.u32 $0xFFFF0000, v40;
	v49 =	vld.idx.msk [tilespmem:v1+s10+$0x710 ss:$0x1], $0xffff  }
0xc2: {  	v35 =	vmul.f32 v35, v39;
	v39 =	vshll.u32 v41, $0x10;
	v41 =	vand.u32 $0xFFFF0000, v41;
	v50 =	vld.idx.msk [tilespmem:v3+s10+$0x710 ss:$0x1], $0xffff  }
0xc3: {  	v36 =	vmul.f32 v36, v19;
	v19 =	vshll.u32 v45, $0x10;
	v45 =	vand.u32 $0xFFFF0000, v45  }
0xc4: {  	v39 =	vmul.f32 v39, v43;
	v43 =	vshll.u32 v46, $0x10;
	v46 =	vand.u32 $0xFFFF0000, v46  }
0xc5: {  	v40 =	vmul.f32 v41, v40;
	v41 =	vshll.u32 v47, $0x10;
	v47 =	vand.u32 $0xFFFF0000, v47  }
0xc6: {  	v43 =	vmul.f32 v43, v19;
	v19 =	vshll.u32 v48, $0x10;
	v48 =	vand.u32 $0xFFFF0000, v48  }
0xc7: {  	v45 =	vmul.f32 v46, v45;
	v46 =	vshll.u32 v49, $0x10;
	v49 =	vand.u32 $0xFFFF0000, v49  }
0xc8: {  	v41 =	vmul.f32 v19, v41;
	v19 =	vshll.u32 v50, $0x10;
	v50 =	vand.u32 $0xFFFF0000, v50  }
0xc9: {  	v51 =	vadd.f32 v22, v27;
	v47 =	vmul.f32 v48, v47;
	v46 =	vmul.f32 v19, v46  }
0xca: {  	v27 =	vadd.f32 v29, v25;
	v48 =	vadd.f32 v24, v20;
	v49 =	vmul.f32 v50, v49  }
0xcb: {  	v30 =	vadd.f32 v30, v28;
	v24 =	vadd.f32 v31, v26  }
0xcc: {  	v29 =	vadd.f32 v37, v34;
	v19 =	vadd.f32 v23, v21  }
.Ltmp4:
0xcd: {  	v26 =	vadd.f32 v38, v32;
	v20 =	vadd.f32 v42, v33;
	(pc) =	sbr.rel @p1 .LBB2_4-.Ltmp4, $4  }
0xce: {  	v25 =	vadd.f32 v36, v35;
	v22 =	vadd.f32 v40, v39  }
0xcf: {  	s11 =	sadd.s32 $0x10, s11;
	v23 =	vadd.f32 v45, v43;
	v21 =	vadd.f32 v47, v41  }
0xd0: {  	v14 =	vadd.f32 v44, v14;
	s19 =	sand.u32 $0x3FFFFF80, s11;
	v28 =	vadd.f32 v49, v46  }
0xd1: {  	v16 =	vadd.f32 v51, v16;
	s21 =	sadd.s32 s19, s18;
	s10 =	sshra.s32 s16, $0x2;
	s16 =	sadd.s32 $0x40, s16;
	v17 =	vadd.f32 v48, v17  }
0xd2: {  	_ =	sdelay $0x3  }
0xd3: {  	v31 =	vld.idx.msk [tilespmem:v1+s10+$0x10 ss:$0x1], $0xffff;
	s16 =	sadd.s32 s10, s21  }
0xd4: {  	v45 =	vld [tilespmem:s16+$0x400]  }
0xd5: {  	v19 =	vadd.f32 v19, v2;
	v2 =	vld [tilespmem:s16+$0xFFFFFD00]  }
0xd6: {  	v48 =	vld [tilespmem:s16+$0xFFFFFE00]  }
0xd7: {  	v9 =	vadd.f32 v27, v9;
	v51 =	vld [tilespmem:s16+$0xFFFFFF00]  }
0xd8: {  	v10 =	vadd.f32 v30, v10;
	v15 =	vadd.f32 v24, v15;
	v32 =	vld [tilespmem:s16+$0x0]  }
0xd9: {  	s11 =	sadd.s32 s19, s24;
	v18 =	vadd.f32 v29, v18;
	v4 =	vadd.f32 v26, v4;
	v59 =	vld [tilespmem:s16+$0x100]  }
0xda: {  	v20 =	vadd.f32 v20, v5;
	v6 =	vadd.f32 v25, v6;
	s11 =	sadd.s32 s10, s11;
	v63 =	vld [tilespmem:s16+$0x200]  }
0xdb: {  	v7 =	vadd.f32 v22, v7;
	v8 =	vadd.f32 v23, v8;
	v46 =	vld [tilespmem:s11+$0x400]  }
0xdc: {  	v11 =	vadd.f32 v21, v11;
	v5 =	vadd.f32 v28, v12;
	v47 =	vld [tilespmem:s11+$0xFFFFFD00]  }
0xdd: {  	v49 =	vld [tilespmem:s11+$0xFFFFFE00];
	v12 =	vshll.u32 v31, $0x10;
	v21 =	vand.u32 $0xFFFF0000, v31;
	v50 =	vshll.u32 v45, $0x10  }
0xde: {  	v54 =	vld [tilespmem:s11+$0xFFFFFF00];
	v27 =	vand.u32 $0xFFFF0000, v45;
	v53 =	vshll.u32 v2, $0x10;
	v56 =	vand.u32 $0xFFFF0000, v2  }
0xdf: {  	v34 =	vld [tilespmem:s11+$0x0];
	v33 =	vshll.u32 v48, $0x10;
	v22 =	vand.u32 $0xFFFF0000, v48;
	v60 =	vshll.u32 v51, $0x10  }
0xe0: {  	v35 =	vld [tilespmem:s11+$0x100];
	v28 =	vand.u32 $0xFFFF0000, v51;
	v44 =	vshll.u32 v32, $0x10;
	v32 =	vand.u32 $0xFFFF0000, v32  }
0xe1: {  	v36 =	vld [tilespmem:s11+$0x200];
	v48 =	vshll.u32 v63, $0x10;
	v29 =	vand.u32 $0xFFFF0000, v63;
	v52 =	vshll.u32 v46, $0x10  }
0xe2: {  	v38 =	vld [tilespmem:s11+$0x300];
	v24 =	vand.u32 $0xFFFF0000, v46;
	v55 =	vshll.u32 v47, $0x10;
	v25 =	vand.u32 $0xFFFF0000, v47  }
0xe3: {  	v58 =	vshll.u32 v49, $0x10;
	v23 =	vand.u32 $0xFFFF0000, v49;
	v62 =	vshll.u32 v54, $0x10  }
0xe4: {  	v39 =	vld.idx.msk [tilespmem:v3+s10+$0x10 ss:$0x1], $0xffff;
	v31 =	vand.u32 $0xFFFF0000, v54;
	v45 =	vshll.u32 v34, $0x10;
	v34 =	vand.u32 $0xFFFF0000, v34  }
0xe5: {  	v46 =	vshll.u32 v59, $0x10;
	v47 =	vshll.u32 v35, $0x10;
	v35 =	vand.u32 $0xFFFF0000, v35  }
0xe6: {  	v37 =	vld [tilespmem:s16+$0x300];
	v49 =	vshll.u32 v36, $0x10;
	v36 =	vand.u32 $0xFFFF0000, v36;
	v26 =	vmul.f32 v52, v50  }
0xe7: {  	v40 =	vld.idx.msk [tilespmem:v1+s10+$0x110 ss:$0x1], $0xffff;
	v51 =	vshll.u32 v38, $0x10;
	v24 =	vmul.f32 v24, v27;
	v57 =	vmul.f32 v55, v53  }
0xe8: {  	v42 =	vld.idx.msk [tilespmem:v1+s10+$0x210 ss:$0x1], $0xffff;
	v38 =	vand.u32 $0xFFFF0000, v38;
	v61 =	vmul.f32 v25, v56;
	v22 =	vmul.f32 v23, v22  }
0xe9: {  	v54 =	vand.u32 $0xFFFF0000, v39;
	v25 =	vmul.f32 v62, v60;
	v28 =	vmul.f32 v31, v28  }
0xea: {  	v27 =	vand.u32 $0xFFFF0000, v59;
	v23 =	vmul.f32 v45, v44;
	v32 =	vmul.f32 v34, v32  }
0xeb: {  	v30 =	vmul.f32 v47, v46;
	v50 =	vshll.u32 v37, $0x10;
	v37 =	vand.u32 $0xFFFF0000, v37  }
0xec: {  	v41 =	vld.idx.msk [tilespmem:v3+s10+$0x110 ss:$0x1], $0xffff;
	v29 =	vmul.f32 v36, v29;
	v53 =	vshll.u32 v39, $0x10;
	v56 =	vshll.u32 v40, $0x10  }
0xed: {  	v40 =	vand.u32 $0xFFFF0000, v40;
	v21 =	vmul.f32 v54, v21;
	v60 =	vshll.u32 v42, $0x10  }
0xee: {  	v43 =	vld.idx.msk [tilespmem:v3+s10+$0x210 ss:$0x1], $0xffff;
	v42 =	vand.u32 $0xFFFF0000, v42;
	v27 =	vmul.f32 v35, v27;
	v31 =	vmul.f32 v51, v50  }
0xef: {  	v52 =	vld.idx.msk [tilespmem:v1+s10+$0x310 ss:$0x1], $0xffff;
	v37 =	vmul.f32 v38, v37;
	v12 =	vmul.f32 v53, v12;
	v2 =	vadd.f32 v24, v26  }
0xf0: {  	v55 =	vld.idx.msk [tilespmem:v3+s10+$0x310 ss:$0x1], $0xffff;
	v26 =	vmul.f32 v58, v33;
	v24 =	vmul.f32 v49, v48;
	v25 =	vadd.f32 v28, v25  }
0xf1: {  	v44 =	vld.idx.msk [tilespmem:v1+s10+$0x410 ss:$0x1], $0xffff;
	v58 =	vand.u32 $0xFFFF0000, v41;
	v23 =	vadd.f32 v32, v23;
	v27 =	vadd.f32 v27, v30  }
0xf2: {  	v59 =	vld.idx.msk [tilespmem:v3+s10+$0x410 ss:$0x1], $0xffff;
	v38 =	vmul.f32 v58, v40;
	v12 =	vadd.f32 v21, v12;
	v58 =	vadd.f32 v37, v31  }
0xf3: {  	v45 =	vld.idx.msk [tilespmem:v1+s10+$0x510 ss:$0x1], $0xffff;
	v2 =	vadd.f32 v2, v13;
	v13 =	vadd.f32 v61, v57;
	v57 =	vshll.u32 v41, $0x10  }
0xf4: {  	v46 =	vld.idx.msk [tilespmem:v3+s10+$0x510 ss:$0x1], $0xffff;
	v61 =	vshll.u32 v43, $0x10;
	v22 =	vadd.f32 v22, v26;
	v24 =	vadd.f32 v29, v24  }
0xf5: {  	v47 =	vld.idx.msk [tilespmem:v1+s10+$0x610 ss:$0x1], $0xffff;
	v43 =	vand.u32 $0xFFFF0000, v43;
	v17 =	vadd.f32 v25, v17;
	v9 =	vadd.f32 v23, v9  }
0xf6: {  	v1 =	vld.idx.msk [tilespmem:v1+s10+$0x710 ss:$0x1], $0xffff;
	v34 =	vmul.f32 v57, v56;
	v62 =	vshll.u32 v52, $0x10;
	v33 =	vand.u32 $0xFFFF0000, v52  }
0xf7: {  	v35 =	vmul.f32 v61, v60;
	v63 =	vshll.u32 v55, $0x10;
	v39 =	vand.u32 $0xFFFF0000, v55  }
0xf8: {  	v42 =	vmul.f32 v43, v42;
	v49 =	vshll.u32 v44, $0x10;
	v44 =	vand.u32 $0xFFFF0000, v44  }
0xf9: {  	v50 =	vshll.u32 v59, $0x10;
	v41 =	vand.u32 $0xFFFF0000, v59;
	v51 =	vshll.u32 v45, $0x10  }
0xfa: {  	v45 =	vand.u32 $0xFFFF0000, v45;
	v52 =	vshll.u32 v46, $0x10;
	v46 =	vand.u32 $0xFFFF0000, v46  }
0xfb: {  	v48 =	vld.idx.msk [tilespmem:v3+s10+$0x610 ss:$0x1], $0xffff;
	v53 =	vshll.u32 v47, $0x10;
	v47 =	vand.u32 $0xFFFF0000, v47;
	v55 =	vshll.u32 v1, $0x10  }
0xfc: {  	v3 =	vld.idx.msk [tilespmem:v3+s10+$0x710 ss:$0x1], $0xffff;
	v1 =	vand.u32 $0xFFFF0000, v1;
	v10 =	vadd.f32 v27, v10;
	v36 =	vmul.f32 v63, v62  }
0xfd: {  	v18 =	vadd.f32 v58, v18;
	v33 =	vmul.f32 v39, v33;
	v40 =	vmul.f32 v50, v49  }
0xfe: {  	v12 =	vadd.f32 v12, v19;
	v41 =	vmul.f32 v41, v44;
	v39 =	vmul.f32 v52, v51  }
0xff: {  	v45 =	vmul.f32 v46, v45;
	v13 =	vadd.f32 v13, v14;
	v16 =	vadd.f32 v22, v16  }
0x100: {  	v15 =	vadd.f32 v24, v15;
	v49 =	vperm.xlane v2, v0;
	v54 =	vshll.u32 v48, $0x10  }
0x101: {  	v48 =	vand.u32 $0xFFFF0000, v48;
	v56 =	vshll.u32 v3, $0x10;
	v30 =	vperm.xlane v12, v0  }
0x102: {  	v59 =	vadd.f32 v38, v34;
	v34 =	vperm.xlane v17, v0;
	v38 =	vperm.xlane v9, v0  }
0x103: {  	v3 =	vand.u32 $0xFFFF0000, v3;
	v46 =	vperm.xlane v18, v0;
	v43 =	vmul.f32 v54, v53  }
0x104: {  	v60 =	vadd.f32 v42, v35;
	v57 =	vmul.f32 v48, v47;
	v26 =	vmul.f32 v56, v55  }
0x105: {  	v1 =	vmul.f32 v3, v1;
	v3 =	vadd.f32 v33, v36;
	v31 =	vperm.xlane v13, v0  }
0x106: {  	v61 =	vadd.f32 v41, v40;
	v33 =	vperm.xlane v16, v0;
	v40 =	vperm.xlane v10, v0  }
0x107: {  	v4 =	vadd.f32 v59, v4;
	v63 =	vadd.f32 v1, v26;
	v1 =	vor.u32 $0x1, v0  }
0x108: {  	v62 =	vadd.f32 v45, v39;
	v42 =	vperm.xlane v15, v0;
	v12 =	vperm.xlane v12, v1  }
0x109: {  	v25 =	vadd.f32 v60, v20;
	v13 =	vperm.xlane v13, v1;
	v32 =	vperm.xlane v4, v0  }
0x10a: {  	v28 =	vadd.f32 v57, v43;
	v4 =	vperm.xlane v4, v1;
	v16 =	vperm.xlane v16, v1  }
0x10b: {  	v3 =	vadd.f32 v3, v6;
	v20 =	vperm.xlane v25, v0;
	v19 =	vperm.xlane v25, v1  }
0x10c: {  	v26 =	vadd.f32 v61, v7;
	v17 =	vperm.xlane v17, v1;
	v9 =	vperm.xlane v9, v1  }
0x10d: {  	v27 =	vadd.f32 v62, v8;
	v10 =	vperm.xlane v10, v1;
	v15 =	vperm.xlane v15, v1  }
0x10e: {  	v47 =	vperm.xlane v18, v1;
	v2 =	vperm.xlane v2, v1;
	v29 =	vadd.f32 v28, v11  }
0x10f: {  	v5 =	vadd.f32 v63, v5;
	v37 =	vperm.xlane v3, v0;
	v11 =	vadd.f32 v12, v30  }
0x110: {  	v3 =	vperm.xlane v3, v1;
	v13 =	vadd.f32 v13, v31;
	v4 =	vadd.f32 v4, v32  }
0x111: {  	v39 =	vperm.xlane v26, v0;
	v35 =	vadd.f32 v16, v33;
	v36 =	vadd.f32 v19, v20  }
0x112: {  	v6 =	vperm.xlane v26, v1;
	v12 =	vadd.f32 v17, v34;
	v9 =	vadd.f32 v9, v38  }
0x113: {  	v41 =	vperm.xlane v27, v0;
	v43 =	vadd.f32 v10, v40;
	v44 =	vadd.f32 v15, v42  }
0x114: {  	v7 =	vperm.xlane v27, v1;
	v2 =	vadd.f32 v2, v49;
	v3 =	vadd.f32 v3, v37  }
0x115: {  	v6 =	vadd.f32 v6, v39;
	v45 =	vperm.xlane v29, v0;
	v8 =	vperm.xlane v29, v1  }
0x116: {  	v7 =	vadd.f32 v7, v41;
	v48 =	vperm.xlane v5, v0;
	v5 =	vperm.xlane v5, v1  }
0x117: {  	v11 =	vsel vm0, v11, v13;
	v4 =	vsel vm0, v4, v35;
	v12 =	vsel vm0, v36, v12  }
0x118: {  	v3 =	vsel vm0, v3, v9;
	v50 =	vperm.xlane v11, v0;
	v11 =	vperm.xlane v11, v1  }
0x119: {  	v6 =	vsel vm0, v6, v43;
	v51 =	vperm.xlane v4, v0;
	v4 =	vperm.xlane v4, v1  }
0x11a: {  	v7 =	vsel vm0, v7, v44;
	v53 =	vperm.xlane v12, v0;
	v54 =	vperm.xlane v12, v1  }
0x11b: {  	v8 =	vadd.f32 v8, v45;
	v55 =	vperm.xlane v3, v0;
	v3 =	vperm.xlane v3, v1  }
0x11c: {  	v9 =	vadd.f32 v47, v46;
	v56 =	vperm.xlane v6, v0;
	v6 =	vperm.xlane v6, v1  }
0x11d: {  	v5 =	vadd.f32 v5, v48;
	v57 =	vperm.xlane v7, v0;
	v7 =	vperm.xlane v7, v1  }
0x11e: {  	v8 =	vsel vm0, v8, v9;
	v52 =	vadd.f32 v11, v50;
	v4 =	vadd.f32 v4, v51  }
0x11f: {  	v2 =	vsel vm0, v5, v2;
	v10 =	vadd.f32 v54, v53;
	v3 =	vadd.f32 v3, v55  }
0x120: {  	v58 =	vperm.xlane v8, v0;
	v8 =	vperm.xlane v8, v1;
	v6 =	vadd.f32 v6, v56  }
0x121: {  	v59 =	vperm.xlane v2, v0;
	v2 =	vperm.xlane v2, v1;
	v7 =	vadd.f32 v7, v57  }
0x122: {  	v4 =	vsel vm0, v52, v4;
	v3 =	vsel vm0, v10, v3;
	v5 =	vadd.f32 v8, v58  }
0x123: {  	v2 =	vadd.f32 v2, v59;
	v60 =	vperm.xlane v4, v0;
	v4 =	vperm.xlane v4, v1  }
0x124: {  	v6 =	vsel vm0, v6, v7;
	v61 =	vperm.xlane v3, v0;
	v3 =	vperm.xlane v3, v1  }
0x125: {  	v62 =	vperm.xlane v6, v0;
	v6 =	vperm.xlane v6, v1;
	v2 =	vsel vm0, v5, v2  }
0x126: {  	v63 =	vperm.xlane v2, v0;
	v2 =	vperm.xlane v2, v1  }
0x127: {  	v4 =	vadd.f32 v4, v60;
	v3 =	vadd.f32 v3, v61  }
0x128: {  	v5 =	vadd.f32 v6, v62;
	v2 =	vadd.f32 v2, v63  }
0x129: {  	v3 =	vsel vm0, v4, v3  }
0x12a: {  	s21 =	sshll.u32 s23, $0x4;
	s23 =	sadd.s32 $0x1, s23;
	v4 =	vperm.xlane v3, v0;
	v3 =	vperm.xlane v3, v1;
	v2 =	vsel vm0, v5, v2  }
0x12b: {  	p1 =	sne.s32 s23, $0x8;
	v5 =	vperm.xlane v2, v0;
	v2 =	vperm.xlane v2, v1  }
.Ltmp5:
0x12c: {  	_ = 	snop;
	(pc) =	sbr.rel @p1 .LBB2_3-.Ltmp5, $3  }
0x12d: {  	v3 =	vadd.f32 v3, v4;
	v2 =	vadd.f32 v2, v5;
	_ =	sdelay $0x1  }
0x12e: {  	s24 =	sadd.s32 $0x800, s24;
	s10 =	sand.u32 $0x3FFFFFF0, s21;
	v2 =	vsel vm0, v3, v2  }
0x12f: {  	s18 =	sadd.s32 $0x800, s18;
	s8 =	sadd.s32 $0x800, s8;
	s9 =	sadd.s32 $0x800, s9;
	[tilespmem:s10+$0x10200] =	vst v2  }
0x130: {  	s23 =	sor.u32 $0x1, s20  }
0x131: {  	p1 =	sge.u32 s23, s7  }
.Ltmp6:
0x132: {  	_ = 	snop;
	(pc) =	sbr.rel @p1 .LBB2_12-.Ltmp6, $4  }
0x133: {  	_ = 	snop  }
0x134: {  	s8 =	sshll.u32 s4, $0xA  }
0x135: {  	s8 =	sadd.s32 s8, s14  }
0x136: {  	[hbm4b:s8+s5] =	stream.linear.scatter [tilespmem:s28], [sflag:$0x9], $0x80, $0x38;
	[tilespmem:$0x10300] =	vst v63  }
0x137: {  	_ =	swait.ge [sflag:s29], $0x4000  }
0x138: {  	[sflag:s29] =	ssyncset.done $0x0  }
0x139: {  	[sflag:s29] =	ssyncadd.s32 $0xFFFFC000  }
0x13a: {  	_ =	swait.ge [sflag:s30], $0x4000  }
0x13b: {  	p1 =	sge.u32 s20, s13;
	[sflag:s30] =	ssyncset.done $0x0  }
0x13c: {  	s8 =	simm.s32 @!p1 $0x1;
	[sflag:s30] =	ssyncadd.s32 $0xFFFFC000  }
0x13d: {  	_ =	swait.ge @!p1 [sflag:s8], $0x80  }
0x13e: {  	[sflag:s8] =	ssyncset.done @!p1 $0x0  }
0x13f: {  	[sflag:s8] =	ssyncadd.s32 @!p1 $0xFFFFFF80;
	s8 =	simm.s32 @!p1 $0x3  }
0x140: {  	_ =	swait.ge @!p1 [sflag:s8], $0x80  }
0x141: {  	s9 =	simm.s32 @!p1 $0x0;
	[sflag:s8] =	ssyncset.done @!p1 $0x0  }
0x142: {  	s10 =	simm.s32 @!p1 $0x200;
	[sflag:s8] =	ssyncadd.s32 @!p1 $0xFFFFFF80;
	s8 =	simm.s32 @!p1 $0x80  }
0x143: {  	[tilespmem:s10], [sflag:$0x5] =	stream.indirect.gather @!p1 [hbm4b:s1+s8], $0x80, s9, s8, $0xb8;
	[tilespmem:$0x10300] =	vst v63  }
0x144: {  	s9 =	simm.s32 @!p1 $0x100;
	s10 =	simm.s32 @!p1 $0x8200  }
0x145: {  	[tilespmem:s10], [sflag:$0x7] =	stream.indirect.gather @!p1 [hbm4b:s1+s8], $0x80, s9, s8, $0xb8;
	[tilespmem:$0x10300] =	vst v63  }
0x146: {  	s8 =	sadd.s32 $0x3, s20  }
0x147: {  	p1 =	sge.u32 s8, s7  }
0x148: {  	s8 =	sshll.u32 @!p1 s8, $0x9  }
0x149: {  	s8 =	sor.u32 @!p1 s6, s8  }
0x14a: {  	s10 =	simm.s32 @!p1 $0x0;
	s11 =	simm.s32 @!p1 $0x80;
	s9 =	sadd.s32 @!p1 s2, s8  }
0x14b: {  	[tilespmem:s11], [sflag:$0x2] =	stream.linear.gather @!p1 [hbm4b:s9+s10], $0x80, $0x38;
	[tilespmem:$0x10300] =	vst v63  }
0x14c: {  	s8 =	sadd.s32 @!p1 s3, s8;
	s9 =	simm.s32 @!p1 $0x180  }
0x14d: {  	[tilespmem:s9], [sflag:$0x4] =	stream.linear.gather @!p1 [hbm4b:s8+s10], $0x80, $0x38;
	[tilespmem:$0x10300] =	vst v63  }
0x14e: {  	s8 =	simm.s32 @!p0 $0xA  }
0x14f: {  	s18 =	simm.s32 $0x0;
	_ =	swait.ge @!p0 [sflag:s8], $0x80  }
0x150: {  	s24 =	simm.s32 $0x4200;
	s20 =	simm.s32 $0xC200;
	[sflag:s8] =	ssyncset.done @!p0 $0x0  }
0x151: {  	s9 =	simm.s32 $0x4590;
	[sflag:s8] =	ssyncadd.s32 @!p0 $0xFFFFFF80;
	s8 =	simm.s32 $0xC590  }
.LBB2_8:
0x152: {  	s10 =	sshll.u32 s18, $0xB  }
0x153: {  	v2 =	vld [tilespmem:s10+$0x4200]  }
0x154: {  	s19 =	simm.s32 $0x10;
	v3 =	vld [tilespmem:s10+$0xC200]  }
0x155: {  	v5 =	vld [tilespmem:s10+$0xC280];
	s11 =	sand.u32 $0x3FFFFF80, s19  }
0x156: {  	v4 =	vld [tilespmem:s10+$0x4280];
	s16 =	sadd.s32 s11, s9;
	s11 =	sadd.s32 s11, s8  }
0x157: {  	v8 =	vld [tilespmem:s10+$0x4300];
	s11 =	sadd.s32 $0x0, s11  }
0x158: {  	s16 =	sadd.s32 $0x0, s16;
	v28 =	vld [tilespmem:s11+$0x400];
	v6 =	vshll.u32 v2, $0x10  }
0x159: {  	v29 =	vld [tilespmem:s16+$0xFFFFFF00];
	v7 =	vshll.u32 v3, $0x10;
	v2 =	vand.u32 $0xFFFF0000, v2;
	v3 =	vand.u32 $0xFFFF0000, v3  }
0x15a: {  	v9 =	vshll.u32 v5, $0x10;
	v6 =	vmul.f32 v7, v6;
	v2 =	vmul.f32 v3, v2;
	v7 =	vld [tilespmem:s10+$0xC300]  }
0x15b: {  	v10 =	vld [tilespmem:s10+$0x4380];
	v5 =	vand.u32 $0xFFFF0000, v5;
	v3 =	vshll.u32 v4, $0x10;
	v4 =	vand.u32 $0xFFFF0000, v4  }
0x15c: {  	v9 =	vmul.f32 v9, v3;
	v4 =	vmul.f32 v5, v4;
	v5 =	vld [tilespmem:s10+$0xC380];
	v3 =	vadd.f32 v2, v6  }
0x15d: {  	v11 =	vld [tilespmem:s10+$0x4400];
	v2 =	vshll.u32 v8, $0x10;
	v8 =	vand.u32 $0xFFFF0000, v8;
	v30 =	vshll.u32 v28, $0x10  }
0x15e: {  	v28 =	vand.u32 $0xFFFF0000, v28;
	v35 =	vshll.u32 v29, $0x10;
	v15 =	vadd.f32 v4, v9;
	v4 =	vld [tilespmem:s10+$0xC400]  }
0x15f: {  	v29 =	vand.u32 $0xFFFF0000, v29;
	v9 =	vld [tilespmem:s10+$0x4480];
	v6 =	vshll.u32 v7, $0x10;
	v7 =	vand.u32 $0xFFFF0000, v7  }
0x160: {  	v2 =	vmul.f32 v6, v2;
	v6 =	vmul.f32 v7, v8;
	v7 =	vshll.u32 v10, $0x10;
	v8 =	vld [tilespmem:s10+$0xC480]  }
0x161: {  	v13 =	vld [tilespmem:s10+$0x4500];
	v12 =	vshll.u32 v5, $0x10;
	v10 =	vand.u32 $0xFFFF0000, v10;
	v5 =	vand.u32 $0xFFFF0000, v5  }
0x162: {  	v7 =	vmul.f32 v12, v7;
	v10 =	vmul.f32 v5, v10;
	v5 =	vshll.u32 v11, $0x10;
	v12 =	vld [tilespmem:s10+$0xC500]  }
0x163: {  	v16 =	vld [tilespmem:s10+$0x4580];
	v11 =	vand.u32 $0xFFFF0000, v11;
	v14 =	vshll.u32 v4, $0x10;
	v4 =	vand.u32 $0xFFFF0000, v4  }
0x164: {  	v36 =	vld [tilespmem:s11+$0x100];
	v14 =	vmul.f32 v14, v5;
	v4 =	vmul.f32 v4, v11;
	v5 =	vshll.u32 v9, $0x10  }
0x165: {  	v19 =	vld [tilespmem:s10+$0xC580];
	v9 =	vand.u32 $0xFFFF0000, v9;
	v11 =	vshll.u32 v8, $0x10;
	v8 =	vand.u32 $0xFFFF0000, v8  }
0x166: {  	v11 =	vmul.f32 v11, v5;
	v8 =	vmul.f32 v8, v9;
	v9 =	vshll.u32 v13, $0x10  }
0x167: {  	v20 =	vld [tilespmem:s10+$0x4600];
	v17 =	vshll.u32 v12, $0x10;
	v13 =	vand.u32 $0xFFFF0000, v13;
	v12 =	vand.u32 $0xFFFF0000, v12  }
0x168: {  	v5 =	vadd.f32 v6, v2;
	v2 =	vmul.f32 v17, v9;
	v9 =	vmul.f32 v12, v13;
	v12 =	vld [tilespmem:s10+$0xC600]  }
0x169: {  	v53 =	vshll.u32 v36, $0x10;
	v6 =	vadd.f32 v4, v14;
	v4 =	vld [tilespmem:s10+$0x4680];
	v17 =	vadd.f32 v10, v7  }
0x16a: {  	v10 =	vand.u32 $0xFFFF0000, v16;
	v18 =	vadd.f32 v8, v11;
	v8 =	vld [tilespmem:s10+$0xC680];
	v11 =	vand.u32 $0xFFFF0000, v19  }
0x16b: {  	v13 =	vld [tilespmem:s10+$0x4700];
	v7 =	vadd.f32 v9, v2;
	v2 =	vshll.u32 v16, $0x10;
	v9 =	vshll.u32 v19, $0x10  }
0x16c: {  	v16 =	vand.u32 $0xFFFF0000, v20;
	v2 =	vmul.f32 v9, v2;
	v9 =	vmul.f32 v11, v10;
	v11 =	vld [tilespmem:s10+$0xC700]  }
0x16d: {  	v37 =	vld [tilespmem:s11+$0x200];
	v10 =	vshll.u32 v20, $0x10;
	v14 =	vshll.u32 v12, $0x10;
	v12 =	vand.u32 $0xFFFF0000, v12  }
0x16e: {  	v20 =	vld [tilespmem:s10+$0xC780];
	v14 =	vmul.f32 v14, v10;
	v12 =	vmul.f32 v12, v16;
	v10 =	vshll.u32 v4, $0x10  }
0x16f: {  	v16 =	vld [tilespmem:s10+$0x4780];
	v19 =	vshll.u32 v8, $0x10;
	v4 =	vand.u32 $0xFFFF0000, v4;
	v8 =	vand.u32 $0xFFFF0000, v8  }
0x170: {  	v38 =	vld [tilespmem:s16+$0x300];
	v19 =	vmul.f32 v19, v10;
	v4 =	vmul.f32 v8, v4;
	v8 =	vshll.u32 v13, $0x10  }
0x171: {  	v22 =	vld [tilespmem:s10+$0x4800];
	v13 =	vand.u32 $0xFFFF0000, v13;
	v21 =	vshll.u32 v11, $0x10;
	v11 =	vand.u32 $0xFFFF0000, v11  }
0x172: {  	v10 =	vadd.f32 v9, v2;
	v2 =	vmul.f32 v21, v8;
	v9 =	vmul.f32 v11, v13;
	v13 =	vld [tilespmem:s10+$0xC800]  }
0x173: {  	v36 =	vand.u32 $0xFFFF0000, v36;
	v8 =	vadd.f32 v12, v14;
	v11 =	vadd.f32 v4, v19;
	v14 =	vld [tilespmem:s10+$0xC880]  }
0x174: {  	v4 =	vld [tilespmem:s10+$0x4880];
	v12 =	vshll.u32 v20, $0x10;
	v9 =	vadd.f32 v9, v2;
	v2 =	vshll.u32 v16, $0x10  }
0x175: {  	v55 =	vshll.u32 v37, $0x10;
	v56 =	vshll.u32 v38, $0x10;
	v19 =	vld [tilespmem:s10+$0x4900];
	v12 =	vmul.f32 v12, v2  }
0x176: {  	v21 =	vld [tilespmem:s10+$0xC900];
	v2 =	vand.u32 $0xFFFF0000, v16;
	v16 =	vand.u32 $0xFFFF0000, v20;
	v20 =	vshll.u32 v22, $0x10  }
0x177: {  	v22 =	vand.u32 $0xFFFF0000, v22;
	v16 =	vmul.f32 v16, v2;
	v2 =	vmov s24  }
0x178: {  	v24 =	vld [tilespmem:s10+$0x4980];
	v23 =	vshll.u32 v13, $0x10;
	v13 =	vand.u32 $0xFFFF0000, v13;
	v25 =	vshll.u32 v14, $0x10  }
0x179: {  	v39 =	vld [tilespmem:s11+$0x300];
	v14 =	vand.u32 $0xFFFF0000, v14;
	v13 =	vmul.f32 v13, v22;
	v22 =	vshll.u32 v4, $0x10  }
0x17a: {  	v20 =	vmul.f32 v23, v20;
	v23 =	vld [tilespmem:s10+$0xC980];
	v4 =	vand.u32 $0xFFFF0000, v4;
	v22 =	vmul.f32 v25, v22  }
0x17b: {  	v4 =	vmul.f32 v14, v4;
	v14 =	vshll.u32 v19, $0x10;
	v25 =	vshll.u32 v21, $0x10  }
0x17c: {  	v38 =	vand.u32 $0xFFFF0000, v38;
	v16 =	vadd.f32 v16, v12;
	v14 =	vmul.f32 v25, v14;
	v25 =	vld [tilespmem:s16+$0x400]  }
0x17d: {  	s21 =	simm.s32 $0x0;
	v19 =	vand.u32 $0xFFFF0000, v19;
	v21 =	vand.u32 $0xFFFF0000, v21;
	v12 =	vadd.f32 v13, v20;
	v20 =	vld [tilespmem:s11+$0xFFFFFD00]  }
0x17e: {  	v57 =	vshll.u32 v39, $0x10;
	v21 =	vmul.f32 v21, v19;
	v19 =	vshll.u32 v24, $0x10;
	v26 =	vld.idx.msk [tilespmem:v2+s21+$0x10 ss:$0x1], $0xffff  }
0x17f: {  	v24 =	vand.u32 $0xFFFF0000, v24;
	v41 =	vld.idx.msk [tilespmem:v2+s21+$0x110 ss:$0x1], $0xffff;
	v27 =	vshll.u32 v23, $0x10;
	v23 =	vand.u32 $0xFFFF0000, v23  }
0x180: {  	v39 =	vand.u32 $0xFFFF0000, v39;
	v63 =	vld.idx.msk [tilespmem:v2+s21+$0x410 ss:$0x1], $0xffff;
	v27 =	vmul.f32 v27, v19;
	v23 =	vmul.f32 v23, v24  }
0x181: {  	v37 =	vand.u32 $0xFFFF0000, v37;
	v38 =	vmul.f32 v39, v38;
	v13 =	vadd.f32 v21, v14;
	v21 =	vld [tilespmem:s16+$0xFFFFFE00]  }
0x182: {  	v24 =	vld [tilespmem:s16+$0xFFFFFD00];
	v19 =	vadd.f32 v4, v22;
	v4 =	vmov s20;
	v14 =	vadd.f32 v23, v27  }
0x183: {  	v32 =	vld [tilespmem:s11+$0xFFFFFF00];
	v22 =	vshll.u32 v26, $0x10;
	v23 =	vand.u32 $0xFFFF0000, v26;
	v27 =	vshll.u32 v25, $0x10  }
0x184: {  	v26 =	vld [tilespmem:s11+$0xFFFFFE00];
	v25 =	vand.u32 $0xFFFF0000, v25;
	v61 =	vshll.u32 v41, $0x10;
	v62 =	vand.u32 $0xFFFF0000, v41  }
0x185: {  	v41 =	vand.u32 $0xFFFF0000, v63;
	v27 =	vmul.f32 v30, v27;
	v25 =	vmul.f32 v28, v25  }
0x186: {  	v28 =	vshll.u32 v20, $0x10;
	v20 =	vand.u32 $0xFFFF0000, v20;
	v33 =	vshll.u32 v21, $0x10  }
0x187: {  	v30 =	vld [tilespmem:s16+$0x0];
	v21 =	vand.u32 $0xFFFF0000, v21;
	v31 =	vshll.u32 v24, $0x10;
	v24 =	vand.u32 $0xFFFF0000, v24  }
0x188: {  	v34 =	vld [tilespmem:s11+$0x0];
	v25 =	vadd.f32 v25, v27;
	v27 =	vmul.f32 v28, v31;
	v20 =	vmul.f32 v20, v24  }
0x189: {  	v40 =	vld.idx.msk [tilespmem:v4+s21+$0x10 ss:$0x1], $0xffff;
	v24 =	vshll.u32 v32, $0x10;
	v32 =	vand.u32 $0xFFFF0000, v32;
	v28 =	vshll.u32 v26, $0x10  }
0x18a: {  	v42 =	vld.idx.msk [tilespmem:v4+s21+$0x110 ss:$0x1], $0xffff;
	v26 =	vand.u32 $0xFFFF0000, v26;
	v14 =	vadd.f32 v25, v14;
	v24 =	vmul.f32 v24, v35  }
0x18b: {  	v60 =	vld.idx.msk [tilespmem:v4+s21+$0x310 ss:$0x1], $0xffff;
	v29 =	vmul.f32 v32, v29;
	v35 =	vmul.f32 v57, v56;
	v57 =	vshll.u32 v63, $0x10  }
0x18c: {  	v31 =	vld [tilespmem:s16+$0x100];
	v28 =	vmul.f32 v28, v33;
	v51 =	vshll.u32 v30, $0x10;
	v30 =	vand.u32 $0xFFFF0000, v30  }
0x18d: {  	v47 =	vld.idx.msk [tilespmem:v4+s21+$0x510 ss:$0x1], $0xffff;
	v21 =	vmul.f32 v26, v21;
	v26 =	vshll.u32 v34, $0x10;
	v34 =	vand.u32 $0xFFFF0000, v34  }
0x18e: {  	v25 =	vld [tilespmem:s16+$0x200];
	v45 =	vadd.f32 v20, v27;
	v26 =	vmul.f32 v26, v51;
	v30 =	vmul.f32 v34, v30  }
0x18f: {  	v58 =	vshll.u32 v40, $0x10;
	v59 =	vand.u32 $0xFFFF0000, v40;
	v50 =	vshll.u32 v42, $0x10  }
0x190: {  	v43 =	vld.idx.msk [tilespmem:v2+s21+$0x210 ss:$0x1], $0xffff;
	v51 =	vand.u32 $0xFFFF0000, v42;
	v56 =	vshll.u32 v60, $0x10;
	v15 =	vadd.f32 v45, v15  }
0x191: {  	v44 =	vld.idx.msk [tilespmem:v4+s21+$0x210 ss:$0x1], $0xffff;
	v52 =	vshll.u32 v31, $0x10;
	v22 =	vmul.f32 v58, v22;
	v23 =	vmul.f32 v59, v23  }
0x192: {  	v27 =	vld.idx.msk [tilespmem:v2+s21+$0x310 ss:$0x1], $0xffff;
	v31 =	vand.u32 $0xFFFF0000, v31;
	v33 =	vmul.f32 v50, v61;
	v39 =	vmul.f32 v51, v62  }
0x193: {  	v48 =	vld.idx.msk [tilespmem:v2+s21+$0x610 ss:$0x1], $0xffff;
	v59 =	vshll.u32 v47, $0x10;
	v47 =	vand.u32 $0xFFFF0000, v47;
	v54 =	vshll.u32 v25, $0x10  }
0x194: {  	v25 =	vand.u32 $0xFFFF0000, v25;
	v32 =	vmul.f32 v53, v52;
	v31 =	vmul.f32 v36, v31  }
0x195: {  	v46 =	vld.idx.msk [tilespmem:v2+s21+$0x510 ss:$0x1], $0xffff;
	v53 =	vshll.u32 v43, $0x10;
	v43 =	vand.u32 $0xFFFF0000, v43;
	v20 =	vmul.f32 v55, v54  }
0x196: {  	v49 =	vld.idx.msk [tilespmem:v4+s21+$0x610 ss:$0x1], $0xffff;
	v25 =	vmul.f32 v37, v25;
	v54 =	vshll.u32 v44, $0x10;
	v44 =	vand.u32 $0xFFFF0000, v44  }
0x197: {  	v50 =	vld.idx.msk [tilespmem:v2+s21+$0x710 ss:$0x1], $0xffff;
	v55 =	vshll.u32 v27, $0x10;
	v27 =	vand.u32 $0xFFFF0000, v27;
	v37 =	vand.u32 $0xFFFF0000, v60  }
0x198: {  	v60 =	vshll.u32 v48, $0x10;
	v34 =	vmul.f32 v54, v53;
	v43 =	vmul.f32 v44, v43  }
0x199: {  	v52 =	vld.idx.msk [tilespmem:v4+s21+$0x410 ss:$0x1], $0xffff;
	v48 =	vand.u32 $0xFFFF0000, v48;
	v36 =	vmul.f32 v56, v55;
	v37 =	vmul.f32 v37, v27  }
0x19a: {  	v27 =	vshll.u32 v46, $0x10;
	v46 =	vand.u32 $0xFFFF0000, v46;
	v53 =	vadd.f32 v29, v24  }
0x19b: {  	v51 =	vld.idx.msk [tilespmem:v4+s21+$0x710 ss:$0x1], $0xffff;
	v31 =	vadd.f32 v31, v32;
	v44 =	vmul.f32 v59, v27;
	v27 =	vshll.u32 v49, $0x10  }
0x19c: {  	v49 =	vand.u32 $0xFFFF0000, v49;
	v46 =	vmul.f32 v47, v46;
	v61 =	vshll.u32 v50, $0x10  }
0x19d: {  	v50 =	vand.u32 $0xFFFF0000, v50;
	v24 =	vadd.f32 v43, v34;
	v18 =	vadd.f32 v53, v18  }
0x19e: {  	v58 =	vshll.u32 v52, $0x10;
	v42 =	vand.u32 $0xFFFF0000, v52;
	v52 =	vadd.f32 v21, v28  }
0x19f: {  	v29 =	vmul.f32 v49, v48;
	v28 =	vadd.f32 v30, v26;
	v21 =	vadd.f32 v25, v20  }
0x1a0: {  	v26 =	vand.u32 $0xFFFF0000, v51;
	v20 =	vadd.f32 v23, v22;
	v30 =	vadd.f32 v38, v35  }
0x1a1: {  	v25 =	vadd.f32 v46, v44;
	v40 =	vmul.f32 v58, v57;
	v41 =	vmul.f32 v42, v41  }
0x1a2: {  	v42 =	vmul.f32 v27, v60;
	v27 =	vshll.u32 v51, $0x10;
	v63 =	vmul.f32 v26, v50  }
0x1a3: {  	s11 =	simm.s32 $0x20;
	v26 =	vadd.f32 v37, v36;
	v62 =	vmul.f32 v27, v61;
	v27 =	vadd.f32 v39, v33  }
0x1a4: {  	s19 =	sand.u32 $0x3FFFFF80, s11;
	v17 =	vadd.f32 v52, v17;
	v22 =	vadd.f32 v41, v40  }
0x1a5: {  	s10 =	simm.s32 $0x10;
	s16 =	simm.s32 $0x80;
	s21 =	sadd.s32 s19, s9;
	v23 =	vadd.f32 v29, v42;
	v29 =	vadd.f32 v63, v62  }
.LBB2_9:
0x1a6: {  	p0 =	sne.s32 s16, $0x180;
	s19 =	sadd.s32 s19, s8;
	v32 =	vld.idx.msk [tilespmem:v2+s10+$0x10 ss:$0x1], $0xffff;
	s21 =	sadd.s32 s10, s21;
	v10 =	vadd.f32 v28, v10;
	v11 =	vadd.f32 v31, v11  }
0x1a7: {  	v16 =	vadd.f32 v21, v16;
	v19 =	vadd.f32 v30, v19;
	s19 =	sadd.s32 s10, s19;
	v28 =	vld [tilespmem:s21+$0x400]  }
0x1a8: {  	v3 =	vadd.f32 v20, v3;
	v5 =	vadd.f32 v27, v5;
	v21 =	vld [tilespmem:s19+$0x400]  }
0x1a9: {  	v6 =	vadd.f32 v24, v6;
	v7 =	vadd.f32 v26, v7;
	v20 =	vld [tilespmem:s21+$0xFFFFFD00]  }
0x1aa: {  	v8 =	vadd.f32 v22, v8;
	v9 =	vadd.f32 v25, v9;
	v24 =	vld [tilespmem:s19+$0xFFFFFD00]  }
0x1ab: {  	v12 =	vadd.f32 v23, v12;
	v13 =	vadd.f32 v29, v13;
	v22 =	vld [tilespmem:s21+$0xFFFFFE00]  }
0x1ac: {  	v23 =	vshll.u32 v32, $0x10;
	v25 =	vand.u32 $0xFFFF0000, v32;
	v26 =	vld [tilespmem:s19+$0xFFFFFE00];
	v27 =	vshll.u32 v28, $0x10  }
0x1ad: {  	v28 =	vand.u32 $0xFFFF0000, v28;
	v29 =	vld [tilespmem:s21+$0xFFFFFF00];
	v30 =	vshll.u32 v21, $0x10;
	v21 =	vand.u32 $0xFFFF0000, v21  }
0x1ae: {  	v31 =	vshll.u32 v20, $0x10;
	v32 =	vld [tilespmem:s19+$0xFFFFFF00];
	v27 =	vmul.f32 v30, v27;
	v21 =	vmul.f32 v21, v28  }
0x1af: {  	v20 =	vand.u32 $0xFFFF0000, v20;
	v28 =	vshll.u32 v24, $0x10;
	v24 =	vand.u32 $0xFFFF0000, v24;
	v30 =	vld [tilespmem:s21+$0x0]  }
0x1b0: {  	v33 =	vshll.u32 v22, $0x10;
	v22 =	vand.u32 $0xFFFF0000, v22;
	v34 =	vld [tilespmem:s19+$0x0];
	v21 =	vadd.f32 v21, v27  }
0x1b1: {  	v27 =	vmul.f32 v28, v31;
	v28 =	vshll.u32 v26, $0x10;
	v26 =	vand.u32 $0xFFFF0000, v26;
	v31 =	vld [tilespmem:s21+$0x100]  }
0x1b2: {  	v35 =	vshll.u32 v29, $0x10;
	v29 =	vand.u32 $0xFFFF0000, v29;
	v36 =	vld [tilespmem:s19+$0x100];
	v14 =	vadd.f32 v21, v14  }
0x1b3: {  	v20 =	vmul.f32 v24, v20;
	v21 =	vshll.u32 v32, $0x10;
	v24 =	vand.u32 $0xFFFF0000, v32;
	v32 =	vld [tilespmem:s21+$0x200]  }
0x1b4: {  	v28 =	vmul.f32 v28, v33;
	v33 =	vshll.u32 v30, $0x10;
	v30 =	vand.u32 $0xFFFF0000, v30;
	v37 =	vld [tilespmem:s19+$0x200]  }
0x1b5: {  	v22 =	vmul.f32 v26, v22;
	v26 =	vshll.u32 v34, $0x10;
	v34 =	vand.u32 $0xFFFF0000, v34;
	v38 =	vld [tilespmem:s21+$0x300]  }
0x1b6: {  	v21 =	vmul.f32 v21, v35;
	v35 =	vshll.u32 v31, $0x10;
	v31 =	vand.u32 $0xFFFF0000, v31;
	v39 =	vld [tilespmem:s19+$0x300]  }
0x1b7: {  	v24 =	vmul.f32 v24, v29;
	v40 =	vld.idx.msk [tilespmem:v4+s10+$0x10 ss:$0x1], $0xffff;
	v29 =	vshll.u32 v36, $0x10;
	v36 =	vand.u32 $0xFFFF0000, v36  }
0x1b8: {  	v26 =	vmul.f32 v26, v33;
	v41 =	vld.idx.msk [tilespmem:v2+s10+$0x110 ss:$0x1], $0xffff;
	v33 =	vshll.u32 v32, $0x10;
	v32 =	vand.u32 $0xFFFF0000, v32  }
0x1b9: {  	v30 =	vmul.f32 v34, v30;
	v42 =	vld.idx.msk [tilespmem:v4+s10+$0x110 ss:$0x1], $0xffff;
	v34 =	vshll.u32 v37, $0x10;
	v37 =	vand.u32 $0xFFFF0000, v37  }
0x1ba: {  	v29 =	vmul.f32 v29, v35;
	v43 =	vld.idx.msk [tilespmem:v2+s10+$0x210 ss:$0x1], $0xffff;
	v35 =	vshll.u32 v38, $0x10;
	v38 =	vand.u32 $0xFFFF0000, v38  }
0x1bb: {  	v31 =	vmul.f32 v36, v31;
	v44 =	vld.idx.msk [tilespmem:v4+s10+$0x210 ss:$0x1], $0xffff;
	v36 =	vshll.u32 v39, $0x10;
	v39 =	vand.u32 $0xFFFF0000, v39  }
0x1bc: {  	v45 =	vadd.f32 v20, v27;
	v27 =	vmul.f32 v34, v33;
	v32 =	vmul.f32 v37, v32;
	v20 =	vld.idx.msk [tilespmem:v2+s10+$0x310 ss:$0x1], $0xffff  }
0x1bd: {  	v33 =	vshll.u32 v40, $0x10;
	v34 =	vand.u32 $0xFFFF0000, v40;
	v35 =	vmul.f32 v36, v35;
	v37 =	vld.idx.msk [tilespmem:v4+s10+$0x310 ss:$0x1], $0xffff  }
0x1be: {  	v38 =	vmul.f32 v39, v38;
	v36 =	vshll.u32 v41, $0x10;
	v40 =	vand.u32 $0xFFFF0000, v41;
	v41 =	vld.idx.msk [tilespmem:v2+s10+$0x410 ss:$0x1], $0xffff  }
0x1bf: {  	v23 =	vmul.f32 v33, v23;
	v33 =	vshll.u32 v42, $0x10;
	v39 =	vand.u32 $0xFFFF0000, v42;
	v42 =	vld.idx.msk [tilespmem:v4+s10+$0x410 ss:$0x1], $0xffff  }
0x1c0: {  	v25 =	vmul.f32 v34, v25;
	v34 =	vshll.u32 v43, $0x10;
	v43 =	vand.u32 $0xFFFF0000, v43;
	v46 =	vld.idx.msk [tilespmem:v2+s10+$0x510 ss:$0x1], $0xffff  }
0x1c1: {  	v33 =	vmul.f32 v33, v36;
	v36 =	vshll.u32 v44, $0x10;
	v44 =	vand.u32 $0xFFFF0000, v44;
	v47 =	vld.idx.msk [tilespmem:v4+s10+$0x510 ss:$0x1], $0xffff  }
0x1c2: {  	v39 =	vmul.f32 v39, v40;
	v40 =	vshll.u32 v20, $0x10;
	v20 =	vand.u32 $0xFFFF0000, v20;
	v48 =	vld.idx.msk [tilespmem:v2+s10+$0x610 ss:$0x1], $0xffff  }
0x1c3: {  	v34 =	vmul.f32 v36, v34;
	v36 =	vshll.u32 v37, $0x10;
	v37 =	vand.u32 $0xFFFF0000, v37;
	v49 =	vld.idx.msk [tilespmem:v4+s10+$0x610 ss:$0x1], $0xffff  }
0x1c4: {  	v43 =	vmul.f32 v44, v43;
	v44 =	vshll.u32 v41, $0x10;
	v41 =	vand.u32 $0xFFFF0000, v41;
	v50 =	vld.idx.msk [tilespmem:v2+s10+$0x710 ss:$0x1], $0xffff  }
0x1c5: {  	v36 =	vmul.f32 v36, v40;
	v40 =	vshll.u32 v42, $0x10;
	v42 =	vand.u32 $0xFFFF0000, v42;
	v51 =	vld.idx.msk [tilespmem:v4+s10+$0x710 ss:$0x1], $0xffff  }
0x1c6: {  	v37 =	vmul.f32 v37, v20;
	v20 =	vshll.u32 v46, $0x10;
	v46 =	vand.u32 $0xFFFF0000, v46  }
0x1c7: {  	v40 =	vmul.f32 v40, v44;
	v44 =	vshll.u32 v47, $0x10;
	v47 =	vand.u32 $0xFFFF0000, v47  }
0x1c8: {  	v41 =	vmul.f32 v42, v41;
	v42 =	vshll.u32 v48, $0x10;
	v48 =	vand.u32 $0xFFFF0000, v48  }
0x1c9: {  	v44 =	vmul.f32 v44, v20;
	v20 =	vshll.u32 v49, $0x10;
	v49 =	vand.u32 $0xFFFF0000, v49  }
0x1ca: {  	v46 =	vmul.f32 v47, v46;
	v47 =	vshll.u32 v50, $0x10;
	v50 =	vand.u32 $0xFFFF0000, v50  }
0x1cb: {  	v42 =	vmul.f32 v20, v42;
	v20 =	vshll.u32 v51, $0x10;
	v51 =	vand.u32 $0xFFFF0000, v51  }
0x1cc: {  	v52 =	vadd.f32 v22, v28;
	v48 =	vmul.f32 v49, v48;
	v47 =	vmul.f32 v20, v47  }
0x1cd: {  	v28 =	vadd.f32 v30, v26;
	v49 =	vadd.f32 v24, v21;
	v50 =	vmul.f32 v51, v50  }
0x1ce: {  	v31 =	vadd.f32 v31, v29;
	v21 =	vadd.f32 v32, v27  }
0x1cf: {  	v30 =	vadd.f32 v38, v35;
	v20 =	vadd.f32 v25, v23  }
.Ltmp7:
0x1d0: {  	v27 =	vadd.f32 v39, v33;
	v24 =	vadd.f32 v43, v34;
	(pc) =	sbr.rel @p0 .LBB2_9-.Ltmp7, $4  }
0x1d1: {  	v26 =	vadd.f32 v37, v36;
	v22 =	vadd.f32 v41, v40  }
0x1d2: {  	s11 =	sadd.s32 $0x10, s11;
	v25 =	vadd.f32 v46, v44;
	v23 =	vadd.f32 v48, v42  }
0x1d3: {  	v15 =	vadd.f32 v45, v15;
	s19 =	sand.u32 $0x3FFFFF80, s11;
	v29 =	vadd.f32 v50, v47  }
0x1d4: {  	v17 =	vadd.f32 v52, v17;
	s21 =	sadd.s32 s19, s9;
	s10 =	sshra.s32 s16, $0x2;
	s16 =	sadd.s32 $0x40, s16;
	v18 =	vadd.f32 v49, v18  }
0x1d5: {  	_ =	sdelay $0x3  }
0x1d6: {  	v32 =	vld.idx.msk [tilespmem:v2+s10+$0x10 ss:$0x1], $0xffff;
	s16 =	sadd.s32 s10, s21  }
0x1d7: {  	v51 =	vld [tilespmem:s16+$0x400]  }
0x1d8: {  	v20 =	vadd.f32 v20, v3;
	v3 =	vld [tilespmem:s16+$0xFFFFFD00]  }
0x1d9: {  	v54 =	vld [tilespmem:s16+$0xFFFFFE00]  }
0x1da: {  	v10 =	vadd.f32 v28, v10;
	v11 =	vadd.f32 v31, v11;
	v57 =	vld [tilespmem:s16+$0xFFFFFF00]  }
0x1db: {  	s11 =	sadd.s32 s19, s8;
	v16 =	vadd.f32 v21, v16;
	v19 =	vadd.f32 v30, v19;
	v33 =	vld [tilespmem:s16+$0x0]  }
0x1dc: {  	v21 =	vadd.f32 v27, v5;
	v6 =	vadd.f32 v24, v6;
	s11 =	sadd.s32 s10, s11;
	v46 =	vld [tilespmem:s16+$0x100]  }
0x1dd: {  	v7 =	vadd.f32 v26, v7;
	v22 =	vadd.f32 v22, v8;
	v52 =	vld [tilespmem:s11+$0x400]  }
0x1de: {  	v9 =	vadd.f32 v25, v9;
	v8 =	vadd.f32 v23, v12;
	v53 =	vld [tilespmem:s11+$0xFFFFFD00]  }
0x1df: {  	v5 =	vadd.f32 v29, v13;
	v55 =	vld [tilespmem:s11+$0xFFFFFE00];
	v12 =	vshll.u32 v32, $0x10;
	v13 =	vand.u32 $0xFFFF0000, v32  }
0x1e0: {  	v60 =	vld [tilespmem:s11+$0xFFFFFF00];
	v56 =	vshll.u32 v51, $0x10;
	v28 =	vand.u32 $0xFFFF0000, v51;
	v59 =	vshll.u32 v3, $0x10  }
0x1e1: {  	v35 =	vld [tilespmem:s11+$0x0];
	v62 =	vand.u32 $0xFFFF0000, v3;
	v34 =	vshll.u32 v54, $0x10;
	v25 =	vand.u32 $0xFFFF0000, v54  }
0x1e2: {  	v47 =	vshll.u32 v57, $0x10;
	v27 =	vand.u32 $0xFFFF0000, v57;
	v54 =	vshll.u32 v46, $0x10  }
0x1e3: {  	v36 =	vld [tilespmem:s11+$0x100];
	v29 =	vand.u32 $0xFFFF0000, v46;
	v58 =	vshll.u32 v52, $0x10;
	v30 =	vand.u32 $0xFFFF0000, v52  }
0x1e4: {  	v40 =	vld.idx.msk [tilespmem:v4+s10+$0x10 ss:$0x1], $0xffff;
	v61 =	vshll.u32 v53, $0x10;
	v24 =	vand.u32 $0xFFFF0000, v53;
	v45 =	vshll.u32 v55, $0x10  }
0x1e5: {  	v37 =	vld [tilespmem:s11+$0x200];
	v23 =	vand.u32 $0xFFFF0000, v55;
	v49 =	vshll.u32 v60, $0x10;
	v50 =	vand.u32 $0xFFFF0000, v60  }
0x1e6: {  	v42 =	vld.idx.msk [tilespmem:v4+s10+$0x110 ss:$0x1], $0xffff;
	v52 =	vshll.u32 v33, $0x10;
	v33 =	vand.u32 $0xFFFF0000, v33;
	v53 =	vshll.u32 v35, $0x10  }
0x1e7: {  	v38 =	vld [tilespmem:s16+$0x300];
	v35 =	vand.u32 $0xFFFF0000, v35;
	v26 =	vmul.f32 v58, v56;
	v28 =	vmul.f32 v30, v28  }
0x1e8: {  	v39 =	vld [tilespmem:s11+$0x300];
	v55 =	vshll.u32 v36, $0x10;
	v63 =	vmul.f32 v61, v59;
	v48 =	vmul.f32 v24, v62  }
0x1e9: {  	v43 =	vld.idx.msk [tilespmem:v2+s10+$0x210 ss:$0x1], $0xffff;
	v36 =	vand.u32 $0xFFFF0000, v36;
	v23 =	vmul.f32 v23, v25;
	v24 =	vmul.f32 v49, v47  }
0x1ea: {  	v44 =	vld.idx.msk [tilespmem:v4+s10+$0x210 ss:$0x1], $0xffff;
	v57 =	vshll.u32 v37, $0x10;
	v27 =	vmul.f32 v50, v27;
	v25 =	vmul.f32 v53, v52  }
0x1eb: {  	v37 =	vand.u32 $0xFFFF0000, v37;
	v33 =	vmul.f32 v35, v33;
	v30 =	vmul.f32 v55, v54  }
0x1ec: {  	v58 =	vshll.u32 v38, $0x10;
	v38 =	vand.u32 $0xFFFF0000, v38;
	v29 =	vmul.f32 v36, v29  }
0x1ed: {  	v59 =	vshll.u32 v39, $0x10;
	v39 =	vand.u32 $0xFFFF0000, v39;
	v61 =	vshll.u32 v40, $0x10  }
0x1ee: {  	v51 =	vld [tilespmem:s16+$0x200];
	v62 =	vand.u32 $0xFFFF0000, v40;
	v53 =	vshll.u32 v42, $0x10;
	v54 =	vshll.u32 v43, $0x10  }
0x1ef: {  	v41 =	vld.idx.msk [tilespmem:v2+s10+$0x110 ss:$0x1], $0xffff;
	v43 =	vand.u32 $0xFFFF0000, v43;
	v55 =	vshll.u32 v44, $0x10;
	v31 =	vmul.f32 v59, v58  }
0x1f0: {  	v44 =	vand.u32 $0xFFFF0000, v44;
	v38 =	vmul.f32 v39, v38;
	v12 =	vmul.f32 v61, v12  }
0x1f1: {  	v42 =	vand.u32 $0xFFFF0000, v42;
	v13 =	vmul.f32 v62, v13;
	v43 =	vmul.f32 v44, v43  }
0x1f2: {  	v60 =	vld.idx.msk [tilespmem:v2+s10+$0x310 ss:$0x1], $0xffff;
	v3 =	vadd.f32 v28, v26;
	v28 =	vmul.f32 v45, v34;
	v24 =	vadd.f32 v27, v24  }
0x1f3: {  	v46 =	vld.idx.msk [tilespmem:v2+s10+$0x510 ss:$0x1], $0xffff;
	v25 =	vadd.f32 v33, v25;
	v56 =	vshll.u32 v51, $0x10;
	v32 =	vand.u32 $0xFFFF0000, v51  }
0x1f4: {  	v52 =	vld.idx.msk [tilespmem:v2+s10+$0x410 ss:$0x1], $0xffff;
	v51 =	vshll.u32 v41, $0x10;
	v41 =	vand.u32 $0xFFFF0000, v41;
	v12 =	vadd.f32 v13, v12  }
0x1f5: {  	v47 =	vld.idx.msk [tilespmem:v4+s10+$0x510 ss:$0x1], $0xffff;
	v3 =	vadd.f32 v3, v14;
	v26 =	vmul.f32 v57, v56;
	v32 =	vmul.f32 v37, v32  }
0x1f6: {  	v49 =	vld.idx.msk [tilespmem:v4+s10+$0x610 ss:$0x1], $0xffff;
	v14 =	vadd.f32 v48, v63;
	v35 =	vmul.f32 v53, v51;
	v41 =	vmul.f32 v42, v41  }
0x1f7: {  	v61 =	vld.idx.msk [tilespmem:v4+s10+$0x710 ss:$0x1], $0xffff;
	v56 =	vshll.u32 v60, $0x10;
	v34 =	vand.u32 $0xFFFF0000, v60;
	v37 =	vmul.f32 v55, v54  }
0x1f8: {  	v60 =	vshll.u32 v46, $0x10;
	v23 =	vadd.f32 v23, v28;
	v55 =	vadd.f32 v29, v30  }
0x1f9: {  	v45 =	vld.idx.msk [tilespmem:v4+s10+$0x410 ss:$0x1], $0xffff;
	v46 =	vand.u32 $0xFFFF0000, v46;
	v24 =	vadd.f32 v24, v18;
	v10 =	vadd.f32 v25, v10  }
0x1fa: {  	v58 =	vshll.u32 v52, $0x10;
	v39 =	vand.u32 $0xFFFF0000, v52;
	v62 =	vshll.u32 v47, $0x10  }
0x1fb: {  	v47 =	vand.u32 $0xFFFF0000, v47;
	v52 =	vshll.u32 v49, $0x10;
	v49 =	vand.u32 $0xFFFF0000, v49  }
0x1fc: {  	v12 =	vadd.f32 v12, v20;
	v46 =	vmul.f32 v47, v46;
	v54 =	vshll.u32 v61, $0x10  }
0x1fd: {  	v63 =	vld.idx.msk [tilespmem:v4+s10+$0x310 ss:$0x1], $0xffff;
	v4 =	vand.u32 $0xFFFF0000, v61;
	v26 =	vadd.f32 v32, v26;
	v14 =	vadd.f32 v14, v15  }
0x1fe: {  	v48 =	vld.idx.msk [tilespmem:v2+s10+$0x610 ss:$0x1], $0xffff;
	v11 =	vadd.f32 v55, v11;
	v33 =	vperm.xlane v24, v0;
	v59 =	vshll.u32 v45, $0x10  }
0x1ff: {  	v2 =	vld.idx.msk [tilespmem:v2+s10+$0x710 ss:$0x1], $0xffff;
	v45 =	vand.u32 $0xFFFF0000, v45;
	v20 =	vperm.xlane v12, v0;
	v12 =	vperm.xlane v12, v1  }
0x200: {  	v42 =	vmul.f32 v59, v58;
	v39 =	vmul.f32 v45, v39;
	v58 =	vadd.f32 v41, v35  }
0x201: {  	v59 =	vadd.f32 v43, v37;
	v29 =	vperm.xlane v14, v0;
	v14 =	vperm.xlane v14, v1  }
0x202: {  	v16 =	vadd.f32 v26, v16;
	v37 =	vperm.xlane v10, v0;
	v10 =	vperm.xlane v10, v1  }
0x203: {  	v57 =	vshll.u32 v63, $0x10;
	v36 =	vand.u32 $0xFFFF0000, v63;
	v63 =	vshll.u32 v48, $0x10  }
0x204: {  	v48 =	vand.u32 $0xFFFF0000, v48;
	v53 =	vshll.u32 v2, $0x10;
	v40 =	vmul.f32 v57, v56  }
0x205: {  	v2 =	vand.u32 $0xFFFF0000, v2;
	v34 =	vmul.f32 v36, v34;
	v36 =	vmul.f32 v62, v60  }
0x206: {  	v12 =	vadd.f32 v12, v20;
	v44 =	vmul.f32 v52, v63;
	v56 =	vmul.f32 v49, v48  }
0x207: {  	v57 =	vadd.f32 v38, v31;
	v27 =	vmul.f32 v54, v53;
	v61 =	vadd.f32 v39, v42  }
0x208: {  	v2 =	vmul.f32 v4, v2;
	v63 =	vadd.f32 v23, v17;
	v28 =	vadd.f32 v58, v21  }
0x209: {  	v6 =	vadd.f32 v59, v6;
	v17 =	vperm.xlane v24, v1;
	v39 =	vperm.xlane v11, v0  }
0x20a: {  	v11 =	vperm.xlane v11, v1;
	v10 =	vadd.f32 v10, v37;
	v41 =	vperm.xlane v16, v0  }
0x20b: {  	v16 =	vperm.xlane v16, v1;
	v48 =	vperm.xlane v3, v0;
	v60 =	vadd.f32 v34, v40  }
0x20c: {  	v3 =	vperm.xlane v3, v1;
	v62 =	vadd.f32 v46, v36;
	v13 =	vadd.f32 v56, v44  }
0x20d: {  	v2 =	vadd.f32 v2, v27;
	v27 =	vadd.f32 v57, v19;
	v30 =	vperm.xlane v28, v0  }
0x20e: {  	v4 =	vadd.f32 v61, v22;
	v19 =	vperm.xlane v28, v1;
	v31 =	vperm.xlane v63, v0  }
0x20f: {  	v15 =	vperm.xlane v63, v1;
	v35 =	vadd.f32 v17, v33;
	v42 =	vadd.f32 v11, v39  }
0x210: {  	v32 =	vperm.xlane v6, v0;
	v43 =	vadd.f32 v16, v41;
	v3 =	vadd.f32 v3, v48  }
0x211: {  	v6 =	vperm.xlane v6, v1;
	v7 =	vadd.f32 v60, v7;
	v9 =	vadd.f32 v62, v9  }
0x212: {  	v8 =	vadd.f32 v13, v8;
	v2 =	vadd.f32 v2, v5;
	v38 =	vperm.xlane v4, v0  }
0x213: {  	v13 =	vadd.f32 v14, v29;
	v4 =	vperm.xlane v4, v1;
	v45 =	vperm.xlane v27, v0  }
0x214: {  	v5 =	vadd.f32 v19, v30;
	v46 =	vperm.xlane v27, v1;
	v36 =	vperm.xlane v7, v0  }
0x215: {  	v34 =	vadd.f32 v15, v31;
	v7 =	vperm.xlane v7, v1;
	v40 =	vperm.xlane v9, v0  }
0x216: {  	v6 =	vadd.f32 v6, v32;
	v9 =	vperm.xlane v9, v1;
	v44 =	vperm.xlane v8, v0  }
0x217: {  	v12 =	vsel vm0, v12, v13;
	v8 =	vperm.xlane v8, v1;
	v47 =	vperm.xlane v2, v0  }
0x218: {  	v5 =	vsel vm0, v5, v34;
	v2 =	vperm.xlane v2, v1;
	v49 =	vperm.xlane v12, v0  }
0x219: {  	v6 =	vsel vm0, v6, v35;
	v12 =	vperm.xlane v12, v1;
	v50 =	vperm.xlane v5, v0  }
0x21a: {  	v4 =	vadd.f32 v4, v38;
	v5 =	vperm.xlane v5, v1;
	v52 =	vperm.xlane v6, v0  }
0x21b: {  	v6 =	vperm.xlane v6, v1;
	v7 =	vadd.f32 v7, v36;
	v9 =	vadd.f32 v9, v40  }
0x21c: {  	v4 =	vsel vm0, v4, v42;
	v8 =	vadd.f32 v8, v44;
	v2 =	vadd.f32 v2, v47  }
0x21d: {  	v51 =	vadd.f32 v12, v49;
	v5 =	vadd.f32 v5, v50;
	v53 =	vperm.xlane v4, v0  }
0x21e: {  	v4 =	vperm.xlane v4, v1;
	v6 =	vadd.f32 v6, v52;
	v7 =	vsel vm0, v7, v10  }
0x21f: {  	v9 =	vsel vm0, v9, v43;
	v10 =	vadd.f32 v46, v45;
	v2 =	vsel vm0, v2, v3  }
0x220: {  	v3 =	vperm.xlane v7, v0;
	v7 =	vperm.xlane v7, v1;
	v5 =	vsel vm0, v51, v5  }
0x221: {  	v54 =	vperm.xlane v9, v0;
	v9 =	vperm.xlane v9, v1;
	v4 =	vadd.f32 v4, v53  }
0x222: {  	v56 =	vperm.xlane v2, v0;
	v2 =	vperm.xlane v2, v1;
	v8 =	vsel vm0, v8, v10  }
0x223: {  	v3 =	vadd.f32 v7, v3;
	v55 =	vperm.xlane v8, v0;
	v8 =	vperm.xlane v8, v1  }
0x224: {  	v58 =	vperm.xlane v5, v0;
	v5 =	vperm.xlane v5, v1;
	v57 =	vadd.f32 v9, v54  }
0x225: {  	v2 =	vadd.f32 v2, v56;
	v3 =	vsel vm0, v6, v3;
	v7 =	vadd.f32 v8, v55  }
0x226: {  	v4 =	vsel vm0, v4, v57;
	v59 =	vperm.xlane v3, v0;
	v3 =	vperm.xlane v3, v1  }
0x227: {  	v60 =	vperm.xlane v4, v0;
	v4 =	vperm.xlane v4, v1;
	v2 =	vsel vm0, v7, v2  }
0x228: {  	v61 =	vperm.xlane v2, v0;
	v2 =	vperm.xlane v2, v1  }
0x229: {  	v5 =	vadd.f32 v5, v58;
	v3 =	vadd.f32 v3, v59  }
0x22a: {  	v4 =	vadd.f32 v4, v60;
	v2 =	vadd.f32 v2, v61  }
0x22b: {  	v3 =	vsel vm0, v5, v3  }
0x22c: {  	s21 =	sshll.u32 s18, $0x4;
	s18 =	sadd.s32 $0x1, s18;
	v62 =	vperm.xlane v3, v0;
	v3 =	vperm.xlane v3, v1;
	v2 =	vsel vm0, v4, v2  }
0x22d: {  	p0 =	sne.s32 s18, $0x8;
	v63 =	vperm.xlane v2, v0;
	v2 =	vperm.xlane v2, v1  }
.Ltmp8:
0x22e: {  	_ = 	snop;
	(pc) =	sbr.rel @p0 .LBB2_8-.Ltmp8, $3  }
0x22f: {  	v3 =	vadd.f32 v3, v62;
	v2 =	vadd.f32 v2, v63;
	_ =	sdelay $0x1  }
0x230: {  	s8 =	sadd.s32 $0x800, s8;
	s10 =	sand.u32 $0x3FFFFFF0, s21;
	v2 =	vsel vm0, v3, v2  }
0x231: {  	s9 =	sadd.s32 $0x800, s9;
	s20 =	sadd.s32 $0x800, s20;
	s24 =	sadd.s32 $0x800, s24;
	[tilespmem:s10+$0x10280] =	vst v2  }
.Ltmp9:
0x232: {  	(pc) =	sbr.rel .LBB2_12-.Ltmp9, $4  }
0x233: {  	_ = 	snop  }
0x234: {  	s8 =	sshll.u32 s23, $0x9  }
0x235: {  	s8 =	sadd.s32 s8, s14  }
0x236: {  	[hbm4b:s8+s5] =	stream.linear.scatter [tilespmem:s31], [sflag:$0xA], $0x80, $0x38;
	[tilespmem:$0x10300] =	vst v63  }
.LBB2_14:
0x237: {  	_ =	sfence.sel $0x180000  }
0x238: {  	[bflag:$0x0] =	sbarrier.arrive $0xFFFF  }
0x239: {  	_ =	strace $0x90000047  }
0x23a: {  	s0 =	stileid.u32;
	[bflag:$0x2] =	sbarrier.arrive $0xFFFF  }
0x23b: {  	p0 =	sne.s32 s0, $0x0;
	s0 =	rddreg [dreg:$0x4]  }
0x23c: {  	s0 =	sadd.s32 @!p0 $0x100000, s0  }
0x23d: {  	[sflag:s0] =	ssyncadd.tile.s32 @!p0 $0x1;
	_ =	shalt  }
.Lfunc_end2:
_tile_overlayer_lowered:
.L_overlay_start_2:
0x23e: {  	(tag) =	ssettag $0x2  }
0x23f: {  	s0 =	rddreg [dreg:$0x0];
	s2 =	stileid.u32  }
0x240: {  	s1 =	rddreg [dreg:$0x1];
	p0 =	sne.s32 s2, $0x0  }
0x241: {  	s3 =	rddreg [dreg:$0x2];
	[bflag:$0x3] =	sbarrier.arrive $0xFFFF;
	s2 =	simm.s32 @!p0 $0x1C0B  }
0x242: {  	[timem:s3], [sflag:s2] =	dma.local @!p0 [hbm:s0], s1  }
0x243: {  	s0 =	simm.s32 @!p0 $0xB  }
0x244: {  	_ =	swait.ge @!p0 [sflag:s0], s1  }
0x245: {  	s1 =	ssub.s32 @!p0 $0x0, s1;
	[sflag:s0] =	ssyncset.done @!p0 $0x0  }
0x246: {  	[sflag:s0] =	ssyncadd.s32 @!p0 s1  }
0x247: {  	[bflag:$0x3] =	sbarrier.arrive $0xFFFF  }
0x248: {  	_ =	shalt  }

</sc_bundles>
